<compile_context>
chip_gen: v7x
topology: tpu7x:2x2x1
jax: 0.10.2.dev20260603
libtpu: 0.0.44.dev20260713+nightly
codegen_flags: <defaults>
</compile_context>

<pallas_src>
import functools

import jax
import jax.numpy as jnp
from jax import lax
from jax.experimental import pallas as pl
from jax.experimental.pallas import tpu as pltpu
from jax.experimental.pallas import tpu_sc as plsc

N = 10000
E = 320000
D = 128
H = 128
C = 16
G = 64

NC = 2
NS = 16
NW = NC * NS
EPT = E // NW
CHUNK = 80
NCHUNK = EPT // CHUNK
NBLK = 4
NBLOCKS = (NCHUNK + NBLK - 1) // NBLK
ROWS_A = 632
ROWS_LAST = N - (NS - 1) * ROWS_A
NBUF = 4
PD = 2
ISLOTS = 4


def _mesh():
    return plsc.VectorSubcoreMesh(
        core_axis_name="c", subcore_axis_name="s",
        num_cores=NC, num_subcores=NS)


def _sc_params():
    return pltpu.CompilerParams(use_tc_tiling_on_sc=False)


def _striped(fn, s, base=0):
    @pl.when(s < NS - 1)
    def _():
        fn(base + s * ROWS_A, ROWS_A)

    @pl.when(s == NS - 1)
    def _():
        fn(base + (NS - 1) * ROWS_A, ROWS_LAST)


def _sc_hist_body(er_hbm, out0_hbm, out1_hbm, acc, didx, ones_v, zbuf,
                  h0, h1, h2, h3, h4):
    c = lax.axis_index("c")
    s = lax.axis_index("s")
    wid = s * NC + c
    hsem = [h0, h1, h2, h3, h4]

    @pl.loop(0, CHUNK)
    def _(i):
        ones_v[i, pl.ds(0, 16)] = jnp.ones((16,), jnp.float32)

    @pl.loop(0, N // NS // 5)
    def _(i):
        zbuf[i, pl.ds(0, 16)] = jnp.zeros((16,), jnp.float32)

    @pl.loop(0, 5)
    def _(k):
        pltpu.sync_copy(zbuf, acc.at[pl.ds(s * (N // NS) + k * 125, 125)])
    pltpu.sync_copy(er_hbm.at[1, wid], didx)
    plsc.subcore_barrier()

    @pl.loop(0, NCHUNK // 5)
    def _(o):
        for b in range(5):
            j = o * 5 + b
            pltpu.async_copy(ones_v, acc.at[didx.at[j]], hsem[b],
                             add=True)
        for b in range(5):
            pltpu.make_async_copy(er_hbm.at[1, 0, pl.ds(0, 16)], ones_v,
                                  hsem[b]).wait()

    plsc.subcore_barrier()

    def _copy_out(off, rows):
        @pl.when(c == 0)
        def _():
            pltpu.sync_copy(acc.at[pl.ds(off, rows)],
                            out0_hbm.at[pl.ds(off, rows)])

        @pl.when(c == 1)
        def _():
            pltpu.sync_copy(acc.at[pl.ds(off, rows)],
                            out1_hbm.at[pl.ds(off, rows)])

    _striped(_copy_out, s)


def _sc_hist(er):
    k = pl.kernel(
        _sc_hist_body,
        out_type=[jax.ShapeDtypeStruct((N, 16), jnp.float32),
                  jax.ShapeDtypeStruct((N, 16), jnp.float32)],
        mesh=_mesh(),
        scratch_types=[
            pltpu.VMEM_SHARED((N, 16), jnp.float32),
            pltpu.VMEM((NCHUNK, CHUNK), jnp.int32),
            pltpu.VMEM((CHUNK, 16), jnp.float32),
            pltpu.VMEM((125, 16), jnp.float32),
        ] + [pltpu.SemaphoreType.DMA] * 5,
        compiler_params=_sc_params(),
    )
    return k(er)


def _sc_agg_body(hp_hbm, er_hbm, out0_hbm, out1_hbm,
                 acc, ibuf, b0, b1, b2, b3,
                 g0, g1, g2, g3, s0, s1, s2, s3, isem):
    c = lax.axis_index("c")
    s = lax.axis_index("s")
    wid = s * NC + c
    bufs = [b0, b1, b2, b3]
    gsem = [g0, g1, g2, g3]
    ssem = [s0, s1, s2, s3]

    @pl.loop(0, CHUNK)
    def _(i):
        @pl.loop(0, D // 16)
        def _(k):
            b0[i, pl.ds(k * 16, 16)] = jnp.zeros((16,), jnp.float32)

    @pl.loop(0, 7)
    def _(k):
        pltpu.sync_copy(b0, acc.at[pl.ds(s * (N // NS) + k * CHUNK, CHUNK)])
    pltpu.sync_copy(b0.at[pl.ds(0, 65)],
                    acc.at[pl.ds(s * (N // NS) + 7 * CHUNK, 65)])

    for blk in range(ISLOTS):
        pltpu.sync_copy(er_hbm.at[0, wid, pl.ds(blk * NBLK, NBLK)],
                        ibuf.at[blk, 0])
        pltpu.sync_copy(er_hbm.at[1, wid, pl.ds(blk * NBLK, NBLK)],
                        ibuf.at[blk, 1])
    plsc.subcore_barrier()
    for b in range(PD):
        pltpu.async_copy(hp_hbm.at[ibuf.at[0, 0, b]], bufs[b], gsem[b])

    MAIN = NCHUNK - 1

    @pl.loop(0, MAIN // NBUF)
    def _(o):
        islot = lax.rem(o, ISLOTS)
        islot1 = lax.rem(o + 1, ISLOTS)
        for b in range(NBUF):
            j = o * NBUF + b
            jg = j + PD
            bg = (b + PD) % NBUF
            gslot = islot if b + PD < NBLK else islot1
            gpos = (b + PD) % NBLK

            @pl.when(jg < MAIN)
            def _():
                @pl.when(jg >= NBUF)
                def _():
                    pltpu.make_async_copy(hp_hbm.at[pl.ds(0, CHUNK)],
                                          bufs[bg], ssem[bg]).wait()
                pltpu.async_copy(hp_hbm.at[ibuf.at[gslot, 0, gpos]],
                                 bufs[bg], gsem[bg])

            if b == 1:
                @pl.when(jnp.logical_and(o >= 2, o <= NBLOCKS - 3))
                def _():
                    for _sd in range(2):
                        pltpu.make_async_copy(
                            er_hbm.at[0, 0, pl.ds(0, NBLK)],
                            ibuf.at[0, 0], isem).wait()

                @pl.when(jnp.logical_and(o >= 1, o <= NBLOCKS - 4))
                def _():
                    slot3 = lax.rem(o + 3, ISLOTS)
                    for sd in range(2):
                        pltpu.async_copy(
                            er_hbm.at[sd, wid, pl.ds((o + 3) * NBLK, NBLK)],
                            ibuf.at[slot3, sd], isem)

            pltpu.make_async_copy(hp_hbm.at[pl.ds(0, CHUNK)], bufs[b],
                                  gsem[b]).wait()
            pltpu.async_copy(bufs[b], acc.at[ibuf.at[islot, 1, b]],
                             ssem[b], add=True)

    pltpu.make_async_copy(hp_hbm.at[pl.ds(0, CHUNK)], bufs[0],
                          ssem[0]).wait()
    pltpu.async_copy(hp_hbm.at[ibuf.at[3, 0, 0]], bufs[0], gsem[0])
    pltpu.make_async_copy(hp_hbm.at[pl.ds(0, CHUNK)], bufs[0],
                          gsem[0]).wait()
    pltpu.async_copy(bufs[0], acc.at[ibuf.at[3, 1, 0]], ssem[0], add=True)
    for b in (1, 2, 3, 0):
        pltpu.make_async_copy(hp_hbm.at[pl.ds(0, CHUNK)], bufs[b],
                              ssem[b]).wait()

    plsc.subcore_barrier()

    def _copy_out(off, rows):
        @pl.when(c == 0)
        def _():
            pltpu.sync_copy(acc.at[pl.ds(off, rows)],
                            out0_hbm.at[pl.ds(off, rows)])

        @pl.when(c == 1)
        def _():
            pltpu.sync_copy(acc.at[pl.ds(off, rows)],
                            out1_hbm.at[pl.ds(off, rows)])

    _striped(_copy_out, s)


def _sc_agg(hp, er):
    k = pl.kernel(
        _sc_agg_body,
        out_type=[jax.ShapeDtypeStruct((N, D), jnp.float32),
                  jax.ShapeDtypeStruct((N, D), jnp.float32)],
        mesh=_mesh(),
        scratch_types=[
            pltpu.VMEM_SHARED((N, D), jnp.float32),
            pltpu.VMEM((ISLOTS, 2, NBLK, CHUNK), jnp.int32),
        ] + [pltpu.VMEM((CHUNK, D), jnp.float32)] * NBUF
          + [pltpu.SemaphoreType.DMA] * (2 * NBUF + 1),
        compiler_params=_sc_params(),
    )
    return k(hp, er)


def _tc_mm_body(x_ref, w_ref, o_ref):
    o_ref[...] = jnp.dot(x_ref[...], w_ref[...],
                         preferred_element_type=jnp.float32)


def _tc_mm(x, w):
    return pl.pallas_call(
        _tc_mm_body,
        out_shape=jax.ShapeDtypeStruct((x.shape[0], w.shape[1]), jnp.float32),
    )(x, w)


NB = 10
BN = N // NB


def _tc_scale_body(c0_ref, c1_ref, h_ref, hp_ref, dis_ref):
    deg = (c0_ref[...] + c1_ref[...] + 1.0)[:, 0:1]
    dis = lax.rsqrt(deg)
    dis_ref[...] = dis
    hp_ref[...] = dis * h_ref[...]


def _tc_scale(c0, c1, h):
    return pl.pallas_call(
        _tc_scale_body,
        out_shape=[
            jax.ShapeDtypeStruct((N, H), jnp.float32),
            jax.ShapeDtypeStruct((N, 1), jnp.float32),
        ],
    )(c0, c1, h)


def _tc_mid_body(p0_ref, p1_ref, hp_ref, dis_ref, b_ref, w_ref, hpn_ref):
    dis = dis_ref[...]
    z = dis * (p0_ref[...] + p1_ref[...] + hp_ref[...]) + b_ref[...]
    mu = jnp.mean(z, axis=0, keepdims=True)
    zc = z - mu
    var = jnp.mean(zc * zc, axis=0, keepdims=True)
    zn = jnp.maximum(zc * lax.rsqrt(var + 1e-5), 0.0)
    hn = jnp.dot(zn, w_ref[...], preferred_element_type=jnp.float32)
    hpn_ref[...] = dis * hn


def _tc_mid(p0, p1, hp, dis, b, w):
    return pl.pallas_call(
        _tc_mid_body,
        out_shape=jax.ShapeDtypeStruct((N, H), jnp.float32),
    )(p0, p1, hp, dis, b, w)


def _tc_final_body(p0_ref, p1_ref, hp_ref, dis_ref, b_ref, batch_ref,
                   wl_ref, bl_ref, o_ref):
    z = (dis_ref[...] * (p0_ref[...] + p1_ref[...] + hp_ref[...])
         + b_ref[...])
    seg = lax.broadcasted_iota(jnp.int32, (G, N), 0)
    onehot = (seg == batch_ref[...]).astype(jnp.float32)
    sums = jnp.dot(onehot, z, preferred_element_type=jnp.float32)
    cnt = jnp.sum(onehot, axis=1, keepdims=True)
    pooled = sums / jnp.maximum(cnt, 1.0)
    o_ref[...] = jnp.dot(pooled, wl_ref[...],
                         preferred_element_type=jnp.float32) + bl_ref[...]


def _tc_final(p0, p1, hp, dis, b, batch2d, wl, bl):
    return pl.pallas_call(
        _tc_final_body,
        out_shape=jax.ShapeDtypeStruct((G, C), jnp.float32),
    )(p0, p1, hp, dis, b, batch2d, wl, bl)


def kernel(x, edge_index, batch, W1, b1, W2, b2, W3, b3, Wl, bl):
    er = edge_index.reshape(2, NW, NCHUNK, CHUNK)

    cnt0, cnt1 = _sc_hist(er)
    h1 = _tc_mm(x, W1)
    hp1, dis = _tc_scale(cnt0, cnt1, h1)

    p10, p11 = _sc_agg(hp1, er)
    hp2 = _tc_mid(p10, p11, hp1, dis, b1.reshape(1, H), W2)

    p20, p21 = _sc_agg(hp2, er)
    hp3 = _tc_mid(p20, p21, hp2, dis, b2.reshape(1, H), W3)

    p30, p31 = _sc_agg(hp3, er)
    return _tc_final(p30, p31, hp3, dis, b3.reshape(1, H),
                     batch.reshape(1, N), Wl, bl.reshape(1, C))

# --- scband reference (transcript-rebuilt; emitter-appended) ---
"""Pipeline reference for scband-graph-classifier-68899865363005 (READ-ONLY COPY).

The authoritative reference and input builder live on the scoring server;
editing this copy changes nothing except your own understanding.
"""

import jax, jax.numpy as jnp
import numpy as np

N = 10000
E = 320000
D = 128
H = 128
C = 16
G = 64


def gcn_conv(x, edge_index, W, b):
    num_nodes = x.shape[0]
    loop = jnp.arange(num_nodes, dtype=edge_index.dtype)
    src = jnp.concatenate([edge_index[0], loop])
    dst = jnp.concatenate([edge_index[1], loop])
    deg = jnp.zeros((num_nodes,), x.dtype).at[dst].add(1.0)
    dis = jnp.where(deg > 0.0, 1.0 / jnp.sqrt(deg), 0.0)
    norm = dis[src] * dis[dst]
    h = x @ W
    msg = h[src] * norm[:, None]
    out = jnp.zeros((num_nodes, W.shape[1]), x.dtype).at[dst].add(msg)
    return out + b


def batchnorm(x, eps=1e-5):
    mu = jnp.mean(x, axis=0)
    var = jnp.var(x, axis=0)
    return (x - mu) / jnp.sqrt(var + eps)


def setup_inputs(seed: int = 0) -> dict:
    key = jax.random.key(seed)
    ks = jax.random.split(key, 12)
    x = jax.random.normal(ks[0], (N, D), jnp.float32)
    edge_index = jax.random.randint(ks[1], (2, E), 0, N, dtype=jnp.int32)
    batch = jnp.sort(jax.random.randint(ks[2], (N,), 0, G, dtype=jnp.int32))
    W1 = jax.random.normal(ks[3], (D, H), jnp.float32) * 0.05
    b1 = jnp.zeros((H,), jnp.float32)
    W2 = jax.random.normal(ks[4], (H, H), jnp.float32) * 0.05
    b2 = jnp.zeros((H,), jnp.float32)
    W3 = jax.random.normal(ks[5], (H, H), jnp.float32) * 0.05
    b3 = jnp.zeros((H,), jnp.float32)
    Wl = jax.random.normal(ks[6], (H, C), jnp.float32) * 0.05
    bl = jnp.zeros((C,), jnp.float32)
    return {"x": x, "edge_index": edge_index, "batch": batch, "W1": W1, "b1": b1, "W2": W2, "b2": b2, "W3": W3, "b3": b3, "Wl": Wl, "bl": bl}


def reference(x, edge_index, batch, W1, b1, W2, b2, W3, b3, Wl, bl):
    h = gcn_conv(x, edge_index, W1, b1)
    h = jax.nn.relu(batchnorm(h))
    h = gcn_conv(h, edge_index, W2, b2)
    h = jax.nn.relu(batchnorm(h))
    h = gcn_conv(h, edge_index, W3, b3)
    sums = jax.ops.segment_sum(h, batch, num_segments=G)
    cnt = jax.ops.segment_sum(jnp.ones((h.shape[0], 1), h.dtype), batch, num_segments=G)
    pooled = sums / jnp.maximum(cnt, 1.0)
    return pooled @ Wl + bl

if __name__ == "__main__":
    import jax
    _d = setup_inputs()
    print(jax.jit(kernel)(*tuple(_d.values())))

</pallas_src>

<mosaic_0001>
#map = affine_map<(d0, d1) -> (0, 0)>
#map1 = affine_map<(d0, d1) -> (0, 0, 0, 0)>
module attributes {stable_mosaic.version = 14 : i64} {
  func.func @_sc_agg_body(%arg0: i32, %arg1: i32, %arg2: memref<10000x128xf32, #tpu.memory_space<hbm>>, %arg3: memref<2x32x125x80xi32, #tpu.memory_space<hbm>>, %arg4: memref<10000x128xf32, #tpu.memory_space<hbm>>, %arg5: memref<10000x128xf32, #tpu.memory_space<hbm>>, %arg6: memref<10000x128xf32, #tpu.memory_space<vmem_shared>>, %arg7: memref<4x2x4x80xi32, #tpu.memory_space<vmem>>, %arg8: memref<80x128xf32, #tpu.memory_space<vmem>>, %arg9: memref<80x128xf32, #tpu.memory_space<vmem>>, %arg10: memref<80x128xf32, #tpu.memory_space<vmem>>, %arg11: memref<80x128xf32, #tpu.memory_space<vmem>>, %arg12: memref<!tpu.dma_semaphore, #tpu.memory_space<semaphore_mem>>, %arg13: memref<!tpu.dma_semaphore, #tpu.memory_space<semaphore_mem>>, %arg14: memref<!tpu.dma_semaphore, #tpu.memory_space<semaphore_mem>>, %arg15: memref<!tpu.dma_semaphore, #tpu.memory_space<semaphore_mem>>, %arg16: memref<!tpu.dma_semaphore, #tpu.memory_space<semaphore_mem>>, %arg17: memref<!tpu.dma_semaphore, #tpu.memory_space<semaphore_mem>>, %arg18: memref<!tpu.dma_semaphore, #tpu.memory_space<semaphore_mem>>, %arg19: memref<!tpu.dma_semaphore, #tpu.memory_space<semaphore_mem>>, %arg20: memref<!tpu.dma_semaphore, #tpu.memory_space<semaphore_mem>>) attributes {dimension_semantics = [#tpu.dimension_semantics<core_parallel>, #tpu.dimension_semantics<subcore_parallel>], iteration_bounds = array<i64: 2, 16>, scalar_prefetch = 0 : i64, scratch_operands = 15 : i64, tpu.core_type = #tpu.core_type<sc_vector_subcore>, window_params = [{transform_indices = #map}, {transform_indices = #map1}, {transform_indices = #map}, {transform_indices = #map}]} {
    %mul3A = arith.constant 2 : i32
    %mul3A_0 = arith.muli %arg1, %mul3A : i32
    %add3A = arith.addi %mul3A_0, %arg0 : i32
    %scan3A = arith.constant 0 : i32
    %scan3A_1 = arith.constant 80 : i32
    %scan3A_2 = arith.addi %scan3A, %scan3A_1 : i32
    %scan3A_3 = arith.constant 1 : i32
    scf.for %scan3A_119 = %scan3A to %scan3A_2 step %scan3A_3  : i32 {
      %mul3A_120 = arith.constant 1 : i32
      %mul3A_121 = arith.muli %scan3A_119, %mul3A_120 : i32
      %add3A_122 = arith.constant 0 : i32
      %add3A_123 = arith.addi %add3A_122, %mul3A_121 : i32
      %scan3A_124 = arith.constant 0 : i32
      %scan3A_125 = arith.constant 8 : i32
      %scan3A_126 = arith.addi %scan3A_124, %scan3A_125 : i32
      %scan3A_127 = arith.constant 1 : i32
      scf.for %scan3A_129 = %scan3A_124 to %scan3A_126 step %scan3A_127  : i32 {
        %mul3A_130 = arith.constant 1 : i32
        %mul3A_131 = arith.muli %scan3A_129, %mul3A_130 : i32
        %add3A_132 = arith.constant 0 : i32
        %add3A_133 = arith.addi %add3A_132, %mul3A_131 : i32
        %broadcast_in_dim3A = arith.constant 0.000000e+00 : f32
        %broadcast_in_dim3A_134 = vector.broadcast %broadcast_in_dim3A : f32 to vector<16xf32>
        %mul3A_135 = arith.constant 16 : i32
        %mul3A_136 = arith.muli %add3A_133, %mul3A_135 : i32
        %swap3A = arith.index_cast %add3A_123 : i32 to index
        %swap3A_137 = arith.index_cast %mul3A_136 : i32 to index
        %swap3A_138 = tpu.vector_load %arg8[%swap3A, %swap3A_137] {strides = array<i32>} : memref<80x128xf32, #tpu.memory_space<vmem>>, vector<1x16xf32>,
        %swap3A_139 = vector.shape_cast %swap3A_138 : vector<1x16xf32> to vector<16xf32>
        %swap3A_140 = vector.shape_cast %broadcast_in_dim3A_134 : vector<16xf32> to vector<1x16xf32>
        tpu.vector_store %arg8[%swap3A, %swap3A_137], %swap3A_140 {strides = array<i32>} : memref<80x128xf32, #tpu.memory_space<vmem>>, vector<1x16xf32>,
      }
      %scan3A_128 = arith.constant 8 : i32
    }
    %scan3A_4 = arith.constant 80 : i32
    %scan3A_5 = arith.constant 0 : i32
    %scan3A_6 = arith.constant 7 : i32
    %scan3A_7 = arith.addi %scan3A_5, %scan3A_6 : i32
    %scan3A_8 = arith.constant 1 : i32
    scf.for %scan3A_119 = %scan3A_5 to %scan3A_7 step %scan3A_8  : i32 {
      %mul3A_120 = arith.constant 1 : i32
      %mul3A_121 = arith.muli %scan3A_119, %mul3A_120 : i32
      %add3A_122 = arith.constant 0 : i32
      %add3A_123 = arith.addi %add3A_122, %mul3A_121 : i32
      %mul3A_124 = arith.constant 625 : i32
      %mul3A_125 = arith.muli %arg1, %mul3A_124 : i32
      %mul3A_126 = arith.constant 80 : i32
      %mul3A_127 = arith.muli %add3A_123, %mul3A_126 : i32
      %add3A_128 = arith.addi %mul3A_125, %mul3A_127 : i32
      "tpu.region"() ({
        %run_scoped3A_129 = tpu.sem_alloc : memref<!tpu.dma_semaphore, #tpu.memory_space<semaphore_mem>>
        %dma_start3A_130 = arith.constant 0 : i32
        %dma_start3A_131 = tpu.memref_slice %arg6[%add3A_128, %dma_start3A_130] : memref<10000x128xf32, #tpu.memory_space<vmem_shared>> -> memref<80x128xf32, #tpu.memory_space<vmem_shared>>
        %dma_start3A_132 = arith.constant 0 : i32
        %dma_start3A_133 = tpu.memref_slice %arg6[%add3A_128, %dma_start3A_132] : memref<10000x128xf32, #tpu.memory_space<vmem_shared>> -> memref<80x128xf32, #tpu.memory_space<vmem_shared>>
        tpu.enqueue_dma source(%arg8 : memref<80x128xf32, #tpu.memory_space<vmem>>) target(%dma_start3A_133 : memref<80x128xf32, #tpu.memory_space<vmem_shared>>) target_semaphore(%run_scoped3A_129 : memref<!tpu.dma_semaphore, #tpu.memory_space<semaphore_mem>>)
        %dma_wait3A_134 = arith.constant 0 : i32
        %dma_wait3A_135 = tpu.memref_slice %arg6[%add3A_128, %dma_wait3A_134] : memref<10000x128xf32, #tpu.memory_space<vmem_shared>> -> memref<80x128xf32, #tpu.memory_space<vmem_shared>>
        %dma_wait3A_136 = arith.constant 0 : i32
        %dma_wait3A_137 = tpu.memref_slice %arg6[%add3A_128, %dma_wait3A_136] : memref<10000x128xf32, #tpu.memory_space<vmem_shared>> -> memref<80x128xf32, #tpu.memory_space<vmem_shared>>
        tpu.wait_dma2 semaphore(%run_scoped3A_129 : memref<!tpu.dma_semaphore, #tpu.memory_space<semaphore_mem>>) src(%arg8 : memref<80x128xf32, #tpu.memory_space<vmem>>) dst(%dma_wait3A_137 : memref<80x128xf32, #tpu.memory_space<vmem_shared>>)
        tpu.yield
      }) : () -> ()
    }
    %scan3A_9 = arith.constant 7 : i32
    %mul3A_10 = arith.constant 625 : i32
    %mul3A_11 = arith.muli %arg1, %mul3A_10 : i32
    %add3A_12 = arith.constant 560 : i32
    %add3A_13 = arith.addi %mul3A_11, %add3A_12 : i32
    "tpu.region"() ({
      %run_scoped3A_119 = tpu.sem_alloc : memref<!tpu.dma_semaphore, #tpu.memory_space<semaphore_mem>>
      %dma_start3A_120 = arith.constant 0 : i32
      %dma_start3A_121 = arith.constant 0 : i32
      %dma_start3A_122 = tpu.memref_slice %arg8[%dma_start3A_120, %dma_start3A_121] : memref<80x128xf32, #tpu.memory_space<vmem>> -> memref<65x128xf32, #tpu.memory_space<vmem>>
      %dma_start3A_123 = arith.constant 0 : i32
      %dma_start3A_124 = tpu.memref_slice %arg6[%add3A_13, %dma_start3A_123] : memref<10000x128xf32, #tpu.memory_space<vmem_shared>> -> memref<65x128xf32, #tpu.memory_space<vmem_shared>>
      %dma_start3A_125 = arith.constant 0 : i32
      %dma_start3A_126 = tpu.memref_slice %arg6[%add3A_13, %dma_start3A_125] : memref<10000x128xf32, #tpu.memory_space<vmem_shared>> -> memref<65x128xf32, #tpu.memory_space<vmem_shared>>
      %dma_start3A_127 = arith.constant 0 : i32
      %dma_start3A_128 = arith.constant 0 : i32
      %dma_start3A_129 = tpu.memref_slice %arg8[%dma_start3A_127, %dma_start3A_128] : memref<80x128xf32, #tpu.memory_space<vmem>> -> memref<65x128xf32, #tpu.memory_space<vmem>>
      tpu.enqueue_dma source(%dma_start3A_129 : memref<65x128xf32, #tpu.memory_space<vmem>>) target(%dma_start3A_126 : memref<65x128xf32, #tpu.memory_space<vmem_shared>>) target_semaphore(%run_scoped3A_119 : memref<!tpu.dma_semaphore, #tpu.memory_space<semaphore_mem>>)
      %dma_wait3A_130 = arith.constant 0 : i32
      %dma_wait3A_131 = arith.constant 0 : i32
      %dma_wait3A_132 = tpu.memref_slice %arg8[%dma_wait3A_130, %dma_wait3A_131] : memref<80x128xf32, #tpu.memory_space<vmem>> -> memref<65x128xf32, #tpu.memory_space<vmem>>
      %dma_wait3A_133 = arith.constant 0 : i32
      %dma_wait3A_134 = tpu.memref_slice %arg6[%add3A_13, %dma_wait3A_133] : memref<10000x128xf32, #tpu.memory_space<vmem_shared>> -> memref<65x128xf32, #tpu.memory_space<vmem_shared>>
      %dma_wait3A_135 = arith.constant 0 : i32
      %dma_wait3A_136 = tpu.memref_slice %arg6[%add3A_13, %dma_wait3A_135] : memref<10000x128xf32, #tpu.memory_space<vmem_shared>> -> memref<65x128xf32, #tpu.memory_space<vmem_shared>>
      %dma_wait3A_137 = arith.constant 0 : i32
      %dma_wait3A_138 = arith.constant 0 : i32
      %dma_wait3A_139 = tpu.memref_slice %arg8[%dma_wait3A_137, %dma_wait3A_138] : memref<80x128xf32, #tpu.memory_space<vmem>> -> memref<65x128xf32, #tpu.memory_space<vmem>>
      tpu.wait_dma2 semaphore(%run_scoped3A_119 : memref<!tpu.dma_semaphore, #tpu.memory_space<semaphore_mem>>) src(%dma_wait3A_139 : memref<65x128xf32, #tpu.memory_space<vmem>>) dst(%dma_wait3A_136 : memref<65x128xf32, #tpu.memory_space<vmem_shared>>)
      tpu.yield
    }) : () -> ()
    %run_scoped3A = arith.constant 0 : i32
    %run_scoped3A_14 = arith.constant 0 : i32
    %run_scoped3A_15 = arith.constant 0 : i32
    "tpu.region"() ({
      %run_scoped3A_119 = tpu.sem_alloc : memref<!tpu.dma_semaphore, #tpu.memory_space<semaphore_mem>>
      %dma_start3A_120 = arith.constant 0 : i32
      %dma_start3A_121 = arith.constant 0 : i32
      %dma_start3A_122 = tpu.memref_slice %arg7[%run_scoped3A_14, %run_scoped3A_15, %dma_start3A_120, %dma_start3A_121] : memref<4x2x4x80xi32, #tpu.memory_space<vmem>> -> memref<1x1x4x80xi32, #tpu.memory_space<vmem>>
      %dma_start3A_123 = tpu.memref_squeeze %dma_start3A_122 : memref<1x1x4x80xi32, #tpu.memory_space<vmem>> -> memref<4x80xi32, #tpu.memory_space<vmem>>
      %dma_start3A_124 = arith.constant 0 : i32
      %dma_start3A_125 = arith.constant 0 : i32
      %dma_start3A_126 = tpu.memref_slice %arg3[%run_scoped3A, %add3A, %dma_start3A_124, %dma_start3A_125] : memref<2x32x125x80xi32, #tpu.memory_space<hbm>> -> memref<1x1x4x80xi32, #tpu.memory_space<hbm>>
      %dma_start3A_127 = tpu.memref_squeeze %dma_start3A_126 : memref<1x1x4x80xi32, #tpu.memory_space<hbm>> -> memref<4x80xi32, #tpu.memory_space<hbm>>
      %dma_start3A_128 = arith.constant 0 : i32
      %dma_start3A_129 = arith.constant 0 : i32
      %dma_start3A_130 = tpu.memref_slice %arg7[%run_scoped3A_14, %run_scoped3A_15, %dma_start3A_128, %dma_start3A_129] : memref<4x2x4x80xi32, #tpu.memory_space<vmem>> -> memref<1x1x4x80xi32, #tpu.memory_space<vmem>>
      %dma_start3A_131 = tpu.memref_squeeze %dma_start3A_130 : memref<1x1x4x80xi32, #tpu.memory_space<vmem>> -> memref<4x80xi32, #tpu.memory_space<vmem>>
      %dma_start3A_132 = arith.constant 0 : i32
      %dma_start3A_133 = arith.constant 0 : i32
      %dma_start3A_134 = tpu.memref_slice %arg3[%run_scoped3A, %add3A, %dma_start3A_132, %dma_start3A_133] : memref<2x32x125x80xi32, #tpu.memory_space<hbm>> -> memref<1x1x4x80xi32, #tpu.memory_space<hbm>>
      %dma_start3A_135 = tpu.memref_squeeze %dma_start3A_134 : memref<1x1x4x80xi32, #tpu.memory_space<hbm>> -> memref<4x80xi32, #tpu.memory_space<hbm>>
      tpu.enqueue_dma source(%dma_start3A_135 : memref<4x80xi32, #tpu.memory_space<hbm>>) target(%dma_start3A_131 : memref<4x80xi32, #tpu.memory_space<vmem>>) target_semaphore(%run_scoped3A_119 : memref<!tpu.dma_semaphore, #tpu.memory_space<semaphore_mem>>)
      %dma_wait3A_136 = arith.constant 0 : i32
      %dma_wait3A_137 = arith.constant 0 : i32
      %dma_wait3A_138 = tpu.memref_slice %arg7[%run_scoped3A_14, %run_scoped3A_15, %dma_wait3A_136, %dma_wait3A_137] : memref<4x2x4x80xi32, #tpu.memory_space<vmem>> -> memref<1x1x4x80xi32, #tpu.memory_space<vmem>>
      %dma_wait3A_139 = tpu.memref_squeeze %dma_wait3A_138 : memref<1x1x4x80xi32, #tpu.memory_space<vmem>> -> memref<4x80xi32, #tpu.memory_space<vmem>>
      %dma_wait3A_140 = arith.constant 0 : i32
      %dma_wait3A_141 = arith.constant 0 : i32
      %dma_wait3A_142 = tpu.memref_slice %arg3[%run_scoped3A, %add3A, %dma_wait3A_140, %dma_wait3A_141] : memref<2x32x125x80xi32, #tpu.memory_space<hbm>> -> memref<1x1x4x80xi32, #tpu.memory_space<hbm>>
      %dma_wait3A_143 = tpu.memref_squeeze %dma_wait3A_142 : memref<1x1x4x80xi32, #tpu.memory_space<hbm>> -> memref<4x80xi32, #tpu.memory_space<hbm>>
      %dma_wait3A_144 = arith.constant 0 : i32
      %dma_wait3A_145 = arith.constant 0 : i32
      %dma_wait3A_146 = tpu.memref_slice %arg7[%run_scoped3A_14, %run_scoped3A_15, %dma_wait3A_144, %dma_wait3A_145] : memref<4x2x4x80xi32, #tpu.memory_space<vmem>> -> memref<1x1x4x80xi32, #tpu.memory_space<vmem>>
      %dma_wait3A_147 = tpu.memref_squeeze %dma_wait3A_146 : memref<1x1x4x80xi32, #tpu.memory_space<vmem>> -> memref<4x80xi32, #tpu.memory_space<vmem>>
      %dma_wait3A_148 = arith.constant 0 : i32
      %dma_wait3A_149 = arith.constant 0 : i32
      %dma_wait3A_150 = tpu.memref_slice %arg3[%run_scoped3A, %add3A, %dma_wait3A_148, %dma_wait3A_149] : memref<2x32x125x80xi32, #tpu.memory_space<hbm>> -> memref<1x1x4x80xi32, #tpu.memory_space<hbm>>
      %dma_wait3A_151 = tpu.memref_squeeze %dma_wait3A_150 : memref<1x1x4x80xi32, #tpu.memory_space<hbm>> -> memref<4x80xi32, #tpu.memory_space<hbm>>
      tpu.wait_dma2 semaphore(%run_scoped3A_119 : memref<!tpu.dma_semaphore, #tpu.memory_space<semaphore_mem>>) src(%dma_wait3A_151 : memref<4x80xi32, #tpu.memory_space<hbm>>) dst(%dma_wait3A_147 : memref<4x80xi32, #tpu.memory_space<vmem>>)
      tpu.yield
    }) : () -> ()
    %run_scoped3A_16 = arith.constant 1 : i32
    %run_scoped3A_17 = arith.constant 0 : i32
    %run_scoped3A_18 = arith.constant 1 : i32
    "tpu.region"() ({
      %run_scoped3A_119 = tpu.sem_alloc : memref<!tpu.dma_semaphore, #tpu.memory_space<semaphore_mem>>
      %dma_start3A_120 = arith.constant 0 : i32
      %dma_start3A_121 = arith.constant 0 : i32
      %dma_start3A_122 = tpu.memref_slice %arg7[%run_scoped3A_17, %run_scoped3A_18, %dma_start3A_120, %dma_start3A_121] : memref<4x2x4x80xi32, #tpu.memory_space<vmem>> -> memref<1x1x4x80xi32, #tpu.memory_space<vmem>>
      %dma_start3A_123 = tpu.memref_squeeze %dma_start3A_122 : memref<1x1x4x80xi32, #tpu.memory_space<vmem>> -> memref<4x80xi32, #tpu.memory_space<vmem>>
      %dma_start3A_124 = arith.constant 0 : i32
      %dma_start3A_125 = arith.constant 0 : i32
      %dma_start3A_126 = tpu.memref_slice %arg3[%run_scoped3A_16, %add3A, %dma_start3A_124, %dma_start3A_125] : memref<2x32x125x80xi32, #tpu.memory_space<hbm>> -> memref<1x1x4x80xi32, #tpu.memory_space<hbm>>
      %dma_start3A_127 = tpu.memref_squeeze %dma_start3A_126 : memref<1x1x4x80xi32, #tpu.memory_space<hbm>> -> memref<4x80xi32, #tpu.memory_space<hbm>>
      %dma_start3A_128 = arith.constant 0 : i32
      %dma_start3A_129 = arith.constant 0 : i32
      %dma_start3A_130 = tpu.memref_slice %arg7[%run_scoped3A_17, %run_scoped3A_18, %dma_start3A_128, %dma_start3A_129] : memref<4x2x4x80xi32, #tpu.memory_space<vmem>> -> memref<1x1x4x80xi32, #tpu.memory_space<vmem>>
      %dma_start3A_131 = tpu.memref_squeeze %dma_start3A_130 : memref<1x1x4x80xi32, #tpu.memory_space<vmem>> -> memref<4x80xi32, #tpu.memory_space<vmem>>
      %dma_start3A_132 = arith.constant 0 : i32
      %dma_start3A_133 = arith.constant 0 : i32
      %dma_start3A_134 = tpu.memref_slice %arg3[%run_scoped3A_16, %add3A, %dma_start3A_132, %dma_start3A_133] : memref<2x32x125x80xi32, #tpu.memory_space<hbm>> -> memref<1x1x4x80xi32, #tpu.memory_space<hbm>>
      %dma_start3A_135 = tpu.memref_squeeze %dma_start3A_134 : memref<1x1x4x80xi32, #tpu.memory_space<hbm>> -> memref<4x80xi32, #tpu.memory_space<hbm>>
      tpu.enqueue_dma source(%dma_start3A_135 : memref<4x80xi32, #tpu.memory_space<hbm>>) target(%dma_start3A_131 : memref<4x80xi32, #tpu.memory_space<vmem>>) target_semaphore(%run_scoped3A_119 : memref<!tpu.dma_semaphore, #tpu.memory_space<semaphore_mem>>)
      %dma_wait3A_136 = arith.constant 0 : i32
      %dma_wait3A_137 = arith.constant 0 : i32
      %dma_wait3A_138 = tpu.memref_slice %arg7[%run_scoped3A_17, %run_scoped3A_18, %dma_wait3A_136, %dma_wait3A_137] : memref<4x2x4x80xi32, #tpu.memory_space<vmem>> -> memref<1x1x4x80xi32, #tpu.memory_space<vmem>>
      %dma_wait3A_139 = tpu.memref_squeeze %dma_wait3A_138 : memref<1x1x4x80xi32, #tpu.memory_space<vmem>> -> memref<4x80xi32, #tpu.memory_space<vmem>>
      %dma_wait3A_140 = arith.constant 0 : i32
      %dma_wait3A_141 = arith.constant 0 : i32
      %dma_wait3A_142 = tpu.memref_slice %arg3[%run_scoped3A_16, %add3A, %dma_wait3A_140, %dma_wait3A_141] : memref<2x32x125x80xi32, #tpu.memory_space<hbm>> -> memref<1x1x4x80xi32, #tpu.memory_space<hbm>>
      %dma_wait3A_143 = tpu.memref_squeeze %dma_wait3A_142 : memref<1x1x4x80xi32, #tpu.memory_space<hbm>> -> memref<4x80xi32, #tpu.memory_space<hbm>>
      %dma_wait3A_144 = arith.constant 0 : i32
      %dma_wait3A_145 = arith.constant 0 : i32
      %dma_wait3A_146 = tpu.memref_slice %arg7[%run_scoped3A_17, %run_scoped3A_18, %dma_wait3A_144, %dma_wait3A_145] : memref<4x2x4x80xi32, #tpu.memory_space<vmem>> -> memref<1x1x4x80xi32, #tpu.memory_space<vmem>>
      %dma_wait3A_147 = tpu.memref_squeeze %dma_wait3A_146 : memref<1x1x4x80xi32, #tpu.memory_space<vmem>> -> memref<4x80xi32, #tpu.memory_space<vmem>>
      %dma_wait3A_148 = arith.constant 0 : i32
      %dma_wait3A_149 = arith.constant 0 : i32
      %dma_wait3A_150 = tpu.memref_slice %arg3[%run_scoped3A_16, %add3A, %dma_wait3A_148, %dma_wait3A_149] : memref<2x32x125x80xi32, #tpu.memory_space<hbm>> -> memref<1x1x4x80xi32, #tpu.memory_space<hbm>>
      %dma_wait3A_151 = tpu.memref_squeeze %dma_wait3A_150 : memref<1x1x4x80xi32, #tpu.memory_space<hbm>> -> memref<4x80xi32, #tpu.memory_space<hbm>>
      tpu.wait_dma2 semaphore(%run_scoped3A_119 : memref<!tpu.dma_semaphore, #tpu.memory_space<semaphore_mem>>) src(%dma_wait3A_151 : memref<4x80xi32, #tpu.memory_space<hbm>>) dst(%dma_wait3A_147 : memref<4x80xi32, #tpu.memory_space<vmem>>)
      tpu.yield
    }) : () -> ()
    %run_scoped3A_19 = arith.constant 0 : i32
    %run_scoped3A_20 = arith.constant 1 : i32
    %run_scoped3A_21 = arith.constant 0 : i32
    "tpu.region"() ({
      %run_scoped3A_119 = tpu.sem_alloc : memref<!tpu.dma_semaphore, #tpu.memory_space<semaphore_mem>>
      %dma_start3A_120 = arith.constant 0 : i32
      %dma_start3A_121 = arith.constant 0 : i32
      %dma_start3A_122 = tpu.memref_slice %arg7[%run_scoped3A_20, %run_scoped3A_21, %dma_start3A_120, %dma_start3A_121] : memref<4x2x4x80xi32, #tpu.memory_space<vmem>> -> memref<1x1x4x80xi32, #tpu.memory_space<vmem>>
      %dma_start3A_123 = tpu.memref_squeeze %dma_start3A_122 : memref<1x1x4x80xi32, #tpu.memory_space<vmem>> -> memref<4x80xi32, #tpu.memory_space<vmem>>
      %dma_start3A_124 = arith.constant 4 : i32
      %dma_start3A_125 = arith.constant 0 : i32
      %dma_start3A_126 = tpu.memref_slice %arg3[%run_scoped3A_19, %add3A, %dma_start3A_124, %dma_start3A_125] : memref<2x32x125x80xi32, #tpu.memory_space<hbm>> -> memref<1x1x4x80xi32, #tpu.memory_space<hbm>>
      %dma_start3A_127 = tpu.memref_squeeze %dma_start3A_126 : memref<1x1x4x80xi32, #tpu.memory_space<hbm>> -> memref<4x80xi32, #tpu.memory_space<hbm>>
      %dma_start3A_128 = arith.constant 0 : i32
      %dma_start3A_129 = arith.constant 0 : i32
      %dma_start3A_130 = tpu.memref_slice %arg7[%run_scoped3A_20, %run_scoped3A_21, %dma_start3A_128, %dma_start3A_129] : memref<4x2x4x80xi32, #tpu.memory_space<vmem>> -> memref<1x1x4x80xi32, #tpu.memory_space<vmem>>
      %dma_start3A_131 = tpu.memref_squeeze %dma_start3A_130 : memref<1x1x4x80xi32, #tpu.memory_space<vmem>> -> memref<4x80xi32, #tpu.memory_space<vmem>>
      %dma_start3A_132 = arith.constant 4 : i32
      %dma_start3A_133 = arith.constant 0 : i32
      %dma_start3A_134 = tpu.memref_slice %arg3[%run_scoped3A_19, %add3A, %dma_start3A_132, %dma_start3A_133] : memref<2x32x125x80xi32, #tpu.memory_space<hbm>> -> memref<1x1x4x80xi32, #tpu.memory_space<hbm>>
      %dma_start3A_135 = tpu.memref_squeeze %dma_start3A_134 : memref<1x1x4x80xi32, #tpu.memory_space<hbm>> -> memref<4x80xi32, #tpu.memory_space<hbm>>
      tpu.enqueue_dma source(%dma_start3A_135 : memref<4x80xi32, #tpu.memory_space<hbm>>) target(%dma_start3A_131 : memref<4x80xi32, #tpu.memory_space<vmem>>) target_semaphore(%run_scoped3A_119 : memref<!tpu.dma_semaphore, #tpu.memory_space<semaphore_mem>>)
      %dma_wait3A_136 = arith.constant 0 : i32
      %dma_wait3A_137 = arith.constant 0 : i32
      %dma_wait3A_138 = tpu.memref_slice %arg7[%run_scoped3A_20, %run_scoped3A_21, %dma_wait3A_136, %dma_wait3A_137] : memref<4x2x4x80xi32, #tpu.memory_space<vmem>> -> memref<1x1x4x80xi32, #tpu.memory_space<vmem>>
      %dma_wait3A_139 = tpu.memref_squeeze %dma_wait3A_138 : memref<1x1x4x80xi32, #tpu.memory_space<vmem>> -> memref<4x80xi32, #tpu.memory_space<vmem>>
      %dma_wait3A_140 = arith.constant 4 : i32
      %dma_wait3A_141 = arith.constant 0 : i32
      %dma_wait3A_142 = tpu.memref_slice %arg3[%run_scoped3A_19, %add3A, %dma_wait3A_140, %dma_wait3A_141] : memref<2x32x125x80xi32, #tpu.memory_space<hbm>> -> memref<1x1x4x80xi32, #tpu.memory_space<hbm>>
      %dma_wait3A_143 = tpu.memref_squeeze %dma_wait3A_142 : memref<1x1x4x80xi32, #tpu.memory_space<hbm>> -> memref<4x80xi32, #tpu.memory_space<hbm>>
      %dma_wait3A_144 = arith.constant 0 : i32
      %dma_wait3A_145 = arith.constant 0 : i32
      %dma_wait3A_146 = tpu.memref_slice %arg7[%run_scoped3A_20, %run_scoped3A_21, %dma_wait3A_144, %dma_wait3A_145] : memref<4x2x4x80xi32, #tpu.memory_space<vmem>> -> memref<1x1x4x80xi32, #tpu.memory_space<vmem>>
      %dma_wait3A_147 = tpu.memref_squeeze %dma_wait3A_146 : memref<1x1x4x80xi32, #tpu.memory_space<vmem>> -> memref<4x80xi32, #tpu.memory_space<vmem>>
      %dma_wait3A_148 = arith.constant 4 : i32
      %dma_wait3A_149 = arith.constant 0 : i32
      %dma_wait3A_150 = tpu.memref_slice %arg3[%run_scoped3A_19, %add3A, %dma_wait3A_148, %dma_wait3A_149] : memref<2x32x125x80xi32, #tpu.memory_space<hbm>> -> memref<1x1x4x80xi32, #tpu.memory_space<hbm>>
      %dma_wait3A_151 = tpu.memref_squeeze %dma_wait3A_150 : memref<1x1x4x80xi32, #tpu.memory_space<hbm>> -> memref<4x80xi32, #tpu.memory_space<hbm>>
      tpu.wait_dma2 semaphore(%run_scoped3A_119 : memref<!tpu.dma_semaphore, #tpu.memory_space<semaphore_mem>>) src(%dma_wait3A_151 : memref<4x80xi32, #tpu.memory_space<hbm>>) dst(%dma_wait3A_147 : memref<4x80xi32, #tpu.memory_space<vmem>>)
      tpu.yield
    }) : () -> ()
    %run_scoped3A_22 = arith.constant 1 : i32
    %run_scoped3A_23 = arith.constant 1 : i32
    %run_scoped3A_24 = arith.constant 1 : i32
    "tpu.region"() ({
      %run_scoped3A_119 = tpu.sem_alloc : memref<!tpu.dma_semaphore, #tpu.memory_space<semaphore_mem>>
      %dma_start3A_120 = arith.constant 0 : i32
      %dma_start3A_121 = arith.constant 0 : i32
      %dma_start3A_122 = tpu.memref_slice %arg7[%run_scoped3A_23, %run_scoped3A_24, %dma_start3A_120, %dma_start3A_121] : memref<4x2x4x80xi32, #tpu.memory_space<vmem>> -> memref<1x1x4x80xi32, #tpu.memory_space<vmem>>
      %dma_start3A_123 = tpu.memref_squeeze %dma_start3A_122 : memref<1x1x4x80xi32, #tpu.memory_space<vmem>> -> memref<4x80xi32, #tpu.memory_space<vmem>>
      %dma_start3A_124 = arith.constant 4 : i32
      %dma_start3A_125 = arith.constant 0 : i32
      %dma_start3A_126 = tpu.memref_slice %arg3[%run_scoped3A_22, %add3A, %dma_start3A_124, %dma_start3A_125] : memref<2x32x125x80xi32, #tpu.memory_space<hbm>> -> memref<1x1x4x80xi32, #tpu.memory_space<hbm>>
      %dma_start3A_127 = tpu.memref_squeeze %dma_start3A_126 : memref<1x1x4x80xi32, #tpu.memory_space<hbm>> -> memref<4x80xi32, #tpu.memory_space<hbm>>
      %dma_start3A_128 = arith.constant 0 : i32
      %dma_start3A_129 = arith.constant 0 : i32
      %dma_start3A_130 = tpu.memref_slice %arg7[%run_scoped3A_23, %run_scoped3A_24, %dma_start3A_128, %dma_start3A_129] : memref<4x2x4x80xi32, #tpu.memory_space<vmem>> -> memref<1x1x4x80xi32, #tpu.memory_space<vmem>>
      %dma_start3A_131 = tpu.memref_squeeze %dma_start3A_130 : memref<1x1x4x80xi32, #tpu.memory_space<vmem>> -> memref<4x80xi32, #tpu.memory_space<vmem>>
      %dma_start3A_132 = arith.constant 4 : i32
      %dma_start3A_133 = arith.constant 0 : i32
      %dma_start3A_134 = tpu.memref_slice %arg3[%run_scoped3A_22, %add3A, %dma_start3A_132, %dma_start3A_133] : memref<2x32x125x80xi32, #tpu.memory_space<hbm>> -> memref<1x1x4x80xi32, #tpu.memory_space<hbm>>
      %dma_start3A_135 = tpu.memref_squeeze %dma_start3A_134 : memref<1x1x4x80xi32, #tpu.memory_space<hbm>> -> memref<4x80xi32, #tpu.memory_space<hbm>>
      tpu.enqueue_dma source(%dma_start3A_135 : memref<4x80xi32, #tpu.memory_space<hbm>>) target(%dma_start3A_131 : memref<4x80xi32, #tpu.memory_space<vmem>>) target_semaphore(%run_scoped3A_119 : memref<!tpu.dma_semaphore, #tpu.memory_space<semaphore_mem>>)
      %dma_wait3A_136 = arith.constant 0 : i32
      %dma_wait3A_137 = arith.constant 0 : i32
      %dma_wait3A_138 = tpu.memref_slice %arg7[%run_scoped3A_23, %run_scoped3A_24, %dma_wait3A_136, %dma_wait3A_137] : memref<4x2x4x80xi32, #tpu.memory_space<vmem>> -> memref<1x1x4x80xi32, #tpu.memory_space<vmem>>
      %dma_wait3A_139 = tpu.memref_squeeze %dma_wait3A_138 : memref<1x1x4x80xi32, #tpu.memory_space<vmem>> -> memref<4x80xi32, #tpu.memory_space<vmem>>
      %dma_wait3A_140 = arith.constant 4 : i32
      %dma_wait3A_141 = arith.constant 0 : i32
      %dma_wait3A_142 = tpu.memref_slice %arg3[%run_scoped3A_22, %add3A, %dma_wait3A_140, %dma_wait3A_141] : memref<2x32x125x80xi32, #tpu.memory_space<hbm>> -> memref<1x1x4x80xi32, #tpu.memory_space<hbm>>
      %dma_wait3A_143 = tpu.memref_squeeze %dma_wait3A_142 : memref<1x1x4x80xi32, #tpu.memory_space<hbm>> -> memref<4x80xi32, #tpu.memory_space<hbm>>
      %dma_wait3A_144 = arith.constant 0 : i32
      %dma_wait3A_145 = arith.constant 0 : i32
      %dma_wait3A_146 = tpu.memref_slice %arg7[%run_scoped3A_23, %run_scoped3A_24, %dma_wait3A_144, %dma_wait3A_145] : memref<4x2x4x80xi32, #tpu.memory_space<vmem>> -> memref<1x1x4x80xi32, #tpu.memory_space<vmem>>
      %dma_wait3A_147 = tpu.memref_squeeze %dma_wait3A_146 : memref<1x1x4x80xi32, #tpu.memory_space<vmem>> -> memref<4x80xi32, #tpu.memory_space<vmem>>
      %dma_wait3A_148 = arith.constant 4 : i32
      %dma_wait3A_149 = arith.constant 0 : i32
      %dma_wait3A_150 = tpu.memref_slice %arg3[%run_scoped3A_22, %add3A, %dma_wait3A_148, %dma_wait3A_149] : memref<2x32x125x80xi32, #tpu.memory_space<hbm>> -> memref<1x1x4x80xi32, #tpu.memory_space<hbm>>
      %dma_wait3A_151 = tpu.memref_squeeze %dma_wait3A_150 : memref<1x1x4x80xi32, #tpu.memory_space<hbm>> -> memref<4x80xi32, #tpu.memory_space<hbm>>
      tpu.wait_dma2 semaphore(%run_scoped3A_119 : memref<!tpu.dma_semaphore, #tpu.memory_space<semaphore_mem>>) src(%dma_wait3A_151 : memref<4x80xi32, #tpu.memory_space<hbm>>) dst(%dma_wait3A_147 : memref<4x80xi32, #tpu.memory_space<vmem>>)
      tpu.yield
    }) : () -> ()
    %run_scoped3A_25 = arith.constant 0 : i32
    %run_scoped3A_26 = arith.constant 2 : i32
    %run_scoped3A_27 = arith.constant 0 : i32
    "tpu.region"() ({
      %run_scoped3A_119 = tpu.sem_alloc : memref<!tpu.dma_semaphore, #tpu.memory_space<semaphore_mem>>
      %dma_start3A_120 = arith.constant 0 : i32
      %dma_start3A_121 = arith.constant 0 : i32
      %dma_start3A_122 = tpu.memref_slice %arg7[%run_scoped3A_26, %run_scoped3A_27, %dma_start3A_120, %dma_start3A_121] : memref<4x2x4x80xi32, #tpu.memory_space<vmem>> -> memref<1x1x4x80xi32, #tpu.memory_space<vmem>>
      %dma_start3A_123 = tpu.memref_squeeze %dma_start3A_122 : memref<1x1x4x80xi32, #tpu.memory_space<vmem>> -> memref<4x80xi32, #tpu.memory_space<vmem>>
      %dma_start3A_124 = arith.constant 8 : i32
      %dma_start3A_125 = arith.constant 0 : i32
      %dma_start3A_126 = tpu.memref_slice %arg3[%run_scoped3A_25, %add3A, %dma_start3A_124, %dma_start3A_125] : memref<2x32x125x80xi32, #tpu.memory_space<hbm>> -> memref<1x1x4x80xi32, #tpu.memory_space<hbm>>
      %dma_start3A_127 = tpu.memref_squeeze %dma_start3A_126 : memref<1x1x4x80xi32, #tpu.memory_space<hbm>> -> memref<4x80xi32, #tpu.memory_space<hbm>>
      %dma_start3A_128 = arith.constant 0 : i32
      %dma_start3A_129 = arith.constant 0 : i32
      %dma_start3A_130 = tpu.memref_slice %arg7[%run_scoped3A_26, %run_scoped3A_27, %dma_start3A_128, %dma_start3A_129] : memref<4x2x4x80xi32, #tpu.memory_space<vmem>> -> memref<1x1x4x80xi32, #tpu.memory_space<vmem>>
      %dma_start3A_131 = tpu.memref_squeeze %dma_start3A_130 : memref<1x1x4x80xi32, #tpu.memory_space<vmem>> -> memref<4x80xi32, #tpu.memory_space<vmem>>
      %dma_start3A_132 = arith.constant 8 : i32
      %dma_start3A_133 = arith.constant 0 : i32
      %dma_start3A_134 = tpu.memref_slice %arg3[%run_scoped3A_25, %add3A, %dma_start3A_132, %dma_start3A_133] : memref<2x32x125x80xi32, #tpu.memory_space<hbm>> -> memref<1x1x4x80xi32, #tpu.memory_space<hbm>>
      %dma_start3A_135 = tpu.memref_squeeze %dma_start3A_134 : memref<1x1x4x80xi32, #tpu.memory_space<hbm>> -> memref<4x80xi32, #tpu.memory_space<hbm>>
      tpu.enqueue_dma source(%dma_start3A_135 : memref<4x80xi32, #tpu.memory_space<hbm>>) target(%dma_start3A_131 : memref<4x80xi32, #tpu.memory_space<vmem>>) target_semaphore(%run_scoped3A_119 : memref<!tpu.dma_semaphore, #tpu.memory_space<semaphore_mem>>)
      %dma_wait3A_136 = arith.constant 0 : i32
      %dma_wait3A_137 = arith.constant 0 : i32
      %dma_wait3A_138 = tpu.memref_slice %arg7[%run_scoped3A_26, %run_scoped3A_27, %dma_wait3A_136, %dma_wait3A_137] : memref<4x2x4x80xi32, #tpu.memory_space<vmem>> -> memref<1x1x4x80xi32, #tpu.memory_space<vmem>>
      %dma_wait3A_139 = tpu.memref_squeeze %dma_wait3A_138 : memref<1x1x4x80xi32, #tpu.memory_space<vmem>> -> memref<4x80xi32, #tpu.memory_space<vmem>>
      %dma_wait3A_140 = arith.constant 8 : i32
      %dma_wait3A_141 = arith.constant 0 : i32
      %dma_wait3A_142 = tpu.memref_slice %arg3[%run_scoped3A_25, %add3A, %dma_wait3A_140, %dma_wait3A_141] : memref<2x32x125x80xi32, #tpu.memory_space<hbm>> -> memref<1x1x4x80xi32, #tpu.memory_space<hbm>>
      %dma_wait3A_143 = tpu.memref_squeeze %dma_wait3A_142 : memref<1x1x4x80xi32, #tpu.memory_space<hbm>> -> memref<4x80xi32, #tpu.memory_space<hbm>>
      %dma_wait3A_144 = arith.constant 0 : i32
      %dma_wait3A_145 = arith.constant 0 : i32
      %dma_wait3A_146 = tpu.memref_slice %arg7[%run_scoped3A_26, %run_scoped3A_27, %dma_wait3A_144, %dma_wait3A_145] : memref<4x2x4x80xi32, #tpu.memory_space<vmem>> -> memref<1x1x4x80xi32, #tpu.memory_space<vmem>>
      %dma_wait3A_147 = tpu.memref_squeeze %dma_wait3A_146 : memref<1x1x4x80xi32, #tpu.memory_space<vmem>> -> memref<4x80xi32, #tpu.memory_space<vmem>>
      %dma_wait3A_148 = arith.constant 8 : i32
      %dma_wait3A_149 = arith.constant 0 : i32
      %dma_wait3A_150 = tpu.memref_slice %arg3[%run_scoped3A_25, %add3A, %dma_wait3A_148, %dma_wait3A_149] : memref<2x32x125x80xi32, #tpu.memory_space<hbm>> -> memref<1x1x4x80xi32, #tpu.memory_space<hbm>>
      %dma_wait3A_151 = tpu.memref_squeeze %dma_wait3A_150 : memref<1x1x4x80xi32, #tpu.memory_space<hbm>> -> memref<4x80xi32, #tpu.memory_space<hbm>>
      tpu.wait_dma2 semaphore(%run_scoped3A_119 : memref<!tpu.dma_semaphore, #tpu.memory_space<semaphore_mem>>) src(%dma_wait3A_151 : memref<4x80xi32, #tpu.memory_space<hbm>>) dst(%dma_wait3A_147 : memref<4x80xi32, #tpu.memory_space<vmem>>)
      tpu.yield
    }) : () -> ()
    %run_scoped3A_28 = arith.constant 1 : i32
    %run_scoped3A_29 = arith.constant 2 : i32
    %run_scoped3A_30 = arith.constant 1 : i32
    "tpu.region"() ({
      %run_scoped3A_119 = tpu.sem_alloc : memref<!tpu.dma_semaphore, #tpu.memory_space<semaphore_mem>>
      %dma_start3A_120 = arith.constant 0 : i32
      %dma_start3A_121 = arith.constant 0 : i32
      %dma_start3A_122 = tpu.memref_slice %arg7[%run_scoped3A_29, %run_scoped3A_30, %dma_start3A_120, %dma_start3A_121] : memref<4x2x4x80xi32, #tpu.memory_space<vmem>> -> memref<1x1x4x80xi32, #tpu.memory_space<vmem>>
      %dma_start3A_123 = tpu.memref_squeeze %dma_start3A_122 : memref<1x1x4x80xi32, #tpu.memory_space<vmem>> -> memref<4x80xi32, #tpu.memory_space<vmem>>
      %dma_start3A_124 = arith.constant 8 : i32
      %dma_start3A_125 = arith.constant 0 : i32
      %dma_start3A_126 = tpu.memref_slice %arg3[%run_scoped3A_28, %add3A, %dma_start3A_124, %dma_start3A_125] : memref<2x32x125x80xi32, #tpu.memory_space<hbm>> -> memref<1x1x4x80xi32, #tpu.memory_space<hbm>>
      %dma_start3A_127 = tpu.memref_squeeze %dma_start3A_126 : memref<1x1x4x80xi32, #tpu.memory_space<hbm>> -> memref<4x80xi32, #tpu.memory_space<hbm>>
      %dma_start3A_128 = arith.constant 0 : i32
      %dma_start3A_129 = arith.constant 0 : i32
      %dma_start3A_130 = tpu.memref_slice %arg7[%run_scoped3A_29, %run_scoped3A_30, %dma_start3A_128, %dma_start3A_129] : memref<4x2x4x80xi32, #tpu.memory_space<vmem>> -> memref<1x1x4x80xi32, #tpu.memory_space<vmem>>
      %dma_start3A_131 = tpu.memref_squeeze %dma_start3A_130 : memref<1x1x4x80xi32, #tpu.memory_space<vmem>> -> memref<4x80xi32, #tpu.memory_space<vmem>>
      %dma_start3A_132 = arith.constant 8 : i32
      %dma_start3A_133 = arith.constant 0 : i32
      %dma_start3A_134 = tpu.memref_slice %arg3[%run_scoped3A_28, %add3A, %dma_start3A_132, %dma_start3A_133] : memref<2x32x125x80xi32, #tpu.memory_space<hbm>> -> memref<1x1x4x80xi32, #tpu.memory_space<hbm>>
      %dma_start3A_135 = tpu.memref_squeeze %dma_start3A_134 : memref<1x1x4x80xi32, #tpu.memory_space<hbm>> -> memref<4x80xi32, #tpu.memory_space<hbm>>
      tpu.enqueue_dma source(%dma_start3A_135 : memref<4x80xi32, #tpu.memory_space<hbm>>) target(%dma_start3A_131 : memref<4x80xi32, #tpu.memory_space<vmem>>) target_semaphore(%run_scoped3A_119 : memref<!tpu.dma_semaphore, #tpu.memory_space<semaphore_mem>>)
      %dma_wait3A_136 = arith.constant 0 : i32
      %dma_wait3A_137 = arith.constant 0 : i32
      %dma_wait3A_138 = tpu.memref_slice %arg7[%run_scoped3A_29, %run_scoped3A_30, %dma_wait3A_136, %dma_wait3A_137] : memref<4x2x4x80xi32, #tpu.memory_space<vmem>> -> memref<1x1x4x80xi32, #tpu.memory_space<vmem>>
      %dma_wait3A_139 = tpu.memref_squeeze %dma_wait3A_138 : memref<1x1x4x80xi32, #tpu.memory_space<vmem>> -> memref<4x80xi32, #tpu.memory_space<vmem>>
      %dma_wait3A_140 = arith.constant 8 : i32
      %dma_wait3A_141 = arith.constant 0 : i32
      %dma_wait3A_142 = tpu.memref_slice %arg3[%run_scoped3A_28, %add3A, %dma_wait3A_140, %dma_wait3A_141] : memref<2x32x125x80xi32, #tpu.memory_space<hbm>> -> memref<1x1x4x80xi32, #tpu.memory_space<hbm>>
      %dma_wait3A_143 = tpu.memref_squeeze %dma_wait3A_142 : memref<1x1x4x80xi32, #tpu.memory_space<hbm>> -> memref<4x80xi32, #tpu.memory_space<hbm>>
      %dma_wait3A_144 = arith.constant 0 : i32
      %dma_wait3A_145 = arith.constant 0 : i32
      %dma_wait3A_146 = tpu.memref_slice %arg7[%run_scoped3A_29, %run_scoped3A_30, %dma_wait3A_144, %dma_wait3A_145] : memref<4x2x4x80xi32, #tpu.memory_space<vmem>> -> memref<1x1x4x80xi32, #tpu.memory_space<vmem>>
      %dma_wait3A_147 = tpu.memref_squeeze %dma_wait3A_146 : memref<1x1x4x80xi32, #tpu.memory_space<vmem>> -> memref<4x80xi32, #tpu.memory_space<vmem>>
      %dma_wait3A_148 = arith.constant 8 : i32
      %dma_wait3A_149 = arith.constant 0 : i32
      %dma_wait3A_150 = tpu.memref_slice %arg3[%run_scoped3A_28, %add3A, %dma_wait3A_148, %dma_wait3A_149] : memref<2x32x125x80xi32, #tpu.memory_space<hbm>> -> memref<1x1x4x80xi32, #tpu.memory_space<hbm>>
      %dma_wait3A_151 = tpu.memref_squeeze %dma_wait3A_150 : memref<1x1x4x80xi32, #tpu.memory_space<hbm>> -> memref<4x80xi32, #tpu.memory_space<hbm>>
      tpu.wait_dma2 semaphore(%run_scoped3A_119 : memref<!tpu.dma_semaphore, #tpu.memory_space<semaphore_mem>>) src(%dma_wait3A_151 : memref<4x80xi32, #tpu.memory_space<hbm>>) dst(%dma_wait3A_147 : memref<4x80xi32, #tpu.memory_space<vmem>>)
      tpu.yield
    }) : () -> ()
    %run_scoped3A_31 = arith.constant 0 : i32
    %run_scoped3A_32 = arith.constant 3 : i32
    %run_scoped3A_33 = arith.constant 0 : i32
    "tpu.region"() ({
      %run_scoped3A_119 = tpu.sem_alloc : memref<!tpu.dma_semaphore, #tpu.memory_space<semaphore_mem>>
      %dma_start3A_120 = arith.constant 0 : i32
      %dma_start3A_121 = arith.constant 0 : i32
      %dma_start3A_122 = tpu.memref_slice %arg7[%run_scoped3A_32, %run_scoped3A_33, %dma_start3A_120, %dma_start3A_121] : memref<4x2x4x80xi32, #tpu.memory_space<vmem>> -> memref<1x1x4x80xi32, #tpu.memory_space<vmem>>
      %dma_start3A_123 = tpu.memref_squeeze %dma_start3A_122 : memref<1x1x4x80xi32, #tpu.memory_space<vmem>> -> memref<4x80xi32, #tpu.memory_space<vmem>>
      %dma_start3A_124 = arith.constant 12 : i32
      %dma_start3A_125 = arith.constant 0 : i32
      %dma_start3A_126 = tpu.memref_slice %arg3[%run_scoped3A_31, %add3A, %dma_start3A_124, %dma_start3A_125] : memref<2x32x125x80xi32, #tpu.memory_space<hbm>> -> memref<1x1x4x80xi32, #tpu.memory_space<hbm>>
      %dma_start3A_127 = tpu.memref_squeeze %dma_start3A_126 : memref<1x1x4x80xi32, #tpu.memory_space<hbm>> -> memref<4x80xi32, #tpu.memory_space<hbm>>
      %dma_start3A_128 = arith.constant 0 : i32
      %dma_start3A_129 = arith.constant 0 : i32
      %dma_start3A_130 = tpu.memref_slice %arg7[%run_scoped3A_32, %run_scoped3A_33, %dma_start3A_128, %dma_start3A_129] : memref<4x2x4x80xi32, #tpu.memory_space<vmem>> -> memref<1x1x4x80xi32, #tpu.memory_space<vmem>>
      %dma_start3A_131 = tpu.memref_squeeze %dma_start3A_130 : memref<1x1x4x80xi32, #tpu.memory_space<vmem>> -> memref<4x80xi32, #tpu.memory_space<vmem>>
      %dma_start3A_132 = arith.constant 12 : i32
      %dma_start3A_133 = arith.constant 0 : i32
      %dma_start3A_134 = tpu.memref_slice %arg3[%run_scoped3A_31, %add3A, %dma_start3A_132, %dma_start3A_133] : memref<2x32x125x80xi32, #tpu.memory_space<hbm>> -> memref<1x1x4x80xi32, #tpu.memory_space<hbm>>
      %dma_start3A_135 = tpu.memref_squeeze %dma_start3A_134 : memref<1x1x4x80xi32, #tpu.memory_space<hbm>> -> memref<4x80xi32, #tpu.memory_space<hbm>>
      tpu.enqueue_dma source(%dma_start3A_135 : memref<4x80xi32, #tpu.memory_space<hbm>>) target(%dma_start3A_131 : memref<4x80xi32, #tpu.memory_space<vmem>>) target_semaphore(%run_scoped3A_119 : memref<!tpu.dma_semaphore, #tpu.memory_space<semaphore_mem>>)
      %dma_wait3A_136 = arith.constant 0 : i32
      %dma_wait3A_137 = arith.constant 0 : i32
      %dma_wait3A_138 = tpu.memref_slice %arg7[%run_scoped3A_32, %run_scoped3A_33, %dma_wait3A_136, %dma_wait3A_137] : memref<4x2x4x80xi32, #tpu.memory_space<vmem>> -> memref<1x1x4x80xi32, #tpu.memory_space<vmem>>
      %dma_wait3A_139 = tpu.memref_squeeze %dma_wait3A_138 : memref<1x1x4x80xi32, #tpu.memory_space<vmem>> -> memref<4x80xi32, #tpu.memory_space<vmem>>
      %dma_wait3A_140 = arith.constant 12 : i32
      %dma_wait3A_141 = arith.constant 0 : i32
      %dma_wait3A_142 = tpu.memref_slice %arg3[%run_scoped3A_31, %add3A, %dma_wait3A_140, %dma_wait3A_141] : memref<2x32x125x80xi32, #tpu.memory_space<hbm>> -> memref<1x1x4x80xi32, #tpu.memory_space<hbm>>
      %dma_wait3A_143 = tpu.memref_squeeze %dma_wait3A_142 : memref<1x1x4x80xi32, #tpu.memory_space<hbm>> -> memref<4x80xi32, #tpu.memory_space<hbm>>
      %dma_wait3A_144 = arith.constant 0 : i32
      %dma_wait3A_145 = arith.constant 0 : i32
      %dma_wait3A_146 = tpu.memref_slice %arg7[%run_scoped3A_32, %run_scoped3A_33, %dma_wait3A_144, %dma_wait3A_145] : memref<4x2x4x80xi32, #tpu.memory_space<vmem>> -> memref<1x1x4x80xi32, #tpu.memory_space<vmem>>
      %dma_wait3A_147 = tpu.memref_squeeze %dma_wait3A_146 : memref<1x1x4x80xi32, #tpu.memory_space<vmem>> -> memref<4x80xi32, #tpu.memory_space<vmem>>
      %dma_wait3A_148 = arith.constant 12 : i32
      %dma_wait3A_149 = arith.constant 0 : i32
      %dma_wait3A_150 = tpu.memref_slice %arg3[%run_scoped3A_31, %add3A, %dma_wait3A_148, %dma_wait3A_149] : memref<2x32x125x80xi32, #tpu.memory_space<hbm>> -> memref<1x1x4x80xi32, #tpu.memory_space<hbm>>
      %dma_wait3A_151 = tpu.memref_squeeze %dma_wait3A_150 : memref<1x1x4x80xi32, #tpu.memory_space<hbm>> -> memref<4x80xi32, #tpu.memory_space<hbm>>
      tpu.wait_dma2 semaphore(%run_scoped3A_119 : memref<!tpu.dma_semaphore, #tpu.memory_space<semaphore_mem>>) src(%dma_wait3A_151 : memref<4x80xi32, #tpu.memory_space<hbm>>) dst(%dma_wait3A_147 : memref<4x80xi32, #tpu.memory_space<vmem>>)
      tpu.yield
    }) : () -> ()
    %run_scoped3A_34 = arith.constant 1 : i32
    %run_scoped3A_35 = arith.constant 3 : i32
    %run_scoped3A_36 = arith.constant 1 : i32
    "tpu.region"() ({
      %run_scoped3A_119 = tpu.sem_alloc : memref<!tpu.dma_semaphore, #tpu.memory_space<semaphore_mem>>
      %dma_start3A_120 = arith.constant 0 : i32
      %dma_start3A_121 = arith.constant 0 : i32
      %dma_start3A_122 = tpu.memref_slice %arg7[%run_scoped3A_35, %run_scoped3A_36, %dma_start3A_120, %dma_start3A_121] : memref<4x2x4x80xi32, #tpu.memory_space<vmem>> -> memref<1x1x4x80xi32, #tpu.memory_space<vmem>>
      %dma_start3A_123 = tpu.memref_squeeze %dma_start3A_122 : memref<1x1x4x80xi32, #tpu.memory_space<vmem>> -> memref<4x80xi32, #tpu.memory_space<vmem>>
      %dma_start3A_124 = arith.constant 12 : i32
      %dma_start3A_125 = arith.constant 0 : i32
      %dma_start3A_126 = tpu.memref_slice %arg3[%run_scoped3A_34, %add3A, %dma_start3A_124, %dma_start3A_125] : memref<2x32x125x80xi32, #tpu.memory_space<hbm>> -> memref<1x1x4x80xi32, #tpu.memory_space<hbm>>
      %dma_start3A_127 = tpu.memref_squeeze %dma_start3A_126 : memref<1x1x4x80xi32, #tpu.memory_space<hbm>> -> memref<4x80xi32, #tpu.memory_space<hbm>>
      %dma_start3A_128 = arith.constant 0 : i32
      %dma_start3A_129 = arith.constant 0 : i32
      %dma_start3A_130 = tpu.memref_slice %arg7[%run_scoped3A_35, %run_scoped3A_36, %dma_start3A_128, %dma_start3A_129] : memref<4x2x4x80xi32, #tpu.memory_space<vmem>> -> memref<1x1x4x80xi32, #tpu.memory_space<vmem>>
      %dma_start3A_131 = tpu.memref_squeeze %dma_start3A_130 : memref<1x1x4x80xi32, #tpu.memory_space<vmem>> -> memref<4x80xi32, #tpu.memory_space<vmem>>
      %dma_start3A_132 = arith.constant 12 : i32
      %dma_start3A_133 = arith.constant 0 : i32
      %dma_start3A_134 = tpu.memref_slice %arg3[%run_scoped3A_34, %add3A, %dma_start3A_132, %dma_start3A_133] : memref<2x32x125x80xi32, #tpu.memory_space<hbm>> -> memref<1x1x4x80xi32, #tpu.memory_space<hbm>>
      %dma_start3A_135 = tpu.memref_squeeze %dma_start3A_134 : memref<1x1x4x80xi32, #tpu.memory_space<hbm>> -> memref<4x80xi32, #tpu.memory_space<hbm>>
      tpu.enqueue_dma source(%dma_start3A_135 : memref<4x80xi32, #tpu.memory_space<hbm>>) target(%dma_start3A_131 : memref<4x80xi32, #tpu.memory_space<vmem>>) target_semaphore(%run_scoped3A_119 : memref<!tpu.dma_semaphore, #tpu.memory_space<semaphore_mem>>)
      %dma_wait3A_136 = arith.constant 0 : i32
      %dma_wait3A_137 = arith.constant 0 : i32
      %dma_wait3A_138 = tpu.memref_slice %arg7[%run_scoped3A_35, %run_scoped3A_36, %dma_wait3A_136, %dma_wait3A_137] : memref<4x2x4x80xi32, #tpu.memory_space<vmem>> -> memref<1x1x4x80xi32, #tpu.memory_space<vmem>>
      %dma_wait3A_139 = tpu.memref_squeeze %dma_wait3A_138 : memref<1x1x4x80xi32, #tpu.memory_space<vmem>> -> memref<4x80xi32, #tpu.memory_space<vmem>>
      %dma_wait3A_140 = arith.constant 12 : i32
      %dma_wait3A_141 = arith.constant 0 : i32
      %dma_wait3A_142 = tpu.memref_slice %arg3[%run_scoped3A_34, %add3A, %dma_wait3A_140, %dma_wait3A_141] : memref<2x32x125x80xi32, #tpu.memory_space<hbm>> -> memref<1x1x4x80xi32, #tpu.memory_space<hbm>>
      %dma_wait3A_143 = tpu.memref_squeeze %dma_wait3A_142 : memref<1x1x4x80xi32, #tpu.memory_space<hbm>> -> memref<4x80xi32, #tpu.memory_space<hbm>>
      %dma_wait3A_144 = arith.constant 0 : i32
      %dma_wait3A_145 = arith.constant 0 : i32
      %dma_wait3A_146 = tpu.memref_slice %arg7[%run_scoped3A_35, %run_scoped3A_36, %dma_wait3A_144, %dma_wait3A_145] : memref<4x2x4x80xi32, #tpu.memory_space<vmem>> -> memref<1x1x4x80xi32, #tpu.memory_space<vmem>>
      %dma_wait3A_147 = tpu.memref_squeeze %dma_wait3A_146 : memref<1x1x4x80xi32, #tpu.memory_space<vmem>> -> memref<4x80xi32, #tpu.memory_space<vmem>>
      %dma_wait3A_148 = arith.constant 12 : i32
      %dma_wait3A_149 = arith.constant 0 : i32
      %dma_wait3A_150 = tpu.memref_slice %arg3[%run_scoped3A_34, %add3A, %dma_wait3A_148, %dma_wait3A_149] : memref<2x32x125x80xi32, #tpu.memory_space<hbm>> -> memref<1x1x4x80xi32, #tpu.memory_space<hbm>>
      %dma_wait3A_151 = tpu.memref_squeeze %dma_wait3A_150 : memref<1x1x4x80xi32, #tpu.memory_space<hbm>> -> memref<4x80xi32, #tpu.memory_space<hbm>>
      tpu.wait_dma2 semaphore(%run_scoped3A_119 : memref<!tpu.dma_semaphore, #tpu.memory_space<semaphore_mem>>) src(%dma_wait3A_151 : memref<4x80xi32, #tpu.memory_space<hbm>>) dst(%dma_wait3A_147 : memref<4x80xi32, #tpu.memory_space<vmem>>)
      tpu.yield
    }) : () -> ()
    %barrier3A = arith.constant 0 : index
    tpu.barrier barrier_id(%barrier3A)
    %dma_start3A = arith.constant 0 : i32
    %dma_start3A_37 = arith.constant 0 : i32
    %dma_start3A_38 = arith.constant 0 : i32
    %dma_start3A_39 = arith.constant 0 : i32
    %dma_start3A_40 = tpu.memref_slice %arg7[%dma_start3A, %dma_start3A_37, %dma_start3A_38, %dma_start3A_39] : memref<4x2x4x80xi32, #tpu.memory_space<vmem>> -> memref<1x1x1x80xi32, #tpu.memory_space<vmem>>
    %dma_start3A_41 = tpu.memref_squeeze %dma_start3A_40 : memref<1x1x1x80xi32, #tpu.memory_space<vmem>> -> memref<80xi32, #tpu.memory_space<vmem>>
    %dma_start3A_42 = arith.constant 0 : i32
    %dma_start3A_43 = arith.constant 0 : i32
    %dma_start3A_44 = tpu.memref_slice %arg2[%dma_start3A_42, %dma_start3A_43] : memref<10000x128xf32, #tpu.memory_space<hbm>> -> memref<10000x128xf32, #tpu.memory_space<hbm>>
    tpu.enqueue_indirect_dma source(%dma_start3A_44 : memref<10000x128xf32, #tpu.memory_space<hbm>>) target(%arg8 : memref<80x128xf32, #tpu.memory_space<vmem>>) offsets(%dma_start3A_41 : memref<80xi32, #tpu.memory_space<vmem>>) semaphore(%arg12 : memref<!tpu.dma_semaphore, #tpu.memory_space<semaphore_mem>>)
    %dma_start3A_45 = arith.constant 0 : i32
    %dma_start3A_46 = arith.constant 0 : i32
    %dma_start3A_47 = arith.constant 1 : i32
    %dma_start3A_48 = arith.constant 0 : i32
    %dma_start3A_49 = tpu.memref_slice %arg7[%dma_start3A_45, %dma_start3A_46, %dma_start3A_47, %dma_start3A_48] : memref<4x2x4x80xi32, #tpu.memory_space<vmem>> -> memref<1x1x1x80xi32, #tpu.memory_space<vmem>>
    %dma_start3A_50 = tpu.memref_squeeze %dma_start3A_49 : memref<1x1x1x80xi32, #tpu.memory_space<vmem>> -> memref<80xi32, #tpu.memory_space<vmem>>
    %dma_start3A_51 = arith.constant 0 : i32
    %dma_start3A_52 = arith.constant 0 : i32
    %dma_start3A_53 = tpu.memref_slice %arg2[%dma_start3A_51, %dma_start3A_52] : memref<10000x128xf32, #tpu.memory_space<hbm>> -> memref<10000x128xf32, #tpu.memory_space<hbm>>
    tpu.enqueue_indirect_dma source(%dma_start3A_53 : memref<10000x128xf32, #tpu.memory_space<hbm>>) target(%arg9 : memref<80x128xf32, #tpu.memory_space<vmem>>) offsets(%dma_start3A_50 : memref<80xi32, #tpu.memory_space<vmem>>) semaphore(%arg13 : memref<!tpu.dma_semaphore, #tpu.memory_space<semaphore_mem>>)
    %scan3A_54 = arith.constant 0 : i32
    %scan3A_55 = arith.constant 31 : i32
    %scan3A_56 = arith.addi %scan3A_54, %scan3A_55 : i32
    %scan3A_57 = arith.constant 1 : i32
    scf.for %scan3A_119 = %scan3A_54 to %scan3A_56 step %scan3A_57  : i32 {
      %mul3A_120 = arith.constant 1 : i32
      %mul3A_121 = arith.muli %scan3A_119, %mul3A_120 : i32
      %add3A_122 = arith.constant 0 : i32
      %add3A_123 = arith.addi %add3A_122, %mul3A_121 : i32
      %rem3A = arith.constant 4 : i32
      %rem3A_124 = arith.remsi %add3A_123, %rem3A : i32
      %add3A_125 = arith.constant 1 : i32
      %add3A_126 = arith.addi %add3A_123, %add3A_125 : i32
      %rem3A_127 = arith.constant 4 : i32
      %rem3A_128 = arith.remsi %add3A_126, %rem3A_127 : i32
      %mul3A_129 = arith.constant 4 : i32
      %mul3A_130 = arith.muli %add3A_123, %mul3A_129 : i32
      %add3A_131 = arith.constant 0 : i32
      %add3A_132 = arith.addi %mul3A_130, %add3A_131 : i32
      %add3A_133 = arith.constant 2 : i32
      %add3A_134 = arith.addi %add3A_132, %add3A_133 : i32
      %lt3A_135 = arith.constant 124 : i32
      %lt3A_136 = arith.cmpi slt, %add3A_134, %lt3A_135 : i32
      %convert_element_type3A_137 = arith.extui %lt3A_136 : i1 to i32
      %cond3A_138 = arith.constant 0 : i32
      %cond3A_139 = arith.cmpi ne, %convert_element_type3A_137, %cond3A_138 : i32
      scf.if %cond3A_139 {
        %ge3A_242 = arith.constant 4 : i32
        %ge3A_243 = arith.cmpi sge, %add3A_134, %ge3A_242 : i32
        %convert_element_type3A_244 = arith.extui %ge3A_243 : i1 to i32
        %cond3A_245 = arith.constant 0 : i32
        %cond3A_246 = arith.cmpi ne, %convert_element_type3A_244, %cond3A_245 : i32
        scf.if %cond3A_246 {
          %dma_wait3A_255 = arith.constant 0 : i32
          %dma_wait3A_256 = arith.constant 0 : i32
          %dma_wait3A_257 = tpu.memref_slice %arg2[%dma_wait3A_255, %dma_wait3A_256] : memref<10000x128xf32, #tpu.memory_space<hbm>> -> memref<80x128xf32, #tpu.memory_space<hbm>>
          %dma_wait3A_258 = arith.constant 0 : i32
          %dma_wait3A_259 = arith.constant 0 : i32
          %dma_wait3A_260 = tpu.memref_slice %arg2[%dma_wait3A_258, %dma_wait3A_259] : memref<10000x128xf32, #tpu.memory_space<hbm>> -> memref<80x128xf32, #tpu.memory_space<hbm>>
          tpu.wait_dma2 semaphore(%arg18 : memref<!tpu.dma_semaphore, #tpu.memory_space<semaphore_mem>>) src(%dma_wait3A_260 : memref<80x128xf32, #tpu.memory_space<hbm>>) dst(%arg10 : memref<80x128xf32, #tpu.memory_space<vmem>>)
        } else {
        }
        %dma_start3A_247 = arith.constant 0 : i32
        %dma_start3A_248 = arith.constant 2 : i32
        %dma_start3A_249 = arith.constant 0 : i32
        %dma_start3A_250 = tpu.memref_slice %arg7[%rem3A_124, %dma_start3A_247, %dma_start3A_248, %dma_start3A_249] : memref<4x2x4x80xi32, #tpu.memory_space<vmem>> -> memref<1x1x1x80xi32, #tpu.memory_space<vmem>>
        %dma_start3A_251 = tpu.memref_squeeze %dma_start3A_250 : memref<1x1x1x80xi32, #tpu.memory_space<vmem>> -> memref<80xi32, #tpu.memory_space<vmem>>
        %dma_start3A_252 = arith.constant 0 : i32
        %dma_start3A_253 = arith.constant 0 : i32
        %dma_start3A_254 = tpu.memref_slice %arg2[%dma_start3A_252, %dma_start3A_253] : memref<10000x128xf32, #tpu.memory_space<hbm>> -> memref<10000x128xf32, #tpu.memory_space<hbm>>
        tpu.enqueue_indirect_dma source(%dma_start3A_254 : memref<10000x128xf32, #tpu.memory_space<hbm>>) target(%arg10 : memref<80x128xf32, #tpu.memory_space<vmem>>) offsets(%dma_start3A_251 : memref<80xi32, #tpu.memory_space<vmem>>) semaphore(%arg14 : memref<!tpu.dma_semaphore, #tpu.memory_space<semaphore_mem>>)
      } else {
      }
      %dma_wait3A_140 = arith.constant 0 : i32
      %dma_wait3A_141 = arith.constant 0 : i32
      %dma_wait3A_142 = tpu.memref_slice %arg2[%dma_wait3A_140, %dma_wait3A_141] : memref<10000x128xf32, #tpu.memory_space<hbm>> -> memref<80x128xf32, #tpu.memory_space<hbm>>
      %dma_wait3A_143 = arith.constant 0 : i32
      %dma_wait3A_144 = arith.constant 0 : i32
      %dma_wait3A_145 = tpu.memref_slice %arg2[%dma_wait3A_143, %dma_wait3A_144] : memref<10000x128xf32, #tpu.memory_space<hbm>> -> memref<80x128xf32, #tpu.memory_space<hbm>>
      tpu.wait_dma2 semaphore(%arg12 : memref<!tpu.dma_semaphore, #tpu.memory_space<semaphore_mem>>) src(%dma_wait3A_145 : memref<80x128xf32, #tpu.memory_space<hbm>>) dst(%arg8 : memref<80x128xf32, #tpu.memory_space<vmem>>)
      %dma_start3A_146 = arith.constant 1 : i32
      %dma_start3A_147 = arith.constant 0 : i32
      %dma_start3A_148 = arith.constant 0 : i32
      %dma_start3A_149 = tpu.memref_slice %arg7[%rem3A_124, %dma_start3A_146, %dma_start3A_147, %dma_start3A_148] : memref<4x2x4x80xi32, #tpu.memory_space<vmem>> -> memref<1x1x1x80xi32, #tpu.memory_space<vmem>>
      %dma_start3A_150 = tpu.memref_squeeze %dma_start3A_149 : memref<1x1x1x80xi32, #tpu.memory_space<vmem>> -> memref<80xi32, #tpu.memory_space<vmem>>
      %dma_start3A_151 = arith.constant 0 : i32
      %dma_start3A_152 = arith.constant 0 : i32
      %dma_start3A_153 = tpu.memref_slice %arg6[%dma_start3A_151, %dma_start3A_152] : memref<10000x128xf32, #tpu.memory_space<vmem_shared>> -> memref<10000x128xf32, #tpu.memory_space<vmem_shared>>
      tpu.enqueue_indirect_dma source(%arg8 : memref<80x128xf32, #tpu.memory_space<vmem>>) target(%dma_start3A_153 : memref<10000x128xf32, #tpu.memory_space<vmem_shared>>) offsets(%dma_start3A_150 : memref<80xi32, #tpu.memory_space<vmem>>) semaphore(%arg16 : memref<!tpu.dma_semaphore, #tpu.memory_space<semaphore_mem>>) {add = true}
      %mul3A_154 = arith.constant 4 : i32
      %mul3A_155 = arith.muli %add3A_123, %mul3A_154 : i32
      %add3A_156 = arith.constant 1 : i32
      %add3A_157 = arith.addi %mul3A_155, %add3A_156 : i32
      %add3A_158 = arith.constant 2 : i32
      %add3A_159 = arith.addi %add3A_157, %add3A_158 : i32
      %lt3A_160 = arith.constant 124 : i32
      %lt3A_161 = arith.cmpi slt, %add3A_159, %lt3A_160 : i32
      %convert_element_type3A_162 = arith.extui %lt3A_161 : i1 to i32
      %cond3A_163 = arith.constant 0 : i32
      %cond3A_164 = arith.cmpi ne, %convert_element_type3A_162, %cond3A_163 : i32
      scf.if %cond3A_164 {
        %ge3A_242 = arith.constant 4 : i32
        %ge3A_243 = arith.cmpi sge, %add3A_159, %ge3A_242 : i32
        %convert_element_type3A_244 = arith.extui %ge3A_243 : i1 to i32
        %cond3A_245 = arith.constant 0 : i32
        %cond3A_246 = arith.cmpi ne, %convert_element_type3A_244, %cond3A_245 : i32
        scf.if %cond3A_246 {
          %dma_wait3A_255 = arith.constant 0 : i32
          %dma_wait3A_256 = arith.constant 0 : i32
          %dma_wait3A_257 = tpu.memref_slice %arg2[%dma_wait3A_255, %dma_wait3A_256] : memref<10000x128xf32, #tpu.memory_space<hbm>> -> memref<80x128xf32, #tpu.memory_space<hbm>>
          %dma_wait3A_258 = arith.constant 0 : i32
          %dma_wait3A_259 = arith.constant 0 : i32
          %dma_wait3A_260 = tpu.memref_slice %arg2[%dma_wait3A_258, %dma_wait3A_259] : memref<10000x128xf32, #tpu.memory_space<hbm>> -> memref<80x128xf32, #tpu.memory_space<hbm>>
          tpu.wait_dma2 semaphore(%arg19 : memref<!tpu.dma_semaphore, #tpu.memory_space<semaphore_mem>>) src(%dma_wait3A_260 : memref<80x128xf32, #tpu.memory_space<hbm>>) dst(%arg11 : memref<80x128xf32, #tpu.memory_space<vmem>>)
        } else {
        }
        %dma_start3A_247 = arith.constant 0 : i32
        %dma_start3A_248 = arith.constant 3 : i32
        %dma_start3A_249 = arith.constant 0 : i32
        %dma_start3A_250 = tpu.memref_slice %arg7[%rem3A_124, %dma_start3A_247, %dma_start3A_248, %dma_start3A_249] : memref<4x2x4x80xi32, #tpu.memory_space<vmem>> -> memref<1x1x1x80xi32, #tpu.memory_space<vmem>>
        %dma_start3A_251 = tpu.memref_squeeze %dma_start3A_250 : memref<1x1x1x80xi32, #tpu.memory_space<vmem>> -> memref<80xi32, #tpu.memory_space<vmem>>
        %dma_start3A_252 = arith.constant 0 : i32
        %dma_start3A_253 = arith.constant 0 : i32
        %dma_start3A_254 = tpu.memref_slice %arg2[%dma_start3A_252, %dma_start3A_253] : memref<10000x128xf32, #tpu.memory_space<hbm>> -> memref<10000x128xf32, #tpu.memory_space<hbm>>
        tpu.enqueue_indirect_dma source(%dma_start3A_254 : memref<10000x128xf32, #tpu.memory_space<hbm>>) target(%arg11 : memref<80x128xf32, #tpu.memory_space<vmem>>) offsets(%dma_start3A_251 : memref<80xi32, #tpu.memory_space<vmem>>) semaphore(%arg15 : memref<!tpu.dma_semaphore, #tpu.memory_space<semaphore_mem>>)
      } else {
      }
      %ge3A = arith.constant 2 : i32
      %ge3A_165 = arith.cmpi sge, %add3A_123, %ge3A : i32
      %le3A = arith.constant 29 : i32
      %le3A_166 = arith.cmpi sle, %add3A_123, %le3A : i32
      %and3A = arith.andi %ge3A_165, %le3A_166 : i1
      %convert_element_type3A_167 = arith.extui %and3A : i1 to i32
      %cond3A_168 = arith.constant 0 : i32
      %cond3A_169 = arith.cmpi ne, %convert_element_type3A_167, %cond3A_168 : i32
      scf.if %cond3A_169 {
        %dma_wait3A_242 = arith.constant 0 : i32
        %dma_wait3A_243 = arith.constant 0 : i32
        %dma_wait3A_244 = arith.constant 0 : i32
        %dma_wait3A_245 = arith.constant 0 : i32
        %dma_wait3A_246 = arith.constant 0 : i32
        %dma_wait3A_247 = arith.constant 0 : i32
        %dma_wait3A_248 = tpu.memref_slice %arg7[%dma_wait3A_244, %dma_wait3A_245, %dma_wait3A_246, %dma_wait3A_247] : memref<4x2x4x80xi32, #tpu.memory_space<vmem>> -> memref<1x1x4x80xi32, #tpu.memory_space<vmem>>
        %dma_wait3A_249 = tpu.memref_squeeze %dma_wait3A_248 : memref<1x1x4x80xi32, #tpu.memory_space<vmem>> -> memref<4x80xi32, #tpu.memory_space<vmem>>
        %dma_wait3A_250 = arith.constant 0 : i32
        %dma_wait3A_251 = arith.constant 0 : i32
        %dma_wait3A_252 = tpu.memref_slice %arg3[%dma_wait3A_242, %dma_wait3A_243, %dma_wait3A_250, %dma_wait3A_251] : memref<2x32x125x80xi32, #tpu.memory_space<hbm>> -> memref<1x1x4x80xi32, #tpu.memory_space<hbm>>
        %dma_wait3A_253 = tpu.memref_squeeze %dma_wait3A_252 : memref<1x1x4x80xi32, #tpu.memory_space<hbm>> -> memref<4x80xi32, #tpu.memory_space<hbm>>
        %dma_wait3A_254 = arith.constant 0 : i32
        %dma_wait3A_255 = arith.constant 0 : i32
        %dma_wait3A_256 = tpu.memref_slice %arg7[%dma_wait3A_244, %dma_wait3A_245, %dma_wait3A_254, %dma_wait3A_255] : memref<4x2x4x80xi32, #tpu.memory_space<vmem>> -> memref<1x1x4x80xi32, #tpu.memory_space<vmem>>
        %dma_wait3A_257 = tpu.memref_squeeze %dma_wait3A_256 : memref<1x1x4x80xi32, #tpu.memory_space<vmem>> -> memref<4x80xi32, #tpu.memory_space<vmem>>
        %dma_wait3A_258 = arith.constant 0 : i32
        %dma_wait3A_259 = arith.constant 0 : i32
        %dma_wait3A_260 = tpu.memref_slice %arg3[%dma_wait3A_242, %dma_wait3A_243, %dma_wait3A_258, %dma_wait3A_259] : memref<2x32x125x80xi32, #tpu.memory_space<hbm>> -> memref<1x1x4x80xi32, #tpu.memory_space<hbm>>
        %dma_wait3A_261 = tpu.memref_squeeze %dma_wait3A_260 : memref<1x1x4x80xi32, #tpu.memory_space<hbm>> -> memref<4x80xi32, #tpu.memory_space<hbm>>
        tpu.wait_dma2 semaphore(%arg20 : memref<!tpu.dma_semaphore, #tpu.memory_space<semaphore_mem>>) src(%dma_wait3A_261 : memref<4x80xi32, #tpu.memory_space<hbm>>) dst(%dma_wait3A_257 : memref<4x80xi32, #tpu.memory_space<vmem>>)
        %dma_wait3A_262 = arith.constant 0 : i32
        %dma_wait3A_263 = arith.constant 0 : i32
        %dma_wait3A_264 = arith.constant 0 : i32
        %dma_wait3A_265 = arith.constant 0 : i32
        %dma_wait3A_266 = arith.constant 0 : i32
        %dma_wait3A_267 = arith.constant 0 : i32
        %dma_wait3A_268 = tpu.memref_slice %arg7[%dma_wait3A_264, %dma_wait3A_265, %dma_wait3A_266, %dma_wait3A_267] : memref<4x2x4x80xi32, #tpu.memory_space<vmem>> -> memref<1x1x4x80xi32, #tpu.memory_space<vmem>>
        %dma_wait3A_269 = tpu.memref_squeeze %dma_wait3A_268 : memref<1x1x4x80xi32, #tpu.memory_space<vmem>> -> memref<4x80xi32, #tpu.memory_space<vmem>>
        %dma_wait3A_270 = arith.constant 0 : i32
        %dma_wait3A_271 = arith.constant 0 : i32
        %dma_wait3A_272 = tpu.memref_slice %arg3[%dma_wait3A_262, %dma_wait3A_263, %dma_wait3A_270, %dma_wait3A_271] : memref<2x32x125x80xi32, #tpu.memory_space<hbm>> -> memref<1x1x4x80xi32, #tpu.memory_space<hbm>>
        %dma_wait3A_273 = tpu.memref_squeeze %dma_wait3A_272 : memref<1x1x4x80xi32, #tpu.memory_space<hbm>> -> memref<4x80xi32, #tpu.memory_space<hbm>>
        %dma_wait3A_274 = arith.constant 0 : i32
        %dma_wait3A_275 = arith.constant 0 : i32
        %dma_wait3A_276 = tpu.memref_slice %arg7[%dma_wait3A_264, %dma_wait3A_265, %dma_wait3A_274, %dma_wait3A_275] : memref<4x2x4x80xi32, #tpu.memory_space<vmem>> -> memref<1x1x4x80xi32, #tpu.memory_space<vmem>>
        %dma_wait3A_277 = tpu.memref_squeeze %dma_wait3A_276 : memref<1x1x4x80xi32, #tpu.memory_space<vmem>> -> memref<4x80xi32, #tpu.memory_space<vmem>>
        %dma_wait3A_278 = arith.constant 0 : i32
        %dma_wait3A_279 = arith.constant 0 : i32
        %dma_wait3A_280 = tpu.memref_slice %arg3[%dma_wait3A_262, %dma_wait3A_263, %dma_wait3A_278, %dma_wait3A_279] : memref<2x32x125x80xi32, #tpu.memory_space<hbm>> -> memref<1x1x4x80xi32, #tpu.memory_space<hbm>>
        %dma_wait3A_281 = tpu.memref_squeeze %dma_wait3A_280 : memref<1x1x4x80xi32, #tpu.memory_space<hbm>> -> memref<4x80xi32, #tpu.memory_space<hbm>>
        tpu.wait_dma2 semaphore(%arg20 : memref<!tpu.dma_semaphore, #tpu.memory_space<semaphore_mem>>) src(%dma_wait3A_281 : memref<4x80xi32, #tpu.memory_space<hbm>>) dst(%dma_wait3A_277 : memref<4x80xi32, #tpu.memory_space<vmem>>)
      } else {
      }
      %ge3A_170 = arith.constant 1 : i32
      %ge3A_171 = arith.cmpi sge, %add3A_123, %ge3A_170 : i32
      %le3A_172 = arith.constant 28 : i32
      %le3A_173 = arith.cmpi sle, %add3A_123, %le3A_172 : i32
      %and3A_174 = arith.andi %ge3A_171, %le3A_173 : i1
      %convert_element_type3A_175 = arith.extui %and3A_174 : i1 to i32
      %cond3A_176 = arith.constant 0 : i32
      %cond3A_177 = arith.cmpi ne, %convert_element_type3A_175, %cond3A_176 : i32
      scf.if %cond3A_177 {
        %add3A_242 = arith.constant 3 : i32
        %add3A_243 = arith.addi %add3A_123, %add3A_242 : i32
        %rem3A_244 = arith.constant 4 : i32
        %rem3A_245 = arith.remsi %add3A_243, %rem3A_244 : i32
        %add3A_246 = arith.constant 3 : i32
        %add3A_247 = arith.addi %add3A_123, %add3A_246 : i32
        %mul3A_248 = arith.constant 4 : i32
        %mul3A_249 = arith.muli %add3A_247, %mul3A_248 : i32
        %dma_start3A_250 = arith.constant 0 : i32
        %dma_start3A_251 = arith.constant 0 : i32
        %dma_start3A_252 = arith.constant 0 : i32
        %dma_start3A_253 = arith.constant 0 : i32
        %dma_start3A_254 = tpu.memref_slice %arg7[%rem3A_245, %dma_start3A_251, %dma_start3A_252, %dma_start3A_253] : memref<4x2x4x80xi32, #tpu.memory_space<vmem>> -> memref<1x1x4x80xi32, #tpu.memory_space<vmem>>
        %dma_start3A_255 = tpu.memref_squeeze %dma_start3A_254 : memref<1x1x4x80xi32, #tpu.memory_space<vmem>> -> memref<4x80xi32, #tpu.memory_space<vmem>>
        %dma_start3A_256 = arith.constant 0 : i32
        %dma_start3A_257 = tpu.memref_slice %arg3[%dma_start3A_250, %add3A, %mul3A_249, %dma_start3A_256] : memref<2x32x125x80xi32, #tpu.memory_space<hbm>> -> memref<1x1x4x80xi32, #tpu.memory_space<hbm>>
        %dma_start3A_258 = tpu.memref_squeeze %dma_start3A_257 : memref<1x1x4x80xi32, #tpu.memory_space<hbm>> -> memref<4x80xi32, #tpu.memory_space<hbm>>
        %dma_start3A_259 = arith.constant 0 : i32
        %dma_start3A_260 = arith.constant 0 : i32
        %dma_start3A_261 = tpu.memref_slice %arg7[%rem3A_245, %dma_start3A_251, %dma_start3A_259, %dma_start3A_260] : memref<4x2x4x80xi32, #tpu.memory_space<vmem>> -> memref<1x1x4x80xi32, #tpu.memory_space<vmem>>
        %dma_start3A_262 = tpu.memref_squeeze %dma_start3A_261 : memref<1x1x4x80xi32, #tpu.memory_space<vmem>> -> memref<4x80xi32, #tpu.memory_space<vmem>>
        %dma_start3A_263 = arith.constant 0 : i32
        %dma_start3A_264 = tpu.memref_slice %arg3[%dma_start3A_250, %add3A, %mul3A_249, %dma_start3A_263] : memref<2x32x125x80xi32, #tpu.memory_space<hbm>> -> memref<1x1x4x80xi32, #tpu.memory_space<hbm>>
        %dma_start3A_265 = tpu.memref_squeeze %dma_start3A_264 : memref<1x1x4x80xi32, #tpu.memory_space<hbm>> -> memref<4x80xi32, #tpu.memory_space<hbm>>
        tpu.enqueue_dma source(%dma_start3A_265 : memref<4x80xi32, #tpu.memory_space<hbm>>) target(%dma_start3A_262 : memref<4x80xi32, #tpu.memory_space<vmem>>) target_semaphore(%arg20 : memref<!tpu.dma_semaphore, #tpu.memory_space<semaphore_mem>>)
        %add3A_266 = arith.constant 3 : i32
        %add3A_267 = arith.addi %add3A_123, %add3A_266 : i32
        %mul3A_268 = arith.constant 4 : i32
        %mul3A_269 = arith.muli %add3A_267, %mul3A_268 : i32
        %dma_start3A_270 = arith.constant 1 : i32
        %dma_start3A_271 = arith.constant 1 : i32
        %dma_start3A_272 = arith.constant 0 : i32
        %dma_start3A_273 = arith.constant 0 : i32
        %dma_start3A_274 = tpu.memref_slice %arg7[%rem3A_245, %dma_start3A_271, %dma_start3A_272, %dma_start3A_273] : memref<4x2x4x80xi32, #tpu.memory_space<vmem>> -> memref<1x1x4x80xi32, #tpu.memory_space<vmem>>
        %dma_start3A_275 = tpu.memref_squeeze %dma_start3A_274 : memref<1x1x4x80xi32, #tpu.memory_space<vmem>> -> memref<4x80xi32, #tpu.memory_space<vmem>>
        %dma_start3A_276 = arith.constant 0 : i32
        %dma_start3A_277 = tpu.memref_slice %arg3[%dma_start3A_270, %add3A, %mul3A_269, %dma_start3A_276] : memref<2x32x125x80xi32, #tpu.memory_space<hbm>> -> memref<1x1x4x80xi32, #tpu.memory_space<hbm>>
        %dma_start3A_278 = tpu.memref_squeeze %dma_start3A_277 : memref<1x1x4x80xi32, #tpu.memory_space<hbm>> -> memref<4x80xi32, #tpu.memory_space<hbm>>
        %dma_start3A_279 = arith.constant 0 : i32
        %dma_start3A_280 = arith.constant 0 : i32
        %dma_start3A_281 = tpu.memref_slice %arg7[%rem3A_245, %dma_start3A_271, %dma_start3A_279, %dma_start3A_280] : memref<4x2x4x80xi32, #tpu.memory_space<vmem>> -> memref<1x1x4x80xi32, #tpu.memory_space<vmem>>
        %dma_start3A_282 = tpu.memref_squeeze %dma_start3A_281 : memref<1x1x4x80xi32, #tpu.memory_space<vmem>> -> memref<4x80xi32, #tpu.memory_space<vmem>>
        %dma_start3A_283 = arith.constant 0 : i32
        %dma_start3A_284 = tpu.memref_slice %arg3[%dma_start3A_270, %add3A, %mul3A_269, %dma_start3A_283] : memref<2x32x125x80xi32, #tpu.memory_space<hbm>> -> memref<1x1x4x80xi32, #tpu.memory_space<hbm>>
        %dma_start3A_285 = tpu.memref_squeeze %dma_start3A_284 : memref<1x1x4x80xi32, #tpu.memory_space<hbm>> -> memref<4x80xi32, #tpu.memory_space<hbm>>
        tpu.enqueue_dma source(%dma_start3A_285 : memref<4x80xi32, #tpu.memory_space<hbm>>) target(%dma_start3A_282 : memref<4x80xi32, #tpu.memory_space<vmem>>) target_semaphore(%arg20 : memref<!tpu.dma_semaphore, #tpu.memory_space<semaphore_mem>>)
      } else {
      }
      %dma_wait3A_178 = arith.constant 0 : i32
      %dma_wait3A_179 = arith.constant 0 : i32
      %dma_wait3A_180 = tpu.memref_slice %arg2[%dma_wait3A_178, %dma_wait3A_179] : memref<10000x128xf32, #tpu.memory_space<hbm>> -> memref<80x128xf32, #tpu.memory_space<hbm>>
      %dma_wait3A_181 = arith.constant 0 : i32
      %dma_wait3A_182 = arith.constant 0 : i32
      %dma_wait3A_183 = tpu.memref_slice %arg2[%dma_wait3A_181, %dma_wait3A_182] : memref<10000x128xf32, #tpu.memory_space<hbm>> -> memref<80x128xf32, #tpu.memory_space<hbm>>
      tpu.wait_dma2 semaphore(%arg13 : memref<!tpu.dma_semaphore, #tpu.memory_space<semaphore_mem>>) src(%dma_wait3A_183 : memref<80x128xf32, #tpu.memory_space<hbm>>) dst(%arg9 : memref<80x128xf32, #tpu.memory_space<vmem>>)
      %dma_start3A_184 = arith.constant 1 : i32
      %dma_start3A_185 = arith.constant 1 : i32
      %dma_start3A_186 = arith.constant 0 : i32
      %dma_start3A_187 = tpu.memref_slice %arg7[%rem3A_124, %dma_start3A_184, %dma_start3A_185, %dma_start3A_186] : memref<4x2x4x80xi32, #tpu.memory_space<vmem>> -> memref<1x1x1x80xi32, #tpu.memory_space<vmem>>
      %dma_start3A_188 = tpu.memref_squeeze %dma_start3A_187 : memref<1x1x1x80xi32, #tpu.memory_space<vmem>> -> memref<80xi32, #tpu.memory_space<vmem>>
      %dma_start3A_189 = arith.constant 0 : i32
      %dma_start3A_190 = arith.constant 0 : i32
      %dma_start3A_191 = tpu.memref_slice %arg6[%dma_start3A_189, %dma_start3A_190] : memref<10000x128xf32, #tpu.memory_space<vmem_shared>> -> memref<10000x128xf32, #tpu.memory_space<vmem_shared>>
      tpu.enqueue_indirect_dma source(%arg9 : memref<80x128xf32, #tpu.memory_space<vmem>>) target(%dma_start3A_191 : memref<10000x128xf32, #tpu.memory_space<vmem_shared>>) offsets(%dma_start3A_188 : memref<80xi32, #tpu.memory_space<vmem>>) semaphore(%arg17 : memref<!tpu.dma_semaphore, #tpu.memory_space<semaphore_mem>>) {add = true}
      %mul3A_192 = arith.constant 4 : i32
      %mul3A_193 = arith.muli %add3A_123, %mul3A_192 : i32
      %add3A_194 = arith.constant 2 : i32
      %add3A_195 = arith.addi %mul3A_193, %add3A_194 : i32
      %add3A_196 = arith.constant 2 : i32
      %add3A_197 = arith.addi %add3A_195, %add3A_196 : i32
      %lt3A_198 = arith.constant 124 : i32
      %lt3A_199 = arith.cmpi slt, %add3A_197, %lt3A_198 : i32
      %convert_element_type3A_200 = arith.extui %lt3A_199 : i1 to i32
      %cond3A_201 = arith.constant 0 : i32
      %cond3A_202 = arith.cmpi ne, %convert_element_type3A_200, %cond3A_201 : i32
      scf.if %cond3A_202 {
        %ge3A_242 = arith.constant 4 : i32
        %ge3A_243 = arith.cmpi sge, %add3A_197, %ge3A_242 : i32
        %convert_element_type3A_244 = arith.extui %ge3A_243 : i1 to i32
        %cond3A_245 = arith.constant 0 : i32
        %cond3A_246 = arith.cmpi ne, %convert_element_type3A_244, %cond3A_245 : i32
        scf.if %cond3A_246 {
          %dma_wait3A_255 = arith.constant 0 : i32
          %dma_wait3A_256 = arith.constant 0 : i32
          %dma_wait3A_257 = tpu.memref_slice %arg2[%dma_wait3A_255, %dma_wait3A_256] : memref<10000x128xf32, #tpu.memory_space<hbm>> -> memref<80x128xf32, #tpu.memory_space<hbm>>
          %dma_wait3A_258 = arith.constant 0 : i32
          %dma_wait3A_259 = arith.constant 0 : i32
          %dma_wait3A_260 = tpu.memref_slice %arg2[%dma_wait3A_258, %dma_wait3A_259] : memref<10000x128xf32, #tpu.memory_space<hbm>> -> memref<80x128xf32, #tpu.memory_space<hbm>>
          tpu.wait_dma2 semaphore(%arg16 : memref<!tpu.dma_semaphore, #tpu.memory_space<semaphore_mem>>) src(%dma_wait3A_260 : memref<80x128xf32, #tpu.memory_space<hbm>>) dst(%arg8 : memref<80x128xf32, #tpu.memory_space<vmem>>)
        } else {
        }
        %dma_start3A_247 = arith.constant 0 : i32
        %dma_start3A_248 = arith.constant 0 : i32
        %dma_start3A_249 = arith.constant 0 : i32
        %dma_start3A_250 = tpu.memref_slice %arg7[%rem3A_128, %dma_start3A_247, %dma_start3A_248, %dma_start3A_249] : memref<4x2x4x80xi32, #tpu.memory_space<vmem>> -> memref<1x1x1x80xi32, #tpu.memory_space<vmem>>
        %dma_start3A_251 = tpu.memref_squeeze %dma_start3A_250 : memref<1x1x1x80xi32, #tpu.memory_space<vmem>> -> memref<80xi32, #tpu.memory_space<vmem>>
        %dma_start3A_252 = arith.constant 0 : i32
        %dma_start3A_253 = arith.constant 0 : i32
        %dma_start3A_254 = tpu.memref_slice %arg2[%dma_start3A_252, %dma_start3A_253] : memref<10000x128xf32, #tpu.memory_space<hbm>> -> memref<10000x128xf32, #tpu.memory_space<hbm>>
        tpu.enqueue_indirect_dma source(%dma_start3A_254 : memref<10000x128xf32, #tpu.memory_space<hbm>>) target(%arg8 : memref<80x128xf32, #tpu.memory_space<vmem>>) offsets(%dma_start3A_251 : memref<80xi32, #tpu.memory_space<vmem>>) semaphore(%arg12 : memref<!tpu.dma_semaphore, #tpu.memory_space<semaphore_mem>>)
      } else {
      }
      %dma_wait3A_203 = arith.constant 0 : i32
      %dma_wait3A_204 = arith.constant 0 : i32
      %dma_wait3A_205 = tpu.memref_slice %arg2[%dma_wait3A_203, %dma_wait3A_204] : memref<10000x128xf32, #tpu.memory_space<hbm>> -> memref<80x128xf32, #tpu.memory_space<hbm>>
      %dma_wait3A_206 = arith.constant 0 : i32
      %dma_wait3A_207 = arith.constant 0 : i32
      %dma_wait3A_208 = tpu.memref_slice %arg2[%dma_wait3A_206, %dma_wait3A_207] : memref<10000x128xf32, #tpu.memory_space<hbm>> -> memref<80x128xf32, #tpu.memory_space<hbm>>
      tpu.wait_dma2 semaphore(%arg14 : memref<!tpu.dma_semaphore, #tpu.memory_space<semaphore_mem>>) src(%dma_wait3A_208 : memref<80x128xf32, #tpu.memory_space<hbm>>) dst(%arg10 : memref<80x128xf32, #tpu.memory_space<vmem>>)
      %dma_start3A_209 = arith.constant 1 : i32
      %dma_start3A_210 = arith.constant 2 : i32
      %dma_start3A_211 = arith.constant 0 : i32
      %dma_start3A_212 = tpu.memref_slice %arg7[%rem3A_124, %dma_start3A_209, %dma_start3A_210, %dma_start3A_211] : memref<4x2x4x80xi32, #tpu.memory_space<vmem>> -> memref<1x1x1x80xi32, #tpu.memory_space<vmem>>
      %dma_start3A_213 = tpu.memref_squeeze %dma_start3A_212 : memref<1x1x1x80xi32, #tpu.memory_space<vmem>> -> memref<80xi32, #tpu.memory_space<vmem>>
      %dma_start3A_214 = arith.constant 0 : i32
      %dma_start3A_215 = arith.constant 0 : i32
      %dma_start3A_216 = tpu.memref_slice %arg6[%dma_start3A_214, %dma_start3A_215] : memref<10000x128xf32, #tpu.memory_space<vmem_shared>> -> memref<10000x128xf32, #tpu.memory_space<vmem_shared>>
      tpu.enqueue_indirect_dma source(%arg10 : memref<80x128xf32, #tpu.memory_space<vmem>>) target(%dma_start3A_216 : memref<10000x128xf32, #tpu.memory_space<vmem_shared>>) offsets(%dma_start3A_213 : memref<80xi32, #tpu.memory_space<vmem>>) semaphore(%arg18 : memref<!tpu.dma_semaphore, #tpu.memory_space<semaphore_mem>>) {add = true}
      %mul3A_217 = arith.constant 4 : i32
      %mul3A_218 = arith.muli %add3A_123, %mul3A_217 : i32
      %add3A_219 = arith.constant 3 : i32
      %add3A_220 = arith.addi %mul3A_218, %add3A_219 : i32
      %add3A_221 = arith.constant 2 : i32
      %add3A_222 = arith.addi %add3A_220, %add3A_221 : i32
      %lt3A_223 = arith.constant 124 : i32
      %lt3A_224 = arith.cmpi slt, %add3A_222, %lt3A_223 : i32
      %convert_element_type3A_225 = arith.extui %lt3A_224 : i1 to i32
      %cond3A_226 = arith.constant 0 : i32
      %cond3A_227 = arith.cmpi ne, %convert_element_type3A_225, %cond3A_226 : i32
      scf.if %cond3A_227 {
        %ge3A_242 = arith.constant 4 : i32
        %ge3A_243 = arith.cmpi sge, %add3A_222, %ge3A_242 : i32
        %convert_element_type3A_244 = arith.extui %ge3A_243 : i1 to i32
        %cond3A_245 = arith.constant 0 : i32
        %cond3A_246 = arith.cmpi ne, %convert_element_type3A_244, %cond3A_245 : i32
        scf.if %cond3A_246 {
          %dma_wait3A_255 = arith.constant 0 : i32
          %dma_wait3A_256 = arith.constant 0 : i32
          %dma_wait3A_257 = tpu.memref_slice %arg2[%dma_wait3A_255, %dma_wait3A_256] : memref<10000x128xf32, #tpu.memory_space<hbm>> -> memref<80x128xf32, #tpu.memory_space<hbm>>
          %dma_wait3A_258 = arith.constant 0 : i32
          %dma_wait3A_259 = arith.constant 0 : i32
          %dma_wait3A_260 = tpu.memref_slice %arg2[%dma_wait3A_258, %dma_wait3A_259] : memref<10000x128xf32, #tpu.memory_space<hbm>> -> memref<80x128xf32, #tpu.memory_space<hbm>>
          tpu.wait_dma2 semaphore(%arg17 : memref<!tpu.dma_semaphore, #tpu.memory_space<semaphore_mem>>) src(%dma_wait3A_260 : memref<80x128xf32, #tpu.memory_space<hbm>>) dst(%arg9 : memref<80x128xf32, #tpu.memory_space<vmem>>)
        } else {
        }
        %dma_start3A_247 = arith.constant 0 : i32
        %dma_start3A_248 = arith.constant 1 : i32
        %dma_start3A_249 = arith.constant 0 : i32
        %dma_start3A_250 = tpu.memref_slice %arg7[%rem3A_128, %dma_start3A_247, %dma_start3A_248, %dma_start3A_249] : memref<4x2x4x80xi32, #tpu.memory_space<vmem>> -> memref<1x1x1x80xi32, #tpu.memory_space<vmem>>
        %dma_start3A_251 = tpu.memref_squeeze %dma_start3A_250 : memref<1x1x1x80xi32, #tpu.memory_space<vmem>> -> memref<80xi32, #tpu.memory_space<vmem>>
        %dma_start3A_252 = arith.constant 0 : i32
        %dma_start3A_253 = arith.constant 0 : i32
        %dma_start3A_254 = tpu.memref_slice %arg2[%dma_start3A_252, %dma_start3A_253] : memref<10000x128xf32, #tpu.memory_space<hbm>> -> memref<10000x128xf32, #tpu.memory_space<hbm>>
        tpu.enqueue_indirect_dma source(%dma_start3A_254 : memref<10000x128xf32, #tpu.memory_space<hbm>>) target(%arg9 : memref<80x128xf32, #tpu.memory_space<vmem>>) offsets(%dma_start3A_251 : memref<80xi32, #tpu.memory_space<vmem>>) semaphore(%arg13 : memref<!tpu.dma_semaphore, #tpu.memory_space<semaphore_mem>>)
      } else {
      }
      %dma_wait3A_228 = arith.constant 0 : i32
      %dma_wait3A_229 = arith.constant 0 : i32
      %dma_wait3A_230 = tpu.memref_slice %arg2[%dma_wait3A_228, %dma_wait3A_229] : memref<10000x128xf32, #tpu.memory_space<hbm>> -> memref<80x128xf32, #tpu.memory_space<hbm>>
      %dma_wait3A_231 = arith.constant 0 : i32
      %dma_wait3A_232 = arith.constant 0 : i32
      %dma_wait3A_233 = tpu.memref_slice %arg2[%dma_wait3A_231, %dma_wait3A_232] : memref<10000x128xf32, #tpu.memory_space<hbm>> -> memref<80x128xf32, #tpu.memory_space<hbm>>
      tpu.wait_dma2 semaphore(%arg15 : memref<!tpu.dma_semaphore, #tpu.memory_space<semaphore_mem>>) src(%dma_wait3A_233 : memref<80x128xf32, #tpu.memory_space<hbm>>) dst(%arg11 : memref<80x128xf32, #tpu.memory_space<vmem>>)
      %dma_start3A_234 = arith.constant 1 : i32
      %dma_start3A_235 = arith.constant 3 : i32
      %dma_start3A_236 = arith.constant 0 : i32
      %dma_start3A_237 = tpu.memref_slice %arg7[%rem3A_124, %dma_start3A_234, %dma_start3A_235, %dma_start3A_236] : memref<4x2x4x80xi32, #tpu.memory_space<vmem>> -> memref<1x1x1x80xi32, #tpu.memory_space<vmem>>
      %dma_start3A_238 = tpu.memref_squeeze %dma_start3A_237 : memref<1x1x1x80xi32, #tpu.memory_space<vmem>> -> memref<80xi32, #tpu.memory_space<vmem>>
      %dma_start3A_239 = arith.constant 0 : i32
      %dma_start3A_240 = arith.constant 0 : i32
      %dma_start3A_241 = tpu.memref_slice %arg6[%dma_start3A_239, %dma_start3A_240] : memref<10000x128xf32, #tpu.memory_space<vmem_shared>> -> memref<10000x128xf32, #tpu.memory_space<vmem_shared>>
      tpu.enqueue_indirect_dma source(%arg11 : memref<80x128xf32, #tpu.memory_space<vmem>>) target(%dma_start3A_241 : memref<10000x128xf32, #tpu.memory_space<vmem_shared>>) offsets(%dma_start3A_238 : memref<80xi32, #tpu.memory_space<vmem>>) semaphore(%arg19 : memref<!tpu.dma_semaphore, #tpu.memory_space<semaphore_mem>>) {add = true}
    }
    %scan3A_58 = arith.constant 31 : i32
    %dma_wait3A = arith.constant 0 : i32
    %dma_wait3A_59 = arith.constant 0 : i32
    %dma_wait3A_60 = tpu.memref_slice %arg2[%dma_wait3A, %dma_wait3A_59] : memref<10000x128xf32, #tpu.memory_space<hbm>> -> memref<80x128xf32, #tpu.memory_space<hbm>>
    %dma_wait3A_61 = arith.constant 0 : i32
    %dma_wait3A_62 = arith.constant 0 : i32
    %dma_wait3A_63 = tpu.memref_slice %arg2[%dma_wait3A_61, %dma_wait3A_62] : memref<10000x128xf32, #tpu.memory_space<hbm>> -> memref<80x128xf32, #tpu.memory_space<hbm>>
    tpu.wait_dma2 semaphore(%arg16 : memref<!tpu.dma_semaphore, #tpu.memory_space<semaphore_mem>>) src(%dma_wait3A_63 : memref<80x128xf32, #tpu.memory_space<hbm>>) dst(%arg8 : memref<80x128xf32, #tpu.memory_space<vmem>>)
    %dma_start3A_64 = arith.constant 3 : i32
    %dma_start3A_65 = arith.constant 0 : i32
    %dma_start3A_66 = arith.constant 0 : i32
    %dma_start3A_67 = arith.constant 0 : i32
    %dma_start3A_68 = tpu.memref_slice %arg7[%dma_start3A_64, %dma_start3A_65, %dma_start3A_66, %dma_start3A_67] : memref<4x2x4x80xi32, #tpu.memory_space<vmem>> -> memref<1x1x1x80xi32, #tpu.memory_space<vmem>>
    %dma_start3A_69 = tpu.memref_squeeze %dma_start3A_68 : memref<1x1x1x80xi32, #tpu.memory_space<vmem>> -> memref<80xi32, #tpu.memory_space<vmem>>
    %dma_start3A_70 = arith.constant 0 : i32
    %dma_start3A_71 = arith.constant 0 : i32
    %dma_start3A_72 = tpu.memref_slice %arg2[%dma_start3A_70, %dma_start3A_71] : memref<10000x128xf32, #tpu.memory_space<hbm>> -> memref<10000x128xf32, #tpu.memory_space<hbm>>
    tpu.enqueue_indirect_dma source(%dma_start3A_72 : memref<10000x128xf32, #tpu.memory_space<hbm>>) target(%arg8 : memref<80x128xf32, #tpu.memory_space<vmem>>) offsets(%dma_start3A_69 : memref<80xi32, #tpu.memory_space<vmem>>) semaphore(%arg12 : memref<!tpu.dma_semaphore, #tpu.memory_space<semaphore_mem>>)
    %dma_wait3A_73 = arith.constant 0 : i32
    %dma_wait3A_74 = arith.constant 0 : i32
    %dma_wait3A_75 = tpu.memref_slice %arg2[%dma_wait3A_73, %dma_wait3A_74] : memref<10000x128xf32, #tpu.memory_space<hbm>> -> memref<80x128xf32, #tpu.memory_space<hbm>>
    %dma_wait3A_76 = arith.constant 0 : i32
    %dma_wait3A_77 = arith.constant 0 : i32
    %dma_wait3A_78 = tpu.memref_slice %arg2[%dma_wait3A_76, %dma_wait3A_77] : memref<10000x128xf32, #tpu.memory_space<hbm>> -> memref<80x128xf32, #tpu.memory_space<hbm>>
    tpu.wait_dma2 semaphore(%arg12 : memref<!tpu.dma_semaphore, #tpu.memory_space<semaphore_mem>>) src(%dma_wait3A_78 : memref<80x128xf32, #tpu.memory_space<hbm>>) dst(%arg8 : memref<80x128xf32, #tpu.memory_space<vmem>>)
    %dma_start3A_79 = arith.constant 3 : i32
    %dma_start3A_80 = arith.constant 1 : i32
    %dma_start3A_81 = arith.constant 0 : i32
    %dma_start3A_82 = arith.constant 0 : i32
    %dma_start3A_83 = tpu.memref_slice %arg7[%dma_start3A_79, %dma_start3A_80, %dma_start3A_81, %dma_start3A_82] : memref<4x2x4x80xi32, #tpu.memory_space<vmem>> -> memref<1x1x1x80xi32, #tpu.memory_space<vmem>>
    %dma_start3A_84 = tpu.memref_squeeze %dma_start3A_83 : memref<1x1x1x80xi32, #tpu.memory_space<vmem>> -> memref<80xi32, #tpu.memory_space<vmem>>
    %dma_start3A_85 = arith.constant 0 : i32
    %dma_start3A_86 = arith.constant 0 : i32
    %dma_start3A_87 = tpu.memref_slice %arg6[%dma_start3A_85, %dma_start3A_86] : memref<10000x128xf32, #tpu.memory_space<vmem_shared>> -> memref<10000x128xf32, #tpu.memory_space<vmem_shared>>
    tpu.enqueue_indirect_dma source(%arg8 : memref<80x128xf32, #tpu.memory_space<vmem>>) target(%dma_start3A_87 : memref<10000x128xf32, #tpu.memory_space<vmem_shared>>) offsets(%dma_start3A_84 : memref<80xi32, #tpu.memory_space<vmem>>) semaphore(%arg16 : memref<!tpu.dma_semaphore, #tpu.memory_space<semaphore_mem>>) {add = true}
    %dma_wait3A_88 = arith.constant 0 : i32
    %dma_wait3A_89 = arith.constant 0 : i32
    %dma_wait3A_90 = tpu.memref_slice %arg2[%dma_wait3A_88, %dma_wait3A_89] : memref<10000x128xf32, #tpu.memory_space<hbm>> -> memref<80x128xf32, #tpu.memory_space<hbm>>
    %dma_wait3A_91 = arith.constant 0 : i32
    %dma_wait3A_92 = arith.constant 0 : i32
    %dma_wait3A_93 = tpu.memref_slice %arg2[%dma_wait3A_91, %dma_wait3A_92] : memref<10000x128xf32, #tpu.memory_space<hbm>> -> memref<80x128xf32, #tpu.memory_space<hbm>>
    tpu.wait_dma2 semaphore(%arg17 : memref<!tpu.dma_semaphore, #tpu.memory_space<semaphore_mem>>) src(%dma_wait3A_93 : memref<80x128xf32, #tpu.memory_space<hbm>>) dst(%arg9 : memref<80x128xf32, #tpu.memory_space<vmem>>)
    %dma_wait3A_94 = arith.constant 0 : i32
    %dma_wait3A_95 = arith.constant 0 : i32
    %dma_wait3A_96 = tpu.memref_slice %arg2[%dma_wait3A_94, %dma_wait3A_95] : memref<10000x128xf32, #tpu.memory_space<hbm>> -> memref<80x128xf32, #tpu.memory_space<hbm>>
    %dma_wait3A_97 = arith.constant 0 : i32
    %dma_wait3A_98 = arith.constant 0 : i32
    %dma_wait3A_99 = tpu.memref_slice %arg2[%dma_wait3A_97, %dma_wait3A_98] : memref<10000x128xf32, #tpu.memory_space<hbm>> -> memref<80x128xf32, #tpu.memory_space<hbm>>
    tpu.wait_dma2 semaphore(%arg18 : memref<!tpu.dma_semaphore, #tpu.memory_space<semaphore_mem>>) src(%dma_wait3A_99 : memref<80x128xf32, #tpu.memory_space<hbm>>) dst(%arg10 : memref<80x128xf32, #tpu.memory_space<vmem>>)
    %dma_wait3A_100 = arith.constant 0 : i32
    %dma_wait3A_101 = arith.constant 0 : i32
    %dma_wait3A_102 = tpu.memref_slice %arg2[%dma_wait3A_100, %dma_wait3A_101] : memref<10000x128xf32, #tpu.memory_space<hbm>> -> memref<80x128xf32, #tpu.memory_space<hbm>>
    %dma_wait3A_103 = arith.constant 0 : i32
    %dma_wait3A_104 = arith.constant 0 : i32
    %dma_wait3A_105 = tpu.memref_slice %arg2[%dma_wait3A_103, %dma_wait3A_104] : memref<10000x128xf32, #tpu.memory_space<hbm>> -> memref<80x128xf32, #tpu.memory_space<hbm>>
    tpu.wait_dma2 semaphore(%arg19 : memref<!tpu.dma_semaphore, #tpu.memory_space<semaphore_mem>>) src(%dma_wait3A_105 : memref<80x128xf32, #tpu.memory_space<hbm>>) dst(%arg11 : memref<80x128xf32, #tpu.memory_space<vmem>>)
    %dma_wait3A_106 = arith.constant 0 : i32
    %dma_wait3A_107 = arith.constant 0 : i32
    %dma_wait3A_108 = tpu.memref_slice %arg2[%dma_wait3A_106, %dma_wait3A_107] : memref<10000x128xf32, #tpu.memory_space<hbm>> -> memref<80x128xf32, #tpu.memory_space<hbm>>
    %dma_wait3A_109 = arith.constant 0 : i32
    %dma_wait3A_110 = arith.constant 0 : i32
    %dma_wait3A_111 = tpu.memref_slice %arg2[%dma_wait3A_109, %dma_wait3A_110] : memref<10000x128xf32, #tpu.memory_space<hbm>> -> memref<80x128xf32, #tpu.memory_space<hbm>>
    tpu.wait_dma2 semaphore(%arg16 : memref<!tpu.dma_semaphore, #tpu.memory_space<semaphore_mem>>) src(%dma_wait3A_111 : memref<80x128xf32, #tpu.memory_space<hbm>>) dst(%arg8 : memref<80x128xf32, #tpu.memory_space<vmem>>)
    %barrier3A_112 = arith.constant 0 : index
    tpu.barrier barrier_id(%barrier3A_112)
    %lt3A = arith.constant 15 : i32
    %lt3A_113 = arith.cmpi slt, %arg1, %lt3A : i32
    %convert_element_type3A = arith.extui %lt3A_113 : i1 to i32
    %cond3A = arith.constant 0 : i32
    %cond3A_114 = arith.cmpi ne, %convert_element_type3A, %cond3A : i32
    scf.if %cond3A_114 {
      %mul3A_119 = arith.constant 632 : i32
      %mul3A_120 = arith.muli %arg1, %mul3A_119 : i32
      %add3A_121 = arith.constant 0 : i32
      %add3A_122 = arith.addi %add3A_121, %mul3A_120 : i32
      %eq3A_123 = arith.constant 0 : i32
      %eq3A_124 = arith.cmpi eq, %arg0, %eq3A_123 : i32
      %convert_element_type3A_125 = arith.extui %eq3A_124 : i1 to i32
      %cond3A_126 = arith.constant 0 : i32
      %cond3A_127 = arith.cmpi ne, %convert_element_type3A_125, %cond3A_126 : i32
      scf.if %cond3A_127 {
        "tpu.region"() ({
          %run_scoped3A_133 = tpu.sem_alloc : memref<!tpu.dma_semaphore, #tpu.memory_space<semaphore_mem>>
          %dma_start3A_134 = arith.constant 0 : i32
          %dma_start3A_135 = tpu.memref_slice %arg4[%add3A_122, %dma_start3A_134] : memref<10000x128xf32, #tpu.memory_space<hbm>> -> memref<632x128xf32, #tpu.memory_space<hbm>>
          %dma_start3A_136 = arith.constant 0 : i32
          %dma_start3A_137 = tpu.memref_slice %arg6[%add3A_122, %dma_start3A_136] : memref<10000x128xf32, #tpu.memory_space<vmem_shared>> -> memref<632x128xf32, #tpu.memory_space<vmem_shared>>
          tpu.enqueue_dma source(%dma_start3A_137 : memref<632x128xf32, #tpu.memory_space<vmem_shared>>) target(%dma_start3A_135 : memref<632x128xf32, #tpu.memory_space<hbm>>) target_semaphore(%run_scoped3A_133 : memref<!tpu.dma_semaphore, #tpu.memory_space<semaphore_mem>>)
          %dma_wait3A_138 = arith.constant 0 : i32
          %dma_wait3A_139 = tpu.memref_slice %arg4[%add3A_122, %dma_wait3A_138] : memref<10000x128xf32, #tpu.memory_space<hbm>> -> memref<632x128xf32, #tpu.memory_space<hbm>>
          %dma_wait3A_140 = arith.constant 0 : i32
          %dma_wait3A_141 = tpu.memref_slice %arg6[%add3A_122, %dma_wait3A_140] : memref<10000x128xf32, #tpu.memory_space<vmem_shared>> -> memref<632x128xf32, #tpu.memory_space<vmem_shared>>
          tpu.wait_dma2 semaphore(%run_scoped3A_133 : memref<!tpu.dma_semaphore, #tpu.memory_space<semaphore_mem>>) src(%dma_wait3A_141 : memref<632x128xf32, #tpu.memory_space<vmem_shared>>) dst(%dma_wait3A_139 : memref<632x128xf32, #tpu.memory_space<hbm>>)
          tpu.yield
        }) : () -> ()
      } else {
      }
      %eq3A_128 = arith.constant 1 : i32
      %eq3A_129 = arith.cmpi eq, %arg0, %eq3A_128 : i32
      %convert_element_type3A_130 = arith.extui %eq3A_129 : i1 to i32
      %cond3A_131 = arith.constant 0 : i32
      %cond3A_132 = arith.cmpi ne, %convert_element_type3A_130, %cond3A_131 : i32
      scf.if %cond3A_132 {
        "tpu.region"() ({
          %run_scoped3A_133 = tpu.sem_alloc : memref<!tpu.dma_semaphore, #tpu.memory_space<semaphore_mem>>
          %dma_start3A_134 = arith.constant 0 : i32
          %dma_start3A_135 = tpu.memref_slice %arg5[%add3A_122, %dma_start3A_134] : memref<10000x128xf32, #tpu.memory_space<hbm>> -> memref<632x128xf32, #tpu.memory_space<hbm>>
          %dma_start3A_136 = arith.constant 0 : i32
          %dma_start3A_137 = tpu.memref_slice %arg6[%add3A_122, %dma_start3A_136] : memref<10000x128xf32, #tpu.memory_space<vmem_shared>> -> memref<632x128xf32, #tpu.memory_space<vmem_shared>>
          tpu.enqueue_dma source(%dma_start3A_137 : memref<632x128xf32, #tpu.memory_space<vmem_shared>>) target(%dma_start3A_135 : memref<632x128xf32, #tpu.memory_space<hbm>>) target_semaphore(%run_scoped3A_133 : memref<!tpu.dma_semaphore, #tpu.memory_space<semaphore_mem>>)
          %dma_wait3A_138 = arith.constant 0 : i32
          %dma_wait3A_139 = tpu.memref_slice %arg5[%add3A_122, %dma_wait3A_138] : memref<10000x128xf32, #tpu.memory_space<hbm>> -> memref<632x128xf32, #tpu.memory_space<hbm>>
          %dma_wait3A_140 = arith.constant 0 : i32
          %dma_wait3A_141 = tpu.memref_slice %arg6[%add3A_122, %dma_wait3A_140] : memref<10000x128xf32, #tpu.memory_space<vmem_shared>> -> memref<632x128xf32, #tpu.memory_space<vmem_shared>>
          tpu.wait_dma2 semaphore(%run_scoped3A_133 : memref<!tpu.dma_semaphore, #tpu.memory_space<semaphore_mem>>) src(%dma_wait3A_141 : memref<632x128xf32, #tpu.memory_space<vmem_shared>>) dst(%dma_wait3A_139 : memref<632x128xf32, #tpu.memory_space<hbm>>)
          tpu.yield
        }) : () -> ()
      } else {
      }
    } else {
    }
    %eq3A = arith.constant 15 : i32
    %eq3A_115 = arith.cmpi eq, %arg1, %eq3A : i32
    %convert_element_type3A_116 = arith.extui %eq3A_115 : i1 to i32
    %cond3A_117 = arith.constant 0 : i32
    %cond3A_118 = arith.cmpi ne, %convert_element_type3A_116, %cond3A_117 : i32
    scf.if %cond3A_118 {
      %eq3A_119 = arith.constant 0 : i32
      %eq3A_120 = arith.cmpi eq, %arg0, %eq3A_119 : i32
      %convert_element_type3A_121 = arith.extui %eq3A_120 : i1 to i32
      %cond3A_122 = arith.constant 0 : i32
      %cond3A_123 = arith.cmpi ne, %convert_element_type3A_121, %cond3A_122 : i32
      scf.if %cond3A_123 {
        "tpu.region"() ({
          %run_scoped3A_129 = tpu.sem_alloc : memref<!tpu.dma_semaphore, #tpu.memory_space<semaphore_mem>>
          %dma_start3A_130 = arith.constant 9480 : i32
          %dma_start3A_131 = arith.constant 0 : i32
          %dma_start3A_132 = tpu.memref_slice %arg4[%dma_start3A_130, %dma_start3A_131] : memref<10000x128xf32, #tpu.memory_space<hbm>> -> memref<520x128xf32, #tpu.memory_space<hbm>>
          %dma_start3A_133 = arith.constant 9480 : i32
          %dma_start3A_134 = arith.constant 0 : i32
          %dma_start3A_135 = tpu.memref_slice %arg6[%dma_start3A_133, %dma_start3A_134] : memref<10000x128xf32, #tpu.memory_space<vmem_shared>> -> memref<520x128xf32, #tpu.memory_space<vmem_shared>>
          tpu.enqueue_dma source(%dma_start3A_135 : memref<520x128xf32, #tpu.memory_space<vmem_shared>>) target(%dma_start3A_132 : memref<520x128xf32, #tpu.memory_space<hbm>>) target_semaphore(%run_scoped3A_129 : memref<!tpu.dma_semaphore, #tpu.memory_space<semaphore_mem>>)
          %dma_wait3A_136 = arith.constant 9480 : i32
          %dma_wait3A_137 = arith.constant 0 : i32
          %dma_wait3A_138 = tpu.memref_slice %arg4[%dma_wait3A_136, %dma_wait3A_137] : memref<10000x128xf32, #tpu.memory_space<hbm>> -> memref<520x128xf32, #tpu.memory_space<hbm>>
          %dma_wait3A_139 = arith.constant 9480 : i32
          %dma_wait3A_140 = arith.constant 0 : i32
          %dma_wait3A_141 = tpu.memref_slice %arg6[%dma_wait3A_139, %dma_wait3A_140] : memref<10000x128xf32, #tpu.memory_space<vmem_shared>> -> memref<520x128xf32, #tpu.memory_space<vmem_shared>>
          tpu.wait_dma2 semaphore(%run_scoped3A_129 : memref<!tpu.dma_semaphore, #tpu.memory_space<semaphore_mem>>) src(%dma_wait3A_141 : memref<520x128xf32, #tpu.memory_space<vmem_shared>>) dst(%dma_wait3A_138 : memref<520x128xf32, #tpu.memory_space<hbm>>)
          tpu.yield
        }) : () -> ()
      } else {
      }
      %eq3A_124 = arith.constant 1 : i32
      %eq3A_125 = arith.cmpi eq, %arg0, %eq3A_124 : i32
      %convert_element_type3A_126 = arith.extui %eq3A_125 : i1 to i32
      %cond3A_127 = arith.constant 0 : i32
      %cond3A_128 = arith.cmpi ne, %convert_element_type3A_126, %cond3A_127 : i32
      scf.if %cond3A_128 {
        "tpu.region"() ({
          %run_scoped3A_129 = tpu.sem_alloc : memref<!tpu.dma_semaphore, #tpu.memory_space<semaphore_mem>>
          %dma_start3A_130 = arith.constant 9480 : i32
          %dma_start3A_131 = arith.constant 0 : i32
          %dma_start3A_132 = tpu.memref_slice %arg5[%dma_start3A_130, %dma_start3A_131] : memref<10000x128xf32, #tpu.memory_space<hbm>> -> memref<520x128xf32, #tpu.memory_space<hbm>>
          %dma_start3A_133 = arith.constant 9480 : i32
          %dma_start3A_134 = arith.constant 0 : i32
          %dma_start3A_135 = tpu.memref_slice %arg6[%dma_start3A_133, %dma_start3A_134] : memref<10000x128xf32, #tpu.memory_space<vmem_shared>> -> memref<520x128xf32, #tpu.memory_space<vmem_shared>>
          tpu.enqueue_dma source(%dma_start3A_135 : memref<520x128xf32, #tpu.memory_space<vmem_shared>>) target(%dma_start3A_132 : memref<520x128xf32, #tpu.memory_space<hbm>>) target_semaphore(%run_scoped3A_129 : memref<!tpu.dma_semaphore, #tpu.memory_space<semaphore_mem>>)
          %dma_wait3A_136 = arith.constant 9480 : i32
          %dma_wait3A_137 = arith.constant 0 : i32
          %dma_wait3A_138 = tpu.memref_slice %arg5[%dma_wait3A_136, %dma_wait3A_137] : memref<10000x128xf32, #tpu.memory_space<hbm>> -> memref<520x128xf32, #tpu.memory_space<hbm>>
          %dma_wait3A_139 = arith.constant 9480 : i32
          %dma_wait3A_140 = arith.constant 0 : i32
          %dma_wait3A_141 = tpu.memref_slice %arg6[%dma_wait3A_139, %dma_wait3A_140] : memref<10000x128xf32, #tpu.memory_space<vmem_shared>> -> memref<520x128xf32, #tpu.memory_space<vmem_shared>>
          tpu.wait_dma2 semaphore(%run_scoped3A_129 : memref<!tpu.dma_semaphore, #tpu.memory_space<semaphore_mem>>) src(%dma_wait3A_141 : memref<520x128xf32, #tpu.memory_space<vmem_shared>>) dst(%dma_wait3A_138 : memref<520x128xf32, #tpu.memory_space<hbm>>)
          tpu.yield
        }) : () -> ()
      } else {
      }
    } else {
    }
    return
  }
}

#map = affine_map<(d0, d1) -> (0, 0)>
#map1 = affine_map<(d0, d1) -> (0, 0, 0, 0)>
module attributes {stable_mosaic.version = 14 : i64} {
  func.func @_sc_agg_body(%arg0: i32, %arg1: i32, %arg2: memref<10000x128xf32, #tpu.memory_space<hbm>>, %arg3: memref<2x32x125x80xi32, #tpu.memory_space<hbm>>, %arg4: memref<10000x128xf32, #tpu.memory_space<hbm>>, %arg5: memref<10000x128xf32, #tpu.memory_space<hbm>>, %arg6: memref<10000x128xf32, #tpu.memory_space<vmem_shared>>, %arg7: memref<4x2x4x80xi32, #tpu.memory_space<vmem>>, %arg8: memref<80x128xf32, #tpu.memory_space<vmem>>, %arg9: memref<80x128xf32, #tpu.memory_space<vmem>>, %arg10: memref<80x128xf32, #tpu.memory_space<vmem>>, %arg11: memref<80x128xf32, #tpu.memory_space<vmem>>, %arg12: memref<!tpu.dma_semaphore, #tpu.memory_space<semaphore_mem>>, %arg13: memref<!tpu.dma_semaphore, #tpu.memory_space<semaphore_mem>>, %arg14: memref<!tpu.dma_semaphore, #tpu.memory_space<semaphore_mem>>, %arg15: memref<!tpu.dma_semaphore, #tpu.memory_space<semaphore_mem>>, %arg16: memref<!tpu.dma_semaphore, #tpu.memory_space<semaphore_mem>>, %arg17: memref<!tpu.dma_semaphore, #tpu.memory_space<semaphore_mem>>, %arg18: memref<!tpu.dma_semaphore, #tpu.memory_space<semaphore_mem>>, %arg19: memref<!tpu.dma_semaphore, #tpu.memory_space<semaphore_mem>>, %arg20: memref<!tpu.dma_semaphore, #tpu.memory_space<semaphore_mem>>) attributes {dimension_semantics = [#tpu.dimension_semantics<core_parallel>, #tpu.dimension_semantics<subcore_parallel>], iteration_bounds = array<i64: 2, 16>, scalar_prefetch = 0 : i64, scratch_operands = 15 : i64, tpu.core_type = #tpu.core_type<sc_vector_subcore>, window_params = [{transform_indices = #map}, {transform_indices = #map1}, {transform_indices = #map}, {transform_indices = #map}]} {
    %mul3A = arith.constant 2 : i32
    %mul3A_0 = arith.muli %arg1, %mul3A : i32
    %add3A = arith.addi %mul3A_0, %arg0 : i32
    %scan3A = arith.constant 0 : i32
    %scan3A_1 = arith.constant 80 : i32
    %scan3A_2 = arith.addi %scan3A, %scan3A_1 : i32
    %scan3A_3 = arith.constant 1 : i32
    scf.for %scan3A_119 = %scan3A to %scan3A_2 step %scan3A_3  : i32 {
      %mul3A_120 = arith.constant 1 : i32
      %mul3A_121 = arith.muli %scan3A_119, %mul3A_120 : i32
      %add3A_122 = arith.constant 0 : i32
      %add3A_123 = arith.addi %add3A_122, %mul3A_121 : i32
      %scan3A_124 = arith.constant 0 : i32
      %scan3A_125 = arith.constant 8 : i32
      %scan3A_126 = arith.addi %scan3A_124, %scan3A_125 : i32
      %scan3A_127 = arith.constant 1 : i32
      scf.for %scan3A_129 = %scan3A_124 to %scan3A_126 step %scan3A_127  : i32 {
        %mul3A_130 = arith.constant 1 : i32
        %mul3A_131 = arith.muli %scan3A_129, %mul3A_130 : i32
        %add3A_132 = arith.constant 0 : i32
        %add3A_133 = arith.addi %add3A_132, %mul3A_131 : i32
        %broadcast_in_dim3A = arith.constant 0.000000e+00 : f32
        %broadcast_in_dim3A_134 = vector.broadcast %broadcast_in_dim3A : f32 to vector<16xf32>
        %mul3A_135 = arith.constant 16 : i32
        %mul3A_136 = arith.muli %add3A_133, %mul3A_135 : i32
        %swap3A = arith.index_cast %add3A_123 : i32 to index
        %swap3A_137 = arith.index_cast %mul3A_136 : i32 to index
        %swap3A_138 = tpu.vector_load %arg8[%swap3A, %swap3A_137] {strides = array<i32>} : memref<80x128xf32, #tpu.memory_space<vmem>>, vector<1x16xf32>,
        %swap3A_139 = vector.shape_cast %swap3A_138 : vector<1x16xf32> to vector<16xf32>
        %swap3A_140 = vector.shape_cast %broadcast_in_dim3A_134 : vector<16xf32> to vector<1x16xf32>
        tpu.vector_store %arg8[%swap3A, %swap3A_137], %swap3A_140 {strides = array<i32>} : memref<80x128xf32, #tpu.memory_space<vmem>>, vector<1x16xf32>,
      }
      %scan3A_128 = arith.constant 8 : i32
    }
    %scan3A_4 = arith.constant 80 : i32
    %scan3A_5 = arith.constant 0 : i32
    %scan3A_6 = arith.constant 7 : i32
    %scan3A_7 = arith.addi %scan3A_5, %scan3A_6 : i32
    %scan3A_8 = arith.constant 1 : i32
    scf.for %scan3A_119 = %scan3A_5 to %scan3A_7 step %scan3A_8  : i32 {
      %mul3A_120 = arith.constant 1 : i32
      %mul3A_121 = arith.muli %scan3A_119, %mul3A_120 : i32
      %add3A_122 = arith.constant 0 : i32
      %add3A_123 = arith.addi %add3A_122, %mul3A_121 : i32
      %mul3A_124 = arith.constant 625 : i32
      %mul3A_125 = arith.muli %arg1, %mul3A_124 : i32
      %mul3A_126 = arith.constant 80 : i32
      %mul3A_127 = arith.muli %add3A_123, %mul3A_126 : i32
      %add3A_128 = arith.addi %mul3A_125, %mul3A_127 : i32
      "tpu.region"() ({
        %run_scoped3A_129 = tpu.sem_alloc : memref<!tpu.dma_semaphore, #tpu.memory_space<semaphore_mem>>
        %dma_start3A_130 = arith.constant 0 : i32
        %dma_start3A_131 = tpu.memref_slice %arg6[%add3A_128, %dma_start3A_130] : memref<10000x128xf32, #tpu.memory_space<vmem_shared>> -> memref<80x128xf32, #tpu.memory_space<vmem_shared>>
        %dma_start3A_132 = arith.constant 0 : i32
        %dma_start3A_133 = tpu.memref_slice %arg6[%add3A_128, %dma_start3A_132] : memref<10000x128xf32, #tpu.memory_space<vmem_shared>> -> memref<80x128xf32, #tpu.memory_space<vmem_shared>>
        tpu.enqueue_dma source(%arg8 : memref<80x128xf32, #tpu.memory_space<vmem>>) target(%dma_start3A_133 : memref<80x128xf32, #tpu.memory_space<vmem_shared>>) target_semaphore(%run_scoped3A_129 : memref<!tpu.dma_semaphore, #tpu.memory_space<semaphore_mem>>)
        %dma_wait3A_134 = arith.constant 0 : i32
        %dma_wait3A_135 = tpu.memref_slice %arg6[%add3A_128, %dma_wait3A_134] : memref<10000x128xf32, #tpu.memory_space<vmem_shared>> -> memref<80x128xf32, #tpu.memory_space<vmem_shared>>
        %dma_wait3A_136 = arith.constant 0 : i32
        %dma_wait3A_137 = tpu.memref_slice %arg6[%add3A_128, %dma_wait3A_136] : memref<10000x128xf32, #tpu.memory_space<vmem_shared>> -> memref<80x128xf32, #tpu.memory_space<vmem_shared>>
        tpu.wait_dma2 semaphore(%run_scoped3A_129 : memref<!tpu.dma_semaphore, #tpu.memory_space<semaphore_mem>>) src(%arg8 : memref<80x128xf32, #tpu.memory_space<vmem>>) dst(%dma_wait3A_137 : memref<80x128xf32, #tpu.memory_space<vmem_shared>>)
        tpu.yield
      }) : () -> ()
    }
    %scan3A_9 = arith.constant 7 : i32
    %mul3A_10 = arith.constant 625 : i32
    %mul3A_11 = arith.muli %arg1, %mul3A_10 : i32
    %add3A_12 = arith.constant 560 : i32
    %add3A_13 = arith.addi %mul3A_11, %add3A_12 : i32
    "tpu.region"() ({
      %run_scoped3A_119 = tpu.sem_alloc : memref<!tpu.dma_semaphore, #tpu.memory_space<semaphore_mem>>
      %dma_start3A_120 = arith.constant 0 : i32
      %dma_start3A_121 = arith.constant 0 : i32
      %dma_start3A_122 = tpu.memref_slice %arg8[%dma_start3A_120, %dma_start3A_121] : memref<80x128xf32, #tpu.memory_space<vmem>> -> memref<65x128xf32, #tpu.memory_space<vmem>>
      %dma_start3A_123 = arith.constant 0 : i32
      %dma_start3A_124 = tpu.memref_slice %arg6[%add3A_13, %dma_start3A_123] : memref<10000x128xf32, #tpu.memory_space<vmem_shared>> -> memref<65x128xf32, #tpu.memory_space<vmem_shared>>
      %dma_start3A_125 = arith.constant 0 : i32
      %dma_start3A_126 = tpu.memref_slice %arg6[%add3A_13, %dma_start3A_125] : memref<10000x128xf32, #tpu.memory_space<vmem_shared>> -> memref<65x128xf32, #tpu.memory_space<vmem_shared>>
      %dma_start3A_127 = arith.constant 0 : i32
      %dma_start3A_128 = arith.constant 0 : i32
      %dma_start3A_129 = tpu.memref_slice %arg8[%dma_start3A_127, %dma_start3A_128] : memref<80x128xf32, #tpu.memory_space<vmem>> -> memref<65x128xf32, #tpu.memory_space<vmem>>
      tpu.enqueue_dma source(%dma_start3A_129 : memref<65x128xf32, #tpu.memory_space<vmem>>) target(%dma_start3A_126 : memref<65x128xf32, #tpu.memory_space<vmem_shared>>) target_semaphore(%run_scoped3A_119 : memref<!tpu.dma_semaphore, #tpu.memory_space<semaphore_mem>>)
      %dma_wait3A_130 = arith.constant 0 : i32
      %dma_wait3A_131 = arith.constant 0 : i32
      %dma_wait3A_132 = tpu.memref_slice %arg8[%dma_wait3A_130, %dma_wait3A_131] : memref<80x128xf32, #tpu.memory_space<vmem>> -> memref<65x128xf32, #tpu.memory_space<vmem>>
      %dma_wait3A_133 = arith.constant 0 : i32
      %dma_wait3A_134 = tpu.memref_slice %arg6[%add3A_13, %dma_wait3A_133] : memref<10000x128xf32, #tpu.memory_space<vmem_shared>> -> memref<65x128xf32, #tpu.memory_space<vmem_shared>>
      %dma_wait3A_135 = arith.constant 0 : i32
      %dma_wait3A_136 = tpu.memref_slice %arg6[%add3A_13, %dma_wait3A_135] : memref<10000x128xf32, #tpu.memory_space<vmem_shared>> -> memref<65x128xf32, #tpu.memory_space<vmem_shared>>
      %dma_wait3A_137 = arith.constant 0 : i32
      %dma_wait3A_138 = arith.constant 0 : i32
      %dma_wait3A_139 = tpu.memref_slice %arg8[%dma_wait3A_137, %dma_wait3A_138] : memref<80x128xf32, #tpu.memory_space<vmem>> -> memref<65x128xf32, #tpu.memory_space<vmem>>
      tpu.wait_dma2 semaphore(%run_scoped3A_119 : memref<!tpu.dma_semaphore, #tpu.memory_space<semaphore_mem>>) src(%dma_wait3A_139 : memref<65x128xf32, #tpu.memory_space<vmem>>) dst(%dma_wait3A_136 : memref<65x128xf32, #tpu.memory_space<vmem_shared>>)
      tpu.yield
    }) : () -> ()
    %run_scoped3A = arith.constant 0 : i32
    %run_scoped3A_14 = arith.constant 0 : i32
    %run_scoped3A_15 = arith.constant 0 : i32
    "tpu.region"() ({
      %run_scoped3A_119 = tpu.sem_alloc : memref<!tpu.dma_semaphore, #tpu.memory_space<semaphore_mem>>
      %dma_start3A_120 = arith.constant 0 : i32
      %dma_start3A_121 = arith.constant 0 : i32
      %dma_start3A_122 = tpu.memref_slice %arg7[%run_scoped3A_14, %run_scoped3A_15, %dma_start3A_120, %dma_start3A_121] : memref<4x2x4x80xi32, #tpu.memory_space<vmem>> -> memref<1x1x4x80xi32, #tpu.memory_space<vmem>>
      %dma_start3A_123 = tpu.memref_squeeze %dma_start3A_122 : memref<1x1x4x80xi32, #tpu.memory_space<vmem>> -> memref<4x80xi32, #tpu.memory_space<vmem>>
      %dma_start3A_124 = arith.constant 0 : i32
      %dma_start3A_125 = arith.constant 0 : i32
      %dma_start3A_126 = tpu.memref_slice %arg3[%run_scoped3A, %add3A, %dma_start3A_124, %dma_start3A_125] : memref<2x32x125x80xi32, #tpu.memory_space<hbm>> -> memref<1x1x4x80xi32, #tpu.memory_space<hbm>>
      %dma_start3A_127 = tpu.memref_squeeze %dma_start3A_126 : memref<1x1x4x80xi32, #tpu.memory_space<hbm>> -> memref<4x80xi32, #tpu.memory_space<hbm>>
      %dma_start3A_128 = arith.constant 0 : i32
      %dma_start3A_129 = arith.constant 0 : i32
      %dma_start3A_130 = tpu.memref_slice %arg7[%run_scoped3A_14, %run_scoped3A_15, %dma_start3A_128, %dma_start3A_129] : memref<4x2x4x80xi32, #tpu.memory_space<vmem>> -> memref<1x1x4x80xi32, #tpu.memory_space<vmem>>
      %dma_start3A_131 = tpu.memref_squeeze %dma_start3A_130 : memref<1x1x4x80xi32, #tpu.memory_space<vmem>> -> memref<4x80xi32, #tpu.memory_space<vmem>>
      %dma_start3A_132 = arith.constant 0 : i32
      %dma_start3A_133 = arith.constant 0 : i32
      %dma_start3A_134 = tpu.memref_slice %arg3[%run_scoped3A, %add3A, %dma_start3A_132, %dma_start3A_133] : memref<2x32x125x80xi32, #tpu.memory_space<hbm>> -> memref<1x1x4x80xi32, #tpu.memory_space<hbm>>
      %dma_start3A_135 = tpu.memref_squeeze %dma_start3A_134 : memref<1x1x4x80xi32, #tpu.memory_space<hbm>> -> memref<4x80xi32, #tpu.memory_space<hbm>>
      tpu.enqueue_dma source(%dma_start3A_135 : memref<4x80xi32, #tpu.memory_space<hbm>>) target(%dma_start3A_131 : memref<4x80xi32, #tpu.memory_space<vmem>>) target_semaphore(%run_scoped3A_119 : memref<!tpu.dma_semaphore, #tpu.memory_space<semaphore_mem>>)
      %dma_wait3A_136 = arith.constant 0 : i32
      %dma_wait3A_137 = arith.constant 0 : i32
      %dma_wait3A_138 = tpu.memref_slice %arg7[%run_scoped3A_14, %run_scoped3A_15, %dma_wait3A_136, %dma_wait3A_137] : memref<4x2x4x80xi32, #tpu.memory_space<vmem>> -> memref<1x1x4x80xi32, #tpu.memory_space<vmem>>
      %dma_wait3A_139 = tpu.memref_squeeze %dma_wait3A_138 : memref<1x1x4x80xi32, #tpu.memory_space<vmem>> -> memref<4x80xi32, #tpu.memory_space<vmem>>
      %dma_wait3A_140 = arith.constant 0 : i32
      %dma_wait3A_141 = arith.constant 0 : i32
      %dma_wait3A_142 = tpu.memref_slice %arg3[%run_scoped3A, %add3A, %dma_wait3A_140, %dma_wait3A_141] : memref<2x32x125x80xi32, #tpu.memory_space<hbm>> -> memref<1x1x4x80xi32, #tpu.memory_space<hbm>>
      %dma_wait3A_143 = tpu.memref_squeeze %dma_wait3A_142 : memref<1x1x4x80xi32, #tpu.memory_space<hbm>> -> memref<4x80xi32, #tpu.memory_space<hbm>>
      %dma_wait3A_144 = arith.constant 0 : i32
      %dma_wait3A_145 = arith.constant 0 : i32
      %dma_wait3A_146 = tpu.memref_slice %arg7[%run_scoped3A_14, %run_scoped3A_15, %dma_wait3A_144, %dma_wait3A_145] : memref<4x2x4x80xi32, #tpu.memory_space<vmem>> -> memref<1x1x4x80xi32, #tpu.memory_space<vmem>>
      %dma_wait3A_147 = tpu.memref_squeeze %dma_wait3A_146 : memref<1x1x4x80xi32, #tpu.memory_space<vmem>> -> memref<4x80xi32, #tpu.memory_space<vmem>>
      %dma_wait3A_148 = arith.constant 0 : i32
      %dma_wait3A_149 = arith.constant 0 : i32
      %dma_wait3A_150 = tpu.memref_slice %arg3[%run_scoped3A, %add3A, %dma_wait3A_148, %dma_wait3A_149] : memref<2x32x125x80xi32, #tpu.memory_space<hbm>> -> memref<1x1x4x80xi32, #tpu.memory_space<hbm>>
      %dma_wait3A_151 = tpu.memref_squeeze %dma_wait3A_150 : memref<1x1x4x80xi32, #tpu.memory_space<hbm>> -> memref<4x80xi32, #tpu.memory_space<hbm>>
      tpu.wait_dma2 semaphore(%run_scoped3A_119 : memref<!tpu.dma_semaphore, #tpu.memory_space<semaphore_mem>>) src(%dma_wait3A_151 : memref<4x80xi32, #tpu.memory_space<hbm>>) dst(%dma_wait3A_147 : memref<4x80xi32, #tpu.memory_space<vmem>>)
      tpu.yield
    }) : () -> ()
    %run_scoped3A_16 = arith.constant 1 : i32
    %run_scoped3A_17 = arith.constant 0 : i32
    %run_scoped3A_18 = arith.constant 1 : i32
    "tpu.region"() ({
      %run_scoped3A_119 = tpu.sem_alloc : memref<!tpu.dma_semaphore, #tpu.memory_space<semaphore_mem>>
      %dma_start3A_120 = arith.constant 0 : i32
      %dma_start3A_121 = arith.constant 0 : i32
      %dma_start3A_122 = tpu.memref_slice %arg7[%run_scoped3A_17, %run_scoped3A_18, %dma_start3A_120, %dma_start3A_121] : memref<4x2x4x80xi32, #tpu.memory_space<vmem>> -> memref<1x1x4x80xi32, #tpu.memory_space<vmem>>
      %dma_start3A_123 = tpu.memref_squeeze %dma_start3A_122 : memref<1x1x4x80xi32, #tpu.memory_space<vmem>> -> memref<4x80xi32, #tpu.memory_space<vmem>>
      %dma_start3A_124 = arith.constant 0 : i32
      %dma_start3A_125 = arith.constant 0 : i32
      %dma_start3A_126 = tpu.memref_slice %arg3[%run_scoped3A_16, %add3A, %dma_start3A_124, %dma_start3A_125] : memref<2x32x125x80xi32, #tpu.memory_space<hbm>> -> memref<1x1x4x80xi32, #tpu.memory_space<hbm>>
      %dma_start3A_127 = tpu.memref_squeeze %dma_start3A_126 : memref<1x1x4x80xi32, #tpu.memory_space<hbm>> -> memref<4x80xi32, #tpu.memory_space<hbm>>
      %dma_start3A_128 = arith.constant 0 : i32
      %dma_start3A_129 = arith.constant 0 : i32
      %dma_start3A_130 = tpu.memref_slice %arg7[%run_scoped3A_17, %run_scoped3A_18, %dma_start3A_128, %dma_start3A_129] : memref<4x2x4x80xi32, #tpu.memory_space<vmem>> -> memref<1x1x4x80xi32, #tpu.memory_space<vmem>>
      %dma_start3A_131 = tpu.memref_squeeze %dma_start3A_130 : memref<1x1x4x80xi32, #tpu.memory_space<vmem>> -> memref<4x80xi32, #tpu.memory_space<vmem>>
      %dma_start3A_132 = arith.constant 0 : i32
      %dma_start3A_133 = arith.constant 0 : i32
      %dma_start3A_134 = tpu.memref_slice %arg3[%run_scoped3A_16, %add3A, %dma_start3A_132, %dma_start3A_133] : memref<2x32x125x80xi32, #tpu.memory_space<hbm>> -> memref<1x1x4x80xi32, #tpu.memory_space<hbm>>
      %dma_start3A_135 = tpu.memref_squeeze %dma_start3A_134 : memref<1x1x4x80xi32, #tpu.memory_space<hbm>> -> memref<4x80xi32, #tpu.memory_space<hbm>>
      tpu.enqueue_dma source(%dma_start3A_135 : memref<4x80xi32, #tpu.memory_space<hbm>>) target(%dma_start3A_131 : memref<4x80xi32, #tpu.memory_space<vmem>>) target_semaphore(%run_scoped3A_119 : memref<!tpu.dma_semaphore, #tpu.memory_space<semaphore_mem>>)
      %dma_wait3A_136 = arith.constant 0 : i32
      %dma_wait3A_137 = arith.constant 0 : i32
      %dma_wait3A_138 = tpu.memref_slice %arg7[%run_scoped3A_17, %run_scoped3A_18, %dma_wait3A_136, %dma_wait3A_137] : memref<4x2x4x80xi32, #tpu.memory_space<vmem>> -> memref<1x1x4x80xi32, #tpu.memory_space<vmem>>
      %dma_wait3A_139 = tpu.memref_squeeze %dma_wait3A_138 : memref<1x1x4x80xi32, #tpu.memory_space<vmem>> -> memref<4x80xi32, #tpu.memory_space<vmem>>
      %dma_wait3A_140 = arith.constant 0 : i32
      %dma_wait3A_141 = arith.constant 0 : i32
      %dma_wait3A_142 = tpu.memref_slice %arg3[%run_scoped3A_16, %add3A, %dma_wait3A_140, %dma_wait3A_141] : memref<2x32x125x80xi32, #tpu.memory_space<hbm>> -> memref<1x1x4x80xi32, #tpu.memory_space<hbm>>
      %dma_wait3A_143 = tpu.memref_squeeze %dma_wait3A_142 : memref<1x1x4x80xi32, #tpu.memory_space<hbm>> -> memref<4x80xi32, #tpu.memory_space<hbm>>
      %dma_wait3A_144 = arith.constant 0 : i32
      %dma_wait3A_145 = arith.constant 0 : i32
      %dma_wait3A_146 = tpu.memref_slice %arg7[%run_scoped3A_17, %run_scoped3A_18, %dma_wait3A_144, %dma_wait3A_145] : memref<4x2x4x80xi32, #tpu.memory_space<vmem>> -> memref<1x1x4x80xi32, #tpu.memory_space<vmem>>
      %dma_wait3A_147 = tpu.memref_squeeze %dma_wait3A_146 : memref<1x1x4x80xi32, #tpu.memory_space<vmem>> -> memref<4x80xi32, #tpu.memory_space<vmem>>
      %dma_wait3A_148 = arith.constant 0 : i32
      %dma_wait3A_149 = arith.constant 0 : i32
      %dma_wait3A_150 = tpu.memref_slice %arg3[%run_scoped3A_16, %add3A, %dma_wait3A_148, %dma_wait3A_149] : memref<2x32x125x80xi32, #tpu.memory_space<hbm>> -> memref<1x1x4x80xi32, #tpu.memory_space<hbm>>
      %dma_wait3A_151 = tpu.memref_squeeze %dma_wait3A_150 : memref<1x1x4x80xi32, #tpu.memory_space<hbm>> -> memref<4x80xi32, #tpu.memory_space<hbm>>
      tpu.wait_dma2 semaphore(%run_scoped3A_119 : memref<!tpu.dma_semaphore, #tpu.memory_space<semaphore_mem>>) src(%dma_wait3A_151 : memref<4x80xi32, #tpu.memory_space<hbm>>) dst(%dma_wait3A_147 : memref<4x80xi32, #tpu.memory_space<vmem>>)
      tpu.yield
    }) : () -> ()
    %run_scoped3A_19 = arith.constant 0 : i32
    %run_scoped3A_20 = arith.constant 1 : i32
    %run_scoped3A_21 = arith.constant 0 : i32
    "tpu.region"() ({
      %run_scoped3A_119 = tpu.sem_alloc : memref<!tpu.dma_semaphore, #tpu.memory_space<semaphore_mem>>
      %dma_start3A_120 = arith.constant 0 : i32
      %dma_start3A_121 = arith.constant 0 : i32
      %dma_start3A_122 = tpu.memref_slice %arg7[%run_scoped3A_20, %run_scoped3A_21, %dma_start3A_120, %dma_start3A_121] : memref<4x2x4x80xi32, #tpu.memory_space<vmem>> -> memref<1x1x4x80xi32, #tpu.memory_space<vmem>>
      %dma_start3A_123 = tpu.memref_squeeze %dma_start3A_122 : memref<1x1x4x80xi32, #tpu.memory_space<vmem>> -> memref<4x80xi32, #tpu.memory_space<vmem>>
      %dma_start3A_124 = arith.constant 4 : i32
      %dma_start3A_125 = arith.constant 0 : i32
      %dma_start3A_126 = tpu.memref_slice %arg3[%run_scoped3A_19, %add3A, %dma_start3A_124, %dma_start3A_125] : memref<2x32x125x80xi32, #tpu.memory_space<hbm>> -> memref<1x1x4x80xi32, #tpu.memory_space<hbm>>
      %dma_start3A_127 = tpu.memref_squeeze %dma_start3A_126 : memref<1x1x4x80xi32, #tpu.memory_space<hbm>> -> memref<4x80xi32, #tpu.memory_space<hbm>>
      %dma_start3A_128 = arith.constant 0 : i32
      %dma_start3A_129 = arith.constant 0 : i32
      %dma_start3A_130 = tpu.memref_slice %arg7[%run_scoped3A_20, %run_scoped3A_21, %dma_start3A_128, %dma_start3A_129] : memref<4x2x4x80xi32, #tpu.memory_space<vmem>> -> memref<1x1x4x80xi32, #tpu.memory_space<vmem>>
      %dma_start3A_131 = tpu.memref_squeeze %dma_start3A_130 : memref<1x1x4x80xi32, #tpu.memory_space<vmem>> -> memref<4x80xi32, #tpu.memory_space<vmem>>
      %dma_start3A_132 = arith.constant 4 : i32
      %dma_start3A_133 = arith.constant 0 : i32
      %dma_start3A_134 = tpu.memref_slice %arg3[%run_scoped3A_19, %add3A, %dma_start3A_132, %dma_start3A_133] : memref<2x32x125x80xi32, #tpu.memory_space<hbm>> -> memref<1x1x4x80xi32, #tpu.memory_space<hbm>>
      %dma_start3A_135 = tpu.memref_squeeze %dma_start3A_134 : memref<1x1x4x80xi32, #tpu.memory_space<hbm>> -> memref<4x80xi32, #tpu.memory_space<hbm>>
      tpu.enqueue_dma source(%dma_start3A_135 : memref<4x80xi32, #tpu.memory_space<hbm>>) target(%dma_start3A_131 : memref<4x80xi32, #tpu.memory_space<vmem>>) target_semaphore(%run_scoped3A_119 : memref<!tpu.dma_semaphore, #tpu.memory_space<semaphore_mem>>)
      %dma_wait3A_136 = arith.constant 0 : i32
      %dma_wait3A_137 = arith.constant 0 : i32
      %dma_wait3A_138 = tpu.memref_slice %arg7[%run_scoped3A_20, %run_scoped3A_21, %dma_wait3A_136, %dma_wait3A_137] : memref<4x2x4x80xi32, #tpu.memory_space<vmem>> -> memref<1x1x4x80xi32, #tpu.memory_space<vmem>>
      %dma_wait3A_139 = tpu.memref_squeeze %dma_wait3A_138 : memref<1x1x4x80xi32, #tpu.memory_space<vmem>> -> memref<4x80xi32, #tpu.memory_space<vmem>>
      %dma_wait3A_140 = arith.constant 4 : i32
      %dma_wait3A_141 = arith.constant 0 : i32
      %dma_wait3A_142 = tpu.memref_slice %arg3[%run_scoped3A_19, %add3A, %dma_wait3A_140, %dma_wait3A_141] : memref<2x32x125x80xi32, #tpu.memory_space<hbm>> -> memref<1x1x4x80xi32, #tpu.memory_space<hbm>>
      %dma_wait3A_143 = tpu.memref_squeeze %dma_wait3A_142 : memref<1x1x4x80xi32, #tpu.memory_space<hbm>> -> memref<4x80xi32, #tpu.memory_space<hbm>>
      %dma_wait3A_144 = arith.constant 0 : i32
      %dma_wait3A_145 = arith.constant 0 : i32
      %dma_wait3A_146 = tpu.memref_slice %arg7[%run_scoped3A_20, %run_scoped3A_21, %dma_wait3A_144, %dma_wait3A_145] : memref<4x2x4x80xi32, #tpu.memory_space<vmem>> -> memref<1x1x4x80xi32, #tpu.memory_space<vmem>>
      %dma_wait3A_147 = tpu.memref_squeeze %dma_wait3A_146 : memref<1x1x4x80xi32, #tpu.memory_space<vmem>> -> memref<4x80xi32, #tpu.memory_space<vmem>>
      %dma_wait3A_148 = arith.constant 4 : i32
      %dma_wait3A_149 = arith.constant 0 : i32
      %dma_wait3A_150 = tpu.memref_slice %arg3[%run_scoped3A_19, %add3A, %dma_wait3A_148, %dma_wait3A_149] : memref<2x32x125x80xi32, #tpu.memory_space<hbm>> -> memref<1x1x4x80xi32, #tpu.memory_space<hbm>>
      %dma_wait3A_151 = tpu.memref_squeeze %dma_wait3A_150 : memref<1x1x4x80xi32, #tpu.memory_space<hbm>> -> memref<4x80xi32, #tpu.memory_space<hbm>>
      tpu.wait_dma2 semaphore(%run_scoped3A_119 : memref<!tpu.dma_semaphore, #tpu.memory_space<semaphore_mem>>) src(%dma_wait3A_151 : memref<4x80xi32, #tpu.memory_space<hbm>>) dst(%dma_wait3A_147 : memref<4x80xi32, #tpu.memory_space<vmem>>)
      tpu.yield
    }) : () -> ()
    %run_scoped3A_22 = arith.constant 1 : i32
    %run_scoped3A_23 = arith.constant 1 : i32
    %run_scoped3A_24 = arith.constant 1 : i32
    "tpu.region"() ({
      %run_scoped3A_119 = tpu.sem_alloc : memref<!tpu.dma_semaphore, #tpu.memory_space<semaphore_mem>>
      %dma_start3A_120 = arith.constant 0 : i32
      %dma_start3A_121 = arith.constant 0 : i32
      %dma_start3A_122 = tpu.memref_slice %arg7[%run_scoped3A_23, %run_scoped3A_24, %dma_start3A_120, %dma_start3A_121] : memref<4x2x4x80xi32, #tpu.memory_space<vmem>> -> memref<1x1x4x80xi32, #tpu.memory_space<vmem>>
      %dma_start3A_123 = tpu.memref_squeeze %dma_start3A_122 : memref<1x1x4x80xi32, #tpu.memory_space<vmem>> -> memref<4x80xi32, #tpu.memory_space<vmem>>
      %dma_start3A_124 = arith.constant 4 : i32
      %dma_start3A_125 = arith.constant 0 : i32
      %dma_start3A_126 = tpu.memref_slice %arg3[%run_scoped3A_22, %add3A, %dma_start3A_124, %dma_start3A_125] : memref<2x32x125x80xi32, #tpu.memory_space<hbm>> -> memref<1x1x4x80xi32, #tpu.memory_space<hbm>>
      %dma_start3A_127 = tpu.memref_squeeze %dma_start3A_126 : memref<1x1x4x80xi32, #tpu.memory_space<hbm>> -> memref<4x80xi32, #tpu.memory_space<hbm>>
      %dma_start3A_128 = arith.constant 0 : i32
      %dma_start3A_129 = arith.constant 0 : i32
      %dma_start3A_130 = tpu.memref_slice %arg7[%run_scoped3A_23, %run_scoped3A_24, %dma_start3A_128, %dma_start3A_129] : memref<4x2x4x80xi32, #tpu.memory_space<vmem>> -> memref<1x1x4x80xi32, #tpu.memory_space<vmem>>
      %dma_start3A_131 = tpu.memref_squeeze %dma_start3A_130 : memref<1x1x4x80xi32, #tpu.memory_space<vmem>> -> memref<4x80xi32, #tpu.memory_space<vmem>>
      %dma_start3A_132 = arith.constant 4 : i32
      %dma_start3A_133 = arith.constant 0 : i32
      %dma_start3A_134 = tpu.memref_slice %arg3[%run_scoped3A_22, %add3A, %dma_start3A_132, %dma_start3A_133] : memref<2x32x125x80xi32, #tpu.memory_space<hbm>> -> memref<1x1x4x80xi32, #tpu.memory_space<hbm>>
      %dma_start3A_135 = tpu.memref_squeeze %dma_start3A_134 : memref<1x1x4x80xi32, #tpu.memory_space<hbm>> -> memref<4x80xi32, #tpu.memory_space<hbm>>
      tpu.enqueue_dma source(%dma_start3A_135 : memref<4x80xi32, #tpu.memory_space<hbm>>) target(%dma_start3A_131 : memref<4x80xi32, #tpu.memory_space<vmem>>) target_semaphore(%run_scoped3A_119 : memref<!tpu.dma_semaphore, #tpu.memory_space<semaphore_mem>>)
      %dma_wait3A_136 = arith.constant 0 : i32
      %dma_wait3A_137 = arith.constant 0 : i32
      %dma_wait3A_138 = tpu.memref_slice %arg7[%run_scoped3A_23, %run_scoped3A_24, %dma_wait3A_136, %dma_wait3A_137] : memref<4x2x4x80xi32, #tpu.memory_space<vmem>> -> memref<1x1x4x80xi32, #tpu.memory_space<vmem>>
      %dma_wait3A_139 = tpu.memref_squeeze %dma_wait3A_138 : memref<1x1x4x80xi32, #tpu.memory_space<vmem>> -> memref<4x80xi32, #tpu.memory_space<vmem>>
      %dma_wait3A_140 = arith.constant 4 : i32
      %dma_wait3A_141 = arith.constant 0 : i32
      %dma_wait3A_142 = tpu.memref_slice %arg3[%run_scoped3A_22, %add3A, %dma_wait3A_140, %dma_wait3A_141] : memref<2x32x125x80xi32, #tpu.memory_space<hbm>> -> memref<1x1x4x80xi32, #tpu.memory_space<hbm>>
      %dma_wait3A_143 = tpu.memref_squeeze %dma_wait3A_142 : memref<1x1x4x80xi32, #tpu.memory_space<hbm>> -> memref<4x80xi32, #tpu.memory_space<hbm>>
      %dma_wait3A_144 = arith.constant 0 : i32
      %dma_wait3A_145 = arith.constant 0 : i32
      %dma_wait3A_146 = tpu.memref_slice %arg7[%run_scoped3A_23, %run_scoped3A_24, %dma_wait3A_144, %dma_wait3A_145] : memref<4x2x4x80xi32, #tpu.memory_space<vmem>> -> memref<1x1x4x80xi32, #tpu.memory_space<vmem>>
      %dma_wait3A_147 = tpu.memref_squeeze %dma_wait3A_146 : memref<1x1x4x80xi32, #tpu.memory_space<vmem>> -> memref<4x80xi32, #tpu.memory_space<vmem>>
      %dma_wait3A_148 = arith.constant 4 : i32
      %dma_wait3A_149 = arith.constant 0 : i32
      %dma_wait3A_150 = tpu.memref_slice %arg3[%run_scoped3A_22, %add3A, %dma_wait3A_148, %dma_wait3A_149] : memref<2x32x125x80xi32, #tpu.memory_space<hbm>> -> memref<1x1x4x80xi32, #tpu.memory_space<hbm>>
      %dma_wait3A_151 = tpu.memref_squeeze %dma_wait3A_150 : memref<1x1x4x80xi32, #tpu.memory_space<hbm>> -> memref<4x80xi32, #tpu.memory_space<hbm>>
      tpu.wait_dma2 semaphore(%run_scoped3A_119 : memref<!tpu.dma_semaphore, #tpu.memory_space<semaphore_mem>>) src(%dma_wait3A_151 : memref<4x80xi32, #tpu.memory_space<hbm>>) dst(%dma_wait3A_147 : memref<4x80xi32, #tpu.memory_space<vmem>>)
      tpu.yield
    }) : () -> ()
    %run_scoped3A_25 = arith.constant 0 : i32
    %run_scoped3A_26 = arith.constant 2 : i32
    %run_scoped3A_27 = arith.constant 0 : i32
    "tpu.region"() ({
      %run_scoped3A_119 = tpu.sem_alloc : memref<!tpu.dma_semaphore, #tpu.memory_space<semaphore_mem>>
      %dma_start3A_120 = arith.constant 0 : i32
      %dma_start3A_121 = arith.constant 0 : i32
      %dma_start3A_122 = tpu.memref_slice %arg7[%run_scoped3A_26, %run_scoped3A_27, %dma_start3A_120, %dma_start3A_121] : memref<4x2x4x80xi32, #tpu.memory_space<vmem>> -> memref<1x1x4x80xi32, #tpu.memory_space<vmem>>
      %dma_start3A_123 = tpu.memref_squeeze %dma_start3A_122 : memref<1x1x4x80xi32, #tpu.memory_space<vmem>> -> memref<4x80xi32, #tpu.memory_space<vmem>>
      %dma_start3A_124 = arith.constant 8 : i32
      %dma_start3A_125 = arith.constant 0 : i32
      %dma_start3A_126 = tpu.memref_slice %arg3[%run_scoped3A_25, %add3A, %dma_start3A_124, %dma_start3A_125] : memref<2x32x125x80xi32, #tpu.memory_space<hbm>> -> memref<1x1x4x80xi32, #tpu.memory_space<hbm>>
      %dma_start3A_127 = tpu.memref_squeeze %dma_start3A_126 : memref<1x1x4x80xi32, #tpu.memory_space<hbm>> -> memref<4x80xi32, #tpu.memory_space<hbm>>
      %dma_start3A_128 = arith.constant 0 : i32
      %dma_start3A_129 = arith.constant 0 : i32
      %dma_start3A_130 = tpu.memref_slice %arg7[%run_scoped3A_26, %run_scoped3A_27, %dma_start3A_128, %dma_start3A_129] : memref<4x2x4x80xi32, #tpu.memory_space<vmem>> -> memref<1x1x4x80xi32, #tpu.memory_space<vmem>>
      %dma_start3A_131 = tpu.memref_squeeze %dma_start3A_130 : memref<1x1x4x80xi32, #tpu.memory_space<vmem>> -> memref<4x80xi32, #tpu.memory_space<vmem>>
      %dma_start3A_132 = arith.constant 8 : i32
      %dma_start3A_133 = arith.constant 0 : i32
      %dma_start3A_134 = tpu.memref_slice %arg3[%run_scoped3A_25, %add3A, %dma_start3A_132, %dma_start3A_133] : memref<2x32x125x80xi32, #tpu.memory_space<hbm>> -> memref<1x1x4x80xi32, #tpu.memory_space<hbm>>
      %dma_start3A_135 = tpu.memref_squeeze %dma_start3A_134 : memref<1x1x4x80xi32, #tpu.memory_space<hbm>> -> memref<4x80xi32, #tpu.memory_space<hbm>>
      tpu.enqueue_dma source(%dma_start3A_135 : memref<4x80xi32, #tpu.memory_space<hbm>>) target(%dma_start3A_131 : memref<4x80xi32, #tpu.memory_space<vmem>>) target_semaphore(%run_scoped3A_119 : memref<!tpu.dma_semaphore, #tpu.memory_space<semaphore_mem>>)
      %dma_wait3A_136 = arith.constant 0 : i32
      %dma_wait3A_137 = arith.constant 0 : i32
      %dma_wait3A_138 = tpu.memref_slice %arg7[%run_scoped3A_26, %run_scoped3A_27, %dma_wait3A_136, %dma_wait3A_137] : memref<4x2x4x80xi32, #tpu.memory_space<vmem>> -> memref<1x1x4x80xi32, #tpu.memory_space<vmem>>
      %dma_wait3A_139 = tpu.memref_squeeze %dma_wait3A_138 : memref<1x1x4x80xi32, #tpu.memory_space<vmem>> -> memref<4x80xi32, #tpu.memory_space<vmem>>
      %dma_wait3A_140 = arith.constant 8 : i32
      %dma_wait3A_141 = arith.constant 0 : i32
      %dma_wait3A_142 = tpu.memref_slice %arg3[%run_scoped3A_25, %add3A, %dma_wait3A_140, %dma_wait3A_141] : memref<2x32x125x80xi32, #tpu.memory_space<hbm>> -> memref<1x1x4x80xi32, #tpu.memory_space<hbm>>
      %dma_wait3A_143 = tpu.memref_squeeze %dma_wait3A_142 : memref<1x1x4x80xi32, #tpu.memory_space<hbm>> -> memref<4x80xi32, #tpu.memory_space<hbm>>
      %dma_wait3A_144 = arith.constant 0 : i32
      %dma_wait3A_145 = arith.constant 0 : i32
      %dma_wait3A_146 = tpu.memref_slice %arg7[%run_scoped3A_26, %run_scoped3A_27, %dma_wait3A_144, %dma_wait3A_145] : memref<4x2x4x80xi32, #tpu.memory_space<vmem>> -> memref<1x1x4x80xi32, #tpu.memory_space<vmem>>
      %dma_wait3A_147 = tpu.memref_squeeze %dma_wait3A_146 : memref<1x1x4x80xi32, #tpu.memory_space<vmem>> -> memref<4x80xi32, #tpu.memory_space<vmem>>
      %dma_wait3A_148 = arith.constant 8 : i32
      %dma_wait3A_149 = arith.constant 0 : i32
      %dma_wait3A_150 = tpu.memref_slice %arg3[%run_scoped3A_25, %add3A, %dma_wait3A_148, %dma_wait3A_149] : memref<2x32x125x80xi32, #tpu.memory_space<hbm>> -> memref<1x1x4x80xi32, #tpu.memory_space<hbm>>
      %dma_wait3A_151 = tpu.memref_squeeze %dma_wait3A_150 : memref<1x1x4x80xi32, #tpu.memory_space<hbm>> -> memref<4x80xi32, #tpu.memory_space<hbm>>
      tpu.wait_dma2 semaphore(%run_scoped3A_119 : memref<!tpu.dma_semaphore, #tpu.memory_space<semaphore_mem>>) src(%dma_wait3A_151 : memref<4x80xi32, #tpu.memory_space<hbm>>) dst(%dma_wait3A_147 : memref<4x80xi32, #tpu.memory_space<vmem>>)
      tpu.yield
    }) : () -> ()
    %run_scoped3A_28 = arith.constant 1 : i32
    %run_scoped3A_29 = arith.constant 2 : i32
    %run_scoped3A_30 = arith.constant 1 : i32
    "tpu.region"() ({
      %run_scoped3A_119 = tpu.sem_alloc : memref<!tpu.dma_semaphore, #tpu.memory_space<semaphore_mem>>
      %dma_start3A_120 = arith.constant 0 : i32
      %dma_start3A_121 = arith.constant 0 : i32
      %dma_start3A_122 = tpu.memref_slice %arg7[%run_scoped3A_29, %run_scoped3A_30, %dma_start3A_120, %dma_start3A_121] : memref<4x2x4x80xi32, #tpu.memory_space<vmem>> -> memref<1x1x4x80xi32, #tpu.memory_space<vmem>>
      %dma_start3A_123 = tpu.memref_squeeze %dma_start3A_122 : memref<1x1x4x80xi32, #tpu.memory_space<vmem>> -> memref<4x80xi32, #tpu.memory_space<vmem>>
      %dma_start3A_124 = arith.constant 8 : i32
      %dma_start3A_125 = arith.constant 0 : i32
      %dma_start3A_126 = tpu.memref_slice %arg3[%run_scoped3A_28, %add3A, %dma_start3A_124, %dma_start3A_125] : memref<2x32x125x80xi32, #tpu.memory_space<hbm>> -> memref<1x1x4x80xi32, #tpu.memory_space<hbm>>
      %dma_start3A_127 = tpu.memref_squeeze %dma_start3A_126 : memref<1x1x4x80xi32, #tpu.memory_space<hbm>> -> memref<4x80xi32, #tpu.memory_space<hbm>>
      %dma_start3A_128 = arith.constant 0 : i32
      %dma_start3A_129 = arith.constant 0 : i32
      %dma_start3A_130 = tpu.memref_slice %arg7[%run_scoped3A_29, %run_scoped3A_30, %dma_start3A_128, %dma_start3A_129] : memref<4x2x4x80xi32, #tpu.memory_space<vmem>> -> memref<1x1x4x80xi32, #tpu.memory_space<vmem>>
      %dma_start3A_131 = tpu.memref_squeeze %dma_start3A_130 : memref<1x1x4x80xi32, #tpu.memory_space<vmem>> -> memref<4x80xi32, #tpu.memory_space<vmem>>
      %dma_start3A_132 = arith.constant 8 : i32
      %dma_start3A_133 = arith.constant 0 : i32
      %dma_start3A_134 = tpu.memref_slice %arg3[%run_scoped3A_28, %add3A, %dma_start3A_132, %dma_start3A_133] : memref<2x32x125x80xi32, #tpu.memory_space<hbm>> -> memref<1x1x4x80xi32, #tpu.memory_space<hbm>>
      %dma_start3A_135 = tpu.memref_squeeze %dma_start3A_134 : memref<1x1x4x80xi32, #tpu.memory_space<hbm>> -> memref<4x80xi32, #tpu.memory_space<hbm>>
      tpu.enqueue_dma source(%dma_start3A_135 : memref<4x80xi32, #tpu.memory_space<hbm>>) target(%dma_start3A_131 : memref<4x80xi32, #tpu.memory_space<vmem>>) target_semaphore(%run_scoped3A_119 : memref<!tpu.dma_semaphore, #tpu.memory_space<semaphore_mem>>)
      %dma_wait3A_136 = arith.constant 0 : i32
      %dma_wait3A_137 = arith.constant 0 : i32
      %dma_wait3A_138 = tpu.memref_slice %arg7[%run_scoped3A_29, %run_scoped3A_30, %dma_wait3A_136, %dma_wait3A_137] : memref<4x2x4x80xi32, #tpu.memory_space<vmem>> -> memref<1x1x4x80xi32, #tpu.memory_space<vmem>>
      %dma_wait3A_139 = tpu.memref_squeeze %dma_wait3A_138 : memref<1x1x4x80xi32, #tpu.memory_space<vmem>> -> memref<4x80xi32, #tpu.memory_space<vmem>>
      %dma_wait3A_140 = arith.constant 8 : i32
      %dma_wait3A_141 = arith.constant 0 : i32
      %dma_wait3A_142 = tpu.memref_slice %arg3[%run_scoped3A_28, %add3A, %dma_wait3A_140, %dma_wait3A_141] : memref<2x32x125x80xi32, #tpu.memory_space<hbm>> -> memref<1x1x4x80xi32, #tpu.memory_space<hbm>>
      %dma_wait3A_143 = tpu.memref_squeeze %dma_wait3A_142 : memref<1x1x4x80xi32, #tpu.memory_space<hbm>> -> memref<4x80xi32, #tpu.memory_space<hbm>>
      %dma_wait3A_144 = arith.constant 0 : i32
      %dma_wait3A_145 = arith.constant 0 : i32
      %dma_wait3A_146 = tpu.memref_slice %arg7[%run_scoped3A_29, %run_scoped3A_30, %dma_wait3A_144, %dma_wait3A_145] : memref<4x2x4x80xi32, #tpu.memory_space<vmem>> -> memref<1x1x4x80xi32, #tpu.memory_space<vmem>>
      %dma_wait3A_147 = tpu.memref_squeeze %dma_wait3A_146 : memref<1x1x4x80xi32, #tpu.memory_space<vmem>> -> memref<4x80xi32, #tpu.memory_space<vmem>>
      %dma_wait3A_148 = arith.constant 8 : i32
      %dma_wait3A_149 = arith.constant 0 : i32
      %dma_wait3A_150 = tpu.memref_slice %arg3[%run_scoped3A_28, %add3A, %dma_wait3A_148, %dma_wait3A_149] : memref<2x32x125x80xi32, #tpu.memory_space<hbm>> -> memref<1x1x4x80xi32, #tpu.memory_space<hbm>>
      %dma_wait3A_151 = tpu.memref_squeeze %dma_wait3A_150 : memref<1x1x4x80xi32, #tpu.memory_space<hbm>> -> memref<4x80xi32, #tpu.memory_space<hbm>>
      tpu.wait_dma2 semaphore(%run_scoped3A_119 : memref<!tpu.dma_semaphore, #tpu.memory_space<semaphore_mem>>) src(%dma_wait3A_151 : memref<4x80xi32, #tpu.memory_space<hbm>>) dst(%dma_wait3A_147 : memref<4x80xi32, #tpu.memory_space<vmem>>)
      tpu.yield
    }) : () -> ()
    %run_scoped3A_31 = arith.constant 0 : i32
    %run_scoped3A_32 = arith.constant 3 : i32
    %run_scoped3A_33 = arith.constant 0 : i32
    "tpu.region"() ({
      %run_scoped3A_119 = tpu.sem_alloc : memref<!tpu.dma_semaphore, #tpu.memory_space<semaphore_mem>>
      %dma_start3A_120 = arith.constant 0 : i32
      %dma_start3A_121 = arith.constant 0 : i32
      %dma_start3A_122 = tpu.memref_slice %arg7[%run_scoped3A_32, %run_scoped3A_33, %dma_start3A_120, %dma_start3A_121] : memref<4x2x4x80xi32, #tpu.memory_space<vmem>> -> memref<1x1x4x80xi32, #tpu.memory_space<vmem>>
      %dma_start3A_123 = tpu.memref_squeeze %dma_start3A_122 : memref<1x1x4x80xi32, #tpu.memory_space<vmem>> -> memref<4x80xi32, #tpu.memory_space<vmem>>
      %dma_start3A_124 = arith.constant 12 : i32
      %dma_start3A_125 = arith.constant 0 : i32
      %dma_start3A_126 = tpu.memref_slice %arg3[%run_scoped3A_31, %add3A, %dma_start3A_124, %dma_start3A_125] : memref<2x32x125x80xi32, #tpu.memory_space<hbm>> -> memref<1x1x4x80xi32, #tpu.memory_space<hbm>>
      %dma_start3A_127 = tpu.memref_squeeze %dma_start3A_126 : memref<1x1x4x80xi32, #tpu.memory_space<hbm>> -> memref<4x80xi32, #tpu.memory_space<hbm>>
      %dma_start3A_128 = arith.constant 0 : i32
      %dma_start3A_129 = arith.constant 0 : i32
      %dma_start3A_130 = tpu.memref_slice %arg7[%run_scoped3A_32, %run_scoped3A_33, %dma_start3A_128, %dma_start3A_129] : memref<4x2x4x80xi32, #tpu.memory_space<vmem>> -> memref<1x1x4x80xi32, #tpu.memory_space<vmem>>
      %dma_start3A_131 = tpu.memref_squeeze %dma_start3A_130 : memref<1x1x4x80xi32, #tpu.memory_space<vmem>> -> memref<4x80xi32, #tpu.memory_space<vmem>>
      %dma_start3A_132 = arith.constant 12 : i32
      %dma_start3A_133 = arith.constant 0 : i32
      %dma_start3A_134 = tpu.memref_slice %arg3[%run_scoped3A_31, %add3A, %dma_start3A_132, %dma_start3A_133] : memref<2x32x125x80xi32, #tpu.memory_space<hbm>> -> memref<1x1x4x80xi32, #tpu.memory_space<hbm>>
      %dma_start3A_135 = tpu.memref_squeeze %dma_start3A_134 : memref<1x1x4x80xi32, #tpu.memory_space<hbm>> -> memref<4x80xi32, #tpu.memory_space<hbm>>
      tpu.enqueue_dma source(%dma_start3A_135 : memref<4x80xi32, #tpu.memory_space<hbm>>) target(%dma_start3A_131 : memref<4x80xi32, #tpu.memory_space<vmem>>) target_semaphore(%run_scoped3A_119 : memref<!tpu.dma_semaphore, #tpu.memory_space<semaphore_mem>>)
      %dma_wait3A_136 = arith.constant 0 : i32
      %dma_wait3A_137 = arith.constant 0 : i32
      %dma_wait3A_138 = tpu.memref_slice %arg7[%run_scoped3A_32, %run_scoped3A_33, %dma_wait3A_136, %dma_wait3A_137] : memref<4x2x4x80xi32, #tpu.memory_space<vmem>> -> memref<1x1x4x80xi32, #tpu.memory_space<vmem>>
      %dma_wait3A_139 = tpu.memref_squeeze %dma_wait3A_138 : memref<1x1x4x80xi32, #tpu.memory_space<vmem>> -> memref<4x80xi32, #tpu.memory_space<vmem>>
      %dma_wait3A_140 = arith.constant 12 : i32
      %dma_wait3A_141 = arith.constant 0 : i32
      %dma_wait3A_142 = tpu.memref_slice %arg3[%run_scoped3A_31, %add3A, %dma_wait3A_140, %dma_wait3A_141] : memref<2x32x125x80xi32, #tpu.memory_space<hbm>> -> memref<1x1x4x80xi32, #tpu.memory_space<hbm>>
      %dma_wait3A_143 = tpu.memref_squeeze %dma_wait3A_142 : memref<1x1x4x80xi32, #tpu.memory_space<hbm>> -> memref<4x80xi32, #tpu.memory_space<hbm>>
      %dma_wait3A_144 = arith.constant 0 : i32
      %dma_wait3A_145 = arith.constant 0 : i32
      %dma_wait3A_146 = tpu.memref_slice %arg7[%run_scoped3A_32, %run_scoped3A_33, %dma_wait3A_144, %dma_wait3A_145] : memref<4x2x4x80xi32, #tpu.memory_space<vmem>> -> memref<1x1x4x80xi32, #tpu.memory_space<vmem>>
      %dma_wait3A_147 = tpu.memref_squeeze %dma_wait3A_146 : memref<1x1x4x80xi32, #tpu.memory_space<vmem>> -> memref<4x80xi32, #tpu.memory_space<vmem>>
      %dma_wait3A_148 = arith.constant 12 : i32
      %dma_wait3A_149 = arith.constant 0 : i32
      %dma_wait3A_150 = tpu.memref_slice %arg3[%run_scoped3A_31, %add3A, %dma_wait3A_148, %dma_wait3A_149] : memref<2x32x125x80xi32, #tpu.memory_space<hbm>> -> memref<1x1x4x80xi32, #tpu.memory_space<hbm>>
      %dma_wait3A_151 = tpu.memref_squeeze %dma_wait3A_150 : memref<1x1x4x80xi32, #tpu.memory_space<hbm>> -> memref<4x80xi32, #tpu.memory_space<hbm>>
      tpu.wait_dma2 semaphore(%run_scoped3A_119 : memref<!tpu.dma_semaphore, #tpu.memory_space<semaphore_mem>>) src(%dma_wait3A_151 : memref<4x80xi32, #tpu.memory_space<hbm>>) dst(%dma_wait3A_147 : memref<4x80xi32, #tpu.memory_space<vmem>>)
      tpu.yield
    }) : () -> ()
    %run_scoped3A_34 = arith.constant 1 : i32
    %run_scoped3A_35 = arith.constant 3 : i32
    %run_scoped3A_36 = arith.constant 1 : i32
    "tpu.region"() ({
      %run_scoped3A_119 = tpu.sem_alloc : memref<!tpu.dma_semaphore, #tpu.memory_space<semaphore_mem>>
      %dma_start3A_120 = arith.constant 0 : i32
      %dma_start3A_121 = arith.constant 0 : i32
      %dma_start3A_122 = tpu.memref_slice %arg7[%run_scoped3A_35, %run_scoped3A_36, %dma_start3A_120, %dma_start3A_121] : memref<4x2x4x80xi32, #tpu.memory_space<vmem>> -> memref<1x1x4x80xi32, #tpu.memory_space<vmem>>
      %dma_start3A_123 = tpu.memref_squeeze %dma_start3A_122 : memref<1x1x4x80xi32, #tpu.memory_space<vmem>> -> memref<4x80xi32, #tpu.memory_space<vmem>>
      %dma_start3A_124 = arith.constant 12 : i32
      %dma_start3A_125 = arith.constant 0 : i32
      %dma_start3A_126 = tpu.memref_slice %arg3[%run_scoped3A_34, %add3A, %dma_start3A_124, %dma_start3A_125] : memref<2x32x125x80xi32, #tpu.memory_space<hbm>> -> memref<1x1x4x80xi32, #tpu.memory_space<hbm>>
      %dma_start3A_127 = tpu.memref_squeeze %dma_start3A_126 : memref<1x1x4x80xi32, #tpu.memory_space<hbm>> -> memref<4x80xi32, #tpu.memory_space<hbm>>
      %dma_start3A_128 = arith.constant 0 : i32
      %dma_start3A_129 = arith.constant 0 : i32
      %dma_start3A_130 = tpu.memref_slice %arg7[%run_scoped3A_35, %run_scoped3A_36, %dma_start3A_128, %dma_start3A_129] : memref<4x2x4x80xi32, #tpu.memory_space<vmem>> -> memref<1x1x4x80xi32, #tpu.memory_space<vmem>>
      %dma_start3A_131 = tpu.memref_squeeze %dma_start3A_130 : memref<1x1x4x80xi32, #tpu.memory_space<vmem>> -> memref<4x80xi32, #tpu.memory_space<vmem>>
      %dma_start3A_132 = arith.constant 12 : i32
      %dma_start3A_133 = arith.constant 0 : i32
      %dma_start3A_134 = tpu.memref_slice %arg3[%run_scoped3A_34, %add3A, %dma_start3A_132, %dma_start3A_133] : memref<2x32x125x80xi32, #tpu.memory_space<hbm>> -> memref<1x1x4x80xi32, #tpu.memory_space<hbm>>
      %dma_start3A_135 = tpu.memref_squeeze %dma_start3A_134 : memref<1x1x4x80xi32, #tpu.memory_space<hbm>> -> memref<4x80xi32, #tpu.memory_space<hbm>>
      tpu.enqueue_dma source(%dma_start3A_135 : memref<4x80xi32, #tpu.memory_space<hbm>>) target(%dma_start3A_131 : memref<4x80xi32, #tpu.memory_space<vmem>>) target_semaphore(%run_scoped3A_119 : memref<!tpu.dma_semaphore, #tpu.memory_space<semaphore_mem>>)
      %dma_wait3A_136 = arith.constant 0 : i32
      %dma_wait3A_137 = arith.constant 0 : i32
      %dma_wait3A_138 = tpu.memref_slice %arg7[%run_scoped3A_35, %run_scoped3A_36, %dma_wait3A_136, %dma_wait3A_137] : memref<4x2x4x80xi32, #tpu.memory_space<vmem>> -> memref<1x1x4x80xi32, #tpu.memory_space<vmem>>
      %dma_wait3A_139 = tpu.memref_squeeze %dma_wait3A_138 : memref<1x1x4x80xi32, #tpu.memory_space<vmem>> -> memref<4x80xi32, #tpu.memory_space<vmem>>
      %dma_wait3A_140 = arith.constant 12 : i32
      %dma_wait3A_141 = arith.constant 0 : i32
      %dma_wait3A_142 = tpu.memref_slice %arg3[%run_scoped3A_34, %add3A, %dma_wait3A_140, %dma_wait3A_141] : memref<2x32x125x80xi32, #tpu.memory_space<hbm>> -> memref<1x1x4x80xi32, #tpu.memory_space<hbm>>
      %dma_wait3A_143 = tpu.memref_squeeze %dma_wait3A_142 : memref<1x1x4x80xi32, #tpu.memory_space<hbm>> -> memref<4x80xi32, #tpu.memory_space<hbm>>
      %dma_wait3A_144 = arith.constant 0 : i32
      %dma_wait3A_145 = arith.constant 0 : i32
      %dma_wait3A_146 = tpu.memref_slice %arg7[%run_scoped3A_35, %run_scoped3A_36, %dma_wait3A_144, %dma_wait3A_145] : memref<4x2x4x80xi32, #tpu.memory_space<vmem>> -> memref<1x1x4x80xi32, #tpu.memory_space<vmem>>
      %dma_wait3A_147 = tpu.memref_squeeze %dma_wait3A_146 : memref<1x1x4x80xi32, #tpu.memory_space<vmem>> -> memref<4x80xi32, #tpu.memory_space<vmem>>
      %dma_wait3A_148 = arith.constant 12 : i32
      %dma_wait3A_149 = arith.constant 0 : i32
      %dma_wait3A_150 = tpu.memref_slice %arg3[%run_scoped3A_34, %add3A, %dma_wait3A_148, %dma_wait3A_149] : memref<2x32x125x80xi32, #tpu.memory_space<hbm>> -> memref<1x1x4x80xi32, #tpu.memory_space<hbm>>
      %dma_wait3A_151 = tpu.memref_squeeze %dma_wait3A_150 : memref<1x1x4x80xi32, #tpu.memory_space<hbm>> -> memref<4x80xi32, #tpu.memory_space<hbm>>
      tpu.wait_dma2 semaphore(%run_scoped3A_119 : memref<!tpu.dma_semaphore, #tpu.memory_space<semaphore_mem>>) src(%dma_wait3A_151 : memref<4x80xi32, #tpu.memory_space<hbm>>) dst(%dma_wait3A_147 : memref<4x80xi32, #tpu.memory_space<vmem>>)
      tpu.yield
    }) : () -> ()
    %barrier3A = arith.constant 0 : index
    tpu.barrier barrier_id(%barrier3A)
    %dma_start3A = arith.constant 0 : i32
    %dma_start3A_37 = arith.constant 0 : i32
    %dma_start3A_38 = arith.constant 0 : i32
    %dma_start3A_39 = arith.constant 0 : i32
    %dma_start3A_40 = tpu.memref_slice %arg7[%dma_start3A, %dma_start3A_37, %dma_start3A_38, %dma_start3A_39] : memref<4x2x4x80xi32, #tpu.memory_space<vmem>> -> memref<1x1x1x80xi32, #tpu.memory_space<vmem>>
    %dma_start3A_41 = tpu.memref_squeeze %dma_start3A_40 : memref<1x1x1x80xi32, #tpu.memory_space<vmem>> -> memref<80xi32, #tpu.memory_space<vmem>>
    %dma_start3A_42 = arith.constant 0 : i32
    %dma_start3A_43 = arith.constant 0 : i32
    %dma_start3A_44 = tpu.memref_slice %arg2[%dma_start3A_42, %dma_start3A_43] : memref<10000x128xf32, #tpu.memory_space<hbm>> -> memref<10000x128xf32, #tpu.memory_space<hbm>>
    tpu.enqueue_indirect_dma source(%dma_start3A_44 : memref<10000x128xf32, #tpu.memory_space<hbm>>) target(%arg8 : memref<80x128xf32, #tpu.memory_space<vmem>>) offsets(%dma_start3A_41 : memref<80xi32, #tpu.memory_space<vmem>>) semaphore(%arg12 : memref<!tpu.dma_semaphore, #tpu.memory_space<semaphore_mem>>)
    %dma_start3A_45 = arith.constant 0 : i32
    %dma_start3A_46 = arith.constant 0 : i32
    %dma_start3A_47 = arith.constant 1 : i32
    %dma_start3A_48 = arith.constant 0 : i32
    %dma_start3A_49 = tpu.memref_slice %arg7[%dma_start3A_45, %dma_start3A_46, %dma_start3A_47, %dma_start3A_48] : memref<4x2x4x80xi32, #tpu.memory_space<vmem>> -> memref<1x1x1x80xi32, #tpu.memory_space<vmem>>
    %dma_start3A_50 = tpu.memref_squeeze %dma_start3A_49 : memref<1x1x1x80xi32, #tpu.memory_space<vmem>> -> memref<80xi32, #tpu.memory_space<vmem>>
    %dma_start3A_51 = arith.constant 0 : i32
    %dma_start3A_52 = arith.constant 0 : i32
    %dma_start3A_53 = tpu.memref_slice %arg2[%dma_start3A_51, %dma_start3A_52] : memref<10000x128xf32, #tpu.memory_space<hbm>> -> memref<10000x128xf32, #tpu.memory_space<hbm>>
    tpu.enqueue_indirect_dma source(%dma_start3A_53 : memref<10000x128xf32, #tpu.memory_space<hbm>>) target(%arg9 : memref<80x128xf32, #tpu.memory_space<vmem>>) offsets(%dma_start3A_50 : memref<80xi32, #tpu.memory_space<vmem>>) semaphore(%arg13 : memref<!tpu.dma_semaphore, #tpu.memory_space<semaphore_mem>>)
    %scan3A_54 = arith.constant 0 : i32
    %scan3A_55 = arith.constant 31 : i32
    %scan3A_56 = arith.addi %scan3A_54, %scan3A_55 : i32
    %scan3A_57 = arith.constant 1 : i32
    scf.for %scan3A_119 = %scan3A_54 to %scan3A_56 step %scan3A_57  : i32 {
      %mul3A_120 = arith.constant 1 : i32
      %mul3A_121 = arith.muli %scan3A_119, %mul3A_120 : i32
      %add3A_122 = arith.constant 0 : i32
      %add3A_123 = arith.addi %add3A_122, %mul3A_121 : i32
      %rem3A = arith.constant 4 : i32
      %rem3A_124 = arith.remsi %add3A_123, %rem3A : i32
      %add3A_125 = arith.constant 1 : i32
      %add3A_126 = arith.addi %add3A_123, %add3A_125 : i32
      %rem3A_127 = arith.constant 4 : i32
      %rem3A_128 = arith.remsi %add3A_126, %rem3A_127 : i32
      %mul3A_129 = arith.constant 4 : i32
      %mul3A_130 = arith.muli %add3A_123, %mul3A_129 : i32
      %add3A_131 = arith.constant 0 : i32
      %add3A_132 = arith.addi %mul3A_130, %add3A_131 : i32
      %add3A_133 = arith.constant 2 : i32
      %add3A_134 = arith.addi %add3A_132, %add3A_133 : i32
      %lt3A_135 = arith.constant 124 : i32
      %lt3A_136 = arith.cmpi slt, %add3A_134, %lt3A_135 : i32
      %convert_element_type3A_137 = arith.extui %lt3A_136 : i1 to i32
      %cond3A_138 = arith.constant 0 : i32
      %cond3A_139 = arith.cmpi ne, %convert_element_type3A_137, %cond3A_138 : i32
      scf.if %cond3A_139 {
        %ge3A_242 = arith.constant 4 : i32
        %ge3A_243 = arith.cmpi sge, %add3A_134, %ge3A_242 : i32
        %convert_element_type3A_244 = arith.extui %ge3A_243 : i1 to i32
        %cond3A_245 = arith.constant 0 : i32
        %cond3A_246 = arith.cmpi ne, %convert_element_type3A_244, %cond3A_245 : i32
        scf.if %cond3A_246 {
          %dma_wait3A_255 = arith.constant 0 : i32
          %dma_wait3A_256 = arith.constant 0 : i32
          %dma_wait3A_257 = tpu.memref_slice %arg2[%dma_wait3A_255, %dma_wait3A_256] : memref<10000x128xf32, #tpu.memory_space<hbm>> -> memref<80x128xf32, #tpu.memory_space<hbm>>
          %dma_wait3A_258 = arith.constant 0 : i32
          %dma_wait3A_259 = arith.constant 0 : i32
          %dma_wait3A_260 = tpu.memref_slice %arg2[%dma_wait3A_258, %dma_wait3A_259] : memref<10000x128xf32, #tpu.memory_space<hbm>> -> memref<80x128xf32, #tpu.memory_space<hbm>>
          tpu.wait_dma2 semaphore(%arg18 : memref<!tpu.dma_semaphore, #tpu.memory_space<semaphore_mem>>) src(%dma_wait3A_260 : memref<80x128xf32, #tpu.memory_space<hbm>>) dst(%arg10 : memref<80x128xf32, #tpu.memory_space<vmem>>)
        } else {
        }
        %dma_start3A_247 = arith.constant 0 : i32
        %dma_start3A_248 = arith.constant 2 : i32
        %dma_start3A_249 = arith.constant 0 : i32
        %dma_start3A_250 = tpu.memref_slice %arg7[%rem3A_124, %dma_start3A_247, %dma_start3A_248, %dma_start3A_249] : memref<4x2x4x80xi32, #tpu.memory_space<vmem>> -> memref<1x1x1x80xi32, #tpu.memory_space<vmem>>
        %dma_start3A_251 = tpu.memref_squeeze %dma_start3A_250 : memref<1x1x1x80xi32, #tpu.memory_space<vmem>> -> memref<80xi32, #tpu.memory_space<vmem>>
        %dma_start3A_252 = arith.constant 0 : i32
        %dma_start3A_253 = arith.constant 0 : i32
        %dma_start3A_254 = tpu.memref_slice %arg2[%dma_start3A_252, %dma_start3A_253] : memref<10000x128xf32, #tpu.memory_space<hbm>> -> memref<10000x128xf32, #tpu.memory_space<hbm>>
        tpu.enqueue_indirect_dma source(%dma_start3A_254 : memref<10000x128xf32, #tpu.memory_space<hbm>>) target(%arg10 : memref<80x128xf32, #tpu.memory_space<vmem>>) offsets(%dma_start3A_251 : memref<80xi32, #tpu.memory_space<vmem>>) semaphore(%arg14 : memref<!tpu.dma_semaphore, #tpu.memory_space<semaphore_mem>>)
      } else {
      }
      %dma_wait3A_140 = arith.constant 0 : i32
      %dma_wait3A_141 = arith.constant 0 : i32
      %dma_wait3A_142 = tpu.memref_slice %arg2[%dma_wait3A_140, %dma_wait3A_141] : memref<10000x128xf32, #tpu.memory_space<hbm>> -> memref<80x128xf32, #tpu.memory_space<hbm>>
      %dma_wait3A_143 = arith.constant 0 : i32
      %dma_wait3A_144 = arith.constant 0 : i32
      %dma_wait3A_145 = tpu.memref_slice %arg2[%dma_wait3A_143, %dma_wait3A_144] : memref<10000x128xf32, #tpu.memory_space<hbm>> -> memref<80x128xf32, #tpu.memory_space<hbm>>
      tpu.wait_dma2 semaphore(%arg12 : memref<!tpu.dma_semaphore, #tpu.memory_space<semaphore_mem>>) src(%dma_wait3A_145 : memref<80x128xf32, #tpu.memory_space<hbm>>) dst(%arg8 : memref<80x128xf32, #tpu.memory_space<vmem>>)
      %dma_start3A_146 = arith.constant 1 : i32
      %dma_start3A_147 = arith.constant 0 : i32
      %dma_start3A_148 = arith.constant 0 : i32
      %dma_start3A_149 = tpu.memref_slice %arg7[%rem3A_124, %dma_start3A_146, %dma_start3A_147, %dma_start3A_148] : memref<4x2x4x80xi32, #tpu.memory_space<vmem>> -> memref<1x1x1x80xi32, #tpu.memory_space<vmem>>
      %dma_start3A_150 = tpu.memref_squeeze %dma_start3A_149 : memref<1x1x1x80xi32, #tpu.memory_space<vmem>> -> memref<80xi32, #tpu.memory_space<vmem>>
      %dma_start3A_151 = arith.constant 0 : i32
      %dma_start3A_152 = arith.constant 0 : i32
      %dma_start3A_153 = tpu.memref_slice %arg6[%dma_start3A_151, %dma_start3A_152] : memref<10000x128xf32, #tpu.memory_space<vmem_shared>> -> memref<10000x128xf32, #tpu.memory_space<vmem_shared>>
      tpu.enqueue_indirect_dma source(%arg8 : memref<80x128xf32, #tpu.memory_space<vmem>>) target(%dma_start3A_153 : memref<10000x128xf32, #tpu.memory_space<vmem_shared>>) offsets(%dma_start3A_150 : memref<80xi32, #tpu.memory_space<vmem>>) semaphore(%arg16 : memref<!tpu.dma_semaphore, #tpu.memory_space<semaphore_mem>>) {add = true}
      %mul3A_154 = arith.constant 4 : i32
      %mul3A_155 = arith.muli %add3A_123, %mul3A_154 : i32
      %add3A_156 = arith.constant 1 : i32
      %add3A_157 = arith.addi %mul3A_155, %add3A_156 : i32
      %add3A_158 = arith.constant 2 : i32
      %add3A_159 = arith.addi %add3A_157, %add3A_158 : i32
      %lt3A_160 = arith.constant 124 : i32
      %lt3A_161 = arith.cmpi slt, %add3A_159, %lt3A_160 : i32
      %convert_element_type3A_162 = arith.extui %lt3A_161 : i1 to i32
      %cond3A_163 = arith.constant 0 : i32
      %cond3A_164 = arith.cmpi ne, %convert_element_type3A_162, %cond3A_163 : i32
      scf.if %cond3A_164 {
        %ge3A_242 = arith.constant 4 : i32
        %ge3A_243 = arith.cmpi sge, %add3A_159, %ge3A_242 : i32
        %convert_element_type3A_244 = arith.extui %ge3A_243 : i1 to i32
        %cond3A_245 = arith.constant 0 : i32
        %cond3A_246 = arith.cmpi ne, %convert_element_type3A_244, %cond3A_245 : i32
        scf.if %cond3A_246 {
          %dma_wait3A_255 = arith.constant 0 : i32
          %dma_wait3A_256 = arith.constant 0 : i32
          %dma_wait3A_257 = tpu.memref_slice %arg2[%dma_wait3A_255, %dma_wait3A_256] : memref<10000x128xf32, #tpu.memory_space<hbm>> -> memref<80x128xf32, #tpu.memory_space<hbm>>
          %dma_wait3A_258 = arith.constant 0 : i32
          %dma_wait3A_259 = arith.constant 0 : i32
          %dma_wait3A_260 = tpu.memref_slice %arg2[%dma_wait3A_258, %dma_wait3A_259] : memref<10000x128xf32, #tpu.memory_space<hbm>> -> memref<80x128xf32, #tpu.memory_space<hbm>>
          tpu.wait_dma2 semaphore(%arg19 : memref<!tpu.dma_semaphore, #tpu.memory_space<semaphore_mem>>) src(%dma_wait3A_260 : memref<80x128xf32, #tpu.memory_space<hbm>>) dst(%arg11 : memref<80x128xf32, #tpu.memory_space<vmem>>)
        } else {
        }
        %dma_start3A_247 = arith.constant 0 : i32
        %dma_start3A_248 = arith.constant 3 : i32
        %dma_start3A_249 = arith.constant 0 : i32
        %dma_start3A_250 = tpu.memref_slice %arg7[%rem3A_124, %dma_start3A_247, %dma_start3A_248, %dma_start3A_249] : memref<4x2x4x80xi32, #tpu.memory_space<vmem>> -> memref<1x1x1x80xi32, #tpu.memory_space<vmem>>
        %dma_start3A_251 = tpu.memref_squeeze %dma_start3A_250 : memref<1x1x1x80xi32, #tpu.memory_space<vmem>> -> memref<80xi32, #tpu.memory_space<vmem>>
        %dma_start3A_252 = arith.constant 0 : i32
        %dma_start3A_253 = arith.constant 0 : i32
        %dma_start3A_254 = tpu.memref_slice %arg2[%dma_start3A_252, %dma_start3A_253] : memref<10000x128xf32, #tpu.memory_space<hbm>> -> memref<10000x128xf32, #tpu.memory_space<hbm>>
        tpu.enqueue_indirect_dma source(%dma_start3A_254 : memref<10000x128xf32, #tpu.memory_space<hbm>>) target(%arg11 : memref<80x128xf32, #tpu.memory_space<vmem>>) offsets(%dma_start3A_251 : memref<80xi32, #tpu.memory_space<vmem>>) semaphore(%arg15 : memref<!tpu.dma_semaphore, #tpu.memory_space<semaphore_mem>>)
      } else {
      }
      %ge3A = arith.constant 2 : i32
      %ge3A_165 = arith.cmpi sge, %add3A_123, %ge3A : i32
      %le3A = arith.constant 29 : i32
      %le3A_166 = arith.cmpi sle, %add3A_123, %le3A : i32
      %and3A = arith.andi %ge3A_165, %le3A_166 : i1
      %convert_element_type3A_167 = arith.extui %and3A : i1 to i32
      %cond3A_168 = arith.constant 0 : i32
      %cond3A_169 = arith.cmpi ne, %convert_element_type3A_167, %cond3A_168 : i32
      scf.if %cond3A_169 {
        %dma_wait3A_242 = arith.constant 0 : i32
        %dma_wait3A_243 = arith.constant 0 : i32
        %dma_wait3A_244 = arith.constant 0 : i32
        %dma_wait3A_245 = arith.constant 0 : i32
        %dma_wait3A_246 = arith.constant 0 : i32
        %dma_wait3A_247 = arith.constant 0 : i32
        %dma_wait3A_248 = tpu.memref_slice %arg7[%dma_wait3A_244, %dma_wait3A_245, %dma_wait3A_246, %dma_wait3A_247] : memref<4x2x4x80xi32, #tpu.memory_space<vmem>> -> memref<1x1x4x80xi32, #tpu.memory_space<vmem>>
        %dma_wait3A_249 = tpu.memref_squeeze %dma_wait3A_248 : memref<1x1x4x80xi32, #tpu.memory_space<vmem>> -> memref<4x80xi32, #tpu.memory_space<vmem>>
        %dma_wait3A_250 = arith.constant 0 : i32
        %dma_wait3A_251 = arith.constant 0 : i32
        %dma_wait3A_252 = tpu.memref_slice %arg3[%dma_wait3A_242, %dma_wait3A_243, %dma_wait3A_250, %dma_wait3A_251] : memref<2x32x125x80xi32, #tpu.memory_space<hbm>> -> memref<1x1x4x80xi32, #tpu.memory_space<hbm>>
        %dma_wait3A_253 = tpu.memref_squeeze %dma_wait3A_252 : memref<1x1x4x80xi32, #tpu.memory_space<hbm>> -> memref<4x80xi32, #tpu.memory_space<hbm>>
        %dma_wait3A_254 = arith.constant 0 : i32
        %dma_wait3A_255 = arith.constant 0 : i32
        %dma_wait3A_256 = tpu.memref_slice %arg7[%dma_wait3A_244, %dma_wait3A_245, %dma_wait3A_254, %dma_wait3A_255] : memref<4x2x4x80xi32, #tpu.memory_space<vmem>> -> memref<1x1x4x80xi32, #tpu.memory_space<vmem>>
        %dma_wait3A_257 = tpu.memref_squeeze %dma_wait3A_256 : memref<1x1x4x80xi32, #tpu.memory_space<vmem>> -> memref<4x80xi32, #tpu.memory_space<vmem>>
        %dma_wait3A_258 = arith.constant 0 : i32
        %dma_wait3A_259 = arith.constant 0 : i32
        %dma_wait3A_260 = tpu.memref_slice %arg3[%dma_wait3A_242, %dma_wait3A_243, %dma_wait3A_258, %dma_wait3A_259] : memref<2x32x125x80xi32, #tpu.memory_space<hbm>> -> memref<1x1x4x80xi32, #tpu.memory_space<hbm>>
        %dma_wait3A_261 = tpu.memref_squeeze %dma_wait3A_260 : memref<1x1x4x80xi32, #tpu.memory_space<hbm>> -> memref<4x80xi32, #tpu.memory_space<hbm>>
        tpu.wait_dma2 semaphore(%arg20 : memref<!tpu.dma_semaphore, #tpu.memory_space<semaphore_mem>>) src(%dma_wait3A_261 : memref<4x80xi32, #tpu.memory_space<hbm>>) dst(%dma_wait3A_257 : memref<4x80xi32, #tpu.memory_space<vmem>>)
        %dma_wait3A_262 = arith.constant 0 : i32
        %dma_wait3A_263 = arith.constant 0 : i32
        %dma_wait3A_264 = arith.constant 0 : i32
        %dma_wait3A_265 = arith.constant 0 : i32
        %dma_wait3A_266 = arith.constant 0 : i32
        %dma_wait3A_267 = arith.constant 0 : i32
        %dma_wait3A_268 = tpu.memref_slice %arg7[%dma_wait3A_264, %dma_wait3A_265, %dma_wait3A_266, %dma_wait3A_267] : memref<4x2x4x80xi32, #tpu.memory_space<vmem>> -> memref<1x1x4x80xi32, #tpu.memory_space<vmem>>
        %dma_wait3A_269 = tpu.memref_squeeze %dma_wait3A_268 : memref<1x1x4x80xi32, #tpu.memory_space<vmem>> -> memref<4x80xi32, #tpu.memory_space<vmem>>
        %dma_wait3A_270 = arith.constant 0 : i32
        %dma_wait3A_271 = arith.constant 0 : i32
        %dma_wait3A_272 = tpu.memref_slice %arg3[%dma_wait3A_262, %dma_wait3A_263, %dma_wait3A_270, %dma_wait3A_271] : memref<2x32x125x80xi32, #tpu.memory_space<hbm>> -> memref<1x1x4x80xi32, #tpu.memory_space<hbm>>
        %dma_wait3A_273 = tpu.memref_squeeze %dma_wait3A_272 : memref<1x1x4x80xi32, #tpu.memory_space<hbm>> -> memref<4x80xi32, #tpu.memory_space<hbm>>
        %dma_wait3A_274 = arith.constant 0 : i32
        %dma_wait3A_275 = arith.constant 0 : i32
        %dma_wait3A_276 = tpu.memref_slice %arg7[%dma_wait3A_264, %dma_wait3A_265, %dma_wait3A_274, %dma_wait3A_275] : memref<4x2x4x80xi32, #tpu.memory_space<vmem>> -> memref<1x1x4x80xi32, #tpu.memory_space<vmem>>
        %dma_wait3A_277 = tpu.memref_squeeze %dma_wait3A_276 : memref<1x1x4x80xi32, #tpu.memory_space<vmem>> -> memref<4x80xi32, #tpu.memory_space<vmem>>
        %dma_wait3A_278 = arith.constant 0 : i32
        %dma_wait3A_279 = arith.constant 0 : i32
        %dma_wait3A_280 = tpu.memref_slice %arg3[%dma_wait3A_262, %dma_wait3A_263, %dma_wait3A_278, %dma_wait3A_279] : memref<2x32x125x80xi32, #tpu.memory_space<hbm>> -> memref<1x1x4x80xi32, #tpu.memory_space<hbm>>
        %dma_wait3A_281 = tpu.memref_squeeze %dma_wait3A_280 : memref<1x1x4x80xi32, #tpu.memory_space<hbm>> -> memref<4x80xi32, #tpu.memory_space<hbm>>
        tpu.wait_dma2 semaphore(%arg20 : memref<!tpu.dma_semaphore, #tpu.memory_space<semaphore_mem>>) src(%dma_wait3A_281 : memref<4x80xi32, #tpu.memory_space<hbm>>) dst(%dma_wait3A_277 : memref<4x80xi32, #tpu.memory_space<vmem>>)
      } else {
      }
      %ge3A_170 = arith.constant 1 : i32
      %ge3A_171 = arith.cmpi sge, %add3A_123, %ge3A_170 : i32
      %le3A_172 = arith.constant 28 : i32
      %le3A_173 = arith.cmpi sle, %add3A_123, %le3A_172 : i32
      %and3A_174 = arith.andi %ge3A_171, %le3A_173 : i1
      %convert_element_type3A_175 = arith.extui %and3A_174 : i1 to i32
      %cond3A_176 = arith.constant 0 : i32
      %cond3A_177 = arith.cmpi ne, %convert_element_type3A_175, %cond3A_176 : i32
      scf.if %cond3A_177 {
        %add3A_242 = arith.constant 3 : i32
        %add3A_243 = arith.addi %add3A_123, %add3A_242 : i32
        %rem3A_244 = arith.constant 4 : i32
        %rem3A_245 = arith.remsi %add3A_243, %rem3A_244 : i32
        %add3A_246 = arith.constant 3 : i32
        %add3A_247 = arith.addi %add3A_123, %add3A_246 : i32
        %mul3A_248 = arith.constant 4 : i32
        %mul3A_249 = arith.muli %add3A_247, %mul3A_248 : i32
        %dma_start3A_250 = arith.constant 0 : i32
        %dma_start3A_251 = arith.constant 0 : i32
        %dma_start3A_252 = arith.constant 0 : i32
        %dma_start3A_253 = arith.constant 0 : i32
        %dma_start3A_254 = tpu.memref_slice %arg7[%rem3A_245, %dma_start3A_251, %dma_start3A_252, %dma_start3A_253] : memref<4x2x4x80xi32, #tpu.memory_space<vmem>> -> memref<1x1x4x80xi32, #tpu.memory_space<vmem>>
        %dma_start3A_255 = tpu.memref_squeeze %dma_start3A_254 : memref<1x1x4x80xi32, #tpu.memory_space<vmem>> -> memref<4x80xi32, #tpu.memory_space<vmem>>
        %dma_start3A_256 = arith.constant 0 : i32
        %dma_start3A_257 = tpu.memref_slice %arg3[%dma_start3A_250, %add3A, %mul3A_249, %dma_start3A_256] : memref<2x32x125x80xi32, #tpu.memory_space<hbm>> -> memref<1x1x4x80xi32, #tpu.memory_space<hbm>>
        %dma_start3A_258 = tpu.memref_squeeze %dma_start3A_257 : memref<1x1x4x80xi32, #tpu.memory_space<hbm>> -> memref<4x80xi32, #tpu.memory_space<hbm>>
        %dma_start3A_259 = arith.constant 0 : i32
        %dma_start3A_260 = arith.constant 0 : i32
        %dma_start3A_261 = tpu.memref_slice %arg7[%rem3A_245, %dma_start3A_251, %dma_start3A_259, %dma_start3A_260] : memref<4x2x4x80xi32, #tpu.memory_space<vmem>> -> memref<1x1x4x80xi32, #tpu.memory_space<vmem>>
        %dma_start3A_262 = tpu.memref_squeeze %dma_start3A_261 : memref<1x1x4x80xi32, #tpu.memory_space<vmem>> -> memref<4x80xi32, #tpu.memory_space<vmem>>
        %dma_start3A_263 = arith.constant 0 : i32
        %dma_start3A_264 = tpu.memref_slice %arg3[%dma_start3A_250, %add3A, %mul3A_249, %dma_start3A_263] : memref<2x32x125x80xi32, #tpu.memory_space<hbm>> -> memref<1x1x4x80xi32, #tpu.memory_space<hbm>>
        %dma_start3A_265 = tpu.memref_squeeze %dma_start3A_264 : memref<1x1x4x80xi32, #tpu.memory_space<hbm>> -> memref<4x80xi32, #tpu.memory_space<hbm>>
        tpu.enqueue_dma source(%dma_start3A_265 : memref<4x80xi32, #tpu.memory_space<hbm>>) target(%dma_start3A_262 : memref<4x80xi32, #tpu.memory_space<vmem>>) target_semaphore(%arg20 : memref<!tpu.dma_semaphore, #tpu.memory_space<semaphore_mem>>)
        %add3A_266 = arith.constant 3 : i32
        %add3A_267 = arith.addi %add3A_123, %add3A_266 : i32
        %mul3A_268 = arith.constant 4 : i32
        %mul3A_269 = arith.muli %add3A_267, %mul3A_268 : i32
        %dma_start3A_270 = arith.constant 1 : i32
        %dma_start3A_271 = arith.constant 1 : i32
        %dma_start3A_272 = arith.constant 0 : i32
        %dma_start3A_273 = arith.constant 0 : i32
        %dma_start3A_274 = tpu.memref_slice %arg7[%rem3A_245, %dma_start3A_271, %dma_start3A_272, %dma_start3A_273] : memref<4x2x4x80xi32, #tpu.memory_space<vmem>> -> memref<1x1x4x80xi32, #tpu.memory_space<vmem>>
        %dma_start3A_275 = tpu.memref_squeeze %dma_start3A_274 : memref<1x1x4x80xi32, #tpu.memory_space<vmem>> -> memref<4x80xi32, #tpu.memory_space<vmem>>
        %dma_start3A_276 = arith.constant 0 : i32
        %dma_start3A_277 = tpu.memref_slice %arg3[%dma_start3A_270, %add3A, %mul3A_269, %dma_start3A_276] : memref<2x32x125x80xi32, #tpu.memory_space<hbm>> -> memref<1x1x4x80xi32, #tpu.memory_space<hbm>>
        %dma_start3A_278 = tpu.memref_squeeze %dma_start3A_277 : memref<1x1x4x80xi32, #tpu.memory_space<hbm>> -> memref<4x80xi32, #tpu.memory_space<hbm>>
        %dma_start3A_279 = arith.constant 0 : i32
        %dma_start3A_280 = arith.constant 0 : i32
        %dma_start3A_281 = tpu.memref_slice %arg7[%rem3A_245, %dma_start3A_271, %dma_start3A_279, %dma_start3A_280] : memref<4x2x4x80xi32, #tpu.memory_space<vmem>> -> memref<1x1x4x80xi32, #tpu.memory_space<vmem>>
        %dma_start3A_282 = tpu.memref_squeeze %dma_start3A_281 : memref<1x1x4x80xi32, #tpu.memory_space<vmem>> -> memref<4x80xi32, #tpu.memory_space<vmem>>
        %dma_start3A_283 = arith.constant 0 : i32
        %dma_start3A_284 = tpu.memref_slice %arg3[%dma_start3A_270, %add3A, %mul3A_269, %dma_start3A_283] : memref<2x32x125x80xi32, #tpu.memory_space<hbm>> -> memref<1x1x4x80xi32, #tpu.memory_space<hbm>>
        %dma_start3A_285 = tpu.memref_squeeze %dma_start3A_284 : memref<1x1x4x80xi32, #tpu.memory_space<hbm>> -> memref<4x80xi32, #tpu.memory_space<hbm>>
        tpu.enqueue_dma source(%dma_start3A_285 : memref<4x80xi32, #tpu.memory_space<hbm>>) target(%dma_start3A_282 : memref<4x80xi32, #tpu.memory_space<vmem>>) target_semaphore(%arg20 : memref<!tpu.dma_semaphore, #tpu.memory_space<semaphore_mem>>)
      } else {
      }
      %dma_wait3A_178 = arith.constant 0 : i32
      %dma_wait3A_179 = arith.constant 0 : i32
      %dma_wait3A_180 = tpu.memref_slice %arg2[%dma_wait3A_178, %dma_wait3A_179] : memref<10000x128xf32, #tpu.memory_space<hbm>> -> memref<80x128xf32, #tpu.memory_space<hbm>>
      %dma_wait3A_181 = arith.constant 0 : i32
      %dma_wait3A_182 = arith.constant 0 : i32
      %dma_wait3A_183 = tpu.memref_slice %arg2[%dma_wait3A_181, %dma_wait3A_182] : memref<10000x128xf32, #tpu.memory_space<hbm>> -> memref<80x128xf32, #tpu.memory_space<hbm>>
      tpu.wait_dma2 semaphore(%arg13 : memref<!tpu.dma_semaphore, #tpu.memory_space<semaphore_mem>>) src(%dma_wait3A_183 : memref<80x128xf32, #tpu.memory_space<hbm>>) dst(%arg9 : memref<80x128xf32, #tpu.memory_space<vmem>>)
      %dma_start3A_184 = arith.constant 1 : i32
      %dma_start3A_185 = arith.constant 1 : i32
      %dma_start3A_186 = arith.constant 0 : i32
      %dma_start3A_187 = tpu.memref_slice %arg7[%rem3A_124, %dma_start3A_184, %dma_start3A_185, %dma_start3A_186] : memref<4x2x4x80xi32, #tpu.memory_space<vmem>> -> memref<1x1x1x80xi32, #tpu.memory_space<vmem>>
      %dma_start3A_188 = tpu.memref_squeeze %dma_start3A_187 : memref<1x1x1x80xi32, #tpu.memory_space<vmem>> -> memref<80xi32, #tpu.memory_space<vmem>>
      %dma_start3A_189 = arith.constant 0 : i32
      %dma_start3A_190 = arith.constant 0 : i32
      %dma_start3A_191 = tpu.memref_slice %arg6[%dma_start3A_189, %dma_start3A_190] : memref<10000x128xf32, #tpu.memory_space<vmem_shared>> -> memref<10000x128xf32, #tpu.memory_space<vmem_shared>>
      tpu.enqueue_indirect_dma source(%arg9 : memref<80x128xf32, #tpu.memory_space<vmem>>) target(%dma_start3A_191 : memref<10000x128xf32, #tpu.memory_space<vmem_shared>>) offsets(%dma_start3A_188 : memref<80xi32, #tpu.memory_space<vmem>>) semaphore(%arg17 : memref<!tpu.dma_semaphore, #tpu.memory_space<semaphore_mem>>) {add = true}
      %mul3A_192 = arith.constant 4 : i32
      %mul3A_193 = arith.muli %add3A_123, %mul3A_192 : i32
      %add3A_194 = arith.constant 2 : i32
      %add3A_195 = arith.addi %mul3A_193, %add3A_194 : i32
      %add3A_196 = arith.constant 2 : i32
      %add3A_197 = arith.addi %add3A_195, %add3A_196 : i32
      %lt3A_198 = arith.constant 124 : i32
      %lt3A_199 = arith.cmpi slt, %add3A_197, %lt3A_198 : i32
      %convert_element_type3A_200 = arith.extui %lt3A_199 : i1 to i32
      %cond3A_201 = arith.constant 0 : i32
      %cond3A_202 = arith.cmpi ne, %convert_element_type3A_200, %cond3A_201 : i32
      scf.if %cond3A_202 {
        %ge3A_242 = arith.constant 4 : i32
        %ge3A_243 = arith.cmpi sge, %add3A_197, %ge3A_242 : i32
        %convert_element_type3A_244 = arith.extui %ge3A_243 : i1 to i32
        %cond3A_245 = arith.constant 0 : i32
        %cond3A_246 = arith.cmpi ne, %convert_element_type3A_244, %cond3A_245 : i32
        scf.if %cond3A_246 {
          %dma_wait3A_255 = arith.constant 0 : i32
          %dma_wait3A_256 = arith.constant 0 : i32
          %dma_wait3A_257 = tpu.memref_slice %arg2[%dma_wait3A_255, %dma_wait3A_256] : memref<10000x128xf32, #tpu.memory_space<hbm>> -> memref<80x128xf32, #tpu.memory_space<hbm>>
          %dma_wait3A_258 = arith.constant 0 : i32
          %dma_wait3A_259 = arith.constant 0 : i32
          %dma_wait3A_260 = tpu.memref_slice %arg2[%dma_wait3A_258, %dma_wait3A_259] : memref<10000x128xf32, #tpu.memory_space<hbm>> -> memref<80x128xf32, #tpu.memory_space<hbm>>
          tpu.wait_dma2 semaphore(%arg16 : memref<!tpu.dma_semaphore, #tpu.memory_space<semaphore_mem>>) src(%dma_wait3A_260 : memref<80x128xf32, #tpu.memory_space<hbm>>) dst(%arg8 : memref<80x128xf32, #tpu.memory_space<vmem>>)
        } else {
        }
        %dma_start3A_247 = arith.constant 0 : i32
        %dma_start3A_248 = arith.constant 0 : i32
        %dma_start3A_249 = arith.constant 0 : i32
        %dma_start3A_250 = tpu.memref_slice %arg7[%rem3A_128, %dma_start3A_247, %dma_start3A_248, %dma_start3A_249] : memref<4x2x4x80xi32, #tpu.memory_space<vmem>> -> memref<1x1x1x80xi32, #tpu.memory_space<vmem>>
        %dma_start3A_251 = tpu.memref_squeeze %dma_start3A_250 : memref<1x1x1x80xi32, #tpu.memory_space<vmem>> -> memref<80xi32, #tpu.memory_space<vmem>>
        %dma_start3A_252 = arith.constant 0 : i32
        %dma_start3A_253 = arith.constant 0 : i32
        %dma_start3A_254 = tpu.memref_slice %arg2[%dma_start3A_252, %dma_start3A_253] : memref<10000x128xf32, #tpu.memory_space<hbm>> -> memref<10000x128xf32, #tpu.memory_space<hbm>>
        tpu.enqueue_indirect_dma source(%dma_start3A_254 : memref<10000x128xf32, #tpu.memory_space<hbm>>) target(%arg8 : memref<80x128xf32, #tpu.memory_space<vmem>>) offsets(%dma_start3A_251 : memref<80xi32, #tpu.memory_space<vmem>>) semaphore(%arg12 : memref<!tpu.dma_semaphore, #tpu.memory_space<semaphore_mem>>)
      } else {
      }
      %dma_wait3A_203 = arith.constant 0 : i32
      %dma_wait3A_204 = arith.constant 0 : i32
      %dma_wait3A_205 = tpu.memref_slice %arg2[%dma_wait3A_203, %dma_wait3A_204] : memref<10000x128xf32, #tpu.memory_space<hbm>> -> memref<80x128xf32, #tpu.memory_space<hbm>>
      %dma_wait3A_206 = arith.constant 0 : i32
      %dma_wait3A_207 = arith.constant 0 : i32
      %dma_wait3A_208 = tpu.memref_slice %arg2[%dma_wait3A_206, %dma_wait3A_207] : memref<10000x128xf32, #tpu.memory_space<hbm>> -> memref<80x128xf32, #tpu.memory_space<hbm>>
      tpu.wait_dma2 semaphore(%arg14 : memref<!tpu.dma_semaphore, #tpu.memory_space<semaphore_mem>>) src(%dma_wait3A_208 : memref<80x128xf32, #tpu.memory_space<hbm>>) dst(%arg10 : memref<80x128xf32, #tpu.memory_space<vmem>>)
      %dma_start3A_209 = arith.constant 1 : i32
      %dma_start3A_210 = arith.constant 2 : i32
      %dma_start3A_211 = arith.constant 0 : i32
      %dma_start3A_212 = tpu.memref_slice %arg7[%rem3A_124, %dma_start3A_209, %dma_start3A_210, %dma_start3A_211] : memref<4x2x4x80xi32, #tpu.memory_space<vmem>> -> memref<1x1x1x80xi32, #tpu.memory_space<vmem>>
      %dma_start3A_213 = tpu.memref_squeeze %dma_start3A_212 : memref<1x1x1x80xi32, #tpu.memory_space<vmem>> -> memref<80xi32, #tpu.memory_space<vmem>>
      %dma_start3A_214 = arith.constant 0 : i32
      %dma_start3A_215 = arith.constant 0 : i32
      %dma_start3A_216 = tpu.memref_slice %arg6[%dma_start3A_214, %dma_start3A_215] : memref<10000x128xf32, #tpu.memory_space<vmem_shared>> -> memref<10000x128xf32, #tpu.memory_space<vmem_shared>>
      tpu.enqueue_indirect_dma source(%arg10 : memref<80x128xf32, #tpu.memory_space<vmem>>) target(%dma_start3A_216 : memref<10000x128xf32, #tpu.memory_space<vmem_shared>>) offsets(%dma_start3A_213 : memref<80xi32, #tpu.memory_space<vmem>>) semaphore(%arg18 : memref<!tpu.dma_semaphore, #tpu.memory_space<semaphore_mem>>) {add = true}
      %mul3A_217 = arith.constant 4 : i32
      %mul3A_218 = arith.muli %add3A_123, %mul3A_217 : i32
      %add3A_219 = arith.constant 3 : i32
      %add3A_220 = arith.addi %mul3A_218, %add3A_219 : i32
      %add3A_221 = arith.constant 2 : i32
      %add3A_222 = arith.addi %add3A_220, %add3A_221 : i32
      %lt3A_223 = arith.constant 124 : i32
      %lt3A_224 = arith.cmpi slt, %add3A_222, %lt3A_223 : i32
      %convert_element_type3A_225 = arith.extui %lt3A_224 : i1 to i32
      %cond3A_226 = arith.constant 0 : i32
      %cond3A_227 = arith.cmpi ne, %convert_element_type3A_225, %cond3A_226 : i32
      scf.if %cond3A_227 {
        %ge3A_242 = arith.constant 4 : i32
        %ge3A_243 = arith.cmpi sge, %add3A_222, %ge3A_242 : i32
        %convert_element_type3A_244 = arith.extui %ge3A_243 : i1 to i32
        %cond3A_245 = arith.constant 0 : i32
        %cond3A_246 = arith.cmpi ne, %convert_element_type3A_244, %cond3A_245 : i32
        scf.if %cond3A_246 {
          %dma_wait3A_255 = arith.constant 0 : i32
          %dma_wait3A_256 = arith.constant 0 : i32
          %dma_wait3A_257 = tpu.memref_slice %arg2[%dma_wait3A_255, %dma_wait3A_256] : memref<10000x128xf32, #tpu.memory_space<hbm>> -> memref<80x128xf32, #tpu.memory_space<hbm>>
          %dma_wait3A_258 = arith.constant 0 : i32
          %dma_wait3A_259 = arith.constant 0 : i32
          %dma_wait3A_260 = tpu.memref_slice %arg2[%dma_wait3A_258, %dma_wait3A_259] : memref<10000x128xf32, #tpu.memory_space<hbm>> -> memref<80x128xf32, #tpu.memory_space<hbm>>
          tpu.wait_dma2 semaphore(%arg17 : memref<!tpu.dma_semaphore, #tpu.memory_space<semaphore_mem>>) src(%dma_wait3A_260 : memref<80x128xf32, #tpu.memory_space<hbm>>) dst(%arg9 : memref<80x128xf32, #tpu.memory_space<vmem>>)
        } else {
        }
        %dma_start3A_247 = arith.constant 0 : i32
        %dma_start3A_248 = arith.constant 1 : i32
        %dma_start3A_249 = arith.constant 0 : i32
        %dma_start3A_250 = tpu.memref_slice %arg7[%rem3A_128, %dma_start3A_247, %dma_start3A_248, %dma_start3A_249] : memref<4x2x4x80xi32, #tpu.memory_space<vmem>> -> memref<1x1x1x80xi32, #tpu.memory_space<vmem>>
        %dma_start3A_251 = tpu.memref_squeeze %dma_start3A_250 : memref<1x1x1x80xi32, #tpu.memory_space<vmem>> -> memref<80xi32, #tpu.memory_space<vmem>>
        %dma_start3A_252 = arith.constant 0 : i32
        %dma_start3A_253 = arith.constant 0 : i32
        %dma_start3A_254 = tpu.memref_slice %arg2[%dma_start3A_252, %dma_start3A_253] : memref<10000x128xf32, #tpu.memory_space<hbm>> -> memref<10000x128xf32, #tpu.memory_space<hbm>>
        tpu.enqueue_indirect_dma source(%dma_start3A_254 : memref<10000x128xf32, #tpu.memory_space<hbm>>) target(%arg9 : memref<80x128xf32, #tpu.memory_space<vmem>>) offsets(%dma_start3A_251 : memref<80xi32, #tpu.memory_space<vmem>>) semaphore(%arg13 : memref<!tpu.dma_semaphore, #tpu.memory_space<semaphore_mem>>)
      } else {
      }
      %dma_wait3A_228 = arith.constant 0 : i32
      %dma_wait3A_229 = arith.constant 0 : i32
      %dma_wait3A_230 = tpu.memref_slice %arg2[%dma_wait3A_228, %dma_wait3A_229] : memref<10000x128xf32, #tpu.memory_space<hbm>> -> memref<80x128xf32, #tpu.memory_space<hbm>>
      %dma_wait3A_231 = arith.constant 0 : i32
      %dma_wait3A_232 = arith.constant 0 : i32
      %dma_wait3A_233 = tpu.memref_slice %arg2[%dma_wait3A_231, %dma_wait3A_232] : memref<10000x128xf32, #tpu.memory_space<hbm>> -> memref<80x128xf32, #tpu.memory_space<hbm>>
      tpu.wait_dma2 semaphore(%arg15 : memref<!tpu.dma_semaphore, #tpu.memory_space<semaphore_mem>>) src(%dma_wait3A_233 : memref<80x128xf32, #tpu.memory_space<hbm>>) dst(%arg11 : memref<80x128xf32, #tpu.memory_space<vmem>>)
      %dma_start3A_234 = arith.constant 1 : i32
      %dma_start3A_235 = arith.constant 3 : i32
      %dma_start3A_236 = arith.constant 0 : i32
      %dma_start3A_237 = tpu.memref_slice %arg7[%rem3A_124, %dma_start3A_234, %dma_start3A_235, %dma_start3A_236] : memref<4x2x4x80xi32, #tpu.memory_space<vmem>> -> memref<1x1x1x80xi32, #tpu.memory_space<vmem>>
      %dma_start3A_238 = tpu.memref_squeeze %dma_start3A_237 : memref<1x1x1x80xi32, #tpu.memory_space<vmem>> -> memref<80xi32, #tpu.memory_space<vmem>>
      %dma_start3A_239 = arith.constant 0 : i32
      %dma_start3A_240 = arith.constant 0 : i32
      %dma_start3A_241 = tpu.memref_slice %arg6[%dma_start3A_239, %dma_start3A_240] : memref<10000x128xf32, #tpu.memory_space<vmem_shared>> -> memref<10000x128xf32, #tpu.memory_space<vmem_shared>>
      tpu.enqueue_indirect_dma source(%arg11 : memref<80x128xf32, #tpu.memory_space<vmem>>) target(%dma_start3A_241 : memref<10000x128xf32, #tpu.memory_space<vmem_shared>>) offsets(%dma_start3A_238 : memref<80xi32, #tpu.memory_space<vmem>>) semaphore(%arg19 : memref<!tpu.dma_semaphore, #tpu.memory_space<semaphore_mem>>) {add = true}
    }
    %scan3A_58 = arith.constant 31 : i32
    %dma_wait3A = arith.constant 0 : i32
    %dma_wait3A_59 = arith.constant 0 : i32
    %dma_wait3A_60 = tpu.memref_slice %arg2[%dma_wait3A, %dma_wait3A_59] : memref<10000x128xf32, #tpu.memory_space<hbm>> -> memref<80x128xf32, #tpu.memory_space<hbm>>
    %dma_wait3A_61 = arith.constant 0 : i32
    %dma_wait3A_62 = arith.constant 0 : i32
    %dma_wait3A_63 = tpu.memref_slice %arg2[%dma_wait3A_61, %dma_wait3A_62] : memref<10000x128xf32, #tpu.memory_space<hbm>> -> memref<80x128xf32, #tpu.memory_space<hbm>>
    tpu.wait_dma2 semaphore(%arg16 : memref<!tpu.dma_semaphore, #tpu.memory_space<semaphore_mem>>) src(%dma_wait3A_63 : memref<80x128xf32, #tpu.memory_space<hbm>>) dst(%arg8 : memref<80x128xf32, #tpu.memory_space<vmem>>)
    %dma_start3A_64 = arith.constant 3 : i32
    %dma_start3A_65 = arith.constant 0 : i32
    %dma_start3A_66 = arith.constant 0 : i32
    %dma_start3A_67 = arith.constant 0 : i32
    %dma_start3A_68 = tpu.memref_slice %arg7[%dma_start3A_64, %dma_start3A_65, %dma_start3A_66, %dma_start3A_67] : memref<4x2x4x80xi32, #tpu.memory_space<vmem>> -> memref<1x1x1x80xi32, #tpu.memory_space<vmem>>
    %dma_start3A_69 = tpu.memref_squeeze %dma_start3A_68 : memref<1x1x1x80xi32, #tpu.memory_space<vmem>> -> memref<80xi32, #tpu.memory_space<vmem>>
    %dma_start3A_70 = arith.constant 0 : i32
    %dma_start3A_71 = arith.constant 0 : i32
    %dma_start3A_72 = tpu.memref_slice %arg2[%dma_start3A_70, %dma_start3A_71] : memref<10000x128xf32, #tpu.memory_space<hbm>> -> memref<10000x128xf32, #tpu.memory_space<hbm>>
    tpu.enqueue_indirect_dma source(%dma_start3A_72 : memref<10000x128xf32, #tpu.memory_space<hbm>>) target(%arg8 : memref<80x128xf32, #tpu.memory_space<vmem>>) offsets(%dma_start3A_69 : memref<80xi32, #tpu.memory_space<vmem>>) semaphore(%arg12 : memref<!tpu.dma_semaphore, #tpu.memory_space<semaphore_mem>>)
    %dma_wait3A_73 = arith.constant 0 : i32
    %dma_wait3A_74 = arith.constant 0 : i32
    %dma_wait3A_75 = tpu.memref_slice %arg2[%dma_wait3A_73, %dma_wait3A_74] : memref<10000x128xf32, #tpu.memory_space<hbm>> -> memref<80x128xf32, #tpu.memory_space<hbm>>
    %dma_wait3A_76 = arith.constant 0 : i32
    %dma_wait3A_77 = arith.constant 0 : i32
    %dma_wait3A_78 = tpu.memref_slice %arg2[%dma_wait3A_76, %dma_wait3A_77] : memref<10000x128xf32, #tpu.memory_space<hbm>> -> memref<80x128xf32, #tpu.memory_space<hbm>>
    tpu.wait_dma2 semaphore(%arg12 : memref<!tpu.dma_semaphore, #tpu.memory_space<semaphore_mem>>) src(%dma_wait3A_78 : memref<80x128xf32, #tpu.memory_space<hbm>>) dst(%arg8 : memref<80x128xf32, #tpu.memory_space<vmem>>)
    %dma_start3A_79 = arith.constant 3 : i32
    %dma_start3A_80 = arith.constant 1 : i32
    %dma_start3A_81 = arith.constant 0 : i32
    %dma_start3A_82 = arith.constant 0 : i32
    %dma_start3A_83 = tpu.memref_slice %arg7[%dma_start3A_79, %dma_start3A_80, %dma_start3A_81, %dma_start3A_82] : memref<4x2x4x80xi32, #tpu.memory_space<vmem>> -> memref<1x1x1x80xi32, #tpu.memory_space<vmem>>
    %dma_start3A_84 = tpu.memref_squeeze %dma_start3A_83 : memref<1x1x1x80xi32, #tpu.memory_space<vmem>> -> memref<80xi32, #tpu.memory_space<vmem>>
    %dma_start3A_85 = arith.constant 0 : i32
    %dma_start3A_86 = arith.constant 0 : i32
    %dma_start3A_87 = tpu.memref_slice %arg6[%dma_start3A_85, %dma_start3A_86] : memref<10000x128xf32, #tpu.memory_space<vmem_shared>> -> memref<10000x128xf32, #tpu.memory_space<vmem_shared>>
    tpu.enqueue_indirect_dma source(%arg8 : memref<80x128xf32, #tpu.memory_space<vmem>>) target(%dma_start3A_87 : memref<10000x128xf32, #tpu.memory_space<vmem_shared>>) offsets(%dma_start3A_84 : memref<80xi32, #tpu.memory_space<vmem>>) semaphore(%arg16 : memref<!tpu.dma_semaphore, #tpu.memory_space<semaphore_mem>>) {add = true}
    %dma_wait3A_88 = arith.constant 0 : i32
    %dma_wait3A_89 = arith.constant 0 : i32
    %dma_wait3A_90 = tpu.memref_slice %arg2[%dma_wait3A_88, %dma_wait3A_89] : memref<10000x128xf32, #tpu.memory_space<hbm>> -> memref<80x128xf32, #tpu.memory_space<hbm>>
    %dma_wait3A_91 = arith.constant 0 : i32
    %dma_wait3A_92 = arith.constant 0 : i32
    %dma_wait3A_93 = tpu.memref_slice %arg2[%dma_wait3A_91, %dma_wait3A_92] : memref<10000x128xf32, #tpu.memory_space<hbm>> -> memref<80x128xf32, #tpu.memory_space<hbm>>
    tpu.wait_dma2 semaphore(%arg17 : memref<!tpu.dma_semaphore, #tpu.memory_space<semaphore_mem>>) src(%dma_wait3A_93 : memref<80x128xf32, #tpu.memory_space<hbm>>) dst(%arg9 : memref<80x128xf32, #tpu.memory_space<vmem>>)
    %dma_wait3A_94 = arith.constant 0 : i32
    %dma_wait3A_95 = arith.constant 0 : i32
    %dma_wait3A_96 = tpu.memref_slice %arg2[%dma_wait3A_94, %dma_wait3A_95] : memref<10000x128xf32, #tpu.memory_space<hbm>> -> memref<80x128xf32, #tpu.memory_space<hbm>>
    %dma_wait3A_97 = arith.constant 0 : i32
    %dma_wait3A_98 = arith.constant 0 : i32
    %dma_wait3A_99 = tpu.memref_slice %arg2[%dma_wait3A_97, %dma_wait3A_98] : memref<10000x128xf32, #tpu.memory_space<hbm>> -> memref<80x128xf32, #tpu.memory_space<hbm>>
    tpu.wait_dma2 semaphore(%arg18 : memref<!tpu.dma_semaphore, #tpu.memory_space<semaphore_mem>>) src(%dma_wait3A_99 : memref<80x128xf32, #tpu.memory_space<hbm>>) dst(%arg10 : memref<80x128xf32, #tpu.memory_space<vmem>>)
    %dma_wait3A_100 = arith.constant 0 : i32
    %dma_wait3A_101 = arith.constant 0 : i32
    %dma_wait3A_102 = tpu.memref_slice %arg2[%dma_wait3A_100, %dma_wait3A_101] : memref<10000x128xf32, #tpu.memory_space<hbm>> -> memref<80x128xf32, #tpu.memory_space<hbm>>
    %dma_wait3A_103 = arith.constant 0 : i32
    %dma_wait3A_104 = arith.constant 0 : i32
    %dma_wait3A_105 = tpu.memref_slice %arg2[%dma_wait3A_103, %dma_wait3A_104] : memref<10000x128xf32, #tpu.memory_space<hbm>> -> memref<80x128xf32, #tpu.memory_space<hbm>>
    tpu.wait_dma2 semaphore(%arg19 : memref<!tpu.dma_semaphore, #tpu.memory_space<semaphore_mem>>) src(%dma_wait3A_105 : memref<80x128xf32, #tpu.memory_space<hbm>>) dst(%arg11 : memref<80x128xf32, #tpu.memory_space<vmem>>)
    %dma_wait3A_106 = arith.constant 0 : i32
    %dma_wait3A_107 = arith.constant 0 : i32
    %dma_wait3A_108 = tpu.memref_slice %arg2[%dma_wait3A_106, %dma_wait3A_107] : memref<10000x128xf32, #tpu.memory_space<hbm>> -> memref<80x128xf32, #tpu.memory_space<hbm>>
    %dma_wait3A_109 = arith.constant 0 : i32
    %dma_wait3A_110 = arith.constant 0 : i32
    %dma_wait3A_111 = tpu.memref_slice %arg2[%dma_wait3A_109, %dma_wait3A_110] : memref<10000x128xf32, #tpu.memory_space<hbm>> -> memref<80x128xf32, #tpu.memory_space<hbm>>
    tpu.wait_dma2 semaphore(%arg16 : memref<!tpu.dma_semaphore, #tpu.memory_space<semaphore_mem>>) src(%dma_wait3A_111 : memref<80x128xf32, #tpu.memory_space<hbm>>) dst(%arg8 : memref<80x128xf32, #tpu.memory_space<vmem>>)
    %barrier3A_112 = arith.constant 0 : index
    tpu.barrier barrier_id(%barrier3A_112)
    %lt3A = arith.constant 15 : i32
    %lt3A_113 = arith.cmpi slt, %arg1, %lt3A : i32
    %convert_element_type3A = arith.extui %lt3A_113 : i1 to i32
    %cond3A = arith.constant 0 : i32
    %cond3A_114 = arith.cmpi ne, %convert_element_type3A, %cond3A : i32
    scf.if %cond3A_114 {
      %mul3A_119 = arith.constant 632 : i32
      %mul3A_120 = arith.muli %arg1, %mul3A_119 : i32
      %add3A_121 = arith.constant 0 : i32
      %add3A_122 = arith.addi %add3A_121, %mul3A_120 : i32
      %eq3A_123 = arith.constant 0 : i32
      %eq3A_124 = arith.cmpi eq, %arg0, %eq3A_123 : i32
      %convert_element_type3A_125 = arith.extui %eq3A_124 : i1 to i32
      %cond3A_126 = arith.constant 0 : i32
      %cond3A_127 = arith.cmpi ne, %convert_element_type3A_125, %cond3A_126 : i32
      scf.if %cond3A_127 {
        "tpu.region"() ({
          %run_scoped3A_133 = tpu.sem_alloc : memref<!tpu.dma_semaphore, #tpu.memory_space<semaphore_mem>>
          %dma_start3A_134 = arith.constant 0 : i32
          %dma_start3A_135 = tpu.memref_slice %arg4[%add3A_122, %dma_start3A_134] : memref<10000x128xf32, #tpu.memory_space<hbm>> -> memref<632x128xf32, #tpu.memory_space<hbm>>
          %dma_start3A_136 = arith.constant 0 : i32
          %dma_start3A_137 = tpu.memref_slice %arg6[%add3A_122, %dma_start3A_136] : memref<10000x128xf32, #tpu.memory_space<vmem_shared>> -> memref<632x128xf32, #tpu.memory_space<vmem_shared>>
          tpu.enqueue_dma source(%dma_start3A_137 : memref<632x128xf32, #tpu.memory_space<vmem_shared>>) target(%dma_start3A_135 : memref<632x128xf32, #tpu.memory_space<hbm>>) target_semaphore(%run_scoped3A_133 : memref<!tpu.dma_semaphore, #tpu.memory_space<semaphore_mem>>)
          %dma_wait3A_138 = arith.constant 0 : i32
          %dma_wait3A_139 = tpu.memref_slice %arg4[%add3A_122, %dma_wait3A_138] : memref<10000x128xf32, #tpu.memory_space<hbm>> -> memref<632x128xf32, #tpu.memory_space<hbm>>
          %dma_wait3A_140 = arith.constant 0 : i32
          %dma_wait3A_141 = tpu.memref_slice %arg6[%add3A_122, %dma_wait3A_140] : memref<10000x128xf32, #tpu.memory_space<vmem_shared>> -> memref<632x128xf32, #tpu.memory_space<vmem_shared>>
          tpu.wait_dma2 semaphore(%run_scoped3A_133 : memref<!tpu.dma_semaphore, #tpu.memory_space<semaphore_mem>>) src(%dma_wait3A_141 : memref<632x128xf32, #tpu.memory_space<vmem_shared>>) dst(%dma_wait3A_139 : memref<632x128xf32, #tpu.memory_space<hbm>>)
          tpu.yield
        }) : () -> ()
      } else {
      }
      %eq3A_128 = arith.constant 1 : i32
      %eq3A_129 = arith.cmpi eq, %arg0, %eq3A_128 : i32
      %convert_element_type3A_130 = arith.extui %eq3A_129 : i1 to i32
      %cond3A_131 = arith.constant 0 : i32
      %cond3A_132 = arith.cmpi ne, %convert_element_type3A_130, %cond3A_131 : i32
      scf.if %cond3A_132 {
        "tpu.region"() ({
          %run_scoped3A_133 = tpu.sem_alloc : memref<!tpu.dma_semaphore, #tpu.memory_space<semaphore_mem>>
          %dma_start3A_134 = arith.constant 0 : i32
          %dma_start3A_135 = tpu.memref_slice %arg5[%add3A_122, %dma_start3A_134] : memref<10000x128xf32, #tpu.memory_space<hbm>> -> memref<632x128xf32, #tpu.memory_space<hbm>>
          %dma_start3A_136 = arith.constant 0 : i32
          %dma_start3A_137 = tpu.memref_slice %arg6[%add3A_122, %dma_start3A_136] : memref<10000x128xf32, #tpu.memory_space<vmem_shared>> -> memref<632x128xf32, #tpu.memory_space<vmem_shared>>
          tpu.enqueue_dma source(%dma_start3A_137 : memref<632x128xf32, #tpu.memory_space<vmem_shared>>) target(%dma_start3A_135 : memref<632x128xf32, #tpu.memory_space<hbm>>) target_semaphore(%run_scoped3A_133 : memref<!tpu.dma_semaphore, #tpu.memory_space<semaphore_mem>>)
          %dma_wait3A_138 = arith.constant 0 : i32
          %dma_wait3A_139 = tpu.memref_slice %arg5[%add3A_122, %dma_wait3A_138] : memref<10000x128xf32, #tpu.memory_space<hbm>> -> memref<632x128xf32, #tpu.memory_space<hbm>>
          %dma_wait3A_140 = arith.constant 0 : i32
          %dma_wait3A_141 = tpu.memref_slice %arg6[%add3A_122, %dma_wait3A_140] : memref<10000x128xf32, #tpu.memory_space<vmem_shared>> -> memref<632x128xf32, #tpu.memory_space<vmem_shared>>
          tpu.wait_dma2 semaphore(%run_scoped3A_133 : memref<!tpu.dma_semaphore, #tpu.memory_space<semaphore_mem>>) src(%dma_wait3A_141 : memref<632x128xf32, #tpu.memory_space<vmem_shared>>) dst(%dma_wait3A_139 : memref<632x128xf32, #tpu.memory_space<hbm>>)
          tpu.yield
        }) : () -> ()
      } else {
      }
    } else {
    }
    %eq3A = arith.constant 15 : i32
    %eq3A_115 = arith.cmpi eq, %arg1, %eq3A : i32
    %convert_element_type3A_116 = arith.extui %eq3A_115 : i1 to i32
    %cond3A_117 = arith.constant 0 : i32
    %cond3A_118 = arith.cmpi ne, %convert_element_type3A_116, %cond3A_117 : i32
    scf.if %cond3A_118 {
      %eq3A_119 = arith.constant 0 : i32
      %eq3A_120 = arith.cmpi eq, %arg0, %eq3A_119 : i32
      %convert_element_type3A_121 = arith.extui %eq3A_120 : i1 to i32
      %cond3A_122 = arith.constant 0 : i32
      %cond3A_123 = arith.cmpi ne, %convert_element_type3A_121, %cond3A_122 : i32
      scf.if %cond3A_123 {
        "tpu.region"() ({
          %run_scoped3A_129 = tpu.sem_alloc : memref<!tpu.dma_semaphore, #tpu.memory_space<semaphore_mem>>
          %dma_start3A_130 = arith.constant 9480 : i32
          %dma_start3A_131 = arith.constant 0 : i32
          %dma_start3A_132 = tpu.memref_slice %arg4[%dma_start3A_130, %dma_start3A_131] : memref<10000x128xf32, #tpu.memory_space<hbm>> -> memref<520x128xf32, #tpu.memory_space<hbm>>
          %dma_start3A_133 = arith.constant 9480 : i32
          %dma_start3A_134 = arith.constant 0 : i32
          %dma_start3A_135 = tpu.memref_slice %arg6[%dma_start3A_133, %dma_start3A_134] : memref<10000x128xf32, #tpu.memory_space<vmem_shared>> -> memref<520x128xf32, #tpu.memory_space<vmem_shared>>
          tpu.enqueue_dma source(%dma_start3A_135 : memref<520x128xf32, #tpu.memory_space<vmem_shared>>) target(%dma_start3A_132 : memref<520x128xf32, #tpu.memory_space<hbm>>) target_semaphore(%run_scoped3A_129 : memref<!tpu.dma_semaphore, #tpu.memory_space<semaphore_mem>>)
          %dma_wait3A_136 = arith.constant 9480 : i32
          %dma_wait3A_137 = arith.constant 0 : i32
          %dma_wait3A_138 = tpu.memref_slice %arg4[%dma_wait3A_136, %dma_wait3A_137] : memref<10000x128xf32, #tpu.memory_space<hbm>> -> memref<520x128xf32, #tpu.memory_space<hbm>>
          %dma_wait3A_139 = arith.constant 9480 : i32
          %dma_wait3A_140 = arith.constant 0 : i32
          %dma_wait3A_141 = tpu.memref_slice %arg6[%dma_wait3A_139, %dma_wait3A_140] : memref<10000x128xf32, #tpu.memory_space<vmem_shared>> -> memref<520x128xf32, #tpu.memory_space<vmem_shared>>
          tpu.wait_dma2 semaphore(%run_scoped3A_129 : memref<!tpu.dma_semaphore, #tpu.memory_space<semaphore_mem>>) src(%dma_wait3A_141 : memref<520x128xf32, #tpu.memory_space<vmem_shared>>) dst(%dma_wait3A_138 : memref<520x128xf32, #tpu.memory_space<hbm>>)
          tpu.yield
        }) : () -> ()
      } else {
      }
      %eq3A_124 = arith.constant 1 : i32
      %eq3A_125 = arith.cmpi eq, %arg0, %eq3A_124 : i32
      %convert_element_type3A_126 = arith.extui %eq3A_125 : i1 to i32
      %cond3A_127 = arith.constant 0 : i32
      %cond3A_128 = arith.cmpi ne, %convert_element_type3A_126, %cond3A_127 : i32
      scf.if %cond3A_128 {
        "tpu.region"() ({
          %run_scoped3A_129 = tpu.sem_alloc : memref<!tpu.dma_semaphore, #tpu.memory_space<semaphore_mem>>
          %dma_start3A_130 = arith.constant 9480 : i32
          %dma_start3A_131 = arith.constant 0 : i32
          %dma_start3A_132 = tpu.memref_slice %arg5[%dma_start3A_130, %dma_start3A_131] : memref<10000x128xf32, #tpu.memory_space<hbm>> -> memref<520x128xf32, #tpu.memory_space<hbm>>
          %dma_start3A_133 = arith.constant 9480 : i32
          %dma_start3A_134 = arith.constant 0 : i32
          %dma_start3A_135 = tpu.memref_slice %arg6[%dma_start3A_133, %dma_start3A_134] : memref<10000x128xf32, #tpu.memory_space<vmem_shared>> -> memref<520x128xf32, #tpu.memory_space<vmem_shared>>
          tpu.enqueue_dma source(%dma_start3A_135 : memref<520x128xf32, #tpu.memory_space<vmem_shared>>) target(%dma_start3A_132 : memref<520x128xf32, #tpu.memory_space<hbm>>) target_semaphore(%run_scoped3A_129 : memref<!tpu.dma_semaphore, #tpu.memory_space<semaphore_mem>>)
          %dma_wait3A_136 = arith.constant 9480 : i32
          %dma_wait3A_137 = arith.constant 0 : i32
          %dma_wait3A_138 = tpu.memref_slice %arg5[%dma_wait3A_136, %dma_wait3A_137] : memref<10000x128xf32, #tpu.memory_space<hbm>> -> memref<520x128xf32, #tpu.memory_space<hbm>>
          %dma_wait3A_139 = arith.constant 9480 : i32
          %dma_wait3A_140 = arith.constant 0 : i32
          %dma_wait3A_141 = tpu.memref_slice %arg6[%dma_wait3A_139, %dma_wait3A_140] : memref<10000x128xf32, #tpu.memory_space<vmem_shared>> -> memref<520x128xf32, #tpu.memory_space<vmem_shared>>
          tpu.wait_dma2 semaphore(%run_scoped3A_129 : memref<!tpu.dma_semaphore, #tpu.memory_space<semaphore_mem>>) src(%dma_wait3A_141 : memref<520x128xf32, #tpu.memory_space<vmem_shared>>) dst(%dma_wait3A_138 : memref<520x128xf32, #tpu.memory_space<hbm>>)
          tpu.yield
        }) : () -> ()
      } else {
      }
    } else {
    }
    return
  }
}

#map = affine_map<(d0, d1) -> (0, 0, 0, 0)>
#map1 = affine_map<(d0, d1) -> (0, 0)>
module attributes {stable_mosaic.version = 14 : i64} {
  func.func @_sc_hist_body(%arg0: i32, %arg1: i32, %arg2: memref<2x32x125x80xi32, #tpu.memory_space<hbm>>, %arg3: memref<10000x16xf32, #tpu.memory_space<hbm>>, %arg4: memref<10000x16xf32, #tpu.memory_space<hbm>>, %arg5: memref<10000x16xf32, #tpu.memory_space<vmem_shared>>, %arg6: memref<125x80xi32, #tpu.memory_space<vmem>>, %arg7: memref<80x16xf32, #tpu.memory_space<vmem>>, %arg8: memref<125x16xf32, #tpu.memory_space<vmem>>, %arg9: memref<!tpu.dma_semaphore, #tpu.memory_space<semaphore_mem>>, %arg10: memref<!tpu.dma_semaphore, #tpu.memory_space<semaphore_mem>>, %arg11: memref<!tpu.dma_semaphore, #tpu.memory_space<semaphore_mem>>, %arg12: memref<!tpu.dma_semaphore, #tpu.memory_space<semaphore_mem>>, %arg13: memref<!tpu.dma_semaphore, #tpu.memory_space<semaphore_mem>>) attributes {dimension_semantics = [#tpu.dimension_semantics<core_parallel>, #tpu.dimension_semantics<subcore_parallel>], iteration_bounds = array<i64: 2, 16>, scalar_prefetch = 0 : i64, scratch_operands = 9 : i64, tpu.core_type = #tpu.core_type<sc_vector_subcore>, window_params = [{transform_indices = #map}, {transform_indices = #map1}, {transform_indices = #map1}]} {
    %mul3A = arith.constant 2 : i32
    %mul3A_0 = arith.muli %arg1, %mul3A : i32
    %add3A = arith.addi %mul3A_0, %arg0 : i32
    %scan3A = arith.constant 0 : i32
    %scan3A_1 = arith.constant 80 : i32
    %scan3A_2 = arith.addi %scan3A, %scan3A_1 : i32
    %scan3A_3 = arith.constant 1 : i32
    scf.for %scan3A_27 = %scan3A to %scan3A_2 step %scan3A_3  : i32 {
      %mul3A_28 = arith.constant 1 : i32
      %mul3A_29 = arith.muli %scan3A_27, %mul3A_28 : i32
      %add3A_30 = arith.constant 0 : i32
      %add3A_31 = arith.addi %add3A_30, %mul3A_29 : i32
      %broadcast_in_dim3A = arith.constant 1.000000e+00 : f32
      %broadcast_in_dim3A_32 = vector.broadcast %broadcast_in_dim3A : f32 to vector<16xf32>
      %swap3A = arith.index_cast %add3A_31 : i32 to index
      %swap3A_33 = arith.constant 0 : index
      %swap3A_34 = tpu.vector_load %arg7[%swap3A, %swap3A_33] {strides = array<i32>} : memref<80x16xf32, #tpu.memory_space<vmem>>, vector<1x16xf32>,
      %swap3A_35 = vector.shape_cast %swap3A_34 : vector<1x16xf32> to vector<16xf32>
      %swap3A_36 = vector.shape_cast %broadcast_in_dim3A_32 : vector<16xf32> to vector<1x16xf32>
      tpu.vector_store %arg7[%swap3A, %swap3A_33], %swap3A_36 {strides = array<i32>} : memref<80x16xf32, #tpu.memory_space<vmem>>, vector<1x16xf32>,
    }
    %scan3A_4 = arith.constant 80 : i32
    %scan3A_5 = arith.constant 0 : i32
    %scan3A_6 = arith.constant 125 : i32
    %scan3A_7 = arith.addi %scan3A_5, %scan3A_6 : i32
    %scan3A_8 = arith.constant 1 : i32
    scf.for %scan3A_27 = %scan3A_5 to %scan3A_7 step %scan3A_8  : i32 {
      %mul3A_28 = arith.constant 1 : i32
      %mul3A_29 = arith.muli %scan3A_27, %mul3A_28 : i32
      %add3A_30 = arith.constant 0 : i32
      %add3A_31 = arith.addi %add3A_30, %mul3A_29 : i32
      %broadcast_in_dim3A = arith.constant 0.000000e+00 : f32
      %broadcast_in_dim3A_32 = vector.broadcast %broadcast_in_dim3A : f32 to vector<16xf32>
      %swap3A = arith.index_cast %add3A_31 : i32 to index
      %swap3A_33 = arith.constant 0 : index
      %swap3A_34 = tpu.vector_load %arg8[%swap3A, %swap3A_33] {strides = array<i32>} : memref<125x16xf32, #tpu.memory_space<vmem>>, vector<1x16xf32>,
      %swap3A_35 = vector.shape_cast %swap3A_34 : vector<1x16xf32> to vector<16xf32>
      %swap3A_36 = vector.shape_cast %broadcast_in_dim3A_32 : vector<16xf32> to vector<1x16xf32>
      tpu.vector_store %arg8[%swap3A, %swap3A_33], %swap3A_36 {strides = array<i32>} : memref<125x16xf32, #tpu.memory_space<vmem>>, vector<1x16xf32>,
    }
    %scan3A_9 = arith.constant 125 : i32
    %scan3A_10 = arith.constant 0 : i32
    %scan3A_11 = arith.constant 5 : i32
    %scan3A_12 = arith.addi %scan3A_10, %scan3A_11 : i32
    %scan3A_13 = arith.constant 1 : i32
    scf.for %scan3A_27 = %scan3A_10 to %scan3A_12 step %scan3A_13  : i32 {
      %mul3A_28 = arith.constant 1 : i32
      %mul3A_29 = arith.muli %scan3A_27, %mul3A_28 : i32
      %add3A_30 = arith.constant 0 : i32
      %add3A_31 = arith.addi %add3A_30, %mul3A_29 : i32
      %mul3A_32 = arith.constant 625 : i32
      %mul3A_33 = arith.muli %arg1, %mul3A_32 : i32
      %mul3A_34 = arith.constant 125 : i32
      %mul3A_35 = arith.muli %add3A_31, %mul3A_34 : i32
      %add3A_36 = arith.addi %mul3A_33, %mul3A_35 : i32
      "tpu.region"() ({
        %run_scoped3A_37 = tpu.sem_alloc : memref<!tpu.dma_semaphore, #tpu.memory_space<semaphore_mem>>
        %dma_start3A = arith.constant 0 : i32
        %dma_start3A_38 = tpu.memref_slice %arg5[%add3A_36, %dma_start3A] : memref<10000x16xf32, #tpu.memory_space<vmem_shared>> -> memref<125x16xf32, #tpu.memory_space<vmem_shared>>
        %dma_start3A_39 = arith.constant 0 : i32
        %dma_start3A_40 = tpu.memref_slice %arg5[%add3A_36, %dma_start3A_39] : memref<10000x16xf32, #tpu.memory_space<vmem_shared>> -> memref<125x16xf32, #tpu.memory_space<vmem_shared>>
        tpu.enqueue_dma source(%arg8 : memref<125x16xf32, #tpu.memory_space<vmem>>) target(%dma_start3A_40 : memref<125x16xf32, #tpu.memory_space<vmem_shared>>) target_semaphore(%run_scoped3A_37 : memref<!tpu.dma_semaphore, #tpu.memory_space<semaphore_mem>>)
        %dma_wait3A = arith.constant 0 : i32
        %dma_wait3A_41 = tpu.memref_slice %arg5[%add3A_36, %dma_wait3A] : memref<10000x16xf32, #tpu.memory_space<vmem_shared>> -> memref<125x16xf32, #tpu.memory_space<vmem_shared>>
        %dma_wait3A_42 = arith.constant 0 : i32
        %dma_wait3A_43 = tpu.memref_slice %arg5[%add3A_36, %dma_wait3A_42] : memref<10000x16xf32, #tpu.memory_space<vmem_shared>> -> memref<125x16xf32, #tpu.memory_space<vmem_shared>>
        tpu.wait_dma2 semaphore(%run_scoped3A_37 : memref<!tpu.dma_semaphore, #tpu.memory_space<semaphore_mem>>) src(%arg8 : memref<125x16xf32, #tpu.memory_space<vmem>>) dst(%dma_wait3A_43 : memref<125x16xf32, #tpu.memory_space<vmem_shared>>)
        tpu.yield
      }) : () -> ()
    }
    %scan3A_14 = arith.constant 5 : i32
    %run_scoped3A = arith.constant 1 : i32
    "tpu.region"() ({
      %run_scoped3A_27 = tpu.sem_alloc : memref<!tpu.dma_semaphore, #tpu.memory_space<semaphore_mem>>
      %dma_start3A = arith.constant 0 : i32
      %dma_start3A_28 = arith.constant 0 : i32
      %dma_start3A_29 = tpu.memref_slice %arg2[%run_scoped3A, %add3A, %dma_start3A, %dma_start3A_28] : memref<2x32x125x80xi32, #tpu.memory_space<hbm>> -> memref<1x1x125x80xi32, #tpu.memory_space<hbm>>
      %dma_start3A_30 = tpu.memref_squeeze %dma_start3A_29 : memref<1x1x125x80xi32, #tpu.memory_space<hbm>> -> memref<125x80xi32, #tpu.memory_space<hbm>>
      %dma_start3A_31 = arith.constant 0 : i32
      %dma_start3A_32 = arith.constant 0 : i32
      %dma_start3A_33 = tpu.memref_slice %arg2[%run_scoped3A, %add3A, %dma_start3A_31, %dma_start3A_32] : memref<2x32x125x80xi32, #tpu.memory_space<hbm>> -> memref<1x1x125x80xi32, #tpu.memory_space<hbm>>
      %dma_start3A_34 = tpu.memref_squeeze %dma_start3A_33 : memref<1x1x125x80xi32, #tpu.memory_space<hbm>> -> memref<125x80xi32, #tpu.memory_space<hbm>>
      tpu.enqueue_dma source(%dma_start3A_34 : memref<125x80xi32, #tpu.memory_space<hbm>>) target(%arg6 : memref<125x80xi32, #tpu.memory_space<vmem>>) target_semaphore(%run_scoped3A_27 : memref<!tpu.dma_semaphore, #tpu.memory_space<semaphore_mem>>)
      %dma_wait3A = arith.constant 0 : i32
      %dma_wait3A_35 = arith.constant 0 : i32
      %dma_wait3A_36 = tpu.memref_slice %arg2[%run_scoped3A, %add3A, %dma_wait3A, %dma_wait3A_35] : memref<2x32x125x80xi32, #tpu.memory_space<hbm>> -> memref<1x1x125x80xi32, #tpu.memory_space<hbm>>
      %dma_wait3A_37 = tpu.memref_squeeze %dma_wait3A_36 : memref<1x1x125x80xi32, #tpu.memory_space<hbm>> -> memref<125x80xi32, #tpu.memory_space<hbm>>
      %dma_wait3A_38 = arith.constant 0 : i32
      %dma_wait3A_39 = arith.constant 0 : i32
      %dma_wait3A_40 = tpu.memref_slice %arg2[%run_scoped3A, %add3A, %dma_wait3A_38, %dma_wait3A_39] : memref<2x32x125x80xi32, #tpu.memory_space<hbm>> -> memref<1x1x125x80xi32, #tpu.memory_space<hbm>>
      %dma_wait3A_41 = tpu.memref_squeeze %dma_wait3A_40 : memref<1x1x125x80xi32, #tpu.memory_space<hbm>> -> memref<125x80xi32, #tpu.memory_space<hbm>>
      tpu.wait_dma2 semaphore(%run_scoped3A_27 : memref<!tpu.dma_semaphore, #tpu.memory_space<semaphore_mem>>) src(%dma_wait3A_41 : memref<125x80xi32, #tpu.memory_space<hbm>>) dst(%arg6 : memref<125x80xi32, #tpu.memory_space<vmem>>)
      tpu.yield
    }) : () -> ()
    %barrier3A = arith.constant 0 : index
    tpu.barrier barrier_id(%barrier3A)
    %scan3A_15 = arith.constant 0 : i32
    %scan3A_16 = arith.constant 25 : i32
    %scan3A_17 = arith.addi %scan3A_15, %scan3A_16 : i32
    %scan3A_18 = arith.constant 1 : i32
    scf.for %scan3A_27 = %scan3A_15 to %scan3A_17 step %scan3A_18  : i32 {
      %mul3A_28 = arith.constant 1 : i32
      %mul3A_29 = arith.muli %scan3A_27, %mul3A_28 : i32
      %add3A_30 = arith.constant 0 : i32
      %add3A_31 = arith.addi %add3A_30, %mul3A_29 : i32
      %mul3A_32 = arith.constant 5 : i32
      %mul3A_33 = arith.muli %add3A_31, %mul3A_32 : i32
      %add3A_34 = arith.constant 0 : i32
      %add3A_35 = arith.addi %mul3A_33, %add3A_34 : i32
      %dma_start3A = arith.constant 0 : i32
      %dma_start3A_36 = tpu.memref_slice %arg6[%add3A_35, %dma_start3A] : memref<125x80xi32, #tpu.memory_space<vmem>> -> memref<1x80xi32, #tpu.memory_space<vmem>>
      %dma_start3A_37 = tpu.memref_squeeze %dma_start3A_36 : memref<1x80xi32, #tpu.memory_space<vmem>> -> memref<80xi32, #tpu.memory_space<vmem>>
      %dma_start3A_38 = arith.constant 0 : i32
      %dma_start3A_39 = arith.constant 0 : i32
      %dma_start3A_40 = tpu.memref_slice %arg5[%dma_start3A_38, %dma_start3A_39] : memref<10000x16xf32, #tpu.memory_space<vmem_shared>> -> memref<10000x16xf32, #tpu.memory_space<vmem_shared>>
      tpu.enqueue_indirect_dma source(%arg7 : memref<80x16xf32, #tpu.memory_space<vmem>>) target(%dma_start3A_40 : memref<10000x16xf32, #tpu.memory_space<vmem_shared>>) offsets(%dma_start3A_37 : memref<80xi32, #tpu.memory_space<vmem>>) semaphore(%arg9 : memref<!tpu.dma_semaphore, #tpu.memory_space<semaphore_mem>>) {add = true}
      %mul3A_41 = arith.constant 5 : i32
      %mul3A_42 = arith.muli %add3A_31, %mul3A_41 : i32
      %add3A_43 = arith.constant 1 : i32
      %add3A_44 = arith.addi %mul3A_42, %add3A_43 : i32
      %dma_start3A_45 = arith.constant 0 : i32
      %dma_start3A_46 = tpu.memref_slice %arg6[%add3A_44, %dma_start3A_45] : memref<125x80xi32, #tpu.memory_space<vmem>> -> memref<1x80xi32, #tpu.memory_space<vmem>>
      %dma_start3A_47 = tpu.memref_squeeze %dma_start3A_46 : memref<1x80xi32, #tpu.memory_space<vmem>> -> memref<80xi32, #tpu.memory_space<vmem>>
      %dma_start3A_48 = arith.constant 0 : i32
      %dma_start3A_49 = arith.constant 0 : i32
      %dma_start3A_50 = tpu.memref_slice %arg5[%dma_start3A_48, %dma_start3A_49] : memref<10000x16xf32, #tpu.memory_space<vmem_shared>> -> memref<10000x16xf32, #tpu.memory_space<vmem_shared>>
      tpu.enqueue_indirect_dma source(%arg7 : memref<80x16xf32, #tpu.memory_space<vmem>>) target(%dma_start3A_50 : memref<10000x16xf32, #tpu.memory_space<vmem_shared>>) offsets(%dma_start3A_47 : memref<80xi32, #tpu.memory_space<vmem>>) semaphore(%arg10 : memref<!tpu.dma_semaphore, #tpu.memory_space<semaphore_mem>>) {add = true}
      %mul3A_51 = arith.constant 5 : i32
      %mul3A_52 = arith.muli %add3A_31, %mul3A_51 : i32
      %add3A_53 = arith.constant 2 : i32
      %add3A_54 = arith.addi %mul3A_52, %add3A_53 : i32
      %dma_start3A_55 = arith.constant 0 : i32
      %dma_start3A_56 = tpu.memref_slice %arg6[%add3A_54, %dma_start3A_55] : memref<125x80xi32, #tpu.memory_space<vmem>> -> memref<1x80xi32, #tpu.memory_space<vmem>>
      %dma_start3A_57 = tpu.memref_squeeze %dma_start3A_56 : memref<1x80xi32, #tpu.memory_space<vmem>> -> memref<80xi32, #tpu.memory_space<vmem>>
      %dma_start3A_58 = arith.constant 0 : i32
      %dma_start3A_59 = arith.constant 0 : i32
      %dma_start3A_60 = tpu.memref_slice %arg5[%dma_start3A_58, %dma_start3A_59] : memref<10000x16xf32, #tpu.memory_space<vmem_shared>> -> memref<10000x16xf32, #tpu.memory_space<vmem_shared>>
      tpu.enqueue_indirect_dma source(%arg7 : memref<80x16xf32, #tpu.memory_space<vmem>>) target(%dma_start3A_60 : memref<10000x16xf32, #tpu.memory_space<vmem_shared>>) offsets(%dma_start3A_57 : memref<80xi32, #tpu.memory_space<vmem>>) semaphore(%arg11 : memref<!tpu.dma_semaphore, #tpu.memory_space<semaphore_mem>>) {add = true}
      %mul3A_61 = arith.constant 5 : i32
      %mul3A_62 = arith.muli %add3A_31, %mul3A_61 : i32
      %add3A_63 = arith.constant 3 : i32
      %add3A_64 = arith.addi %mul3A_62, %add3A_63 : i32
      %dma_start3A_65 = arith.constant 0 : i32
      %dma_start3A_66 = tpu.memref_slice %arg6[%add3A_64, %dma_start3A_65] : memref<125x80xi32, #tpu.memory_space<vmem>> -> memref<1x80xi32, #tpu.memory_space<vmem>>
      %dma_start3A_67 = tpu.memref_squeeze %dma_start3A_66 : memref<1x80xi32, #tpu.memory_space<vmem>> -> memref<80xi32, #tpu.memory_space<vmem>>
      %dma_start3A_68 = arith.constant 0 : i32
      %dma_start3A_69 = arith.constant 0 : i32
      %dma_start3A_70 = tpu.memref_slice %arg5[%dma_start3A_68, %dma_start3A_69] : memref<10000x16xf32, #tpu.memory_space<vmem_shared>> -> memref<10000x16xf32, #tpu.memory_space<vmem_shared>>
      tpu.enqueue_indirect_dma source(%arg7 : memref<80x16xf32, #tpu.memory_space<vmem>>) target(%dma_start3A_70 : memref<10000x16xf32, #tpu.memory_space<vmem_shared>>) offsets(%dma_start3A_67 : memref<80xi32, #tpu.memory_space<vmem>>) semaphore(%arg12 : memref<!tpu.dma_semaphore, #tpu.memory_space<semaphore_mem>>) {add = true}
      %mul3A_71 = arith.constant 5 : i32
      %mul3A_72 = arith.muli %add3A_31, %mul3A_71 : i32
      %add3A_73 = arith.constant 4 : i32
      %add3A_74 = arith.addi %mul3A_72, %add3A_73 : i32
      %dma_start3A_75 = arith.constant 0 : i32
      %dma_start3A_76 = tpu.memref_slice %arg6[%add3A_74, %dma_start3A_75] : memref<125x80xi32, #tpu.memory_space<vmem>> -> memref<1x80xi32, #tpu.memory_space<vmem>>
      %dma_start3A_77 = tpu.memref_squeeze %dma_start3A_76 : memref<1x80xi32, #tpu.memory_space<vmem>> -> memref<80xi32, #tpu.memory_space<vmem>>
      %dma_start3A_78 = arith.constant 0 : i32
      %dma_start3A_79 = arith.constant 0 : i32
      %dma_start3A_80 = tpu.memref_slice %arg5[%dma_start3A_78, %dma_start3A_79] : memref<10000x16xf32, #tpu.memory_space<vmem_shared>> -> memref<10000x16xf32, #tpu.memory_space<vmem_shared>>
      tpu.enqueue_indirect_dma source(%arg7 : memref<80x16xf32, #tpu.memory_space<vmem>>) target(%dma_start3A_80 : memref<10000x16xf32, #tpu.memory_space<vmem_shared>>) offsets(%dma_start3A_77 : memref<80xi32, #tpu.memory_space<vmem>>) semaphore(%arg13 : memref<!tpu.dma_semaphore, #tpu.memory_space<semaphore_mem>>) {add = true}
      %dma_wait3A = arith.constant 1 : i32
      %dma_wait3A_81 = arith.constant 0 : i32
      %dma_wait3A_82 = arith.constant 0 : i32
      %dma_wait3A_83 = arith.constant 0 : i32
      %dma_wait3A_84 = tpu.memref_slice %arg2[%dma_wait3A, %dma_wait3A_81, %dma_wait3A_82, %dma_wait3A_83] : memref<2x32x125x80xi32, #tpu.memory_space<hbm>> -> memref<1x1x16x80xi32, #tpu.memory_space<hbm>>
      %dma_wait3A_85 = tpu.memref_squeeze %dma_wait3A_84 : memref<1x1x16x80xi32, #tpu.memory_space<hbm>> -> memref<16x80xi32, #tpu.memory_space<hbm>>
      %dma_wait3A_86 = arith.constant 0 : i32
      %dma_wait3A_87 = arith.constant 0 : i32
      %dma_wait3A_88 = tpu.memref_slice %arg2[%dma_wait3A, %dma_wait3A_81, %dma_wait3A_86, %dma_wait3A_87] : memref<2x32x125x80xi32, #tpu.memory_space<hbm>> -> memref<1x1x16x80xi32, #tpu.memory_space<hbm>>
      %dma_wait3A_89 = tpu.memref_squeeze %dma_wait3A_88 : memref<1x1x16x80xi32, #tpu.memory_space<hbm>> -> memref<16x80xi32, #tpu.memory_space<hbm>>
      tpu.wait_dma2 semaphore(%arg9 : memref<!tpu.dma_semaphore, #tpu.memory_space<semaphore_mem>>) src(%dma_wait3A_89 : memref<16x80xi32, #tpu.memory_space<hbm>>) dst(%arg7 : memref<80x16xf32, #tpu.memory_space<vmem>>)
      %dma_wait3A_90 = arith.constant 1 : i32
      %dma_wait3A_91 = arith.constant 0 : i32
      %dma_wait3A_92 = arith.constant 0 : i32
      %dma_wait3A_93 = arith.constant 0 : i32
      %dma_wait3A_94 = tpu.memref_slice %arg2[%dma_wait3A_90, %dma_wait3A_91, %dma_wait3A_92, %dma_wait3A_93] : memref<2x32x125x80xi32, #tpu.memory_space<hbm>> -> memref<1x1x16x80xi32, #tpu.memory_space<hbm>>
      %dma_wait3A_95 = tpu.memref_squeeze %dma_wait3A_94 : memref<1x1x16x80xi32, #tpu.memory_space<hbm>> -> memref<16x80xi32, #tpu.memory_space<hbm>>
      %dma_wait3A_96 = arith.constant 0 : i32
      %dma_wait3A_97 = arith.constant 0 : i32
      %dma_wait3A_98 = tpu.memref_slice %arg2[%dma_wait3A_90, %dma_wait3A_91, %dma_wait3A_96, %dma_wait3A_97] : memref<2x32x125x80xi32, #tpu.memory_space<hbm>> -> memref<1x1x16x80xi32, #tpu.memory_space<hbm>>
      %dma_wait3A_99 = tpu.memref_squeeze %dma_wait3A_98 : memref<1x1x16x80xi32, #tpu.memory_space<hbm>> -> memref<16x80xi32, #tpu.memory_space<hbm>>
      tpu.wait_dma2 semaphore(%arg10 : memref<!tpu.dma_semaphore, #tpu.memory_space<semaphore_mem>>) src(%dma_wait3A_99 : memref<16x80xi32, #tpu.memory_space<hbm>>) dst(%arg7 : memref<80x16xf32, #tpu.memory_space<vmem>>)
      %dma_wait3A_100 = arith.constant 1 : i32
      %dma_wait3A_101 = arith.constant 0 : i32
      %dma_wait3A_102 = arith.constant 0 : i32
      %dma_wait3A_103 = arith.constant 0 : i32
      %dma_wait3A_104 = tpu.memref_slice %arg2[%dma_wait3A_100, %dma_wait3A_101, %dma_wait3A_102, %dma_wait3A_103] : memref<2x32x125x80xi32, #tpu.memory_space<hbm>> -> memref<1x1x16x80xi32, #tpu.memory_space<hbm>>
      %dma_wait3A_105 = tpu.memref_squeeze %dma_wait3A_104 : memref<1x1x16x80xi32, #tpu.memory_space<hbm>> -> memref<16x80xi32, #tpu.memory_space<hbm>>
      %dma_wait3A_106 = arith.constant 0 : i32
      %dma_wait3A_107 = arith.constant 0 : i32
      %dma_wait3A_108 = tpu.memref_slice %arg2[%dma_wait3A_100, %dma_wait3A_101, %dma_wait3A_106, %dma_wait3A_107] : memref<2x32x125x80xi32, #tpu.memory_space<hbm>> -> memref<1x1x16x80xi32, #tpu.memory_space<hbm>>
      %dma_wait3A_109 = tpu.memref_squeeze %dma_wait3A_108 : memref<1x1x16x80xi32, #tpu.memory_space<hbm>> -> memref<16x80xi32, #tpu.memory_space<hbm>>
      tpu.wait_dma2 semaphore(%arg11 : memref<!tpu.dma_semaphore, #tpu.memory_space<semaphore_mem>>) src(%dma_wait3A_109 : memref<16x80xi32, #tpu.memory_space<hbm>>) dst(%arg7 : memref<80x16xf32, #tpu.memory_space<vmem>>)
      %dma_wait3A_110 = arith.constant 1 : i32
      %dma_wait3A_111 = arith.constant 0 : i32
      %dma_wait3A_112 = arith.constant 0 : i32
      %dma_wait3A_113 = arith.constant 0 : i32
      %dma_wait3A_114 = tpu.memref_slice %arg2[%dma_wait3A_110, %dma_wait3A_111, %dma_wait3A_112, %dma_wait3A_113] : memref<2x32x125x80xi32, #tpu.memory_space<hbm>> -> memref<1x1x16x80xi32, #tpu.memory_space<hbm>>
      %dma_wait3A_115 = tpu.memref_squeeze %dma_wait3A_114 : memref<1x1x16x80xi32, #tpu.memory_space<hbm>> -> memref<16x80xi32, #tpu.memory_space<hbm>>
      %dma_wait3A_116 = arith.constant 0 : i32
      %dma_wait3A_117 = arith.constant 0 : i32
      %dma_wait3A_118 = tpu.memref_slice %arg2[%dma_wait3A_110, %dma_wait3A_111, %dma_wait3A_116, %dma_wait3A_117] : memref<2x32x125x80xi32, #tpu.memory_space<hbm>> -> memref<1x1x16x80xi32, #tpu.memory_space<hbm>>
      %dma_wait3A_119 = tpu.memref_squeeze %dma_wait3A_118 : memref<1x1x16x80xi32, #tpu.memory_space<hbm>> -> memref<16x80xi32, #tpu.memory_space<hbm>>
      tpu.wait_dma2 semaphore(%arg12 : memref<!tpu.dma_semaphore, #tpu.memory_space<semaphore_mem>>) src(%dma_wait3A_119 : memref<16x80xi32, #tpu.memory_space<hbm>>) dst(%arg7 : memref<80x16xf32, #tpu.memory_space<vmem>>)
      %dma_wait3A_120 = arith.constant 1 : i32
      %dma_wait3A_121 = arith.constant 0 : i32
      %dma_wait3A_122 = arith.constant 0 : i32
      %dma_wait3A_123 = arith.constant 0 : i32
      %dma_wait3A_124 = tpu.memref_slice %arg2[%dma_wait3A_120, %dma_wait3A_121, %dma_wait3A_122, %dma_wait3A_123] : memref<2x32x125x80xi32, #tpu.memory_space<hbm>> -> memref<1x1x16x80xi32, #tpu.memory_space<hbm>>
      %dma_wait3A_125 = tpu.memref_squeeze %dma_wait3A_124 : memref<1x1x16x80xi32, #tpu.memory_space<hbm>> -> memref<16x80xi32, #tpu.memory_space<hbm>>
      %dma_wait3A_126 = arith.constant 0 : i32
      %dma_wait3A_127 = arith.constant 0 : i32
      %dma_wait3A_128 = tpu.memref_slice %arg2[%dma_wait3A_120, %dma_wait3A_121, %dma_wait3A_126, %dma_wait3A_127] : memref<2x32x125x80xi32, #tpu.memory_space<hbm>> -> memref<1x1x16x80xi32, #tpu.memory_space<hbm>>
      %dma_wait3A_129 = tpu.memref_squeeze %dma_wait3A_128 : memref<1x1x16x80xi32, #tpu.memory_space<hbm>> -> memref<16x80xi32, #tpu.memory_space<hbm>>
      tpu.wait_dma2 semaphore(%arg13 : memref<!tpu.dma_semaphore, #tpu.memory_space<semaphore_mem>>) src(%dma_wait3A_129 : memref<16x80xi32, #tpu.memory_space<hbm>>) dst(%arg7 : memref<80x16xf32, #tpu.memory_space<vmem>>)
    }
    %scan3A_19 = arith.constant 25 : i32
    %barrier3A_20 = arith.constant 0 : index
    tpu.barrier barrier_id(%barrier3A_20)
    %lt3A = arith.constant 15 : i32
    %lt3A_21 = arith.cmpi slt, %arg1, %lt3A : i32
    %convert_element_type3A = arith.extui %lt3A_21 : i1 to i32
    %cond3A = arith.constant 0 : i32
    %cond3A_22 = arith.cmpi ne, %convert_element_type3A, %cond3A : i32
    scf.if %cond3A_22 {
      %mul3A_27 = arith.constant 632 : i32
      %mul3A_28 = arith.muli %arg1, %mul3A_27 : i32
      %add3A_29 = arith.constant 0 : i32
      %add3A_30 = arith.addi %add3A_29, %mul3A_28 : i32
      %eq3A_31 = arith.constant 0 : i32
      %eq3A_32 = arith.cmpi eq, %arg0, %eq3A_31 : i32
      %convert_element_type3A_33 = arith.extui %eq3A_32 : i1 to i32
      %cond3A_34 = arith.constant 0 : i32
      %cond3A_35 = arith.cmpi ne, %convert_element_type3A_33, %cond3A_34 : i32
      scf.if %cond3A_35 {
        "tpu.region"() ({
          %run_scoped3A_41 = tpu.sem_alloc : memref<!tpu.dma_semaphore, #tpu.memory_space<semaphore_mem>>
          %dma_start3A = arith.constant 0 : i32
          %dma_start3A_42 = tpu.memref_slice %arg3[%add3A_30, %dma_start3A] : memref<10000x16xf32, #tpu.memory_space<hbm>> -> memref<632x16xf32, #tpu.memory_space<hbm>>
          %dma_start3A_43 = arith.constant 0 : i32
          %dma_start3A_44 = tpu.memref_slice %arg5[%add3A_30, %dma_start3A_43] : memref<10000x16xf32, #tpu.memory_space<vmem_shared>> -> memref<632x16xf32, #tpu.memory_space<vmem_shared>>
          tpu.enqueue_dma source(%dma_start3A_44 : memref<632x16xf32, #tpu.memory_space<vmem_shared>>) target(%dma_start3A_42 : memref<632x16xf32, #tpu.memory_space<hbm>>) target_semaphore(%run_scoped3A_41 : memref<!tpu.dma_semaphore, #tpu.memory_space<semaphore_mem>>)
          %dma_wait3A = arith.constant 0 : i32
          %dma_wait3A_45 = tpu.memref_slice %arg3[%add3A_30, %dma_wait3A] : memref<10000x16xf32, #tpu.memory_space<hbm>> -> memref<632x16xf32, #tpu.memory_space<hbm>>
          %dma_wait3A_46 = arith.constant 0 : i32
          %dma_wait3A_47 = tpu.memref_slice %arg5[%add3A_30, %dma_wait3A_46] : memref<10000x16xf32, #tpu.memory_space<vmem_shared>> -> memref<632x16xf32, #tpu.memory_space<vmem_shared>>
          tpu.wait_dma2 semaphore(%run_scoped3A_41 : memref<!tpu.dma_semaphore, #tpu.memory_space<semaphore_mem>>) src(%dma_wait3A_47 : memref<632x16xf32, #tpu.memory_space<vmem_shared>>) dst(%dma_wait3A_45 : memref<632x16xf32, #tpu.memory_space<hbm>>)
          tpu.yield
        }) : () -> ()
      } else {
      }
      %eq3A_36 = arith.constant 1 : i32
      %eq3A_37 = arith.cmpi eq, %arg0, %eq3A_36 : i32
      %convert_element_type3A_38 = arith.extui %eq3A_37 : i1 to i32
      %cond3A_39 = arith.constant 0 : i32
      %cond3A_40 = arith.cmpi ne, %convert_element_type3A_38, %cond3A_39 : i32
      scf.if %cond3A_40 {
        "tpu.region"() ({
          %run_scoped3A_41 = tpu.sem_alloc : memref<!tpu.dma_semaphore, #tpu.memory_space<semaphore_mem>>
          %dma_start3A = arith.constant 0 : i32
          %dma_start3A_42 = tpu.memref_slice %arg4[%add3A_30, %dma_start3A] : memref<10000x16xf32, #tpu.memory_space<hbm>> -> memref<632x16xf32, #tpu.memory_space<hbm>>
          %dma_start3A_43 = arith.constant 0 : i32
          %dma_start3A_44 = tpu.memref_slice %arg5[%add3A_30, %dma_start3A_43] : memref<10000x16xf32, #tpu.memory_space<vmem_shared>> -> memref<632x16xf32, #tpu.memory_space<vmem_shared>>
          tpu.enqueue_dma source(%dma_start3A_44 : memref<632x16xf32, #tpu.memory_space<vmem_shared>>) target(%dma_start3A_42 : memref<632x16xf32, #tpu.memory_space<hbm>>) target_semaphore(%run_scoped3A_41 : memref<!tpu.dma_semaphore, #tpu.memory_space<semaphore_mem>>)
          %dma_wait3A = arith.constant 0 : i32
          %dma_wait3A_45 = tpu.memref_slice %arg4[%add3A_30, %dma_wait3A] : memref<10000x16xf32, #tpu.memory_space<hbm>> -> memref<632x16xf32, #tpu.memory_space<hbm>>
          %dma_wait3A_46 = arith.constant 0 : i32
          %dma_wait3A_47 = tpu.memref_slice %arg5[%add3A_30, %dma_wait3A_46] : memref<10000x16xf32, #tpu.memory_space<vmem_shared>> -> memref<632x16xf32, #tpu.memory_space<vmem_shared>>
          tpu.wait_dma2 semaphore(%run_scoped3A_41 : memref<!tpu.dma_semaphore, #tpu.memory_space<semaphore_mem>>) src(%dma_wait3A_47 : memref<632x16xf32, #tpu.memory_space<vmem_shared>>) dst(%dma_wait3A_45 : memref<632x16xf32, #tpu.memory_space<hbm>>)
          tpu.yield
        }) : () -> ()
      } else {
      }
    } else {
    }
    %eq3A = arith.constant 15 : i32
    %eq3A_23 = arith.cmpi eq, %arg1, %eq3A : i32
    %convert_element_type3A_24 = arith.extui %eq3A_23 : i1 to i32
    %cond3A_25 = arith.constant 0 : i32
    %cond3A_26 = arith.cmpi ne, %convert_element_type3A_24, %cond3A_25 : i32
    scf.if %cond3A_26 {
      %eq3A_27 = arith.constant 0 : i32
      %eq3A_28 = arith.cmpi eq, %arg0, %eq3A_27 : i32
      %convert_element_type3A_29 = arith.extui %eq3A_28 : i1 to i32
      %cond3A_30 = arith.constant 0 : i32
      %cond3A_31 = arith.cmpi ne, %convert_element_type3A_29, %cond3A_30 : i32
      scf.if %cond3A_31 {
        "tpu.region"() ({
          %run_scoped3A_37 = tpu.sem_alloc : memref<!tpu.dma_semaphore, #tpu.memory_space<semaphore_mem>>
          %dma_start3A = arith.constant 9480 : i32
          %dma_start3A_38 = arith.constant 0 : i32
          %dma_start3A_39 = tpu.memref_slice %arg3[%dma_start3A, %dma_start3A_38] : memref<10000x16xf32, #tpu.memory_space<hbm>> -> memref<520x16xf32, #tpu.memory_space<hbm>>
          %dma_start3A_40 = arith.constant 9480 : i32
          %dma_start3A_41 = arith.constant 0 : i32
          %dma_start3A_42 = tpu.memref_slice %arg5[%dma_start3A_40, %dma_start3A_41] : memref<10000x16xf32, #tpu.memory_space<vmem_shared>> -> memref<520x16xf32, #tpu.memory_space<vmem_shared>>
          tpu.enqueue_dma source(%dma_start3A_42 : memref<520x16xf32, #tpu.memory_space<vmem_shared>>) target(%dma_start3A_39 : memref<520x16xf32, #tpu.memory_space<hbm>>) target_semaphore(%run_scoped3A_37 : memref<!tpu.dma_semaphore, #tpu.memory_space<semaphore_mem>>)
          %dma_wait3A = arith.constant 9480 : i32
          %dma_wait3A_43 = arith.constant 0 : i32
          %dma_wait3A_44 = tpu.memref_slice %arg3[%dma_wait3A, %dma_wait3A_43] : memref<10000x16xf32, #tpu.memory_space<hbm>> -> memref<520x16xf32, #tpu.memory_space<hbm>>
          %dma_wait3A_45 = arith.constant 9480 : i32
          %dma_wait3A_46 = arith.constant 0 : i32
          %dma_wait3A_47 = tpu.memref_slice %arg5[%dma_wait3A_45, %dma_wait3A_46] : memref<10000x16xf32, #tpu.memory_space<vmem_shared>> -> memref<520x16xf32, #tpu.memory_space<vmem_shared>>
          tpu.wait_dma2 semaphore(%run_scoped3A_37 : memref<!tpu.dma_semaphore, #tpu.memory_space<semaphore_mem>>) src(%dma_wait3A_47 : memref<520x16xf32, #tpu.memory_space<vmem_shared>>) dst(%dma_wait3A_44 : memref<520x16xf32, #tpu.memory_space<hbm>>)
          tpu.yield
        }) : () -> ()
      } else {
      }
      %eq3A_32 = arith.constant 1 : i32
      %eq3A_33 = arith.cmpi eq, %arg0, %eq3A_32 : i32
      %convert_element_type3A_34 = arith.extui %eq3A_33 : i1 to i32
      %cond3A_35 = arith.constant 0 : i32
      %cond3A_36 = arith.cmpi ne, %convert_element_type3A_34, %cond3A_35 : i32
      scf.if %cond3A_36 {
        "tpu.region"() ({
          %run_scoped3A_37 = tpu.sem_alloc : memref<!tpu.dma_semaphore, #tpu.memory_space<semaphore_mem>>
          %dma_start3A = arith.constant 9480 : i32
          %dma_start3A_38 = arith.constant 0 : i32
          %dma_start3A_39 = tpu.memref_slice %arg4[%dma_start3A, %dma_start3A_38] : memref<10000x16xf32, #tpu.memory_space<hbm>> -> memref<520x16xf32, #tpu.memory_space<hbm>>
          %dma_start3A_40 = arith.constant 9480 : i32
          %dma_start3A_41 = arith.constant 0 : i32
          %dma_start3A_42 = tpu.memref_slice %arg5[%dma_start3A_40, %dma_start3A_41] : memref<10000x16xf32, #tpu.memory_space<vmem_shared>> -> memref<520x16xf32, #tpu.memory_space<vmem_shared>>
          tpu.enqueue_dma source(%dma_start3A_42 : memref<520x16xf32, #tpu.memory_space<vmem_shared>>) target(%dma_start3A_39 : memref<520x16xf32, #tpu.memory_space<hbm>>) target_semaphore(%run_scoped3A_37 : memref<!tpu.dma_semaphore, #tpu.memory_space<semaphore_mem>>)
          %dma_wait3A = arith.constant 9480 : i32
          %dma_wait3A_43 = arith.constant 0 : i32
          %dma_wait3A_44 = tpu.memref_slice %arg4[%dma_wait3A, %dma_wait3A_43] : memref<10000x16xf32, #tpu.memory_space<hbm>> -> memref<520x16xf32, #tpu.memory_space<hbm>>
          %dma_wait3A_45 = arith.constant 9480 : i32
          %dma_wait3A_46 = arith.constant 0 : i32
          %dma_wait3A_47 = tpu.memref_slice %arg5[%dma_wait3A_45, %dma_wait3A_46] : memref<10000x16xf32, #tpu.memory_space<vmem_shared>> -> memref<520x16xf32, #tpu.memory_space<vmem_shared>>
          tpu.wait_dma2 semaphore(%run_scoped3A_37 : memref<!tpu.dma_semaphore, #tpu.memory_space<semaphore_mem>>) src(%dma_wait3A_47 : memref<520x16xf32, #tpu.memory_space<vmem_shared>>) dst(%dma_wait3A_44 : memref<520x16xf32, #tpu.memory_space<hbm>>)
          tpu.yield
        }) : () -> ()
      } else {
      }
    } else {
    }
    return
  }
}

#map = affine_map<(d0, d1) -> (0, 0)>
#map1 = affine_map<(d0, d1) -> (0, 0, 0, 0)>
module attributes {stable_mosaic.version = 14 : i64} {
  func.func @_sc_agg_body(%arg0: i32, %arg1: i32, %arg2: memref<10000x128xf32, #tpu.memory_space<hbm>>, %arg3: memref<2x32x125x80xi32, #tpu.memory_space<hbm>>, %arg4: memref<10000x128xf32, #tpu.memory_space<hbm>>, %arg5: memref<10000x128xf32, #tpu.memory_space<hbm>>, %arg6: memref<10000x128xf32, #tpu.memory_space<vmem_shared>>, %arg7: memref<4x2x4x80xi32, #tpu.memory_space<vmem>>, %arg8: memref<80x128xf32, #tpu.memory_space<vmem>>, %arg9: memref<80x128xf32, #tpu.memory_space<vmem>>, %arg10: memref<80x128xf32, #tpu.memory_space<vmem>>, %arg11: memref<80x128xf32, #tpu.memory_space<vmem>>, %arg12: memref<!tpu.dma_semaphore, #tpu.memory_space<semaphore_mem>>, %arg13: memref<!tpu.dma_semaphore, #tpu.memory_space<semaphore_mem>>, %arg14: memref<!tpu.dma_semaphore, #tpu.memory_space<semaphore_mem>>, %arg15: memref<!tpu.dma_semaphore, #tpu.memory_space<semaphore_mem>>, %arg16: memref<!tpu.dma_semaphore, #tpu.memory_space<semaphore_mem>>, %arg17: memref<!tpu.dma_semaphore, #tpu.memory_space<semaphore_mem>>, %arg18: memref<!tpu.dma_semaphore, #tpu.memory_space<semaphore_mem>>, %arg19: memref<!tpu.dma_semaphore, #tpu.memory_space<semaphore_mem>>, %arg20: memref<!tpu.dma_semaphore, #tpu.memory_space<semaphore_mem>>) attributes {dimension_semantics = [#tpu.dimension_semantics<core_parallel>, #tpu.dimension_semantics<subcore_parallel>], iteration_bounds = array<i64: 2, 16>, scalar_prefetch = 0 : i64, scratch_operands = 15 : i64, tpu.core_type = #tpu.core_type<sc_vector_subcore>, window_params = [{transform_indices = #map}, {transform_indices = #map1}, {transform_indices = #map}, {transform_indices = #map}]} {
    %mul3A = arith.constant 2 : i32
    %mul3A_0 = arith.muli %arg1, %mul3A : i32
    %add3A = arith.addi %mul3A_0, %arg0 : i32
    %scan3A = arith.constant 0 : i32
    %scan3A_1 = arith.constant 80 : i32
    %scan3A_2 = arith.addi %scan3A, %scan3A_1 : i32
    %scan3A_3 = arith.constant 1 : i32
    scf.for %scan3A_119 = %scan3A to %scan3A_2 step %scan3A_3  : i32 {
      %mul3A_120 = arith.constant 1 : i32
      %mul3A_121 = arith.muli %scan3A_119, %mul3A_120 : i32
      %add3A_122 = arith.constant 0 : i32
      %add3A_123 = arith.addi %add3A_122, %mul3A_121 : i32
      %scan3A_124 = arith.constant 0 : i32
      %scan3A_125 = arith.constant 8 : i32
      %scan3A_126 = arith.addi %scan3A_124, %scan3A_125 : i32
      %scan3A_127 = arith.constant 1 : i32
      scf.for %scan3A_129 = %scan3A_124 to %scan3A_126 step %scan3A_127  : i32 {
        %mul3A_130 = arith.constant 1 : i32
        %mul3A_131 = arith.muli %scan3A_129, %mul3A_130 : i32
        %add3A_132 = arith.constant 0 : i32
        %add3A_133 = arith.addi %add3A_132, %mul3A_131 : i32
        %broadcast_in_dim3A = arith.constant 0.000000e+00 : f32
        %broadcast_in_dim3A_134 = vector.broadcast %broadcast_in_dim3A : f32 to vector<16xf32>
        %mul3A_135 = arith.constant 16 : i32
        %mul3A_136 = arith.muli %add3A_133, %mul3A_135 : i32
        %swap3A = arith.index_cast %add3A_123 : i32 to index
        %swap3A_137 = arith.index_cast %mul3A_136 : i32 to index
        %swap3A_138 = tpu.vector_load %arg8[%swap3A, %swap3A_137] {strides = array<i32>} : memref<80x128xf32, #tpu.memory_space<vmem>>, vector<1x16xf32>,
        %swap3A_139 = vector.shape_cast %swap3A_138 : vector<1x16xf32> to vector<16xf32>
        %swap3A_140 = vector.shape_cast %broadcast_in_dim3A_134 : vector<16xf32> to vector<1x16xf32>
        tpu.vector_store %arg8[%swap3A, %swap3A_137], %swap3A_140 {strides = array<i32>} : memref<80x128xf32, #tpu.memory_space<vmem>>, vector<1x16xf32>,
      }
      %scan3A_128 = arith.constant 8 : i32
    }
    %scan3A_4 = arith.constant 80 : i32
    %scan3A_5 = arith.constant 0 : i32
    %scan3A_6 = arith.constant 7 : i32
    %scan3A_7 = arith.addi %scan3A_5, %scan3A_6 : i32
    %scan3A_8 = arith.constant 1 : i32
    scf.for %scan3A_119 = %scan3A_5 to %scan3A_7 step %scan3A_8  : i32 {
      %mul3A_120 = arith.constant 1 : i32
      %mul3A_121 = arith.muli %scan3A_119, %mul3A_120 : i32
      %add3A_122 = arith.constant 0 : i32
      %add3A_123 = arith.addi %add3A_122, %mul3A_121 : i32
      %mul3A_124 = arith.constant 625 : i32
      %mul3A_125 = arith.muli %arg1, %mul3A_124 : i32
      %mul3A_126 = arith.constant 80 : i32
      %mul3A_127 = arith.muli %add3A_123, %mul3A_126 : i32
      %add3A_128 = arith.addi %mul3A_125, %mul3A_127 : i32
      "tpu.region"() ({
        %run_scoped3A_129 = tpu.sem_alloc : memref<!tpu.dma_semaphore, #tpu.memory_space<semaphore_mem>>
        %dma_start3A_130 = arith.constant 0 : i32
        %dma_start3A_131 = tpu.memref_slice %arg6[%add3A_128, %dma_start3A_130] : memref<10000x128xf32, #tpu.memory_space<vmem_shared>> -> memref<80x128xf32, #tpu.memory_space<vmem_shared>>
        %dma_start3A_132 = arith.constant 0 : i32
        %dma_start3A_133 = tpu.memref_slice %arg6[%add3A_128, %dma_start3A_132] : memref<10000x128xf32, #tpu.memory_space<vmem_shared>> -> memref<80x128xf32, #tpu.memory_space<vmem_shared>>
        tpu.enqueue_dma source(%arg8 : memref<80x128xf32, #tpu.memory_space<vmem>>) target(%dma_start3A_133 : memref<80x128xf32, #tpu.memory_space<vmem_shared>>) target_semaphore(%run_scoped3A_129 : memref<!tpu.dma_semaphore, #tpu.memory_space<semaphore_mem>>)
        %dma_wait3A_134 = arith.constant 0 : i32
        %dma_wait3A_135 = tpu.memref_slice %arg6[%add3A_128, %dma_wait3A_134] : memref<10000x128xf32, #tpu.memory_space<vmem_shared>> -> memref<80x128xf32, #tpu.memory_space<vmem_shared>>
        %dma_wait3A_136 = arith.constant 0 : i32
        %dma_wait3A_137 = tpu.memref_slice %arg6[%add3A_128, %dma_wait3A_136] : memref<10000x128xf32, #tpu.memory_space<vmem_shared>> -> memref<80x128xf32, #tpu.memory_space<vmem_shared>>
        tpu.wait_dma2 semaphore(%run_scoped3A_129 : memref<!tpu.dma_semaphore, #tpu.memory_space<semaphore_mem>>) src(%arg8 : memref<80x128xf32, #tpu.memory_space<vmem>>) dst(%dma_wait3A_137 : memref<80x128xf32, #tpu.memory_space<vmem_shared>>)
        tpu.yield
      }) : () -> ()
    }
    %scan3A_9 = arith.constant 7 : i32
    %mul3A_10 = arith.constant 625 : i32
    %mul3A_11 = arith.muli %arg1, %mul3A_10 : i32
    %add3A_12 = arith.constant 560 : i32
    %add3A_13 = arith.addi %mul3A_11, %add3A_12 : i32
    "tpu.region"() ({
      %run_scoped3A_119 = tpu.sem_alloc : memref<!tpu.dma_semaphore, #tpu.memory_space<semaphore_mem>>
      %dma_start3A_120 = arith.constant 0 : i32
      %dma_start3A_121 = arith.constant 0 : i32
      %dma_start3A_122 = tpu.memref_slice %arg8[%dma_start3A_120, %dma_start3A_121] : memref<80x128xf32, #tpu.memory_space<vmem>> -> memref<65x128xf32, #tpu.memory_space<vmem>>
      %dma_start3A_123 = arith.constant 0 : i32
      %dma_start3A_124 = tpu.memref_slice %arg6[%add3A_13, %dma_start3A_123] : memref<10000x128xf32, #tpu.memory_space<vmem_shared>> -> memref<65x128xf32, #tpu.memory_space<vmem_shared>>
      %dma_start3A_125 = arith.constant 0 : i32
      %dma_start3A_126 = tpu.memref_slice %arg6[%add3A_13, %dma_start3A_125] : memref<10000x128xf32, #tpu.memory_space<vmem_shared>> -> memref<65x128xf32, #tpu.memory_space<vmem_shared>>
      %dma_start3A_127 = arith.constant 0 : i32
      %dma_start3A_128 = arith.constant 0 : i32
      %dma_start3A_129 = tpu.memref_slice %arg8[%dma_start3A_127, %dma_start3A_128] : memref<80x128xf32, #tpu.memory_space<vmem>> -> memref<65x128xf32, #tpu.memory_space<vmem>>
      tpu.enqueue_dma source(%dma_start3A_129 : memref<65x128xf32, #tpu.memory_space<vmem>>) target(%dma_start3A_126 : memref<65x128xf32, #tpu.memory_space<vmem_shared>>) target_semaphore(%run_scoped3A_119 : memref<!tpu.dma_semaphore, #tpu.memory_space<semaphore_mem>>)
      %dma_wait3A_130 = arith.constant 0 : i32
      %dma_wait3A_131 = arith.constant 0 : i32
      %dma_wait3A_132 = tpu.memref_slice %arg8[%dma_wait3A_130, %dma_wait3A_131] : memref<80x128xf32, #tpu.memory_space<vmem>> -> memref<65x128xf32, #tpu.memory_space<vmem>>
      %dma_wait3A_133 = arith.constant 0 : i32
      %dma_wait3A_134 = tpu.memref_slice %arg6[%add3A_13, %dma_wait3A_133] : memref<10000x128xf32, #tpu.memory_space<vmem_shared>> -> memref<65x128xf32, #tpu.memory_space<vmem_shared>>
      %dma_wait3A_135 = arith.constant 0 : i32
      %dma_wait3A_136 = tpu.memref_slice %arg6[%add3A_13, %dma_wait3A_135] : memref<10000x128xf32, #tpu.memory_space<vmem_shared>> -> memref<65x128xf32, #tpu.memory_space<vmem_shared>>
      %dma_wait3A_137 = arith.constant 0 : i32
      %dma_wait3A_138 = arith.constant 0 : i32
      %dma_wait3A_139 = tpu.memref_slice %arg8[%dma_wait3A_137, %dma_wait3A_138] : memref<80x128xf32, #tpu.memory_space<vmem>> -> memref<65x128xf32, #tpu.memory_space<vmem>>
      tpu.wait_dma2 semaphore(%run_scoped3A_119 : memref<!tpu.dma_semaphore, #tpu.memory_space<semaphore_mem>>) src(%dma_wait3A_139 : memref<65x128xf32, #tpu.memory_space<vmem>>) dst(%dma_wait3A_136 : memref<65x128xf32, #tpu.memory_space<vmem_shared>>)
      tpu.yield
    }) : () -> ()
    %run_scoped3A = arith.constant 0 : i32
    %run_scoped3A_14 = arith.constant 0 : i32
    %run_scoped3A_15 = arith.constant 0 : i32
    "tpu.region"() ({
      %run_scoped3A_119 = tpu.sem_alloc : memref<!tpu.dma_semaphore, #tpu.memory_space<semaphore_mem>>
      %dma_start3A_120 = arith.constant 0 : i32
      %dma_start3A_121 = arith.constant 0 : i32
      %dma_start3A_122 = tpu.memref_slice %arg7[%run_scoped3A_14, %run_scoped3A_15, %dma_start3A_120, %dma_start3A_121] : memref<4x2x4x80xi32, #tpu.memory_space<vmem>> -> memref<1x1x4x80xi32, #tpu.memory_space<vmem>>
      %dma_start3A_123 = tpu.memref_squeeze %dma_start3A_122 : memref<1x1x4x80xi32, #tpu.memory_space<vmem>> -> memref<4x80xi32, #tpu.memory_space<vmem>>
      %dma_start3A_124 = arith.constant 0 : i32
      %dma_start3A_125 = arith.constant 0 : i32
      %dma_start3A_126 = tpu.memref_slice %arg3[%run_scoped3A, %add3A, %dma_start3A_124, %dma_start3A_125] : memref<2x32x125x80xi32, #tpu.memory_space<hbm>> -> memref<1x1x4x80xi32, #tpu.memory_space<hbm>>
      %dma_start3A_127 = tpu.memref_squeeze %dma_start3A_126 : memref<1x1x4x80xi32, #tpu.memory_space<hbm>> -> memref<4x80xi32, #tpu.memory_space<hbm>>
      %dma_start3A_128 = arith.constant 0 : i32
      %dma_start3A_129 = arith.constant 0 : i32
      %dma_start3A_130 = tpu.memref_slice %arg7[%run_scoped3A_14, %run_scoped3A_15, %dma_start3A_128, %dma_start3A_129] : memref<4x2x4x80xi32, #tpu.memory_space<vmem>> -> memref<1x1x4x80xi32, #tpu.memory_space<vmem>>
      %dma_start3A_131 = tpu.memref_squeeze %dma_start3A_130 : memref<1x1x4x80xi32, #tpu.memory_space<vmem>> -> memref<4x80xi32, #tpu.memory_space<vmem>>
      %dma_start3A_132 = arith.constant 0 : i32
      %dma_start3A_133 = arith.constant 0 : i32
      %dma_start3A_134 = tpu.memref_slice %arg3[%run_scoped3A, %add3A, %dma_start3A_132, %dma_start3A_133] : memref<2x32x125x80xi32, #tpu.memory_space<hbm>> -> memref<1x1x4x80xi32, #tpu.memory_space<hbm>>
      %dma_start3A_135 = tpu.memref_squeeze %dma_start3A_134 : memref<1x1x4x80xi32, #tpu.memory_space<hbm>> -> memref<4x80xi32, #tpu.memory_space<hbm>>
      tpu.enqueue_dma source(%dma_start3A_135 : memref<4x80xi32, #tpu.memory_space<hbm>>) target(%dma_start3A_131 : memref<4x80xi32, #tpu.memory_space<vmem>>) target_semaphore(%run_scoped3A_119 : memref<!tpu.dma_semaphore, #tpu.memory_space<semaphore_mem>>)
      %dma_wait3A_136 = arith.constant 0 : i32
      %dma_wait3A_137 = arith.constant 0 : i32
      %dma_wait3A_138 = tpu.memref_slice %arg7[%run_scoped3A_14, %run_scoped3A_15, %dma_wait3A_136, %dma_wait3A_137] : memref<4x2x4x80xi32, #tpu.memory_space<vmem>> -> memref<1x1x4x80xi32, #tpu.memory_space<vmem>>
      %dma_wait3A_139 = tpu.memref_squeeze %dma_wait3A_138 : memref<1x1x4x80xi32, #tpu.memory_space<vmem>> -> memref<4x80xi32, #tpu.memory_space<vmem>>
      %dma_wait3A_140 = arith.constant 0 : i32
      %dma_wait3A_141 = arith.constant 0 : i32
      %dma_wait3A_142 = tpu.memref_slice %arg3[%run_scoped3A, %add3A, %dma_wait3A_140, %dma_wait3A_141] : memref<2x32x125x80xi32, #tpu.memory_space<hbm>> -> memref<1x1x4x80xi32, #tpu.memory_space<hbm>>
      %dma_wait3A_143 = tpu.memref_squeeze %dma_wait3A_142 : memref<1x1x4x80xi32, #tpu.memory_space<hbm>> -> memref<4x80xi32, #tpu.memory_space<hbm>>
      %dma_wait3A_144 = arith.constant 0 : i32
      %dma_wait3A_145 = arith.constant 0 : i32
      %dma_wait3A_146 = tpu.memref_slice %arg7[%run_scoped3A_14, %run_scoped3A_15, %dma_wait3A_144, %dma_wait3A_145] : memref<4x2x4x80xi32, #tpu.memory_space<vmem>> -> memref<1x1x4x80xi32, #tpu.memory_space<vmem>>
      %dma_wait3A_147 = tpu.memref_squeeze %dma_wait3A_146 : memref<1x1x4x80xi32, #tpu.memory_space<vmem>> -> memref<4x80xi32, #tpu.memory_space<vmem>>
      %dma_wait3A_148 = arith.constant 0 : i32
      %dma_wait3A_149 = arith.constant 0 : i32
      %dma_wait3A_150 = tpu.memref_slice %arg3[%run_scoped3A, %add3A, %dma_wait3A_148, %dma_wait3A_149] : memref<2x32x125x80xi32, #tpu.memory_space<hbm>> -> memref<1x1x4x80xi32, #tpu.memory_space<hbm>>
      %dma_wait3A_151 = tpu.memref_squeeze %dma_wait3A_150 : memref<1x1x4x80xi32, #tpu.memory_space<hbm>> -> memref<4x80xi32, #tpu.memory_space<hbm>>
      tpu.wait_dma2 semaphore(%run_scoped3A_119 : memref<!tpu.dma_semaphore, #tpu.memory_space<semaphore_mem>>) src(%dma_wait3A_151 : memref<4x80xi32, #tpu.memory_space<hbm>>) dst(%dma_wait3A_147 : memref<4x80xi32, #tpu.memory_space<vmem>>)
      tpu.yield
    }) : () -> ()
    %run_scoped3A_16 = arith.constant 1 : i32
    %run_scoped3A_17 = arith.constant 0 : i32
    %run_scoped3A_18 = arith.constant 1 : i32
    "tpu.region"() ({
      %run_scoped3A_119 = tpu.sem_alloc : memref<!tpu.dma_semaphore, #tpu.memory_space<semaphore_mem>>
      %dma_start3A_120 = arith.constant 0 : i32
      %dma_start3A_121 = arith.constant 0 : i32
      %dma_start3A_122 = tpu.memref_slice %arg7[%run_scoped3A_17, %run_scoped3A_18, %dma_start3A_120, %dma_start3A_121] : memref<4x2x4x80xi32, #tpu.memory_space<vmem>> -> memref<1x1x4x80xi32, #tpu.memory_space<vmem>>
      %dma_start3A_123 = tpu.memref_squeeze %dma_start3A_122 : memref<1x1x4x80xi32, #tpu.memory_space<vmem>> -> memref<4x80xi32, #tpu.memory_space<vmem>>
      %dma_start3A_124 = arith.constant 0 : i32
      %dma_start3A_125 = arith.constant 0 : i32
      %dma_start3A_126 = tpu.memref_slice %arg3[%run_scoped3A_16, %add3A, %dma_start3A_124, %dma_start3A_125] : memref<2x32x125x80xi32, #tpu.memory_space<hbm>> -> memref<1x1x4x80xi32, #tpu.memory_space<hbm>>
      %dma_start3A_127 = tpu.memref_squeeze %dma_start3A_126 : memref<1x1x4x80xi32, #tpu.memory_space<hbm>> -> memref<4x80xi32, #tpu.memory_space<hbm>>
      %dma_start3A_128 = arith.constant 0 : i32
      %dma_start3A_129 = arith.constant 0 : i32
      %dma_start3A_130 = tpu.memref_slice %arg7[%run_scoped3A_17, %run_scoped3A_18, %dma_start3A_128, %dma_start3A_129] : memref<4x2x4x80xi32, #tpu.memory_space<vmem>> -> memref<1x1x4x80xi32, #tpu.memory_space<vmem>>
      %dma_start3A_131 = tpu.memref_squeeze %dma_start3A_130 : memref<1x1x4x80xi32, #tpu.memory_space<vmem>> -> memref<4x80xi32, #tpu.memory_space<vmem>>
      %dma_start3A_132 = arith.constant 0 : i32
      %dma_start3A_133 = arith.constant 0 : i32
      %dma_start3A_134 = tpu.memref_slice %arg3[%run_scoped3A_16, %add3A, %dma_start3A_132, %dma_start3A_133] : memref<2x32x125x80xi32, #tpu.memory_space<hbm>> -> memref<1x1x4x80xi32, #tpu.memory_space<hbm>>
      %dma_start3A_135 = tpu.memref_squeeze %dma_start3A_134 : memref<1x1x4x80xi32, #tpu.memory_space<hbm>> -> memref<4x80xi32, #tpu.memory_space<hbm>>
      tpu.enqueue_dma source(%dma_start3A_135 : memref<4x80xi32, #tpu.memory_space<hbm>>) target(%dma_start3A_131 : memref<4x80xi32, #tpu.memory_space<vmem>>) target_semaphore(%run_scoped3A_119 : memref<!tpu.dma_semaphore, #tpu.memory_space<semaphore_mem>>)
      %dma_wait3A_136 = arith.constant 0 : i32
      %dma_wait3A_137 = arith.constant 0 : i32
      %dma_wait3A_138 = tpu.memref_slice %arg7[%run_scoped3A_17, %run_scoped3A_18, %dma_wait3A_136, %dma_wait3A_137] : memref<4x2x4x80xi32, #tpu.memory_space<vmem>> -> memref<1x1x4x80xi32, #tpu.memory_space<vmem>>
      %dma_wait3A_139 = tpu.memref_squeeze %dma_wait3A_138 : memref<1x1x4x80xi32, #tpu.memory_space<vmem>> -> memref<4x80xi32, #tpu.memory_space<vmem>>
      %dma_wait3A_140 = arith.constant 0 : i32
      %dma_wait3A_141 = arith.constant 0 : i32
      %dma_wait3A_142 = tpu.memref_slice %arg3[%run_scoped3A_16, %add3A, %dma_wait3A_140, %dma_wait3A_141] : memref<2x32x125x80xi32, #tpu.memory_space<hbm>> -> memref<1x1x4x80xi32, #tpu.memory_space<hbm>>
      %dma_wait3A_143 = tpu.memref_squeeze %dma_wait3A_142 : memref<1x1x4x80xi32, #tpu.memory_space<hbm>> -> memref<4x80xi32, #tpu.memory_space<hbm>>
      %dma_wait3A_144 = arith.constant 0 : i32
      %dma_wait3A_145 = arith.constant 0 : i32
      %dma_wait3A_146 = tpu.memref_slice %arg7[%run_scoped3A_17, %run_scoped3A_18, %dma_wait3A_144, %dma_wait3A_145] : memref<4x2x4x80xi32, #tpu.memory_space<vmem>> -> memref<1x1x4x80xi32, #tpu.memory_space<vmem>>
      %dma_wait3A_147 = tpu.memref_squeeze %dma_wait3A_146 : memref<1x1x4x80xi32, #tpu.memory_space<vmem>> -> memref<4x80xi32, #tpu.memory_space<vmem>>
      %dma_wait3A_148 = arith.constant 0 : i32
      %dma_wait3A_149 = arith.constant 0 : i32
      %dma_wait3A_150 = tpu.memref_slice %arg3[%run_scoped3A_16, %add3A, %dma_wait3A_148, %dma_wait3A_149] : memref<2x32x125x80xi32, #tpu.memory_space<hbm>> -> memref<1x1x4x80xi32, #tpu.memory_space<hbm>>
      %dma_wait3A_151 = tpu.memref_squeeze %dma_wait3A_150 : memref<1x1x4x80xi32, #tpu.memory_space<hbm>> -> memref<4x80xi32, #tpu.memory_space<hbm>>
      tpu.wait_dma2 semaphore(%run_scoped3A_119 : memref<!tpu.dma_semaphore, #tpu.memory_space<semaphore_mem>>) src(%dma_wait3A_151 : memref<4x80xi32, #tpu.memory_space<hbm>>) dst(%dma_wait3A_147 : memref<4x80xi32, #tpu.memory_space<vmem>>)
      tpu.yield
    }) : () -> ()
    %run_scoped3A_19 = arith.constant 0 : i32
    %run_scoped3A_20 = arith.constant 1 : i32
    %run_scoped3A_21 = arith.constant 0 : i32
    "tpu.region"() ({
      %run_scoped3A_119 = tpu.sem_alloc : memref<!tpu.dma_semaphore, #tpu.memory_space<semaphore_mem>>
      %dma_start3A_120 = arith.constant 0 : i32
      %dma_start3A_121 = arith.constant 0 : i32
      %dma_start3A_122 = tpu.memref_slice %arg7[%run_scoped3A_20, %run_scoped3A_21, %dma_start3A_120, %dma_start3A_121] : memref<4x2x4x80xi32, #tpu.memory_space<vmem>> -> memref<1x1x4x80xi32, #tpu.memory_space<vmem>>
      %dma_start3A_123 = tpu.memref_squeeze %dma_start3A_122 : memref<1x1x4x80xi32, #tpu.memory_space<vmem>> -> memref<4x80xi32, #tpu.memory_space<vmem>>
      %dma_start3A_124 = arith.constant 4 : i32
      %dma_start3A_125 = arith.constant 0 : i32
      %dma_start3A_126 = tpu.memref_slice %arg3[%run_scoped3A_19, %add3A, %dma_start3A_124, %dma_start3A_125] : memref<2x32x125x80xi32, #tpu.memory_space<hbm>> -> memref<1x1x4x80xi32, #tpu.memory_space<hbm>>
      %dma_start3A_127 = tpu.memref_squeeze %dma_start3A_126 : memref<1x1x4x80xi32, #tpu.memory_space<hbm>> -> memref<4x80xi32, #tpu.memory_space<hbm>>
      %dma_start3A_128 = arith.constant 0 : i32
      %dma_start3A_129 = arith.constant 0 : i32
      %dma_start3A_130 = tpu.memref_slice %arg7[%run_scoped3A_20, %run_scoped3A_21, %dma_start3A_128, %dma_start3A_129] : memref<4x2x4x80xi32, #tpu.memory_space<vmem>> -> memref<1x1x4x80xi32, #tpu.memory_space<vmem>>
      %dma_start3A_131 = tpu.memref_squeeze %dma_start3A_130 : memref<1x1x4x80xi32, #tpu.memory_space<vmem>> -> memref<4x80xi32, #tpu.memory_space<vmem>>
      %dma_start3A_132 = arith.constant 4 : i32
      %dma_start3A_133 = arith.constant 0 : i32
      %dma_start3A_134 = tpu.memref_slice %arg3[%run_scoped3A_19, %add3A, %dma_start3A_132, %dma_start3A_133] : memref<2x32x125x80xi32, #tpu.memory_space<hbm>> -> memref<1x1x4x80xi32, #tpu.memory_space<hbm>>
      %dma_start3A_135 = tpu.memref_squeeze %dma_start3A_134 : memref<1x1x4x80xi32, #tpu.memory_space<hbm>> -> memref<4x80xi32, #tpu.memory_space<hbm>>
      tpu.enqueue_dma source(%dma_start3A_135 : memref<4x80xi32, #tpu.memory_space<hbm>>) target(%dma_start3A_131 : memref<4x80xi32, #tpu.memory_space<vmem>>) target_semaphore(%run_scoped3A_119 : memref<!tpu.dma_semaphore, #tpu.memory_space<semaphore_mem>>)
      %dma_wait3A_136 = arith.constant 0 : i32
      %dma_wait3A_137 = arith.constant 0 : i32
      %dma_wait3A_138 = tpu.memref_slice %arg7[%run_scoped3A_20, %run_scoped3A_21, %dma_wait3A_136, %dma_wait3A_137] : memref<4x2x4x80xi32, #tpu.memory_space<vmem>> -> memref<1x1x4x80xi32, #tpu.memory_space<vmem>>
      %dma_wait3A_139 = tpu.memref_squeeze %dma_wait3A_138 : memref<1x1x4x80xi32, #tpu.memory_space<vmem>> -> memref<4x80xi32, #tpu.memory_space<vmem>>
      %dma_wait3A_140 = arith.constant 4 : i32
      %dma_wait3A_141 = arith.constant 0 : i32
      %dma_wait3A_142 = tpu.memref_slice %arg3[%run_scoped3A_19, %add3A, %dma_wait3A_140, %dma_wait3A_141] : memref<2x32x125x80xi32, #tpu.memory_space<hbm>> -> memref<1x1x4x80xi32, #tpu.memory_space<hbm>>
      %dma_wait3A_143 = tpu.memref_squeeze %dma_wait3A_142 : memref<1x1x4x80xi32, #tpu.memory_space<hbm>> -> memref<4x80xi32, #tpu.memory_space<hbm>>
      %dma_wait3A_144 = arith.constant 0 : i32
      %dma_wait3A_145 = arith.constant 0 : i32
      %dma_wait3A_146 = tpu.memref_slice %arg7[%run_scoped3A_20, %run_scoped3A_21, %dma_wait3A_144, %dma_wait3A_145] : memref<4x2x4x80xi32, #tpu.memory_space<vmem>> -> memref<1x1x4x80xi32, #tpu.memory_space<vmem>>
      %dma_wait3A_147 = tpu.memref_squeeze %dma_wait3A_146 : memref<1x1x4x80xi32, #tpu.memory_space<vmem>> -> memref<4x80xi32, #tpu.memory_space<vmem>>
      %dma_wait3A_148 = arith.constant 4 : i32
      %dma_wait3A_149 = arith.constant 0 : i32
      %dma_wait3A_150 = tpu.memref_slice %arg3[%run_scoped3A_19, %add3A, %dma_wait3A_148, %dma_wait3A_149] : memref<2x32x125x80xi32, #tpu.memory_space<hbm>> -> memref<1x1x4x80xi32, #tpu.memory_space<hbm>>
      %dma_wait3A_151 = tpu.memref_squeeze %dma_wait3A_150 : memref<1x1x4x80xi32, #tpu.memory_space<hbm>> -> memref<4x80xi32, #tpu.memory_space<hbm>>
      tpu.wait_dma2 semaphore(%run_scoped3A_119 : memref<!tpu.dma_semaphore, #tpu.memory_space<semaphore_mem>>) src(%dma_wait3A_151 : memref<4x80xi32, #tpu.memory_space<hbm>>) dst(%dma_wait3A_147 : memref<4x80xi32, #tpu.memory_space<vmem>>)
      tpu.yield
    }) : () -> ()
    %run_scoped3A_22 = arith.constant 1 : i32
    %run_scoped3A_23 = arith.constant 1 : i32
    %run_scoped3A_24 = arith.constant 1 : i32
    "tpu.region"() ({
      %run_scoped3A_119 = tpu.sem_alloc : memref<!tpu.dma_semaphore, #tpu.memory_space<semaphore_mem>>
      %dma_start3A_120 = arith.constant 0 : i32
      %dma_start3A_121 = arith.constant 0 : i32
      %dma_start3A_122 = tpu.memref_slice %arg7[%run_scoped3A_23, %run_scoped3A_24, %dma_start3A_120, %dma_start3A_121] : memref<4x2x4x80xi32, #tpu.memory_space<vmem>> -> memref<1x1x4x80xi32, #tpu.memory_space<vmem>>
      %dma_start3A_123 = tpu.memref_squeeze %dma_start3A_122 : memref<1x1x4x80xi32, #tpu.memory_space<vmem>> -> memref<4x80xi32, #tpu.memory_space<vmem>>
      %dma_start3A_124 = arith.constant 4 : i32
      %dma_start3A_125 = arith.constant 0 : i32
      %dma_start3A_126 = tpu.memref_slice %arg3[%run_scoped3A_22, %add3A, %dma_start3A_124, %dma_start3A_125] : memref<2x32x125x80xi32, #tpu.memory_space<hbm>> -> memref<1x1x4x80xi32, #tpu.memory_space<hbm>>
      %dma_start3A_127 = tpu.memref_squeeze %dma_start3A_126 : memref<1x1x4x80xi32, #tpu.memory_space<hbm>> -> memref<4x80xi32, #tpu.memory_space<hbm>>
      %dma_start3A_128 = arith.constant 0 : i32
      %dma_start3A_129 = arith.constant 0 : i32
      %dma_start3A_130 = tpu.memref_slice %arg7[%run_scoped3A_23, %run_scoped3A_24, %dma_start3A_128, %dma_start3A_129] : memref<4x2x4x80xi32, #tpu.memory_space<vmem>> -> memref<1x1x4x80xi32, #tpu.memory_space<vmem>>
      %dma_start3A_131 = tpu.memref_squeeze %dma_start3A_130 : memref<1x1x4x80xi32, #tpu.memory_space<vmem>> -> memref<4x80xi32, #tpu.memory_space<vmem>>
      %dma_start3A_132 = arith.constant 4 : i32
      %dma_start3A_133 = arith.constant 0 : i32
      %dma_start3A_134 = tpu.memref_slice %arg3[%run_scoped3A_22, %add3A, %dma_start3A_132, %dma_start3A_133] : memref<2x32x125x80xi32, #tpu.memory_space<hbm>> -> memref<1x1x4x80xi32, #tpu.memory_space<hbm>>
      %dma_start3A_135 = tpu.memref_squeeze %dma_start3A_134 : memref<1x1x4x80xi32, #tpu.memory_space<hbm>> -> memref<4x80xi32, #tpu.memory_space<hbm>>
      tpu.enqueue_dma source(%dma_start3A_135 : memref<4x80xi32, #tpu.memory_space<hbm>>) target(%dma_start3A_131 : memref<4x80xi32, #tpu.memory_space<vmem>>) target_semaphore(%run_scoped3A_119 : memref<!tpu.dma_semaphore, #tpu.memory_space<semaphore_mem>>)
      %dma_wait3A_136 = arith.constant 0 : i32
      %dma_wait3A_137 = arith.constant 0 : i32
      %dma_wait3A_138 = tpu.memref_slice %arg7[%run_scoped3A_23, %run_scoped3A_24, %dma_wait3A_136, %dma_wait3A_137] : memref<4x2x4x80xi32, #tpu.memory_space<vmem>> -> memref<1x1x4x80xi32, #tpu.memory_space<vmem>>
      %dma_wait3A_139 = tpu.memref_squeeze %dma_wait3A_138 : memref<1x1x4x80xi32, #tpu.memory_space<vmem>> -> memref<4x80xi32, #tpu.memory_space<vmem>>
      %dma_wait3A_140 = arith.constant 4 : i32
      %dma_wait3A_141 = arith.constant 0 : i32
      %dma_wait3A_142 = tpu.memref_slice %arg3[%run_scoped3A_22, %add3A, %dma_wait3A_140, %dma_wait3A_141] : memref<2x32x125x80xi32, #tpu.memory_space<hbm>> -> memref<1x1x4x80xi32, #tpu.memory_space<hbm>>
      %dma_wait3A_143 = tpu.memref_squeeze %dma_wait3A_142 : memref<1x1x4x80xi32, #tpu.memory_space<hbm>> -> memref<4x80xi32, #tpu.memory_space<hbm>>
      %dma_wait3A_144 = arith.constant 0 : i32
      %dma_wait3A_145 = arith.constant 0 : i32
      %dma_wait3A_146 = tpu.memref_slice %arg7[%run_scoped3A_23, %run_scoped3A_24, %dma_wait3A_144, %dma_wait3A_145] : memref<4x2x4x80xi32, #tpu.memory_space<vmem>> -> memref<1x1x4x80xi32, #tpu.memory_space<vmem>>
      %dma_wait3A_147 = tpu.memref_squeeze %dma_wait3A_146 : memref<1x1x4x80xi32, #tpu.memory_space<vmem>> -> memref<4x80xi32, #tpu.memory_space<vmem>>
      %dma_wait3A_148 = arith.constant 4 : i32
      %dma_wait3A_149 = arith.constant 0 : i32
      %dma_wait3A_150 = tpu.memref_slice %arg3[%run_scoped3A_22, %add3A, %dma_wait3A_148, %dma_wait3A_149] : memref<2x32x125x80xi32, #tpu.memory_space<hbm>> -> memref<1x1x4x80xi32, #tpu.memory_space<hbm>>
      %dma_wait3A_151 = tpu.memref_squeeze %dma_wait3A_150 : memref<1x1x4x80xi32, #tpu.memory_space<hbm>> -> memref<4x80xi32, #tpu.memory_space<hbm>>
      tpu.wait_dma2 semaphore(%run_scoped3A_119 : memref<!tpu.dma_semaphore, #tpu.memory_space<semaphore_mem>>) src(%dma_wait3A_151 : memref<4x80xi32, #tpu.memory_space<hbm>>) dst(%dma_wait3A_147 : memref<4x80xi32, #tpu.memory_space<vmem>>)
      tpu.yield
    }) : () -> ()
    %run_scoped3A_25 = arith.constant 0 : i32
    %run_scoped3A_26 = arith.constant 2 : i32
    %run_scoped3A_27 = arith.constant 0 : i32
    "tpu.region"() ({
      %run_scoped3A_119 = tpu.sem_alloc : memref<!tpu.dma_semaphore, #tpu.memory_space<semaphore_mem>>
      %dma_start3A_120 = arith.constant 0 : i32
      %dma_start3A_121 = arith.constant 0 : i32
      %dma_start3A_122 = tpu.memref_slice %arg7[%run_scoped3A_26, %run_scoped3A_27, %dma_start3A_120, %dma_start3A_121] : memref<4x2x4x80xi32, #tpu.memory_space<vmem>> -> memref<1x1x4x80xi32, #tpu.memory_space<vmem>>
      %dma_start3A_123 = tpu.memref_squeeze %dma_start3A_122 : memref<1x1x4x80xi32, #tpu.memory_space<vmem>> -> memref<4x80xi32, #tpu.memory_space<vmem>>
      %dma_start3A_124 = arith.constant 8 : i32
      %dma_start3A_125 = arith.constant 0 : i32
      %dma_start3A_126 = tpu.memref_slice %arg3[%run_scoped3A_25, %add3A, %dma_start3A_124, %dma_start3A_125] : memref<2x32x125x80xi32, #tpu.memory_space<hbm>> -> memref<1x1x4x80xi32, #tpu.memory_space<hbm>>
      %dma_start3A_127 = tpu.memref_squeeze %dma_start3A_126 : memref<1x1x4x80xi32, #tpu.memory_space<hbm>> -> memref<4x80xi32, #tpu.memory_space<hbm>>
      %dma_start3A_128 = arith.constant 0 : i32
      %dma_start3A_129 = arith.constant 0 : i32
      %dma_start3A_130 = tpu.memref_slice %arg7[%run_scoped3A_26, %run_scoped3A_27, %dma_start3A_128, %dma_start3A_129] : memref<4x2x4x80xi32, #tpu.memory_space<vmem>> -> memref<1x1x4x80xi32, #tpu.memory_space<vmem>>
      %dma_start3A_131 = tpu.memref_squeeze %dma_start3A_130 : memref<1x1x4x80xi32, #tpu.memory_space<vmem>> -> memref<4x80xi32, #tpu.memory_space<vmem>>
      %dma_start3A_132 = arith.constant 8 : i32
      %dma_start3A_133 = arith.constant 0 : i32
      %dma_start3A_134 = tpu.memref_slice %arg3[%run_scoped3A_25, %add3A, %dma_start3A_132, %dma_start3A_133] : memref<2x32x125x80xi32, #tpu.memory_space<hbm>> -> memref<1x1x4x80xi32, #tpu.memory_space<hbm>>
      %dma_start3A_135 = tpu.memref_squeeze %dma_start3A_134 : memref<1x1x4x80xi32, #tpu.memory_space<hbm>> -> memref<4x80xi32, #tpu.memory_space<hbm>>
      tpu.enqueue_dma source(%dma_start3A_135 : memref<4x80xi32, #tpu.memory_space<hbm>>) target(%dma_start3A_131 : memref<4x80xi32, #tpu.memory_space<vmem>>) target_semaphore(%run_scoped3A_119 : memref<!tpu.dma_semaphore, #tpu.memory_space<semaphore_mem>>)
      %dma_wait3A_136 = arith.constant 0 : i32
      %dma_wait3A_137 = arith.constant 0 : i32
      %dma_wait3A_138 = tpu.memref_slice %arg7[%run_scoped3A_26, %run_scoped3A_27, %dma_wait3A_136, %dma_wait3A_137] : memref<4x2x4x80xi32, #tpu.memory_space<vmem>> -> memref<1x1x4x80xi32, #tpu.memory_space<vmem>>
      %dma_wait3A_139 = tpu.memref_squeeze %dma_wait3A_138 : memref<1x1x4x80xi32, #tpu.memory_space<vmem>> -> memref<4x80xi32, #tpu.memory_space<vmem>>
      %dma_wait3A_140 = arith.constant 8 : i32
      %dma_wait3A_141 = arith.constant 0 : i32
      %dma_wait3A_142 = tpu.memref_slice %arg3[%run_scoped3A_25, %add3A, %dma_wait3A_140, %dma_wait3A_141] : memref<2x32x125x80xi32, #tpu.memory_space<hbm>> -> memref<1x1x4x80xi32, #tpu.memory_space<hbm>>
      %dma_wait3A_143 = tpu.memref_squeeze %dma_wait3A_142 : memref<1x1x4x80xi32, #tpu.memory_space<hbm>> -> memref<4x80xi32, #tpu.memory_space<hbm>>
      %dma_wait3A_144 = arith.constant 0 : i32
      %dma_wait3A_145 = arith.constant 0 : i32
      %dma_wait3A_146 = tpu.memref_slice %arg7[%run_scoped3A_26, %run_scoped3A_27, %dma_wait3A_144, %dma_wait3A_145] : memref<4x2x4x80xi32, #tpu.memory_space<vmem>> -> memref<1x1x4x80xi32, #tpu.memory_space<vmem>>
      %dma_wait3A_147 = tpu.memref_squeeze %dma_wait3A_146 : memref<1x1x4x80xi32, #tpu.memory_space<vmem>> -> memref<4x80xi32, #tpu.memory_space<vmem>>
      %dma_wait3A_148 = arith.constant 8 : i32
      %dma_wait3A_149 = arith.constant 0 : i32
      %dma_wait3A_150 = tpu.memref_slice %arg3[%run_scoped3A_25, %add3A, %dma_wait3A_148, %dma_wait3A_149] : memref<2x32x125x80xi32, #tpu.memory_space<hbm>> -> memref<1x1x4x80xi32, #tpu.memory_space<hbm>>
      %dma_wait3A_151 = tpu.memref_squeeze %dma_wait3A_150 : memref<1x1x4x80xi32, #tpu.memory_space<hbm>> -> memref<4x80xi32, #tpu.memory_space<hbm>>
      tpu.wait_dma2 semaphore(%run_scoped3A_119 : memref<!tpu.dma_semaphore, #tpu.memory_space<semaphore_mem>>) src(%dma_wait3A_151 : memref<4x80xi32, #tpu.memory_space<hbm>>) dst(%dma_wait3A_147 : memref<4x80xi32, #tpu.memory_space<vmem>>)
      tpu.yield
    }) : () -> ()
    %run_scoped3A_28 = arith.constant 1 : i32
    %run_scoped3A_29 = arith.constant 2 : i32
    %run_scoped3A_30 = arith.constant 1 : i32
    "tpu.region"() ({
      %run_scoped3A_119 = tpu.sem_alloc : memref<!tpu.dma_semaphore, #tpu.memory_space<semaphore_mem>>
      %dma_start3A_120 = arith.constant 0 : i32
      %dma_start3A_121 = arith.constant 0 : i32
      %dma_start3A_122 = tpu.memref_slice %arg7[%run_scoped3A_29, %run_scoped3A_30, %dma_start3A_120, %dma_start3A_121] : memref<4x2x4x80xi32, #tpu.memory_space<vmem>> -> memref<1x1x4x80xi32, #tpu.memory_space<vmem>>
      %dma_start3A_123 = tpu.memref_squeeze %dma_start3A_122 : memref<1x1x4x80xi32, #tpu.memory_space<vmem>> -> memref<4x80xi32, #tpu.memory_space<vmem>>
      %dma_start3A_124 = arith.constant 8 : i32
      %dma_start3A_125 = arith.constant 0 : i32
      %dma_start3A_126 = tpu.memref_slice %arg3[%run_scoped3A_28, %add3A, %dma_start3A_124, %dma_start3A_125] : memref<2x32x125x80xi32, #tpu.memory_space<hbm>> -> memref<1x1x4x80xi32, #tpu.memory_space<hbm>>
      %dma_start3A_127 = tpu.memref_squeeze %dma_start3A_126 : memref<1x1x4x80xi32, #tpu.memory_space<hbm>> -> memref<4x80xi32, #tpu.memory_space<hbm>>
      %dma_start3A_128 = arith.constant 0 : i32
      %dma_start3A_129 = arith.constant 0 : i32
      %dma_start3A_130 = tpu.memref_slice %arg7[%run_scoped3A_29, %run_scoped3A_30, %dma_start3A_128, %dma_start3A_129] : memref<4x2x4x80xi32, #tpu.memory_space<vmem>> -> memref<1x1x4x80xi32, #tpu.memory_space<vmem>>
      %dma_start3A_131 = tpu.memref_squeeze %dma_start3A_130 : memref<1x1x4x80xi32, #tpu.memory_space<vmem>> -> memref<4x80xi32, #tpu.memory_space<vmem>>
      %dma_start3A_132 = arith.constant 8 : i32
      %dma_start3A_133 = arith.constant 0 : i32
      %dma_start3A_134 = tpu.memref_slice %arg3[%run_scoped3A_28, %add3A, %dma_start3A_132, %dma_start3A_133] : memref<2x32x125x80xi32, #tpu.memory_space<hbm>> -> memref<1x1x4x80xi32, #tpu.memory_space<hbm>>
      %dma_start3A_135 = tpu.memref_squeeze %dma_start3A_134 : memref<1x1x4x80xi32, #tpu.memory_space<hbm>> -> memref<4x80xi32, #tpu.memory_space<hbm>>
      tpu.enqueue_dma source(%dma_start3A_135 : memref<4x80xi32, #tpu.memory_space<hbm>>) target(%dma_start3A_131 : memref<4x80xi32, #tpu.memory_space<vmem>>) target_semaphore(%run_scoped3A_119 : memref<!tpu.dma_semaphore, #tpu.memory_space<semaphore_mem>>)
      %dma_wait3A_136 = arith.constant 0 : i32
      %dma_wait3A_137 = arith.constant 0 : i32
      %dma_wait3A_138 = tpu.memref_slice %arg7[%run_scoped3A_29, %run_scoped3A_30, %dma_wait3A_136, %dma_wait3A_137] : memref<4x2x4x80xi32, #tpu.memory_space<vmem>> -> memref<1x1x4x80xi32, #tpu.memory_space<vmem>>
      %dma_wait3A_139 = tpu.memref_squeeze %dma_wait3A_138 : memref<1x1x4x80xi32, #tpu.memory_space<vmem>> -> memref<4x80xi32, #tpu.memory_space<vmem>>
      %dma_wait3A_140 = arith.constant 8 : i32
      %dma_wait3A_141 = arith.constant 0 : i32
      %dma_wait3A_142 = tpu.memref_slice %arg3[%run_scoped3A_28, %add3A, %dma_wait3A_140, %dma_wait3A_141] : memref<2x32x125x80xi32, #tpu.memory_space<hbm>> -> memref<1x1x4x80xi32, #tpu.memory_space<hbm>>
      %dma_wait3A_143 = tpu.memref_squeeze %dma_wait3A_142 : memref<1x1x4x80xi32, #tpu.memory_space<hbm>> -> memref<4x80xi32, #tpu.memory_space<hbm>>
      %dma_wait3A_144 = arith.constant 0 : i32
      %dma_wait3A_145 = arith.constant 0 : i32
      %dma_wait3A_146 = tpu.memref_slice %arg7[%run_scoped3A_29, %run_scoped3A_30, %dma_wait3A_144, %dma_wait3A_145] : memref<4x2x4x80xi32, #tpu.memory_space<vmem>> -> memref<1x1x4x80xi32, #tpu.memory_space<vmem>>
      %dma_wait3A_147 = tpu.memref_squeeze %dma_wait3A_146 : memref<1x1x4x80xi32, #tpu.memory_space<vmem>> -> memref<4x80xi32, #tpu.memory_space<vmem>>
      %dma_wait3A_148 = arith.constant 8 : i32
      %dma_wait3A_149 = arith.constant 0 : i32
      %dma_wait3A_150 = tpu.memref_slice %arg3[%run_scoped3A_28, %add3A, %dma_wait3A_148, %dma_wait3A_149] : memref<2x32x125x80xi32, #tpu.memory_space<hbm>> -> memref<1x1x4x80xi32, #tpu.memory_space<hbm>>
      %dma_wait3A_151 = tpu.memref_squeeze %dma_wait3A_150 : memref<1x1x4x80xi32, #tpu.memory_space<hbm>> -> memref<4x80xi32, #tpu.memory_space<hbm>>
      tpu.wait_dma2 semaphore(%run_scoped3A_119 : memref<!tpu.dma_semaphore, #tpu.memory_space<semaphore_mem>>) src(%dma_wait3A_151 : memref<4x80xi32, #tpu.memory_space<hbm>>) dst(%dma_wait3A_147 : memref<4x80xi32, #tpu.memory_space<vmem>>)
      tpu.yield
    }) : () -> ()
    %run_scoped3A_31 = arith.constant 0 : i32
    %run_scoped3A_32 = arith.constant 3 : i32
    %run_scoped3A_33 = arith.constant 0 : i32
    "tpu.region"() ({
      %run_scoped3A_119 = tpu.sem_alloc : memref<!tpu.dma_semaphore, #tpu.memory_space<semaphore_mem>>
      %dma_start3A_120 = arith.constant 0 : i32
      %dma_start3A_121 = arith.constant 0 : i32
      %dma_start3A_122 = tpu.memref_slice %arg7[%run_scoped3A_32, %run_scoped3A_33, %dma_start3A_120, %dma_start3A_121] : memref<4x2x4x80xi32, #tpu.memory_space<vmem>> -> memref<1x1x4x80xi32, #tpu.memory_space<vmem>>
      %dma_start3A_123 = tpu.memref_squeeze %dma_start3A_122 : memref<1x1x4x80xi32, #tpu.memory_space<vmem>> -> memref<4x80xi32, #tpu.memory_space<vmem>>
      %dma_start3A_124 = arith.constant 12 : i32
      %dma_start3A_125 = arith.constant 0 : i32
      %dma_start3A_126 = tpu.memref_slice %arg3[%run_scoped3A_31, %add3A, %dma_start3A_124, %dma_start3A_125] : memref<2x32x125x80xi32, #tpu.memory_space<hbm>> -> memref<1x1x4x80xi32, #tpu.memory_space<hbm>>
      %dma_start3A_127 = tpu.memref_squeeze %dma_start3A_126 : memref<1x1x4x80xi32, #tpu.memory_space<hbm>> -> memref<4x80xi32, #tpu.memory_space<hbm>>
      %dma_start3A_128 = arith.constant 0 : i32
      %dma_start3A_129 = arith.constant 0 : i32
      %dma_start3A_130 = tpu.memref_slice %arg7[%run_scoped3A_32, %run_scoped3A_33, %dma_start3A_128, %dma_start3A_129] : memref<4x2x4x80xi32, #tpu.memory_space<vmem>> -> memref<1x1x4x80xi32, #tpu.memory_space<vmem>>
      %dma_start3A_131 = tpu.memref_squeeze %dma_start3A_130 : memref<1x1x4x80xi32, #tpu.memory_space<vmem>> -> memref<4x80xi32, #tpu.memory_space<vmem>>
      %dma_start3A_132 = arith.constant 12 : i32
      %dma_start3A_133 = arith.constant 0 : i32
      %dma_start3A_134 = tpu.memref_slice %arg3[%run_scoped3A_31, %add3A, %dma_start3A_132, %dma_start3A_133] : memref<2x32x125x80xi32, #tpu.memory_space<hbm>> -> memref<1x1x4x80xi32, #tpu.memory_space<hbm>>
      %dma_start3A_135 = tpu.memref_squeeze %dma_start3A_134 : memref<1x1x4x80xi32, #tpu.memory_space<hbm>> -> memref<4x80xi32, #tpu.memory_space<hbm>>
      tpu.enqueue_dma source(%dma_start3A_135 : memref<4x80xi32, #tpu.memory_space<hbm>>) target(%dma_start3A_131 : memref<4x80xi32, #tpu.memory_space<vmem>>) target_semaphore(%run_scoped3A_119 : memref<!tpu.dma_semaphore, #tpu.memory_space<semaphore_mem>>)
      %dma_wait3A_136 = arith.constant 0 : i32
      %dma_wait3A_137 = arith.constant 0 : i32
      %dma_wait3A_138 = tpu.memref_slice %arg7[%run_scoped3A_32, %run_scoped3A_33, %dma_wait3A_136, %dma_wait3A_137] : memref<4x2x4x80xi32, #tpu.memory_space<vmem>> -> memref<1x1x4x80xi32, #tpu.memory_space<vmem>>
      %dma_wait3A_139 = tpu.memref_squeeze %dma_wait3A_138 : memref<1x1x4x80xi32, #tpu.memory_space<vmem>> -> memref<4x80xi32, #tpu.memory_space<vmem>>
      %dma_wait3A_140 = arith.constant 12 : i32
      %dma_wait3A_141 = arith.constant 0 : i32
      %dma_wait3A_142 = tpu.memref_slice %arg3[%run_scoped3A_31, %add3A, %dma_wait3A_140, %dma_wait3A_141] : memref<2x32x125x80xi32, #tpu.memory_space<hbm>> -> memref<1x1x4x80xi32, #tpu.memory_space<hbm>>
      %dma_wait3A_143 = tpu.memref_squeeze %dma_wait3A_142 : memref<1x1x4x80xi32, #tpu.memory_space<hbm>> -> memref<4x80xi32, #tpu.memory_space<hbm>>
      %dma_wait3A_144 = arith.constant 0 : i32
      %dma_wait3A_145 = arith.constant 0 : i32
      %dma_wait3A_146 = tpu.memref_slice %arg7[%run_scoped3A_32, %run_scoped3A_33, %dma_wait3A_144, %dma_wait3A_145] : memref<4x2x4x80xi32, #tpu.memory_space<vmem>> -> memref<1x1x4x80xi32, #tpu.memory_space<vmem>>
      %dma_wait3A_147 = tpu.memref_squeeze %dma_wait3A_146 : memref<1x1x4x80xi32, #tpu.memory_space<vmem>> -> memref<4x80xi32, #tpu.memory_space<vmem>>
      %dma_wait3A_148 = arith.constant 12 : i32
      %dma_wait3A_149 = arith.constant 0 : i32
      %dma_wait3A_150 = tpu.memref_slice %arg3[%run_scoped3A_31, %add3A, %dma_wait3A_148, %dma_wait3A_149] : memref<2x32x125x80xi32, #tpu.memory_space<hbm>> -> memref<1x1x4x80xi32, #tpu.memory_space<hbm>>
      %dma_wait3A_151 = tpu.memref_squeeze %dma_wait3A_150 : memref<1x1x4x80xi32, #tpu.memory_space<hbm>> -> memref<4x80xi32, #tpu.memory_space<hbm>>
      tpu.wait_dma2 semaphore(%run_scoped3A_119 : memref<!tpu.dma_semaphore, #tpu.memory_space<semaphore_mem>>) src(%dma_wait3A_151 : memref<4x80xi32, #tpu.memory_space<hbm>>) dst(%dma_wait3A_147 : memref<4x80xi32, #tpu.memory_space<vmem>>)
      tpu.yield
    }) : () -> ()
    %run_scoped3A_34 = arith.constant 1 : i32
    %run_scoped3A_35 = arith.constant 3 : i32
    %run_scoped3A_36 = arith.constant 1 : i32
    "tpu.region"() ({
      %run_scoped3A_119 = tpu.sem_alloc : memref<!tpu.dma_semaphore, #tpu.memory_space<semaphore_mem>>
      %dma_start3A_120 = arith.constant 0 : i32
      %dma_start3A_121 = arith.constant 0 : i32
      %dma_start3A_122 = tpu.memref_slice %arg7[%run_scoped3A_35, %run_scoped3A_36, %dma_start3A_120, %dma_start3A_121] : memref<4x2x4x80xi32, #tpu.memory_space<vmem>> -> memref<1x1x4x80xi32, #tpu.memory_space<vmem>>
      %dma_start3A_123 = tpu.memref_squeeze %dma_start3A_122 : memref<1x1x4x80xi32, #tpu.memory_space<vmem>> -> memref<4x80xi32, #tpu.memory_space<vmem>>
      %dma_start3A_124 = arith.constant 12 : i32
      %dma_start3A_125 = arith.constant 0 : i32
      %dma_start3A_126 = tpu.memref_slice %arg3[%run_scoped3A_34, %add3A, %dma_start3A_124, %dma_start3A_125] : memref<2x32x125x80xi32, #tpu.memory_space<hbm>> -> memref<1x1x4x80xi32, #tpu.memory_space<hbm>>
      %dma_start3A_127 = tpu.memref_squeeze %dma_start3A_126 : memref<1x1x4x80xi32, #tpu.memory_space<hbm>> -> memref<4x80xi32, #tpu.memory_space<hbm>>
      %dma_start3A_128 = arith.constant 0 : i32
      %dma_start3A_129 = arith.constant 0 : i32
      %dma_start3A_130 = tpu.memref_slice %arg7[%run_scoped3A_35, %run_scoped3A_36, %dma_start3A_128, %dma_start3A_129] : memref<4x2x4x80xi32, #tpu.memory_space<vmem>> -> memref<1x1x4x80xi32, #tpu.memory_space<vmem>>
      %dma_start3A_131 = tpu.memref_squeeze %dma_start3A_130 : memref<1x1x4x80xi32, #tpu.memory_space<vmem>> -> memref<4x80xi32, #tpu.memory_space<vmem>>
      %dma_start3A_132 = arith.constant 12 : i32
      %dma_start3A_133 = arith.constant 0 : i32
      %dma_start3A_134 = tpu.memref_slice %arg3[%run_scoped3A_34, %add3A, %dma_start3A_132, %dma_start3A_133] : memref<2x32x125x80xi32, #tpu.memory_space<hbm>> -> memref<1x1x4x80xi32, #tpu.memory_space<hbm>>
      %dma_start3A_135 = tpu.memref_squeeze %dma_start3A_134 : memref<1x1x4x80xi32, #tpu.memory_space<hbm>> -> memref<4x80xi32, #tpu.memory_space<hbm>>
      tpu.enqueue_dma source(%dma_start3A_135 : memref<4x80xi32, #tpu.memory_space<hbm>>) target(%dma_start3A_131 : memref<4x80xi32, #tpu.memory_space<vmem>>) target_semaphore(%run_scoped3A_119 : memref<!tpu.dma_semaphore, #tpu.memory_space<semaphore_mem>>)
      %dma_wait3A_136 = arith.constant 0 : i32
      %dma_wait3A_137 = arith.constant 0 : i32
      %dma_wait3A_138 = tpu.memref_slice %arg7[%run_scoped3A_35, %run_scoped3A_36, %dma_wait3A_136, %dma_wait3A_137] : memref<4x2x4x80xi32, #tpu.memory_space<vmem>> -> memref<1x1x4x80xi32, #tpu.memory_space<vmem>>
      %dma_wait3A_139 = tpu.memref_squeeze %dma_wait3A_138 : memref<1x1x4x80xi32, #tpu.memory_space<vmem>> -> memref<4x80xi32, #tpu.memory_space<vmem>>
      %dma_wait3A_140 = arith.constant 12 : i32
      %dma_wait3A_141 = arith.constant 0 : i32
      %dma_wait3A_142 = tpu.memref_slice %arg3[%run_scoped3A_34, %add3A, %dma_wait3A_140, %dma_wait3A_141] : memref<2x32x125x80xi32, #tpu.memory_space<hbm>> -> memref<1x1x4x80xi32, #tpu.memory_space<hbm>>
      %dma_wait3A_143 = tpu.memref_squeeze %dma_wait3A_142 : memref<1x1x4x80xi32, #tpu.memory_space<hbm>> -> memref<4x80xi32, #tpu.memory_space<hbm>>
      %dma_wait3A_144 = arith.constant 0 : i32
      %dma_wait3A_145 = arith.constant 0 : i32
      %dma_wait3A_146 = tpu.memref_slice %arg7[%run_scoped3A_35, %run_scoped3A_36, %dma_wait3A_144, %dma_wait3A_145] : memref<4x2x4x80xi32, #tpu.memory_space<vmem>> -> memref<1x1x4x80xi32, #tpu.memory_space<vmem>>
      %dma_wait3A_147 = tpu.memref_squeeze %dma_wait3A_146 : memref<1x1x4x80xi32, #tpu.memory_space<vmem>> -> memref<4x80xi32, #tpu.memory_space<vmem>>
      %dma_wait3A_148 = arith.constant 12 : i32
      %dma_wait3A_149 = arith.constant 0 : i32
      %dma_wait3A_150 = tpu.memref_slice %arg3[%run_scoped3A_34, %add3A, %dma_wait3A_148, %dma_wait3A_149] : memref<2x32x125x80xi32, #tpu.memory_space<hbm>> -> memref<1x1x4x80xi32, #tpu.memory_space<hbm>>
      %dma_wait3A_151 = tpu.memref_squeeze %dma_wait3A_150 : memref<1x1x4x80xi32, #tpu.memory_space<hbm>> -> memref<4x80xi32, #tpu.memory_space<hbm>>
      tpu.wait_dma2 semaphore(%run_scoped3A_119 : memref<!tpu.dma_semaphore, #tpu.memory_space<semaphore_mem>>) src(%dma_wait3A_151 : memref<4x80xi32, #tpu.memory_space<hbm>>) dst(%dma_wait3A_147 : memref<4x80xi32, #tpu.memory_space<vmem>>)
      tpu.yield
    }) : () -> ()
    %barrier3A = arith.constant 0 : index
    tpu.barrier barrier_id(%barrier3A)
    %dma_start3A = arith.constant 0 : i32
    %dma_start3A_37 = arith.constant 0 : i32
    %dma_start3A_38 = arith.constant 0 : i32
    %dma_start3A_39 = arith.constant 0 : i32
    %dma_start3A_40 = tpu.memref_slice %arg7[%dma_start3A, %dma_start3A_37, %dma_start3A_38, %dma_start3A_39] : memref<4x2x4x80xi32, #tpu.memory_space<vmem>> -> memref<1x1x1x80xi32, #tpu.memory_space<vmem>>
    %dma_start3A_41 = tpu.memref_squeeze %dma_start3A_40 : memref<1x1x1x80xi32, #tpu.memory_space<vmem>> -> memref<80xi32, #tpu.memory_space<vmem>>
    %dma_start3A_42 = arith.constant 0 : i32
    %dma_start3A_43 = arith.constant 0 : i32
    %dma_start3A_44 = tpu.memref_slice %arg2[%dma_start3A_42, %dma_start3A_43] : memref<10000x128xf32, #tpu.memory_space<hbm>> -> memref<10000x128xf32, #tpu.memory_space<hbm>>
    tpu.enqueue_indirect_dma source(%dma_start3A_44 : memref<10000x128xf32, #tpu.memory_space<hbm>>) target(%arg8 : memref<80x128xf32, #tpu.memory_space<vmem>>) offsets(%dma_start3A_41 : memref<80xi32, #tpu.memory_space<vmem>>) semaphore(%arg12 : memref<!tpu.dma_semaphore, #tpu.memory_space<semaphore_mem>>)
    %dma_start3A_45 = arith.constant 0 : i32
    %dma_start3A_46 = arith.constant 0 : i32
    %dma_start3A_47 = arith.constant 1 : i32
    %dma_start3A_48 = arith.constant 0 : i32
    %dma_start3A_49 = tpu.memref_slice %arg7[%dma_start3A_45, %dma_start3A_46, %dma_start3A_47, %dma_start3A_48] : memref<4x2x4x80xi32, #tpu.memory_space<vmem>> -> memref<1x1x1x80xi32, #tpu.memory_space<vmem>>
    %dma_start3A_50 = tpu.memref_squeeze %dma_start3A_49 : memref<1x1x1x80xi32, #tpu.memory_space<vmem>> -> memref<80xi32, #tpu.memory_space<vmem>>
    %dma_start3A_51 = arith.constant 0 : i32
    %dma_start3A_52 = arith.constant 0 : i32
    %dma_start3A_53 = tpu.memref_slice %arg2[%dma_start3A_51, %dma_start3A_52] : memref<10000x128xf32, #tpu.memory_space<hbm>> -> memref<10000x128xf32, #tpu.memory_space<hbm>>
    tpu.enqueue_indirect_dma source(%dma_start3A_53 : memref<10000x128xf32, #tpu.memory_space<hbm>>) target(%arg9 : memref<80x128xf32, #tpu.memory_space<vmem>>) offsets(%dma_start3A_50 : memref<80xi32, #tpu.memory_space<vmem>>) semaphore(%arg13 : memref<!tpu.dma_semaphore, #tpu.memory_space<semaphore_mem>>)
    %scan3A_54 = arith.constant 0 : i32
    %scan3A_55 = arith.constant 31 : i32
    %scan3A_56 = arith.addi %scan3A_54, %scan3A_55 : i32
    %scan3A_57 = arith.constant 1 : i32
    scf.for %scan3A_119 = %scan3A_54 to %scan3A_56 step %scan3A_57  : i32 {
      %mul3A_120 = arith.constant 1 : i32
      %mul3A_121 = arith.muli %scan3A_119, %mul3A_120 : i32
      %add3A_122 = arith.constant 0 : i32
      %add3A_123 = arith.addi %add3A_122, %mul3A_121 : i32
      %rem3A = arith.constant 4 : i32
      %rem3A_124 = arith.remsi %add3A_123, %rem3A : i32
      %add3A_125 = arith.constant 1 : i32
      %add3A_126 = arith.addi %add3A_123, %add3A_125 : i32
      %rem3A_127 = arith.constant 4 : i32
      %rem3A_128 = arith.remsi %add3A_126, %rem3A_127 : i32
      %mul3A_129 = arith.constant 4 : i32
      %mul3A_130 = arith.muli %add3A_123, %mul3A_129 : i32
      %add3A_131 = arith.constant 0 : i32
      %add3A_132 = arith.addi %mul3A_130, %add3A_131 : i32
      %add3A_133 = arith.constant 2 : i32
      %add3A_134 = arith.addi %add3A_132, %add3A_133 : i32
      %lt3A_135 = arith.constant 124 : i32
      %lt3A_136 = arith.cmpi slt, %add3A_134, %lt3A_135 : i32
      %convert_element_type3A_137 = arith.extui %lt3A_136 : i1 to i32
      %cond3A_138 = arith.constant 0 : i32
      %cond3A_139 = arith.cmpi ne, %convert_element_type3A_137, %cond3A_138 : i32
      scf.if %cond3A_139 {
        %ge3A_242 = arith.constant 4 : i32
        %ge3A_243 = arith.cmpi sge, %add3A_134, %ge3A_242 : i32
        %convert_element_type3A_244 = arith.extui %ge3A_243 : i1 to i32
        %cond3A_245 = arith.constant 0 : i32
        %cond3A_246 = arith.cmpi ne, %convert_element_type3A_244, %cond3A_245 : i32
        scf.if %cond3A_246 {
          %dma_wait3A_255 = arith.constant 0 : i32
          %dma_wait3A_256 = arith.constant 0 : i32
          %dma_wait3A_257 = tpu.memref_slice %arg2[%dma_wait3A_255, %dma_wait3A_256] : memref<10000x128xf32, #tpu.memory_space<hbm>> -> memref<80x128xf32, #tpu.memory_space<hbm>>
          %dma_wait3A_258 = arith.constant 0 : i32
          %dma_wait3A_259 = arith.constant 0 : i32
          %dma_wait3A_260 = tpu.memref_slice %arg2[%dma_wait3A_258, %dma_wait3A_259] : memref<10000x128xf32, #tpu.memory_space<hbm>> -> memref<80x128xf32, #tpu.memory_space<hbm>>
          tpu.wait_dma2 semaphore(%arg18 : memref<!tpu.dma_semaphore, #tpu.memory_space<semaphore_mem>>) src(%dma_wait3A_260 : memref<80x128xf32, #tpu.memory_space<hbm>>) dst(%arg10 : memref<80x128xf32, #tpu.memory_space<vmem>>)
        } else {
        }
        %dma_start3A_247 = arith.constant 0 : i32
        %dma_start3A_248 = arith.constant 2 : i32
        %dma_start3A_249 = arith.constant 0 : i32
        %dma_start3A_250 = tpu.memref_slice %arg7[%rem3A_124, %dma_start3A_247, %dma_start3A_248, %dma_start3A_249] : memref<4x2x4x80xi32, #tpu.memory_space<vmem>> -> memref<1x1x1x80xi32, #tpu.memory_space<vmem>>
        %dma_start3A_251 = tpu.memref_squeeze %dma_start3A_250 : memref<1x1x1x80xi32, #tpu.memory_space<vmem>> -> memref<80xi32, #tpu.memory_space<vmem>>
        %dma_start3A_252 = arith.constant 0 : i32
        %dma_start3A_253 = arith.constant 0 : i32
        %dma_start3A_254 = tpu.memref_slice %arg2[%dma_start3A_252, %dma_start3A_253] : memref<10000x128xf32, #tpu.memory_space<hbm>> -> memref<10000x128xf32, #tpu.memory_space<hbm>>
        tpu.enqueue_indirect_dma source(%dma_start3A_254 : memref<10000x128xf32, #tpu.memory_space<hbm>>) target(%arg10 : memref<80x128xf32, #tpu.memory_space<vmem>>) offsets(%dma_start3A_251 : memref<80xi32, #tpu.memory_space<vmem>>) semaphore(%arg14 : memref<!tpu.dma_semaphore, #tpu.memory_space<semaphore_mem>>)
      } else {
      }
      %dma_wait3A_140 = arith.constant 0 : i32
      %dma_wait3A_141 = arith.constant 0 : i32
      %dma_wait3A_142 = tpu.memref_slice %arg2[%dma_wait3A_140, %dma_wait3A_141] : memref<10000x128xf32, #tpu.memory_space<hbm>> -> memref<80x128xf32, #tpu.memory_space<hbm>>
      %dma_wait3A_143 = arith.constant 0 : i32
      %dma_wait3A_144 = arith.constant 0 : i32
      %dma_wait3A_145 = tpu.memref_slice %arg2[%dma_wait3A_143, %dma_wait3A_144] : memref<10000x128xf32, #tpu.memory_space<hbm>> -> memref<80x128xf32, #tpu.memory_space<hbm>>
      tpu.wait_dma2 semaphore(%arg12 : memref<!tpu.dma_semaphore, #tpu.memory_space<semaphore_mem>>) src(%dma_wait3A_145 : memref<80x128xf32, #tpu.memory_space<hbm>>) dst(%arg8 : memref<80x128xf32, #tpu.memory_space<vmem>>)
      %dma_start3A_146 = arith.constant 1 : i32
      %dma_start3A_147 = arith.constant 0 : i32
      %dma_start3A_148 = arith.constant 0 : i32
      %dma_start3A_149 = tpu.memref_slice %arg7[%rem3A_124, %dma_start3A_146, %dma_start3A_147, %dma_start3A_148] : memref<4x2x4x80xi32, #tpu.memory_space<vmem>> -> memref<1x1x1x80xi32, #tpu.memory_space<vmem>>
      %dma_start3A_150 = tpu.memref_squeeze %dma_start3A_149 : memref<1x1x1x80xi32, #tpu.memory_space<vmem>> -> memref<80xi32, #tpu.memory_space<vmem>>
      %dma_start3A_151 = arith.constant 0 : i32
      %dma_start3A_152 = arith.constant 0 : i32
      %dma_start3A_153 = tpu.memref_slice %arg6[%dma_start3A_151, %dma_start3A_152] : memref<10000x128xf32, #tpu.memory_space<vmem_shared>> -> memref<10000x128xf32, #tpu.memory_space<vmem_shared>>
      tpu.enqueue_indirect_dma source(%arg8 : memref<80x128xf32, #tpu.memory_space<vmem>>) target(%dma_start3A_153 : memref<10000x128xf32, #tpu.memory_space<vmem_shared>>) offsets(%dma_start3A_150 : memref<80xi32, #tpu.memory_space<vmem>>) semaphore(%arg16 : memref<!tpu.dma_semaphore, #tpu.memory_space<semaphore_mem>>) {add = true}
      %mul3A_154 = arith.constant 4 : i32
      %mul3A_155 = arith.muli %add3A_123, %mul3A_154 : i32
      %add3A_156 = arith.constant 1 : i32
      %add3A_157 = arith.addi %mul3A_155, %add3A_156 : i32
      %add3A_158 = arith.constant 2 : i32
      %add3A_159 = arith.addi %add3A_157, %add3A_158 : i32
      %lt3A_160 = arith.constant 124 : i32
      %lt3A_161 = arith.cmpi slt, %add3A_159, %lt3A_160 : i32
      %convert_element_type3A_162 = arith.extui %lt3A_161 : i1 to i32
      %cond3A_163 = arith.constant 0 : i32
      %cond3A_164 = arith.cmpi ne, %convert_element_type3A_162, %cond3A_163 : i32
      scf.if %cond3A_164 {
        %ge3A_242 = arith.constant 4 : i32
        %ge3A_243 = arith.cmpi sge, %add3A_159, %ge3A_242 : i32
        %convert_element_type3A_244 = arith.extui %ge3A_243 : i1 to i32
        %cond3A_245 = arith.constant 0 : i32
        %cond3A_246 = arith.cmpi ne, %convert_element_type3A_244, %cond3A_245 : i32
        scf.if %cond3A_246 {
          %dma_wait3A_255 = arith.constant 0 : i32
          %dma_wait3A_256 = arith.constant 0 : i32
          %dma_wait3A_257 = tpu.memref_slice %arg2[%dma_wait3A_255, %dma_wait3A_256] : memref<10000x128xf32, #tpu.memory_space<hbm>> -> memref<80x128xf32, #tpu.memory_space<hbm>>
          %dma_wait3A_258 = arith.constant 0 : i32
          %dma_wait3A_259 = arith.constant 0 : i32
          %dma_wait3A_260 = tpu.memref_slice %arg2[%dma_wait3A_258, %dma_wait3A_259] : memref<10000x128xf32, #tpu.memory_space<hbm>> -> memref<80x128xf32, #tpu.memory_space<hbm>>
          tpu.wait_dma2 semaphore(%arg19 : memref<!tpu.dma_semaphore, #tpu.memory_space<semaphore_mem>>) src(%dma_wait3A_260 : memref<80x128xf32, #tpu.memory_space<hbm>>) dst(%arg11 : memref<80x128xf32, #tpu.memory_space<vmem>>)
        } else {
        }
        %dma_start3A_247 = arith.constant 0 : i32
        %dma_start3A_248 = arith.constant 3 : i32
        %dma_start3A_249 = arith.constant 0 : i32
        %dma_start3A_250 = tpu.memref_slice %arg7[%rem3A_124, %dma_start3A_247, %dma_start3A_248, %dma_start3A_249] : memref<4x2x4x80xi32, #tpu.memory_space<vmem>> -> memref<1x1x1x80xi32, #tpu.memory_space<vmem>>
        %dma_start3A_251 = tpu.memref_squeeze %dma_start3A_250 : memref<1x1x1x80xi32, #tpu.memory_space<vmem>> -> memref<80xi32, #tpu.memory_space<vmem>>
        %dma_start3A_252 = arith.constant 0 : i32
        %dma_start3A_253 = arith.constant 0 : i32
        %dma_start3A_254 = tpu.memref_slice %arg2[%dma_start3A_252, %dma_start3A_253] : memref<10000x128xf32, #tpu.memory_space<hbm>> -> memref<10000x128xf32, #tpu.memory_space<hbm>>
        tpu.enqueue_indirect_dma source(%dma_start3A_254 : memref<10000x128xf32, #tpu.memory_space<hbm>>) target(%arg11 : memref<80x128xf32, #tpu.memory_space<vmem>>) offsets(%dma_start3A_251 : memref<80xi32, #tpu.memory_space<vmem>>) semaphore(%arg15 : memref<!tpu.dma_semaphore, #tpu.memory_space<semaphore_mem>>)
      } else {
      }
      %ge3A = arith.constant 2 : i32
      %ge3A_165 = arith.cmpi sge, %add3A_123, %ge3A : i32
      %le3A = arith.constant 29 : i32
      %le3A_166 = arith.cmpi sle, %add3A_123, %le3A : i32
      %and3A = arith.andi %ge3A_165, %le3A_166 : i1
      %convert_element_type3A_167 = arith.extui %and3A : i1 to i32
      %cond3A_168 = arith.constant 0 : i32
      %cond3A_169 = arith.cmpi ne, %convert_element_type3A_167, %cond3A_168 : i32
      scf.if %cond3A_169 {
        %dma_wait3A_242 = arith.constant 0 : i32
        %dma_wait3A_243 = arith.constant 0 : i32
        %dma_wait3A_244 = arith.constant 0 : i32
        %dma_wait3A_245 = arith.constant 0 : i32
        %dma_wait3A_246 = arith.constant 0 : i32
        %dma_wait3A_247 = arith.constant 0 : i32
        %dma_wait3A_248 = tpu.memref_slice %arg7[%dma_wait3A_244, %dma_wait3A_245, %dma_wait3A_246, %dma_wait3A_247] : memref<4x2x4x80xi32, #tpu.memory_space<vmem>> -> memref<1x1x4x80xi32, #tpu.memory_space<vmem>>
        %dma_wait3A_249 = tpu.memref_squeeze %dma_wait3A_248 : memref<1x1x4x80xi32, #tpu.memory_space<vmem>> -> memref<4x80xi32, #tpu.memory_space<vmem>>
        %dma_wait3A_250 = arith.constant 0 : i32
        %dma_wait3A_251 = arith.constant 0 : i32
        %dma_wait3A_252 = tpu.memref_slice %arg3[%dma_wait3A_242, %dma_wait3A_243, %dma_wait3A_250, %dma_wait3A_251] : memref<2x32x125x80xi32, #tpu.memory_space<hbm>> -> memref<1x1x4x80xi32, #tpu.memory_space<hbm>>
        %dma_wait3A_253 = tpu.memref_squeeze %dma_wait3A_252 : memref<1x1x4x80xi32, #tpu.memory_space<hbm>> -> memref<4x80xi32, #tpu.memory_space<hbm>>
        %dma_wait3A_254 = arith.constant 0 : i32
        %dma_wait3A_255 = arith.constant 0 : i32
        %dma_wait3A_256 = tpu.memref_slice %arg7[%dma_wait3A_244, %dma_wait3A_245, %dma_wait3A_254, %dma_wait3A_255] : memref<4x2x4x80xi32, #tpu.memory_space<vmem>> -> memref<1x1x4x80xi32, #tpu.memory_space<vmem>>
        %dma_wait3A_257 = tpu.memref_squeeze %dma_wait3A_256 : memref<1x1x4x80xi32, #tpu.memory_space<vmem>> -> memref<4x80xi32, #tpu.memory_space<vmem>>
        %dma_wait3A_258 = arith.constant 0 : i32
        %dma_wait3A_259 = arith.constant 0 : i32
        %dma_wait3A_260 = tpu.memref_slice %arg3[%dma_wait3A_242, %dma_wait3A_243, %dma_wait3A_258, %dma_wait3A_259] : memref<2x32x125x80xi32, #tpu.memory_space<hbm>> -> memref<1x1x4x80xi32, #tpu.memory_space<hbm>>
        %dma_wait3A_261 = tpu.memref_squeeze %dma_wait3A_260 : memref<1x1x4x80xi32, #tpu.memory_space<hbm>> -> memref<4x80xi32, #tpu.memory_space<hbm>>
        tpu.wait_dma2 semaphore(%arg20 : memref<!tpu.dma_semaphore, #tpu.memory_space<semaphore_mem>>) src(%dma_wait3A_261 : memref<4x80xi32, #tpu.memory_space<hbm>>) dst(%dma_wait3A_257 : memref<4x80xi32, #tpu.memory_space<vmem>>)
        %dma_wait3A_262 = arith.constant 0 : i32
        %dma_wait3A_263 = arith.constant 0 : i32
        %dma_wait3A_264 = arith.constant 0 : i32
        %dma_wait3A_265 = arith.constant 0 : i32
        %dma_wait3A_266 = arith.constant 0 : i32
        %dma_wait3A_267 = arith.constant 0 : i32
        %dma_wait3A_268 = tpu.memref_slice %arg7[%dma_wait3A_264, %dma_wait3A_265, %dma_wait3A_266, %dma_wait3A_267] : memref<4x2x4x80xi32, #tpu.memory_space<vmem>> -> memref<1x1x4x80xi32, #tpu.memory_space<vmem>>
        %dma_wait3A_269 = tpu.memref_squeeze %dma_wait3A_268 : memref<1x1x4x80xi32, #tpu.memory_space<vmem>> -> memref<4x80xi32, #tpu.memory_space<vmem>>
        %dma_wait3A_270 = arith.constant 0 : i32
        %dma_wait3A_271 = arith.constant 0 : i32
        %dma_wait3A_272 = tpu.memref_slice %arg3[%dma_wait3A_262, %dma_wait3A_263, %dma_wait3A_270, %dma_wait3A_271] : memref<2x32x125x80xi32, #tpu.memory_space<hbm>> -> memref<1x1x4x80xi32, #tpu.memory_space<hbm>>
        %dma_wait3A_273 = tpu.memref_squeeze %dma_wait3A_272 : memref<1x1x4x80xi32, #tpu.memory_space<hbm>> -> memref<4x80xi32, #tpu.memory_space<hbm>>
        %dma_wait3A_274 = arith.constant 0 : i32
        %dma_wait3A_275 = arith.constant 0 : i32
        %dma_wait3A_276 = tpu.memref_slice %arg7[%dma_wait3A_264, %dma_wait3A_265, %dma_wait3A_274, %dma_wait3A_275] : memref<4x2x4x80xi32, #tpu.memory_space<vmem>> -> memref<1x1x4x80xi32, #tpu.memory_space<vmem>>
        %dma_wait3A_277 = tpu.memref_squeeze %dma_wait3A_276 : memref<1x1x4x80xi32, #tpu.memory_space<vmem>> -> memref<4x80xi32, #tpu.memory_space<vmem>>
        %dma_wait3A_278 = arith.constant 0 : i32
        %dma_wait3A_279 = arith.constant 0 : i32
        %dma_wait3A_280 = tpu.memref_slice %arg3[%dma_wait3A_262, %dma_wait3A_263, %dma_wait3A_278, %dma_wait3A_279] : memref<2x32x125x80xi32, #tpu.memory_space<hbm>> -> memref<1x1x4x80xi32, #tpu.memory_space<hbm>>
        %dma_wait3A_281 = tpu.memref_squeeze %dma_wait3A_280 : memref<1x1x4x80xi32, #tpu.memory_space<hbm>> -> memref<4x80xi32, #tpu.memory_space<hbm>>
        tpu.wait_dma2 semaphore(%arg20 : memref<!tpu.dma_semaphore, #tpu.memory_space<semaphore_mem>>) src(%dma_wait3A_281 : memref<4x80xi32, #tpu.memory_space<hbm>>) dst(%dma_wait3A_277 : memref<4x80xi32, #tpu.memory_space<vmem>>)
      } else {
      }
      %ge3A_170 = arith.constant 1 : i32
      %ge3A_171 = arith.cmpi sge, %add3A_123, %ge3A_170 : i32
      %le3A_172 = arith.constant 28 : i32
      %le3A_173 = arith.cmpi sle, %add3A_123, %le3A_172 : i32
      %and3A_174 = arith.andi %ge3A_171, %le3A_173 : i1
      %convert_element_type3A_175 = arith.extui %and3A_174 : i1 to i32
      %cond3A_176 = arith.constant 0 : i32
      %cond3A_177 = arith.cmpi ne, %convert_element_type3A_175, %cond3A_176 : i32
      scf.if %cond3A_177 {
        %add3A_242 = arith.constant 3 : i32
        %add3A_243 = arith.addi %add3A_123, %add3A_242 : i32
        %rem3A_244 = arith.constant 4 : i32
        %rem3A_245 = arith.remsi %add3A_243, %rem3A_244 : i32
        %add3A_246 = arith.constant 3 : i32
        %add3A_247 = arith.addi %add3A_123, %add3A_246 : i32
        %mul3A_248 = arith.constant 4 : i32
        %mul3A_249 = arith.muli %add3A_247, %mul3A_248 : i32
        %dma_start3A_250 = arith.constant 0 : i32
        %dma_start3A_251 = arith.constant 0 : i32
        %dma_start3A_252 = arith.constant 0 : i32
        %dma_start3A_253 = arith.constant 0 : i32
        %dma_start3A_254 = tpu.memref_slice %arg7[%rem3A_245, %dma_start3A_251, %dma_start3A_252, %dma_start3A_253] : memref<4x2x4x80xi32, #tpu.memory_space<vmem>> -> memref<1x1x4x80xi32, #tpu.memory_space<vmem>>
        %dma_start3A_255 = tpu.memref_squeeze %dma_start3A_254 : memref<1x1x4x80xi32, #tpu.memory_space<vmem>> -> memref<4x80xi32, #tpu.memory_space<vmem>>
        %dma_start3A_256 = arith.constant 0 : i32
        %dma_start3A_257 = tpu.memref_slice %arg3[%dma_start3A_250, %add3A, %mul3A_249, %dma_start3A_256] : memref<2x32x125x80xi32, #tpu.memory_space<hbm>> -> memref<1x1x4x80xi32, #tpu.memory_space<hbm>>
        %dma_start3A_258 = tpu.memref_squeeze %dma_start3A_257 : memref<1x1x4x80xi32, #tpu.memory_space<hbm>> -> memref<4x80xi32, #tpu.memory_space<hbm>>
        %dma_start3A_259 = arith.constant 0 : i32
        %dma_start3A_260 = arith.constant 0 : i32
        %dma_start3A_261 = tpu.memref_slice %arg7[%rem3A_245, %dma_start3A_251, %dma_start3A_259, %dma_start3A_260] : memref<4x2x4x80xi32, #tpu.memory_space<vmem>> -> memref<1x1x4x80xi32, #tpu.memory_space<vmem>>
        %dma_start3A_262 = tpu.memref_squeeze %dma_start3A_261 : memref<1x1x4x80xi32, #tpu.memory_space<vmem>> -> memref<4x80xi32, #tpu.memory_space<vmem>>
        %dma_start3A_263 = arith.constant 0 : i32
        %dma_start3A_264 = tpu.memref_slice %arg3[%dma_start3A_250, %add3A, %mul3A_249, %dma_start3A_263] : memref<2x32x125x80xi32, #tpu.memory_space<hbm>> -> memref<1x1x4x80xi32, #tpu.memory_space<hbm>>
        %dma_start3A_265 = tpu.memref_squeeze %dma_start3A_264 : memref<1x1x4x80xi32, #tpu.memory_space<hbm>> -> memref<4x80xi32, #tpu.memory_space<hbm>>
        tpu.enqueue_dma source(%dma_start3A_265 : memref<4x80xi32, #tpu.memory_space<hbm>>) target(%dma_start3A_262 : memref<4x80xi32, #tpu.memory_space<vmem>>) target_semaphore(%arg20 : memref<!tpu.dma_semaphore, #tpu.memory_space<semaphore_mem>>)
        %add3A_266 = arith.constant 3 : i32
        %add3A_267 = arith.addi %add3A_123, %add3A_266 : i32
        %mul3A_268 = arith.constant 4 : i32
        %mul3A_269 = arith.muli %add3A_267, %mul3A_268 : i32
        %dma_start3A_270 = arith.constant 1 : i32
        %dma_start3A_271 = arith.constant 1 : i32
        %dma_start3A_272 = arith.constant 0 : i32
        %dma_start3A_273 = arith.constant 0 : i32
        %dma_start3A_274 = tpu.memref_slice %arg7[%rem3A_245, %dma_start3A_271, %dma_start3A_272, %dma_start3A_273] : memref<4x2x4x80xi32, #tpu.memory_space<vmem>> -> memref<1x1x4x80xi32, #tpu.memory_space<vmem>>
        %dma_start3A_275 = tpu.memref_squeeze %dma_start3A_274 : memref<1x1x4x80xi32, #tpu.memory_space<vmem>> -> memref<4x80xi32, #tpu.memory_space<vmem>>
        %dma_start3A_276 = arith.constant 0 : i32
        %dma_start3A_277 = tpu.memref_slice %arg3[%dma_start3A_270, %add3A, %mul3A_269, %dma_start3A_276] : memref<2x32x125x80xi32, #tpu.memory_space<hbm>> -> memref<1x1x4x80xi32, #tpu.memory_space<hbm>>
        %dma_start3A_278 = tpu.memref_squeeze %dma_start3A_277 : memref<1x1x4x80xi32, #tpu.memory_space<hbm>> -> memref<4x80xi32, #tpu.memory_space<hbm>>
        %dma_start3A_279 = arith.constant 0 : i32
        %dma_start3A_280 = arith.constant 0 : i32
        %dma_start3A_281 = tpu.memref_slice %arg7[%rem3A_245, %dma_start3A_271, %dma_start3A_279, %dma_start3A_280] : memref<4x2x4x80xi32, #tpu.memory_space<vmem>> -> memref<1x1x4x80xi32, #tpu.memory_space<vmem>>
        %dma_start3A_282 = tpu.memref_squeeze %dma_start3A_281 : memref<1x1x4x80xi32, #tpu.memory_space<vmem>> -> memref<4x80xi32, #tpu.memory_space<vmem>>
        %dma_start3A_283 = arith.constant 0 : i32
        %dma_start3A_284 = tpu.memref_slice %arg3[%dma_start3A_270, %add3A, %mul3A_269, %dma_start3A_283] : memref<2x32x125x80xi32, #tpu.memory_space<hbm>> -> memref<1x1x4x80xi32, #tpu.memory_space<hbm>>
        %dma_start3A_285 = tpu.memref_squeeze %dma_start3A_284 : memref<1x1x4x80xi32, #tpu.memory_space<hbm>> -> memref<4x80xi32, #tpu.memory_space<hbm>>
        tpu.enqueue_dma source(%dma_start3A_285 : memref<4x80xi32, #tpu.memory_space<hbm>>) target(%dma_start3A_282 : memref<4x80xi32, #tpu.memory_space<vmem>>) target_semaphore(%arg20 : memref<!tpu.dma_semaphore, #tpu.memory_space<semaphore_mem>>)
      } else {
      }
      %dma_wait3A_178 = arith.constant 0 : i32
      %dma_wait3A_179 = arith.constant 0 : i32
      %dma_wait3A_180 = tpu.memref_slice %arg2[%dma_wait3A_178, %dma_wait3A_179] : memref<10000x128xf32, #tpu.memory_space<hbm>> -> memref<80x128xf32, #tpu.memory_space<hbm>>
      %dma_wait3A_181 = arith.constant 0 : i32
      %dma_wait3A_182 = arith.constant 0 : i32
      %dma_wait3A_183 = tpu.memref_slice %arg2[%dma_wait3A_181, %dma_wait3A_182] : memref<10000x128xf32, #tpu.memory_space<hbm>> -> memref<80x128xf32, #tpu.memory_space<hbm>>
      tpu.wait_dma2 semaphore(%arg13 : memref<!tpu.dma_semaphore, #tpu.memory_space<semaphore_mem>>) src(%dma_wait3A_183 : memref<80x128xf32, #tpu.memory_space<hbm>>) dst(%arg9 : memref<80x128xf32, #tpu.memory_space<vmem>>)
      %dma_start3A_184 = arith.constant 1 : i32
      %dma_start3A_185 = arith.constant 1 : i32
      %dma_start3A_186 = arith.constant 0 : i32
      %dma_start3A_187 = tpu.memref_slice %arg7[%rem3A_124, %dma_start3A_184, %dma_start3A_185, %dma_start3A_186] : memref<4x2x4x80xi32, #tpu.memory_space<vmem>> -> memref<1x1x1x80xi32, #tpu.memory_space<vmem>>
      %dma_start3A_188 = tpu.memref_squeeze %dma_start3A_187 : memref<1x1x1x80xi32, #tpu.memory_space<vmem>> -> memref<80xi32, #tpu.memory_space<vmem>>
      %dma_start3A_189 = arith.constant 0 : i32
      %dma_start3A_190 = arith.constant 0 : i32
      %dma_start3A_191 = tpu.memref_slice %arg6[%dma_start3A_189, %dma_start3A_190] : memref<10000x128xf32, #tpu.memory_space<vmem_shared>> -> memref<10000x128xf32, #tpu.memory_space<vmem_shared>>
      tpu.enqueue_indirect_dma source(%arg9 : memref<80x128xf32, #tpu.memory_space<vmem>>) target(%dma_start3A_191 : memref<10000x128xf32, #tpu.memory_space<vmem_shared>>) offsets(%dma_start3A_188 : memref<80xi32, #tpu.memory_space<vmem>>) semaphore(%arg17 : memref<!tpu.dma_semaphore, #tpu.memory_space<semaphore_mem>>) {add = true}
      %mul3A_192 = arith.constant 4 : i32
      %mul3A_193 = arith.muli %add3A_123, %mul3A_192 : i32
      %add3A_194 = arith.constant 2 : i32
      %add3A_195 = arith.addi %mul3A_193, %add3A_194 : i32
      %add3A_196 = arith.constant 2 : i32
      %add3A_197 = arith.addi %add3A_195, %add3A_196 : i32
      %lt3A_198 = arith.constant 124 : i32
      %lt3A_199 = arith.cmpi slt, %add3A_197, %lt3A_198 : i32
      %convert_element_type3A_200 = arith.extui %lt3A_199 : i1 to i32
      %cond3A_201 = arith.constant 0 : i32
      %cond3A_202 = arith.cmpi ne, %convert_element_type3A_200, %cond3A_201 : i32
      scf.if %cond3A_202 {
        %ge3A_242 = arith.constant 4 : i32
        %ge3A_243 = arith.cmpi sge, %add3A_197, %ge3A_242 : i32
        %convert_element_type3A_244 = arith.extui %ge3A_243 : i1 to i32
        %cond3A_245 = arith.constant 0 : i32
        %cond3A_246 = arith.cmpi ne, %convert_element_type3A_244, %cond3A_245 : i32
        scf.if %cond3A_246 {
          %dma_wait3A_255 = arith.constant 0 : i32
          %dma_wait3A_256 = arith.constant 0 : i32
          %dma_wait3A_257 = tpu.memref_slice %arg2[%dma_wait3A_255, %dma_wait3A_256] : memref<10000x128xf32, #tpu.memory_space<hbm>> -> memref<80x128xf32, #tpu.memory_space<hbm>>
          %dma_wait3A_258 = arith.constant 0 : i32
          %dma_wait3A_259 = arith.constant 0 : i32
          %dma_wait3A_260 = tpu.memref_slice %arg2[%dma_wait3A_258, %dma_wait3A_259] : memref<10000x128xf32, #tpu.memory_space<hbm>> -> memref<80x128xf32, #tpu.memory_space<hbm>>
          tpu.wait_dma2 semaphore(%arg16 : memref<!tpu.dma_semaphore, #tpu.memory_space<semaphore_mem>>) src(%dma_wait3A_260 : memref<80x128xf32, #tpu.memory_space<hbm>>) dst(%arg8 : memref<80x128xf32, #tpu.memory_space<vmem>>)
        } else {
        }
        %dma_start3A_247 = arith.constant 0 : i32
        %dma_start3A_248 = arith.constant 0 : i32
        %dma_start3A_249 = arith.constant 0 : i32
        %dma_start3A_250 = tpu.memref_slice %arg7[%rem3A_128, %dma_start3A_247, %dma_start3A_248, %dma_start3A_249] : memref<4x2x4x80xi32, #tpu.memory_space<vmem>> -> memref<1x1x1x80xi32, #tpu.memory_space<vmem>>
        %dma_start3A_251 = tpu.memref_squeeze %dma_start3A_250 : memref<1x1x1x80xi32, #tpu.memory_space<vmem>> -> memref<80xi32, #tpu.memory_space<vmem>>
        %dma_start3A_252 = arith.constant 0 : i32
        %dma_start3A_253 = arith.constant 0 : i32
        %dma_start3A_254 = tpu.memref_slice %arg2[%dma_start3A_252, %dma_start3A_253] : memref<10000x128xf32, #tpu.memory_space<hbm>> -> memref<10000x128xf32, #tpu.memory_space<hbm>>
        tpu.enqueue_indirect_dma source(%dma_start3A_254 : memref<10000x128xf32, #tpu.memory_space<hbm>>) target(%arg8 : memref<80x128xf32, #tpu.memory_space<vmem>>) offsets(%dma_start3A_251 : memref<80xi32, #tpu.memory_space<vmem>>) semaphore(%arg12 : memref<!tpu.dma_semaphore, #tpu.memory_space<semaphore_mem>>)
      } else {
      }
      %dma_wait3A_203 = arith.constant 0 : i32
      %dma_wait3A_204 = arith.constant 0 : i32
      %dma_wait3A_205 = tpu.memref_slice %arg2[%dma_wait3A_203, %dma_wait3A_204] : memref<10000x128xf32, #tpu.memory_space<hbm>> -> memref<80x128xf32, #tpu.memory_space<hbm>>
      %dma_wait3A_206 = arith.constant 0 : i32
      %dma_wait3A_207 = arith.constant 0 : i32
      %dma_wait3A_208 = tpu.memref_slice %arg2[%dma_wait3A_206, %dma_wait3A_207] : memref<10000x128xf32, #tpu.memory_space<hbm>> -> memref<80x128xf32, #tpu.memory_space<hbm>>
      tpu.wait_dma2 semaphore(%arg14 : memref<!tpu.dma_semaphore, #tpu.memory_space<semaphore_mem>>) src(%dma_wait3A_208 : memref<80x128xf32, #tpu.memory_space<hbm>>) dst(%arg10 : memref<80x128xf32, #tpu.memory_space<vmem>>)
      %dma_start3A_209 = arith.constant 1 : i32
      %dma_start3A_210 = arith.constant 2 : i32
      %dma_start3A_211 = arith.constant 0 : i32
      %dma_start3A_212 = tpu.memref_slice %arg7[%rem3A_124, %dma_start3A_209, %dma_start3A_210, %dma_start3A_211] : memref<4x2x4x80xi32, #tpu.memory_space<vmem>> -> memref<1x1x1x80xi32, #tpu.memory_space<vmem>>
      %dma_start3A_213 = tpu.memref_squeeze %dma_start3A_212 : memref<1x1x1x80xi32, #tpu.memory_space<vmem>> -> memref<80xi32, #tpu.memory_space<vmem>>
      %dma_start3A_214 = arith.constant 0 : i32
      %dma_start3A_215 = arith.constant 0 : i32
      %dma_start3A_216 = tpu.memref_slice %arg6[%dma_start3A_214, %dma_start3A_215] : memref<10000x128xf32, #tpu.memory_space<vmem_shared>> -> memref<10000x128xf32, #tpu.memory_space<vmem_shared>>
      tpu.enqueue_indirect_dma source(%arg10 : memref<80x128xf32, #tpu.memory_space<vmem>>) target(%dma_start3A_216 : memref<10000x128xf32, #tpu.memory_space<vmem_shared>>) offsets(%dma_start3A_213 : memref<80xi32, #tpu.memory_space<vmem>>) semaphore(%arg18 : memref<!tpu.dma_semaphore, #tpu.memory_space<semaphore_mem>>) {add = true}
      %mul3A_217 = arith.constant 4 : i32
      %mul3A_218 = arith.muli %add3A_123, %mul3A_217 : i32
      %add3A_219 = arith.constant 3 : i32
      %add3A_220 = arith.addi %mul3A_218, %add3A_219 : i32
      %add3A_221 = arith.constant 2 : i32
      %add3A_222 = arith.addi %add3A_220, %add3A_221 : i32
      %lt3A_223 = arith.constant 124 : i32
      %lt3A_224 = arith.cmpi slt, %add3A_222, %lt3A_223 : i32
      %convert_element_type3A_225 = arith.extui %lt3A_224 : i1 to i32
      %cond3A_226 = arith.constant 0 : i32
      %cond3A_227 = arith.cmpi ne, %convert_element_type3A_225, %cond3A_226 : i32
      scf.if %cond3A_227 {
        %ge3A_242 = arith.constant 4 : i32
        %ge3A_243 = arith.cmpi sge, %add3A_222, %ge3A_242 : i32
        %convert_element_type3A_244 = arith.extui %ge3A_243 : i1 to i32
        %cond3A_245 = arith.constant 0 : i32
        %cond3A_246 = arith.cmpi ne, %convert_element_type3A_244, %cond3A_245 : i32
        scf.if %cond3A_246 {
          %dma_wait3A_255 = arith.constant 0 : i32
          %dma_wait3A_256 = arith.constant 0 : i32
          %dma_wait3A_257 = tpu.memref_slice %arg2[%dma_wait3A_255, %dma_wait3A_256] : memref<10000x128xf32, #tpu.memory_space<hbm>> -> memref<80x128xf32, #tpu.memory_space<hbm>>
          %dma_wait3A_258 = arith.constant 0 : i32
          %dma_wait3A_259 = arith.constant 0 : i32
          %dma_wait3A_260 = tpu.memref_slice %arg2[%dma_wait3A_258, %dma_wait3A_259] : memref<10000x128xf32, #tpu.memory_space<hbm>> -> memref<80x128xf32, #tpu.memory_space<hbm>>
          tpu.wait_dma2 semaphore(%arg17 : memref<!tpu.dma_semaphore, #tpu.memory_space<semaphore_mem>>) src(%dma_wait3A_260 : memref<80x128xf32, #tpu.memory_space<hbm>>) dst(%arg9 : memref<80x128xf32, #tpu.memory_space<vmem>>)
        } else {
        }
        %dma_start3A_247 = arith.constant 0 : i32
        %dma_start3A_248 = arith.constant 1 : i32
        %dma_start3A_249 = arith.constant 0 : i32
        %dma_start3A_250 = tpu.memref_slice %arg7[%rem3A_128, %dma_start3A_247, %dma_start3A_248, %dma_start3A_249] : memref<4x2x4x80xi32, #tpu.memory_space<vmem>> -> memref<1x1x1x80xi32, #tpu.memory_space<vmem>>
        %dma_start3A_251 = tpu.memref_squeeze %dma_start3A_250 : memref<1x1x1x80xi32, #tpu.memory_space<vmem>> -> memref<80xi32, #tpu.memory_space<vmem>>
        %dma_start3A_252 = arith.constant 0 : i32
        %dma_start3A_253 = arith.constant 0 : i32
        %dma_start3A_254 = tpu.memref_slice %arg2[%dma_start3A_252, %dma_start3A_253] : memref<10000x128xf32, #tpu.memory_space<hbm>> -> memref<10000x128xf32, #tpu.memory_space<hbm>>
        tpu.enqueue_indirect_dma source(%dma_start3A_254 : memref<10000x128xf32, #tpu.memory_space<hbm>>) target(%arg9 : memref<80x128xf32, #tpu.memory_space<vmem>>) offsets(%dma_start3A_251 : memref<80xi32, #tpu.memory_space<vmem>>) semaphore(%arg13 : memref<!tpu.dma_semaphore, #tpu.memory_space<semaphore_mem>>)
      } else {
      }
      %dma_wait3A_228 = arith.constant 0 : i32
      %dma_wait3A_229 = arith.constant 0 : i32
      %dma_wait3A_230 = tpu.memref_slice %arg2[%dma_wait3A_228, %dma_wait3A_229] : memref<10000x128xf32, #tpu.memory_space<hbm>> -> memref<80x128xf32, #tpu.memory_space<hbm>>
      %dma_wait3A_231 = arith.constant 0 : i32
      %dma_wait3A_232 = arith.constant 0 : i32
      %dma_wait3A_233 = tpu.memref_slice %arg2[%dma_wait3A_231, %dma_wait3A_232] : memref<10000x128xf32, #tpu.memory_space<hbm>> -> memref<80x128xf32, #tpu.memory_space<hbm>>
      tpu.wait_dma2 semaphore(%arg15 : memref<!tpu.dma_semaphore, #tpu.memory_space<semaphore_mem>>) src(%dma_wait3A_233 : memref<80x128xf32, #tpu.memory_space<hbm>>) dst(%arg11 : memref<80x128xf32, #tpu.memory_space<vmem>>)
      %dma_start3A_234 = arith.constant 1 : i32
      %dma_start3A_235 = arith.constant 3 : i32
      %dma_start3A_236 = arith.constant 0 : i32
      %dma_start3A_237 = tpu.memref_slice %arg7[%rem3A_124, %dma_start3A_234, %dma_start3A_235, %dma_start3A_236] : memref<4x2x4x80xi32, #tpu.memory_space<vmem>> -> memref<1x1x1x80xi32, #tpu.memory_space<vmem>>
      %dma_start3A_238 = tpu.memref_squeeze %dma_start3A_237 : memref<1x1x1x80xi32, #tpu.memory_space<vmem>> -> memref<80xi32, #tpu.memory_space<vmem>>
      %dma_start3A_239 = arith.constant 0 : i32
      %dma_start3A_240 = arith.constant 0 : i32
      %dma_start3A_241 = tpu.memref_slice %arg6[%dma_start3A_239, %dma_start3A_240] : memref<10000x128xf32, #tpu.memory_space<vmem_shared>> -> memref<10000x128xf32, #tpu.memory_space<vmem_shared>>
      tpu.enqueue_indirect_dma source(%arg11 : memref<80x128xf32, #tpu.memory_space<vmem>>) target(%dma_start3A_241 : memref<10000x128xf32, #tpu.memory_space<vmem_shared>>) offsets(%dma_start3A_238 : memref<80xi32, #tpu.memory_space<vmem>>) semaphore(%arg19 : memref<!tpu.dma_semaphore, #tpu.memory_space<semaphore_mem>>) {add = true}
    }
    %scan3A_58 = arith.constant 31 : i32
    %dma_wait3A = arith.constant 0 : i32
    %dma_wait3A_59 = arith.constant 0 : i32
    %dma_wait3A_60 = tpu.memref_slice %arg2[%dma_wait3A, %dma_wait3A_59] : memref<10000x128xf32, #tpu.memory_space<hbm>> -> memref<80x128xf32, #tpu.memory_space<hbm>>
    %dma_wait3A_61 = arith.constant 0 : i32
    %dma_wait3A_62 = arith.constant 0 : i32
    %dma_wait3A_63 = tpu.memref_slice %arg2[%dma_wait3A_61, %dma_wait3A_62] : memref<10000x128xf32, #tpu.memory_space<hbm>> -> memref<80x128xf32, #tpu.memory_space<hbm>>
    tpu.wait_dma2 semaphore(%arg16 : memref<!tpu.dma_semaphore, #tpu.memory_space<semaphore_mem>>) src(%dma_wait3A_63 : memref<80x128xf32, #tpu.memory_space<hbm>>) dst(%arg8 : memref<80x128xf32, #tpu.memory_space<vmem>>)
    %dma_start3A_64 = arith.constant 3 : i32
    %dma_start3A_65 = arith.constant 0 : i32
    %dma_start3A_66 = arith.constant 0 : i32
    %dma_start3A_67 = arith.constant 0 : i32
    %dma_start3A_68 = tpu.memref_slice %arg7[%dma_start3A_64, %dma_start3A_65, %dma_start3A_66, %dma_start3A_67] : memref<4x2x4x80xi32, #tpu.memory_space<vmem>> -> memref<1x1x1x80xi32, #tpu.memory_space<vmem>>
    %dma_start3A_69 = tpu.memref_squeeze %dma_start3A_68 : memref<1x1x1x80xi32, #tpu.memory_space<vmem>> -> memref<80xi32, #tpu.memory_space<vmem>>
    %dma_start3A_70 = arith.constant 0 : i32
    %dma_start3A_71 = arith.constant 0 : i32
    %dma_start3A_72 = tpu.memref_slice %arg2[%dma_start3A_70, %dma_start3A_71] : memref<10000x128xf32, #tpu.memory_space<hbm>> -> memref<10000x128xf32, #tpu.memory_space<hbm>>
    tpu.enqueue_indirect_dma source(%dma_start3A_72 : memref<10000x128xf32, #tpu.memory_space<hbm>>) target(%arg8 : memref<80x128xf32, #tpu.memory_space<vmem>>) offsets(%dma_start3A_69 : memref<80xi32, #tpu.memory_space<vmem>>) semaphore(%arg12 : memref<!tpu.dma_semaphore, #tpu.memory_space<semaphore_mem>>)
    %dma_wait3A_73 = arith.constant 0 : i32
    %dma_wait3A_74 = arith.constant 0 : i32
    %dma_wait3A_75 = tpu.memref_slice %arg2[%dma_wait3A_73, %dma_wait3A_74] : memref<10000x128xf32, #tpu.memory_space<hbm>> -> memref<80x128xf32, #tpu.memory_space<hbm>>
    %dma_wait3A_76 = arith.constant 0 : i32
    %dma_wait3A_77 = arith.constant 0 : i32
    %dma_wait3A_78 = tpu.memref_slice %arg2[%dma_wait3A_76, %dma_wait3A_77] : memref<10000x128xf32, #tpu.memory_space<hbm>> -> memref<80x128xf32, #tpu.memory_space<hbm>>
    tpu.wait_dma2 semaphore(%arg12 : memref<!tpu.dma_semaphore, #tpu.memory_space<semaphore_mem>>) src(%dma_wait3A_78 : memref<80x128xf32, #tpu.memory_space<hbm>>) dst(%arg8 : memref<80x128xf32, #tpu.memory_space<vmem>>)
    %dma_start3A_79 = arith.constant 3 : i32
    %dma_start3A_80 = arith.constant 1 : i32
    %dma_start3A_81 = arith.constant 0 : i32
    %dma_start3A_82 = arith.constant 0 : i32
    %dma_start3A_83 = tpu.memref_slice %arg7[%dma_start3A_79, %dma_start3A_80, %dma_start3A_81, %dma_start3A_82] : memref<4x2x4x80xi32, #tpu.memory_space<vmem>> -> memref<1x1x1x80xi32, #tpu.memory_space<vmem>>
    %dma_start3A_84 = tpu.memref_squeeze %dma_start3A_83 : memref<1x1x1x80xi32, #tpu.memory_space<vmem>> -> memref<80xi32, #tpu.memory_space<vmem>>
    %dma_start3A_85 = arith.constant 0 : i32
    %dma_start3A_86 = arith.constant 0 : i32
    %dma_start3A_87 = tpu.memref_slice %arg6[%dma_start3A_85, %dma_start3A_86] : memref<10000x128xf32, #tpu.memory_space<vmem_shared>> -> memref<10000x128xf32, #tpu.memory_space<vmem_shared>>
    tpu.enqueue_indirect_dma source(%arg8 : memref<80x128xf32, #tpu.memory_space<vmem>>) target(%dma_start3A_87 : memref<10000x128xf32, #tpu.memory_space<vmem_shared>>) offsets(%dma_start3A_84 : memref<80xi32, #tpu.memory_space<vmem>>) semaphore(%arg16 : memref<!tpu.dma_semaphore, #tpu.memory_space<semaphore_mem>>) {add = true}
    %dma_wait3A_88 = arith.constant 0 : i32
    %dma_wait3A_89 = arith.constant 0 : i32
    %dma_wait3A_90 = tpu.memref_slice %arg2[%dma_wait3A_88, %dma_wait3A_89] : memref<10000x128xf32, #tpu.memory_space<hbm>> -> memref<80x128xf32, #tpu.memory_space<hbm>>
    %dma_wait3A_91 = arith.constant 0 : i32
    %dma_wait3A_92 = arith.constant 0 : i32
    %dma_wait3A_93 = tpu.memref_slice %arg2[%dma_wait3A_91, %dma_wait3A_92] : memref<10000x128xf32, #tpu.memory_space<hbm>> -> memref<80x128xf32, #tpu.memory_space<hbm>>
    tpu.wait_dma2 semaphore(%arg17 : memref<!tpu.dma_semaphore, #tpu.memory_space<semaphore_mem>>) src(%dma_wait3A_93 : memref<80x128xf32, #tpu.memory_space<hbm>>) dst(%arg9 : memref<80x128xf32, #tpu.memory_space<vmem>>)
    %dma_wait3A_94 = arith.constant 0 : i32
    %dma_wait3A_95 = arith.constant 0 : i32
    %dma_wait3A_96 = tpu.memref_slice %arg2[%dma_wait3A_94, %dma_wait3A_95] : memref<10000x128xf32, #tpu.memory_space<hbm>> -> memref<80x128xf32, #tpu.memory_space<hbm>>
    %dma_wait3A_97 = arith.constant 0 : i32
    %dma_wait3A_98 = arith.constant 0 : i32
    %dma_wait3A_99 = tpu.memref_slice %arg2[%dma_wait3A_97, %dma_wait3A_98] : memref<10000x128xf32, #tpu.memory_space<hbm>> -> memref<80x128xf32, #tpu.memory_space<hbm>>
    tpu.wait_dma2 semaphore(%arg18 : memref<!tpu.dma_semaphore, #tpu.memory_space<semaphore_mem>>) src(%dma_wait3A_99 : memref<80x128xf32, #tpu.memory_space<hbm>>) dst(%arg10 : memref<80x128xf32, #tpu.memory_space<vmem>>)
    %dma_wait3A_100 = arith.constant 0 : i32
    %dma_wait3A_101 = arith.constant 0 : i32
    %dma_wait3A_102 = tpu.memref_slice %arg2[%dma_wait3A_100, %dma_wait3A_101] : memref<10000x128xf32, #tpu.memory_space<hbm>> -> memref<80x128xf32, #tpu.memory_space<hbm>>
    %dma_wait3A_103 = arith.constant 0 : i32
    %dma_wait3A_104 = arith.constant 0 : i32
    %dma_wait3A_105 = tpu.memref_slice %arg2[%dma_wait3A_103, %dma_wait3A_104] : memref<10000x128xf32, #tpu.memory_space<hbm>> -> memref<80x128xf32, #tpu.memory_space<hbm>>
    tpu.wait_dma2 semaphore(%arg19 : memref<!tpu.dma_semaphore, #tpu.memory_space<semaphore_mem>>) src(%dma_wait3A_105 : memref<80x128xf32, #tpu.memory_space<hbm>>) dst(%arg11 : memref<80x128xf32, #tpu.memory_space<vmem>>)
    %dma_wait3A_106 = arith.constant 0 : i32
    %dma_wait3A_107 = arith.constant 0 : i32
    %dma_wait3A_108 = tpu.memref_slice %arg2[%dma_wait3A_106, %dma_wait3A_107] : memref<10000x128xf32, #tpu.memory_space<hbm>> -> memref<80x128xf32, #tpu.memory_space<hbm>>
    %dma_wait3A_109 = arith.constant 0 : i32
    %dma_wait3A_110 = arith.constant 0 : i32
    %dma_wait3A_111 = tpu.memref_slice %arg2[%dma_wait3A_109, %dma_wait3A_110] : memref<10000x128xf32, #tpu.memory_space<hbm>> -> memref<80x128xf32, #tpu.memory_space<hbm>>
    tpu.wait_dma2 semaphore(%arg16 : memref<!tpu.dma_semaphore, #tpu.memory_space<semaphore_mem>>) src(%dma_wait3A_111 : memref<80x128xf32, #tpu.memory_space<hbm>>) dst(%arg8 : memref<80x128xf32, #tpu.memory_space<vmem>>)
    %barrier3A_112 = arith.constant 0 : index
    tpu.barrier barrier_id(%barrier3A_112)
    %lt3A = arith.constant 15 : i32
    %lt3A_113 = arith.cmpi slt, %arg1, %lt3A : i32
    %convert_element_type3A = arith.extui %lt3A_113 : i1 to i32
    %cond3A = arith.constant 0 : i32
    %cond3A_114 = arith.cmpi ne, %convert_element_type3A, %cond3A : i32
    scf.if %cond3A_114 {
      %mul3A_119 = arith.constant 632 : i32
      %mul3A_120 = arith.muli %arg1, %mul3A_119 : i32
      %add3A_121 = arith.constant 0 : i32
      %add3A_122 = arith.addi %add3A_121, %mul3A_120 : i32
      %eq3A_123 = arith.constant 0 : i32
      %eq3A_124 = arith.cmpi eq, %arg0, %eq3A_123 : i32
      %convert_element_type3A_125 = arith.extui %eq3A_124 : i1 to i32
      %cond3A_126 = arith.constant 0 : i32
      %cond3A_127 = arith.cmpi ne, %convert_element_type3A_125, %cond3A_126 : i32
      scf.if %cond3A_127 {
        "tpu.region"() ({
          %run_scoped3A_133 = tpu.sem_alloc : memref<!tpu.dma_semaphore, #tpu.memory_space<semaphore_mem>>
          %dma_start3A_134 = arith.constant 0 : i32
          %dma_start3A_135 = tpu.memref_slice %arg4[%add3A_122, %dma_start3A_134] : memref<10000x128xf32, #tpu.memory_space<hbm>> -> memref<632x128xf32, #tpu.memory_space<hbm>>
          %dma_start3A_136 = arith.constant 0 : i32
          %dma_start3A_137 = tpu.memref_slice %arg6[%add3A_122, %dma_start3A_136] : memref<10000x128xf32, #tpu.memory_space<vmem_shared>> -> memref<632x128xf32, #tpu.memory_space<vmem_shared>>
          tpu.enqueue_dma source(%dma_start3A_137 : memref<632x128xf32, #tpu.memory_space<vmem_shared>>) target(%dma_start3A_135 : memref<632x128xf32, #tpu.memory_space<hbm>>) target_semaphore(%run_scoped3A_133 : memref<!tpu.dma_semaphore, #tpu.memory_space<semaphore_mem>>)
          %dma_wait3A_138 = arith.constant 0 : i32
          %dma_wait3A_139 = tpu.memref_slice %arg4[%add3A_122, %dma_wait3A_138] : memref<10000x128xf32, #tpu.memory_space<hbm>> -> memref<632x128xf32, #tpu.memory_space<hbm>>
          %dma_wait3A_140 = arith.constant 0 : i32
          %dma_wait3A_141 = tpu.memref_slice %arg6[%add3A_122, %dma_wait3A_140] : memref<10000x128xf32, #tpu.memory_space<vmem_shared>> -> memref<632x128xf32, #tpu.memory_space<vmem_shared>>
          tpu.wait_dma2 semaphore(%run_scoped3A_133 : memref<!tpu.dma_semaphore, #tpu.memory_space<semaphore_mem>>) src(%dma_wait3A_141 : memref<632x128xf32, #tpu.memory_space<vmem_shared>>) dst(%dma_wait3A_139 : memref<632x128xf32, #tpu.memory_space<hbm>>)
          tpu.yield
        }) : () -> ()
      } else {
      }
      %eq3A_128 = arith.constant 1 : i32
      %eq3A_129 = arith.cmpi eq, %arg0, %eq3A_128 : i32
      %convert_element_type3A_130 = arith.extui %eq3A_129 : i1 to i32
      %cond3A_131 = arith.constant 0 : i32
      %cond3A_132 = arith.cmpi ne, %convert_element_type3A_130, %cond3A_131 : i32
      scf.if %cond3A_132 {
        "tpu.region"() ({
          %run_scoped3A_133 = tpu.sem_alloc : memref<!tpu.dma_semaphore, #tpu.memory_space<semaphore_mem>>
          %dma_start3A_134 = arith.constant 0 : i32
          %dma_start3A_135 = tpu.memref_slice %arg5[%add3A_122, %dma_start3A_134] : memref<10000x128xf32, #tpu.memory_space<hbm>> -> memref<632x128xf32, #tpu.memory_space<hbm>>
          %dma_start3A_136 = arith.constant 0 : i32
          %dma_start3A_137 = tpu.memref_slice %arg6[%add3A_122, %dma_start3A_136] : memref<10000x128xf32, #tpu.memory_space<vmem_shared>> -> memref<632x128xf32, #tpu.memory_space<vmem_shared>>
          tpu.enqueue_dma source(%dma_start3A_137 : memref<632x128xf32, #tpu.memory_space<vmem_shared>>) target(%dma_start3A_135 : memref<632x128xf32, #tpu.memory_space<hbm>>) target_semaphore(%run_scoped3A_133 : memref<!tpu.dma_semaphore, #tpu.memory_space<semaphore_mem>>)
          %dma_wait3A_138 = arith.constant 0 : i32
          %dma_wait3A_139 = tpu.memref_slice %arg5[%add3A_122, %dma_wait3A_138] : memref<10000x128xf32, #tpu.memory_space<hbm>> -> memref<632x128xf32, #tpu.memory_space<hbm>>
          %dma_wait3A_140 = arith.constant 0 : i32
          %dma_wait3A_141 = tpu.memref_slice %arg6[%add3A_122, %dma_wait3A_140] : memref<10000x128xf32, #tpu.memory_space<vmem_shared>> -> memref<632x128xf32, #tpu.memory_space<vmem_shared>>
          tpu.wait_dma2 semaphore(%run_scoped3A_133 : memref<!tpu.dma_semaphore, #tpu.memory_space<semaphore_mem>>) src(%dma_wait3A_141 : memref<632x128xf32, #tpu.memory_space<vmem_shared>>) dst(%dma_wait3A_139 : memref<632x128xf32, #tpu.memory_space<hbm>>)
          tpu.yield
        }) : () -> ()
      } else {
      }
    } else {
    }
    %eq3A = arith.constant 15 : i32
    %eq3A_115 = arith.cmpi eq, %arg1, %eq3A : i32
    %convert_element_type3A_116 = arith.extui %eq3A_115 : i1 to i32
    %cond3A_117 = arith.constant 0 : i32
    %cond3A_118 = arith.cmpi ne, %convert_element_type3A_116, %cond3A_117 : i32
    scf.if %cond3A_118 {
      %eq3A_119 = arith.constant 0 : i32
      %eq3A_120 = arith.cmpi eq, %arg0, %eq3A_119 : i32
      %convert_element_type3A_121 = arith.extui %eq3A_120 : i1 to i32
      %cond3A_122 = arith.constant 0 : i32
      %cond3A_123 = arith.cmpi ne, %convert_element_type3A_121, %cond3A_122 : i32
      scf.if %cond3A_123 {
        "tpu.region"() ({
          %run_scoped3A_129 = tpu.sem_alloc : memref<!tpu.dma_semaphore, #tpu.memory_space<semaphore_mem>>
          %dma_start3A_130 = arith.constant 9480 : i32
          %dma_start3A_131 = arith.constant 0 : i32
          %dma_start3A_132 = tpu.memref_slice %arg4[%dma_start3A_130, %dma_start3A_131] : memref<10000x128xf32, #tpu.memory_space<hbm>> -> memref<520x128xf32, #tpu.memory_space<hbm>>
          %dma_start3A_133 = arith.constant 9480 : i32
          %dma_start3A_134 = arith.constant 0 : i32
          %dma_start3A_135 = tpu.memref_slice %arg6[%dma_start3A_133, %dma_start3A_134] : memref<10000x128xf32, #tpu.memory_space<vmem_shared>> -> memref<520x128xf32, #tpu.memory_space<vmem_shared>>
          tpu.enqueue_dma source(%dma_start3A_135 : memref<520x128xf32, #tpu.memory_space<vmem_shared>>) target(%dma_start3A_132 : memref<520x128xf32, #tpu.memory_space<hbm>>) target_semaphore(%run_scoped3A_129 : memref<!tpu.dma_semaphore, #tpu.memory_space<semaphore_mem>>)
          %dma_wait3A_136 = arith.constant 9480 : i32
          %dma_wait3A_137 = arith.constant 0 : i32
          %dma_wait3A_138 = tpu.memref_slice %arg4[%dma_wait3A_136, %dma_wait3A_137] : memref<10000x128xf32, #tpu.memory_space<hbm>> -> memref<520x128xf32, #tpu.memory_space<hbm>>
          %dma_wait3A_139 = arith.constant 9480 : i32
          %dma_wait3A_140 = arith.constant 0 : i32
          %dma_wait3A_141 = tpu.memref_slice %arg6[%dma_wait3A_139, %dma_wait3A_140] : memref<10000x128xf32, #tpu.memory_space<vmem_shared>> -> memref<520x128xf32, #tpu.memory_space<vmem_shared>>
          tpu.wait_dma2 semaphore(%run_scoped3A_129 : memref<!tpu.dma_semaphore, #tpu.memory_space<semaphore_mem>>) src(%dma_wait3A_141 : memref<520x128xf32, #tpu.memory_space<vmem_shared>>) dst(%dma_wait3A_138 : memref<520x128xf32, #tpu.memory_space<hbm>>)
          tpu.yield
        }) : () -> ()
      } else {
      }
      %eq3A_124 = arith.constant 1 : i32
      %eq3A_125 = arith.cmpi eq, %arg0, %eq3A_124 : i32
      %convert_element_type3A_126 = arith.extui %eq3A_125 : i1 to i32
      %cond3A_127 = arith.constant 0 : i32
      %cond3A_128 = arith.cmpi ne, %convert_element_type3A_126, %cond3A_127 : i32
      scf.if %cond3A_128 {
        "tpu.region"() ({
          %run_scoped3A_129 = tpu.sem_alloc : memref<!tpu.dma_semaphore, #tpu.memory_space<semaphore_mem>>
          %dma_start3A_130 = arith.constant 9480 : i32
          %dma_start3A_131 = arith.constant 0 : i32
          %dma_start3A_132 = tpu.memref_slice %arg5[%dma_start3A_130, %dma_start3A_131] : memref<10000x128xf32, #tpu.memory_space<hbm>> -> memref<520x128xf32, #tpu.memory_space<hbm>>
          %dma_start3A_133 = arith.constant 9480 : i32
          %dma_start3A_134 = arith.constant 0 : i32
          %dma_start3A_135 = tpu.memref_slice %arg6[%dma_start3A_133, %dma_start3A_134] : memref<10000x128xf32, #tpu.memory_space<vmem_shared>> -> memref<520x128xf32, #tpu.memory_space<vmem_shared>>
          tpu.enqueue_dma source(%dma_start3A_135 : memref<520x128xf32, #tpu.memory_space<vmem_shared>>) target(%dma_start3A_132 : memref<520x128xf32, #tpu.memory_space<hbm>>) target_semaphore(%run_scoped3A_129 : memref<!tpu.dma_semaphore, #tpu.memory_space<semaphore_mem>>)
          %dma_wait3A_136 = arith.constant 9480 : i32
          %dma_wait3A_137 = arith.constant 0 : i32
          %dma_wait3A_138 = tpu.memref_slice %arg5[%dma_wait3A_136, %dma_wait3A_137] : memref<10000x128xf32, #tpu.memory_space<hbm>> -> memref<520x128xf32, #tpu.memory_space<hbm>>
          %dma_wait3A_139 = arith.constant 9480 : i32
          %dma_wait3A_140 = arith.constant 0 : i32
          %dma_wait3A_141 = tpu.memref_slice %arg6[%dma_wait3A_139, %dma_wait3A_140] : memref<10000x128xf32, #tpu.memory_space<vmem_shared>> -> memref<520x128xf32, #tpu.memory_space<vmem_shared>>
          tpu.wait_dma2 semaphore(%run_scoped3A_129 : memref<!tpu.dma_semaphore, #tpu.memory_space<semaphore_mem>>) src(%dma_wait3A_141 : memref<520x128xf32, #tpu.memory_space<vmem_shared>>) dst(%dma_wait3A_138 : memref<520x128xf32, #tpu.memory_space<hbm>>)
          tpu.yield
        }) : () -> ()
      } else {
      }
    } else {
    }
    return
  }
}

module attributes {stable_mosaic.version = 14 : i64} {
  func.func @_tc_mm_body(%arg0: memref<10000x128xf32, #tpu.memory_space<vmem>>, %arg1: memref<128x128xf32, #tpu.memory_space<vmem>>, %arg2: memref<10000x128xf32, #tpu.memory_space<vmem>>) attributes {dimension_semantics = [], scalar_prefetch = 0 : i64, scratch_operands = 0 : i64, tpu.core_type = #tpu.core_type<tc>} {
    %get3A = arith.constant 0 : index
    %get3A_0 = arith.constant 0 : index
    %get3A_1 = vector.load %arg0[%get3A, %get3A_0] : memref<10000x128xf32, #tpu.memory_space<vmem>>, vector<10000x128xf32>
    %get3A_2 = arith.constant 0 : index
    %get3A_3 = arith.constant 0 : index
    %get3A_4 = vector.load %arg1[%get3A_2, %get3A_3] : memref<128x128xf32, #tpu.memory_space<vmem>>, vector<128x128xf32>
    %dot_general3A = arith.constant dense<0.000000e+00> : vector<10000x128xf32>
    %dot_general3A_5 = tpu.matmul %get3A_1, %get3A_4, %dot_general3A {dimension_numbers = #tpu.dot_dimension_numbers<[1], [0], [0], [1], [0, 0, 1, 1], [], []>, transpose_lhs_hint = false} : vector<10000x128xf32>, vector<128x128xf32>, vector<10000x128xf32> -> vector<10000x128xf32>
    %swap3A = arith.constant 0 : index
    %swap3A_6 = arith.constant 0 : index
    %swap3A_7 = vector.load %arg2[%swap3A, %swap3A_6] : memref<10000x128xf32, #tpu.memory_space<vmem>>, vector<10000x128xf32>
    tpu.vector_store %arg2[%swap3A, %swap3A_6], %dot_general3A_5 {strides = array<i32>} : memref<10000x128xf32, #tpu.memory_space<vmem>>, vector<10000x128xf32>,
    return
  }
}

module attributes {stable_mosaic.version = 14 : i64} {
  func.func @_tc_scale_body(%arg0: memref<10000x16xf32, #tpu.memory_space<vmem>>, %arg1: memref<10000x16xf32, #tpu.memory_space<vmem>>, %arg2: memref<10000x128xf32, #tpu.memory_space<vmem>>, %arg3: memref<10000x128xf32, #tpu.memory_space<vmem>>, %arg4: memref<10000x1xf32, #tpu.memory_space<vmem>>) attributes {dimension_semantics = [], scalar_prefetch = 0 : i64, scratch_operands = 0 : i64, tpu.core_type = #tpu.core_type<tc>} {
    %get3A = arith.constant 0 : index
    %get3A_0 = arith.constant 0 : index
    %get3A_1 = vector.load %arg0[%get3A, %get3A_0] : memref<10000x16xf32, #tpu.memory_space<vmem>>, vector<10000x16xf32>
    %get3A_2 = arith.constant 0 : index
    %get3A_3 = arith.constant 0 : index
    %get3A_4 = vector.load %arg1[%get3A_2, %get3A_3] : memref<10000x16xf32, #tpu.memory_space<vmem>>, vector<10000x16xf32>
    %add3A = arith.addf %get3A_1, %get3A_4 : vector<10000x16xf32>
    %add3A_5 = arith.constant 1.000000e+00 : f32
    %add3A_6 = vector.broadcast %add3A_5 : f32 to vector<10000x16xf32>
    %add3A_7 = arith.addf %add3A, %add3A_6 : vector<10000x16xf32>
    %slice3A = vector.extract_strided_slice %add3A_7 {offsets = [0, 0], sizes = [10000, 1], strides = [1, 1]} : vector<10000x16xf32> to vector<10000x1xf32>
    %rsqrt3A = math.rsqrt %slice3A : vector<10000x1xf32>
    %swap3A = arith.constant 0 : index
    %swap3A_8 = arith.constant 0 : index
    %swap3A_9 = vector.load %arg4[%swap3A, %swap3A_8] : memref<10000x1xf32, #tpu.memory_space<vmem>>, vector<10000x1xf32>
    tpu.vector_store %arg4[%swap3A, %swap3A_8], %rsqrt3A {strides = array<i32>} : memref<10000x1xf32, #tpu.memory_space<vmem>>, vector<10000x1xf32>,
    %get3A_10 = arith.constant 0 : index
    %get3A_11 = arith.constant 0 : index
    %get3A_12 = vector.load %arg2[%get3A_10, %get3A_11] : memref<10000x128xf32, #tpu.memory_space<vmem>>, vector<10000x128xf32>
    %mul3A = vector.broadcast %rsqrt3A : vector<10000x1xf32> to vector<10000x128xf32>
    %mul3A_13 = arith.mulf %mul3A, %get3A_12 : vector<10000x128xf32>
    %swap3A_14 = arith.constant 0 : index
    %swap3A_15 = arith.constant 0 : index
    %swap3A_16 = vector.load %arg3[%swap3A_14, %swap3A_15] : memref<10000x128xf32, #tpu.memory_space<vmem>>, vector<10000x128xf32>
    tpu.vector_store %arg3[%swap3A_14, %swap3A_15], %mul3A_13 {strides = array<i32>} : memref<10000x128xf32, #tpu.memory_space<vmem>>, vector<10000x128xf32>,
    return
  }
}

module attributes {stable_mosaic.version = 14 : i64} {
  func.func @_tc_mid_body(%arg0: memref<10000x128xf32, #tpu.memory_space<vmem>>, %arg1: memref<10000x128xf32, #tpu.memory_space<vmem>>, %arg2: memref<10000x128xf32, #tpu.memory_space<vmem>>, %arg3: memref<10000x1xf32, #tpu.memory_space<vmem>>, %arg4: memref<1x128xf32, #tpu.memory_space<vmem>>, %arg5: memref<128x128xf32, #tpu.memory_space<vmem>>, %arg6: memref<10000x128xf32, #tpu.memory_space<vmem>>) attributes {dimension_semantics = [], scalar_prefetch = 0 : i64, scratch_operands = 0 : i64, tpu.core_type = #tpu.core_type<tc>} {
    %get3A = arith.constant 0 : index
    %get3A_0 = arith.constant 0 : index
    %get3A_1 = vector.load %arg3[%get3A, %get3A_0] : memref<10000x1xf32, #tpu.memory_space<vmem>>, vector<10000x1xf32>
    %get3A_2 = arith.constant 0 : index
    %get3A_3 = arith.constant 0 : index
    %get3A_4 = vector.load %arg0[%get3A_2, %get3A_3] : memref<10000x128xf32, #tpu.memory_space<vmem>>, vector<10000x128xf32>
    %get3A_5 = arith.constant 0 : index
    %get3A_6 = arith.constant 0 : index
    %get3A_7 = vector.load %arg1[%get3A_5, %get3A_6] : memref<10000x128xf32, #tpu.memory_space<vmem>>, vector<10000x128xf32>
    %add3A = arith.addf %get3A_4, %get3A_7 : vector<10000x128xf32>
    %get3A_8 = arith.constant 0 : index
    %get3A_9 = arith.constant 0 : index
    %get3A_10 = vector.load %arg2[%get3A_8, %get3A_9] : memref<10000x128xf32, #tpu.memory_space<vmem>>, vector<10000x128xf32>
    %add3A_11 = arith.addf %add3A, %get3A_10 : vector<10000x128xf32>
    %mul3A = vector.broadcast %get3A_1 : vector<10000x1xf32> to vector<10000x128xf32>
    %mul3A_12 = arith.mulf %mul3A, %add3A_11 : vector<10000x128xf32>
    %get3A_13 = arith.constant 0 : index
    %get3A_14 = arith.constant 0 : index
    %get3A_15 = vector.load %arg4[%get3A_13, %get3A_14] : memref<1x128xf32, #tpu.memory_space<vmem>>, vector<1x128xf32>
    %add3A_16 = vector.broadcast %get3A_15 : vector<1x128xf32> to vector<10000x128xf32>
    %add3A_17 = arith.addf %mul3A_12, %add3A_16 : vector<10000x128xf32>
    %reduce_sum3A = arith.constant dense<0.000000e+00> : vector<128xf32>
    %reduce_sum3A_18 = vector.multi_reduction <add>, %add3A_17, %reduce_sum3A [0] : vector<10000x128xf32> to vector<128xf32>
    %broadcast_in_dim3A = vector.shape_cast %reduce_sum3A_18 : vector<128xf32> to vector<1x128xf32>
    %div3A = arith.constant 1.000000e+04 : f32
    %div3A_19 = vector.broadcast %div3A : f32 to vector<1x128xf32>
    %div3A_20 = arith.divf %broadcast_in_dim3A, %div3A_19 : vector<1x128xf32>
    %sub3A = vector.broadcast %div3A_20 : vector<1x128xf32> to vector<10000x128xf32>
    %sub3A_21 = arith.subf %add3A_17, %sub3A : vector<10000x128xf32>
    %mul3A_22 = arith.mulf %sub3A_21, %sub3A_21 : vector<10000x128xf32>
    %reduce_sum3A_23 = arith.constant dense<0.000000e+00> : vector<128xf32>
    %reduce_sum3A_24 = vector.multi_reduction <add>, %mul3A_22, %reduce_sum3A_23 [0] : vector<10000x128xf32> to vector<128xf32>
    %broadcast_in_dim3A_25 = vector.shape_cast %reduce_sum3A_24 : vector<128xf32> to vector<1x128xf32>
    %div3A_26 = arith.constant 1.000000e+04 : f32
    %div3A_27 = vector.broadcast %div3A_26 : f32 to vector<1x128xf32>
    %div3A_28 = arith.divf %broadcast_in_dim3A_25, %div3A_27 : vector<1x128xf32>
    %add3A_29 = arith.constant 9.99999974E-6 : f32
    %add3A_30 = vector.broadcast %add3A_29 : f32 to vector<1x128xf32>
    %add3A_31 = arith.addf %div3A_28, %add3A_30 : vector<1x128xf32>
    %rsqrt3A = math.rsqrt %add3A_31 : vector<1x128xf32>
    %mul3A_32 = vector.broadcast %rsqrt3A : vector<1x128xf32> to vector<10000x128xf32>
    %mul3A_33 = arith.mulf %sub3A_21, %mul3A_32 : vector<10000x128xf32>
    %max3A = arith.constant 0.000000e+00 : f32
    %max3A_34 = vector.broadcast %max3A : f32 to vector<10000x128xf32>
    %max3A_35 = arith.maximumf %mul3A_33, %max3A_34 : vector<10000x128xf32>
    %get3A_36 = arith.constant 0 : index
    %get3A_37 = arith.constant 0 : index
    %get3A_38 = vector.load %arg5[%get3A_36, %get3A_37] : memref<128x128xf32, #tpu.memory_space<vmem>>, vector<128x128xf32>
    %dot_general3A = arith.constant dense<0.000000e+00> : vector<10000x128xf32>
    %dot_general3A_39 = tpu.matmul %max3A_35, %get3A_38, %dot_general3A {dimension_numbers = #tpu.dot_dimension_numbers<[1], [0], [0], [1], [0, 0, 1, 1], [], []>, transpose_lhs_hint = false} : vector<10000x128xf32>, vector<128x128xf32>, vector<10000x128xf32> -> vector<10000x128xf32>
    %mul3A_40 = vector.broadcast %get3A_1 : vector<10000x1xf32> to vector<10000x128xf32>
    %mul3A_41 = arith.mulf %mul3A_40, %dot_general3A_39 : vector<10000x128xf32>
    %swap3A = arith.constant 0 : index
    %swap3A_42 = arith.constant 0 : index
    %swap3A_43 = vector.load %arg6[%swap3A, %swap3A_42] : memref<10000x128xf32, #tpu.memory_space<vmem>>, vector<10000x128xf32>
    tpu.vector_store %arg6[%swap3A, %swap3A_42], %mul3A_41 {strides = array<i32>} : memref<10000x128xf32, #tpu.memory_space<vmem>>, vector<10000x128xf32>,
    return
  }
}

module attributes {stable_mosaic.version = 14 : i64} {
  func.func @_tc_final_body(%arg0: memref<10000x128xf32, #tpu.memory_space<vmem>>, %arg1: memref<10000x128xf32, #tpu.memory_space<vmem>>, %arg2: memref<10000x128xf32, #tpu.memory_space<vmem>>, %arg3: memref<10000x1xf32, #tpu.memory_space<vmem>>, %arg4: memref<1x128xf32, #tpu.memory_space<vmem>>, %arg5: memref<1x10000xi32, #tpu.memory_space<vmem>>, %arg6: memref<128x16xf32, #tpu.memory_space<vmem>>, %arg7: memref<1x16xf32, #tpu.memory_space<vmem>>, %arg8: memref<64x16xf32, #tpu.memory_space<vmem>>) attributes {dimension_semantics = [], scalar_prefetch = 0 : i64, scratch_operands = 0 : i64, tpu.core_type = #tpu.core_type<tc>} {
    %get3A = arith.constant 0 : index
    %get3A_0 = arith.constant 0 : index
    %get3A_1 = vector.load %arg3[%get3A, %get3A_0] : memref<10000x1xf32, #tpu.memory_space<vmem>>, vector<10000x1xf32>
    %get3A_2 = arith.constant 0 : index
    %get3A_3 = arith.constant 0 : index
    %get3A_4 = vector.load %arg0[%get3A_2, %get3A_3] : memref<10000x128xf32, #tpu.memory_space<vmem>>, vector<10000x128xf32>
    %get3A_5 = arith.constant 0 : index
    %get3A_6 = arith.constant 0 : index
    %get3A_7 = vector.load %arg1[%get3A_5, %get3A_6] : memref<10000x128xf32, #tpu.memory_space<vmem>>, vector<10000x128xf32>
    %add3A = arith.addf %get3A_4, %get3A_7 : vector<10000x128xf32>
    %get3A_8 = arith.constant 0 : index
    %get3A_9 = arith.constant 0 : index
    %get3A_10 = vector.load %arg2[%get3A_8, %get3A_9] : memref<10000x128xf32, #tpu.memory_space<vmem>>, vector<10000x128xf32>
    %add3A_11 = arith.addf %add3A, %get3A_10 : vector<10000x128xf32>
    %mul3A = vector.broadcast %get3A_1 : vector<10000x1xf32> to vector<10000x128xf32>
    %mul3A_12 = arith.mulf %mul3A, %add3A_11 : vector<10000x128xf32>
    %get3A_13 = arith.constant 0 : index
    %get3A_14 = arith.constant 0 : index
    %get3A_15 = vector.load %arg4[%get3A_13, %get3A_14] : memref<1x128xf32, #tpu.memory_space<vmem>>, vector<1x128xf32>
    %add3A_16 = vector.broadcast %get3A_15 : vector<1x128xf32> to vector<10000x128xf32>
    %add3A_17 = arith.addf %mul3A_12, %add3A_16 : vector<10000x128xf32>
    %iota3A = tpu.iota {dimensions = array<i32: 0>} : vector<64x10000xi32>
    %get3A_18 = arith.constant 0 : index
    %get3A_19 = arith.constant 0 : index
    %get3A_20 = vector.load %arg5[%get3A_18, %get3A_19] : memref<1x10000xi32, #tpu.memory_space<vmem>>, vector<1x10000xi32>
    %eq3A = vector.broadcast %get3A_20 : vector<1x10000xi32> to vector<64x10000xi32>
    %eq3A_21 = arith.cmpi eq, %iota3A, %eq3A : vector<64x10000xi32>
    %convert_element_type3A = arith.extui %eq3A_21 : vector<64x10000xi1> to vector<64x10000xi32>
    %convert_element_type3A_22 = arith.sitofp %convert_element_type3A : vector<64x10000xi32> to vector<64x10000xf32>
    %dot_general3A = arith.constant dense<0.000000e+00> : vector<64x128xf32>
    %dot_general3A_23 = tpu.matmul %convert_element_type3A_22, %add3A_17, %dot_general3A {dimension_numbers = #tpu.dot_dimension_numbers<[1], [0], [0], [1], [0, 0, 1, 1], [], []>, transpose_lhs_hint = false} : vector<64x10000xf32>, vector<10000x128xf32>, vector<64x128xf32> -> vector<64x128xf32>
    %reduce_sum3A = arith.constant dense<0.000000e+00> : vector<64xf32>
    %reduce_sum3A_24 = vector.multi_reduction <add>, %convert_element_type3A_22, %reduce_sum3A [1] : vector<64x10000xf32> to vector<64xf32>
    %broadcast_in_dim3A = vector.shape_cast %reduce_sum3A_24 : vector<64xf32> to vector<64x1xf32>
    %max3A = arith.constant 1.000000e+00 : f32
    %max3A_25 = vector.broadcast %max3A : f32 to vector<64x1xf32>
    %max3A_26 = arith.maximumf %broadcast_in_dim3A, %max3A_25 : vector<64x1xf32>
    %div3A = vector.broadcast %max3A_26 : vector<64x1xf32> to vector<64x128xf32>
    %div3A_27 = arith.divf %dot_general3A_23, %div3A : vector<64x128xf32>
    %get3A_28 = arith.constant 0 : index
    %get3A_29 = arith.constant 0 : index
    %get3A_30 = vector.load %arg6[%get3A_28, %get3A_29] : memref<128x16xf32, #tpu.memory_space<vmem>>, vector<128x16xf32>
    %dot_general3A_31 = arith.constant dense<0.000000e+00> : vector<64x16xf32>
    %dot_general3A_32 = tpu.matmul %div3A_27, %get3A_30, %dot_general3A_31 {dimension_numbers = #tpu.dot_dimension_numbers<[1], [0], [0], [1], [0, 0, 1, 1], [], []>, transpose_lhs_hint = false} : vector<64x128xf32>, vector<128x16xf32>, vector<64x16xf32> -> vector<64x16xf32>
    %get3A_33 = arith.constant 0 : index
    %get3A_34 = arith.constant 0 : index
    %get3A_35 = vector.load %arg7[%get3A_33, %get3A_34] : memref<1x16xf32, #tpu.memory_space<vmem>>, vector<1x16xf32>
    %add3A_36 = vector.broadcast %get3A_35 : vector<1x16xf32> to vector<64x16xf32>
    %add3A_37 = arith.addf %dot_general3A_32, %add3A_36 : vector<64x16xf32>
    %swap3A = arith.constant 0 : index
    %swap3A_38 = arith.constant 0 : index
    %swap3A_39 = vector.load %arg8[%swap3A, %swap3A_38] : memref<64x16xf32, #tpu.memory_space<vmem>>, vector<64x16xf32>
    tpu.vector_store %arg8[%swap3A, %swap3A_38], %add3A_37 {strides = array<i32>} : memref<64x16xf32, #tpu.memory_space<vmem>>, vector<64x16xf32>,
    return
  }
}

</mosaic_0001>

<sc_bundles>
// kernel: kernel.11.cloned.1.call-start
scs
__scs_entry_jumppad:
0x0: {  	(pc) =	sbr.rel $0x88, $3  }
0x1: {  	(tag) =	ssettag $0x0;
	lr =	simm.s32 $0x1  }
0x2: {  	[smem:$0x3F96] =	sst lr;
	_ =	strace $0xD0000000  }
0x3: {  	_ = 	snop  }
0x4: {  	_ = 	snop  }
0x5: {  	_ = 	snop  }
0x6: {  	_ = 	snop  }
0x7: {  	_ = 	snop  }
__scs_overlays_trampoline_lowered:
0x8: {  	[smem:$0x3FA5] =	sst s0  }
0x9: {  	[smem:$0x3FA6] =	sst s1  }
0xa: {  	[smem:$0x3FA7] =	sst s2  }
0xb: {  	[smem:$0x3FA8] =	sst s3  }
0xc: {  	[smem:$0x3FA9] =	sst s4  }
0xd: {  	[smem:$0x3FAA] =	sst s5  }
0xe: {  	[smem:$0x3FAB] =	sst s6  }
0xf: {  	[smem:$0x3FAC] =	sst s7  }
0x10: {  	[smem:$0x3FAD] =	sst s8  }
0x11: {  	[smem:$0x3FAE] =	sst s9;
	s0 =	simm.s32 @!p0 $0x0  }
0x12: {  	s1 =	sld [smem:$0x3F94];
	s0 =	simm.s32 @p0 $0x1  }
0x13: {  	[smem:$0x3FAF] =	sst s0;
	s0 =	simm.s32 @!p1 $0x0  }
0x14: {  	s2 =	sld [smem:$0x3F93];
	s0 =	simm.s32 @p1 $0x1  }
0x15: {  	[smem:$0x3FB0] =	sst s0;
	s0 =	simm.s32 @!p2 $0x0  }
0x16: {  	s3 =	sld [smem:$0x3FDB];
	s0 =	simm.s32 @p2 $0x1  }
0x17: {  	s4 =	simm.s32 $0x1BF5;
	[smem:$0x3FB2] =	sst s0  }
0x18: {  	s0 =	sld [smem:$0x3F95];
	_ =	swait.ge [sflag:s4], $0x0  }
0x19: {  	s7 =	sld [smem:$0x3F96]  }
0x1a: {  	s8 =	sadd.s32 $0xFFFFE003, lr  }
0x1b: {  	s9 =	sadd.s32 $0xFFFFFEF7, lr;
	s5 =	simm.s32 $0xFFFFFFFF;
	p2 =	slt.u32 s8, $0xFFFFF086  }
0x1c: {  	p1 =	slt.u32 s9, $0xF7A;
	s5 =	simm.s32 @!p2 $0x0  }
0x1d: {  	s5 =	simm.s32 @p1 $0x1;
	p0 =	seq.s32 s7, s2  }
0x1e: {  	s7 =	smul.u32 @!p0 $0xF7A, s2;
	p2 =	seq.s32 @!p0 s5, $0x0  }
0x1f: {  	s9 =	smul.u32 $0xF7A, s1;
	s8 =	simm.s32 @!p0 $0x1BF5;
	p2 =	por !p2, p0  }
0x20: {  	[sflag:s8] =	ssyncset.s32 @!p0 $0xFFFFF086;
	s6 =	sadd.s32 @!p0 s3, s7;
	s7 =	simm.s32 @!p0 $0x108  }
0x21: {  	s3 =	sadd.s32 s3, s9;
	s6 =	sadd.s32 @!p0 $0x88, s6;
	s7 =	simm.s32 @p2 $0x1082  }
0x22: {  	[simem:s7], [sflag:s8] =	dma.local @!p0 [hbm:s6], $0xF7A  }
0x23: {  	s9 =	sor.u32 $0xD0000000, s2;
	s6 =	simm.s32 $0x108;
	_ =	swait.ge @!p0 [sflag:s8], $0x0  }
0x24: {  	s3 =	sadd.s32 $0x88, s3;
	s6 =	simm.s32 @!p1 $0x1082;
	[sflag:s4] =	ssyncset.s32 $0xFFFFF086  }
0x25: {  	[simem:s6], [sflag:s4] =	dma.local [hbm:s3], $0xF7A  }
0x26: {  	[smem:$0x3F96] =	sst s1;
	(tag) =	ssettag s2;
	_ =	strace s9  }
0x27: {  	s1 =	sld [smem:$0x3FA6]  }
0x28: {  	s2 =	sld [smem:$0x3FA7]  }
0x29: {  	s4 =	sld [smem:$0x3FA9]  }
0x2a: {  	p0 =	seq.s32 s5, $0x0;
	s5 =	sld [smem:$0x3FAA]  }
0x2b: {  	s6 =	sld [smem:$0x3FAB]  }
0x2c: {  	s7 =	sld [smem:$0x3FAC]  }
0x2d: {  	s3 =	simm.s32 $0x108;
	s8 =	sld [smem:$0x3FAD]  }
0x2e: {  	s3 =	simm.s32 @!p0 $0x1082;
	s9 =	sld [smem:$0x3FAE]  }
0x2f: {  	lr =	sadd.s32 s0, s3;
	s0 =	sld [smem:$0x3FA5]  }
0x30: {  	s3 =	sld [smem:$0x3FA8]  }
0x31: {  	[smem:$0x3FB1] =	sst s10  }
0x32: {  	s10 =	sld [smem:$0x3FAF];
	_ =	sdelay $0x3  }
0x33: {  	p0 =	seq.s32 s10, $0x1;
	s10 =	sld [smem:$0x3FB1];
	_ =	sdelay $0x3  }
0x34: {  	[smem:$0x3FB1] =	sst s10  }
0x35: {  	s10 =	sld [smem:$0x3FB0];
	_ =	sdelay $0x3  }
0x36: {  	p1 =	seq.s32 s10, $0x1;
	s10 =	sld [smem:$0x3FB1];
	_ =	sdelay $0x3  }
0x37: {  	[smem:$0x3FB1] =	sst s10  }
0x38: {  	s10 =	sld [smem:$0x3FB2]  }
0x39: {  	_ = 	snop;
	(pc) =	sbr.ind lr, $3  }
0x3a: {  	_ = 	snop  }
0x3b: {  	_ = 	snop  }
0x3c: {  	p2 =	seq.s32 s10, $0x1;
	s10 =	sld [smem:$0x3FB1]  }
0x3d: {  	_ =	shalt  }
0x3e: {  	_ =	shalt  }
0x3f: {  	_ =	shalt  }
0x40: {  	_ =	shalt  }
0x41: {  	_ =	shalt  }
0x42: {  	_ =	shalt  }
0x43: {  	_ =	shalt  }
0x44: {  	_ =	shalt  }
0x45: {  	_ =	shalt  }
0x46: {  	_ =	shalt  }
0x47: {  	_ =	shalt  }
0x48: {  	_ =	shalt  }
0x49: {  	_ =	shalt  }
0x4a: {  	_ =	shalt  }
0x4b: {  	_ =	shalt  }
0x4c: {  	_ =	shalt  }
0x4d: {  	_ =	shalt  }
0x4e: {  	_ =	shalt  }
0x4f: {  	_ =	shalt  }
0x50: {  	_ =	shalt  }
0x51: {  	_ =	shalt  }
0x52: {  	_ =	shalt  }
0x53: {  	_ =	shalt  }
0x54: {  	_ =	shalt  }
0x55: {  	_ =	shalt  }
0x56: {  	_ =	shalt  }
0x57: {  	_ =	shalt  }
0x58: {  	_ =	shalt  }
0x59: {  	_ =	shalt  }
0x5a: {  	_ =	shalt  }
0x5b: {  	_ =	shalt  }
0x5c: {  	_ =	shalt  }
0x5d: {  	_ =	shalt  }
0x5e: {  	_ =	shalt  }
0x5f: {  	_ =	shalt  }
0x60: {  	_ =	shalt  }
0x61: {  	_ =	shalt  }
0x62: {  	_ =	shalt  }
0x63: {  	_ =	shalt  }
0x64: {  	_ =	shalt  }
0x65: {  	_ =	shalt  }
0x66: {  	_ =	shalt  }
0x67: {  	_ =	shalt  }
0x68: {  	_ =	shalt  }
0x69: {  	_ =	shalt  }
0x6a: {  	_ =	shalt  }
0x6b: {  	_ =	shalt  }
0x6c: {  	_ =	shalt  }
0x6d: {  	_ =	shalt  }
0x6e: {  	_ =	shalt  }
0x6f: {  	_ =	shalt  }
0x70: {  	_ =	shalt  }
0x71: {  	_ =	shalt  }
0x72: {  	_ =	shalt  }
0x73: {  	_ =	shalt  }
0x74: {  	_ =	shalt  }
0x75: {  	_ =	shalt  }
0x76: {  	_ =	shalt  }
0x77: {  	_ =	shalt  }
0x78: {  	_ =	shalt  }
0x79: {  	_ =	shalt  }
0x7a: {  	_ =	shalt  }
0x7b: {  	_ =	shalt  }
0x7c: {  	_ =	shalt  }
0x7d: {  	_ =	shalt  }
0x7e: {  	_ =	shalt  }
0x7f: {  	_ =	shalt  }
0x80: {  	_ =	shalt  }
0x81: {  	_ =	shalt  }
0x82: {  	_ =	shalt  }
0x83: {  	_ =	shalt  }
0x84: {  	_ =	shalt  }
0x85: {  	_ =	shalt  }
0x86: {  	_ =	shalt  }
0x87: {  	_ =	shalt  }
.Lfunc_end0:
.L_simem_size_0:
called_computation_lowered:
.L_overlay_start_0:
0x88: {  	s2 =	sld [smem:$0x3FD9]  }
0x89: {  	s3 =	sld [smem:$0x3FFE];
	_ =	sdelay $0x1  }
0x8a: {  	s1 =	srdreg.scid  }
0x8b: {  	s0 =	sand.u32 $0x1, s1  }
0x8c: {  	s16 =	sshll.u32 s0, $0xA;
	s2 =	sadd.s32 s3, s2  }
0x8d: {  	s2 =	sadd.s32 s2, s16  }
0x8e: {  	[smem:$0x3FBD] =	sst s2  }
0x8f: {  	_ = 	snop  }
0x90: {  	(tm) =	ssettm $0x1  }
0x91: {  	s17 =	sld [smem:$0x3FFB];
	_ =	sdelay $0x3  }
0x92: {  	_ =	strace s17  }
0x93: {  	s2 =	sld [smem:$0x3FFC];
	_ =	sdelay $0x3  }
0x94: {  	_ =	strace s2  }
0x95: {  	s2 =	sld [smem:$0x3FFD];
	_ =	sdelay $0x3  }
0x96: {  	_ =	strace s2  }
0x97: {  	_ =	strace $0x8FFFFFFF  }
0x98: {  	s18 =	sld [smem:$0x3FDB];
	_ =	sdelay $0x1  }
0x99: {  	s19 =	simm.s32 $_scs_section_size  }
0x9a: {  	s4 =	simm.s32 $_size__tile_overlayer_lowered;
	s5 =	simm.s32 $_tile_overlayer_lowered  }
0x9b: {  	s22 =	simm.s32 $0x1BFF;
	s21 =	sshll.u32 s5, $0x1;
	s2 =	sadd.s32 s19, s18  }
0x9c: {  	s6 =	simm.s32 $0x0;
	s20 =	sshll.u32 s4, $0x1;
	s4 =	sadd.s32 s21, s2  }
0x9d: {  	[timem:s6], [sflag:s22] =	dma.local [hbm:s4], s20  }
0x9e: {  	_ =	swait.ge [sflag:s22], s20  }
0x9f: {  	s3 =	ssub.s32 $0x0, s20;
	[sflag:s22] =	ssyncset.done $0x0  }
0xa0: {  	[sflag:s22] =	ssyncadd.s32 s3;
	_ =	sdelay $0x1  }
0xa1: {  	s23 =	simm.s32 $0x1B8B  }
0xa2: {  	_ =	swait.ge [sflag:s23], $0x1  }
0xa3: {  	[sflag:s23] =	ssyncset.done $0x0  }
0xa4: {  	s25 =	simm.s32 $0x1B8E;
	s24 =	sld [smem:$0x3FFE];
	[sflag:s23] =	ssyncadd.s32 $0xFFFFFFFF  }
0xa5: {  	s26 =	simm.s32 $execute0_lowered;
	[smem:$0x3FD2] =	sst s25  }
0xa6: {  	s4 =	sshll.u32 s26, $0x1;
	_ =	strace $0x80000046;
	[dreg:$0x1] =	wrdreg $0xFFFFFFFF  }
0xa7: {  	s28 =	simm.s32 $_size_execute0_lowered;
	s2 =	sadd.s32 s2, s4;
	[dreg:$0x0] =	wrdreg $0x0  }
0xa8: {  	s4 =	sshll.u32 s28, $0x1;
	[dreg:$0x2] =	wrdreg s2  }
0xa9: {  	[dreg:$0x3] =	wrdreg s4  }
0xaa: {  	[dreg:$0x4] =	wrdreg $0xC0  }
0xab: {  	_ =	task [dreg:s6], $0x5FFFF  }
0xac: {  	[dreg:$0x1] =	wrdreg $0xFFFFFFFF  }
0xad: {  	[dreg:$0x0] =	wrdreg $0x60  }
0xae: {  	[dreg:$0x2] =	wrdreg s24  }
0xaf: {  	[dreg:$0x3] =	wrdreg $0x0  }
0xb0: {  	[dreg:$0x4] =	wrdreg $0x9  }
0xb1: {  	_ =	task.clear_ibuf [dreg:s6], $0x5FFFF;
	_ =	strace $0x90000046  }
0xb2: {  	s29 =	simm.s32 $0x9;
	_ =	strace $0x80000048  }
0xb3: {  	_ =	swait.ge [sflag:s29], $0x1  }
0xb4: {  	[sflag:s29] =	ssyncadd.s32 $0xFFFFFFFF  }
0xb5: {  	_ =	strace $0x90000048  }
0xb6: {  	_ =	sfence  }
0xb7: {  	s30 =	sld [smem:$0x0];
	_ =	sdelay $0x2  }
0xb8: {  	s31 =	sshll.u32 s1, $0xD;
	s1 =	sshrl.u32 s1, $0x2  }
0xb9: {  	s3 =	sand.u32 $0x4000, s31;
	s1 =	sadd.s32 s1, s30  }
0xba: {  	s0 =	sor.u32 s3, s0;
	s1 =	sshll.u32 s1, $0x11  }
0xbb: {  	s0 =	sor.u32 s1, s0  }
0xbc: {  	s0 =	sadd.s32 $0x8F2B, s0  }
0xbd: {  	[sflag:s0] =	ssyncadd.remote.s32 $0x1  }
0xbe: {  	_ =	sfence.sel $0xFFFF  }
0xbf: {  	[dreg:$0x0] =	wrdreg $0xFFFFFFFF;
	(pc) =	sbr.abs _section_cstart, $3  }
0xc0: {  	[dreg:$0x1] =	wrdreg $0xFFFFFFFF  }
0xc1: {  	_ =	task.clear_ibuf [dreg:s6], $0x2FFFF;
	_ =	strace $0x9FFFFFFF  }
0xc2: {  	(tm) =	ssettm $0x7FFFFFFF  }
0xc3: {  	_ =	shalt  }
tec
execute0_lowered:
.L_overlay_start_1:
0x0: {  	(tag) =	ssettag $0x1  }
0x1: {  	s11 =	rddreg [dreg:$0x0]  }
0x2: {  	s2 =	rddreg [dreg:$0x1]  }
0x3: {  	s1 =	stileid.u32;
	s3 =	srdreg.scid;
	s17 =	simm.s32 $0x5320  }
0x4: {  	s18 =	simm.s32 $0x6;
	s19 =	simm.s32 $0x2710;
	s20 =	simm.s32 $0x50  }
0x5: {  	s21 =	simm.s32 $0x4E20;
	s22 =	simm.s32 $0x1;
	s23 =	simm.s32 $0x2  }
0x6: {  	s24 =	simm.s32 $0x3;
	s25 =	simm.s32 $0x4;
	s26 =	simm.s32 $0x5  }
0x7: {  	s5 =	sand.u32 $0x1, s3;
	s4 =	sshll.u32 s1, $0x1;
	s6 =	smul.u32 $0x2780, s1  }
0x8: {  	s3 =	simm.s32 $0x0;
	s31 =	smul.u32 $0x9C40, s1;
	p4 =	seq.s32 s1, $0xF  }
0x9: {  	s4 =	sor.u32 s5, s4;
	[smem:$0x7FF] =	sst s3;
	s8 =	ssub.s32 $0x2, s5  }
0xa: {  	p3 =	seq.s32 s5, $0x1;
	s4 =	smul.u32 $0x2710, s4;
	_ =	strace $0x80000047  }
0xb: {  	s7 =	sshrl.u32 s6, $0x3;
	s9 =	sshrl.u32 s8, $0x1;
	s6 =	sadd.s32 s6, s2  }
0xc: {  	s10 =	sshrl.u32 s31, $0x2;
	p0 =	por !p3, !p4;
	p1 =	por p3, !p4  }
0xd: {  	p2 =	por !p3, p4;
	p3 =	por p3, p4;
	s7 =	sadd.s32 s7, s11  }
0xe: {  	s12 =	ssub.s32 s8, s9;
	s8 =	sadd.s32 $0x23610, s11;
	s9 =	sadd.s32 $0x25080, s2  }
0xf: {  	s10 =	sadd.s32 s10, s2;
	s4 =	sshrl.u32 s4, $0x3;
	s5 =	sadd.s32 $0x1EC00, s7  }
0x10: {  	s7 =	sadd.s32 $0x19C00, s7;
	s12 =	smax.u32 s12, $0x1;
	s13 =	sadd.s32 $0x7D0, s10  }
0x11: {  	s14 =	sadd.s32 $0xFA0, s10;
	s15 =	sadd.s32 $0x1770, s10;
	s4 =	sadd.s32 s11, s4  }
0x12: {  	v0 =	vimm.f32 $1.000000000e+00;
	v1 =	vimm.f32 $0.0e+00;
	s16 =	sadd.s32 $0x1F40, s10;
	s11 =	sadd.s32 $0x1E610, s11;
	s4 =	sadd.s32 $0xFE40, s4  }
.LBB2_1:
0x13: {  	s28 =	simm.s32 $0x0  }
.LBB2_2:
0x14: {  	p4 =	sne.s32 s28, $0x13C0  }
.Ltmp0:
0x15: {  	_ = 	snop;
	(pc) =	sbr.rel @p4 .LBB2_2-.Ltmp0, $3  }
0x16: {  	_ =	sdelay $0x1  }
0x17: {  	s29 =	sshra.s32 s28, $0x2  }
0x18: {  	s28 =	sadd.s32 $0x40, s28;
	[tilespmem:s29+$0x4E20] =	vst v0  }
0x19: {  	s28 =	simm.s32 $0x40;
	s29 =	simm.s32 $0x0  }
.LBB2_4:
0x1a: {  	p4 =	sne.s32 s28, $0x1F00;
	[tilespmem:s29+$0x5320] =	vst v1;
	s29 =	smov.u32 s28;
	s28 =	sadd.s32 $0x40, s28  }
.Ltmp1:
0x1b: {  	(pc) =	sbr.rel @p4 .LBB2_4-.Ltmp1, $2  }
0x1c: {  	_ =	sdelay $0x2  }
0x1d: {  	s29 =	sshra.s32 s29, $0x2  }
0x1e: {  	[tilespmem:s29+$0x5320] =	vst v1  }
0x1f: {  	[spmem:s10] =	stream.linear.scatter [tilespmem:s17], [sflag:$0x6], $0x7D0, $0x38;
	[tilespmem:$0x5AF0] =	vst v63  }
0x20: {  	_ =	swait.ge [sflag:s18], $0x7D0  }
0x21: {  	[sflag:s18] =	ssyncset.done $0x0  }
0x22: {  	[sflag:s18] =	ssyncadd.s32 $0xFFFFF830  }
0x23: {  	[spmem:s13] =	stream.linear.scatter [tilespmem:s17], [sflag:$0x6], $0x7D0, $0x38;
	[tilespmem:$0x5AF0] =	vst v63  }
0x24: {  	_ =	swait.ge [sflag:s18], $0x7D0  }
0x25: {  	[sflag:s18] =	ssyncset.done $0x0  }
0x26: {  	[sflag:s18] =	ssyncadd.s32 $0xFFFFF830  }
0x27: {  	[spmem:s14] =	stream.linear.scatter [tilespmem:s17], [sflag:$0x6], $0x7D0, $0x38;
	[tilespmem:$0x5AF0] =	vst v63  }
0x28: {  	_ =	swait.ge [sflag:s18], $0x7D0  }
0x29: {  	[sflag:s18] =	ssyncset.done $0x0  }
0x2a: {  	[sflag:s18] =	ssyncadd.s32 $0xFFFFF830  }
0x2b: {  	[spmem:s15] =	stream.linear.scatter [tilespmem:s17], [sflag:$0x6], $0x7D0, $0x38;
	[tilespmem:$0x5AF0] =	vst v63  }
0x2c: {  	_ =	swait.ge [sflag:s18], $0x7D0  }
0x2d: {  	[sflag:s18] =	ssyncset.done $0x0  }
0x2e: {  	[sflag:s18] =	ssyncadd.s32 $0xFFFFF830  }
0x2f: {  	[spmem:s16] =	stream.linear.scatter [tilespmem:s17], [sflag:$0x6], $0x7D0, $0x38;
	[tilespmem:$0x5AF0] =	vst v63  }
0x30: {  	_ =	swait.ge [sflag:s18], $0x7D0  }
0x31: {  	[sflag:s18] =	ssyncset.done $0x0  }
0x32: {  	s28 =	simm.s32 $0x0;
	[sflag:s18] =	ssyncadd.s32 $0xFFFFF830  }
0x33: {  	[tilespmem:s19], [sflag:$0x6] =	stream.linear.gather [hbm4b:s4+s28], $0x2710, $0x38;
	[tilespmem:$0x5AF0] =	vst v63  }
0x34: {  	_ =	swait.ge [sflag:s18], $0x2710  }
0x35: {  	[sflag:s18] =	ssyncset.done $0x0  }
0x36: {  	[sflag:s18] =	ssyncadd.s32 $0xFFFFD8F0  }
0x37: {  	s28 =	simm.s32 $0x2710;
	[bflag:$0x0] =	sbarrier.arrive $0xFFFF  }
0x38: {  	[spmem:s2] =	stream.indirect.scatter.add.f32 [tilespmem:s21], [sflag:$0x1], $0x10, s28, s20, $0xb8;
	[tilespmem:$0x5AF0] =	vst v63  }
0x39: {  	s28 =	simm.s32 $0x2760  }
0x3a: {  	[spmem:s2] =	stream.indirect.scatter.add.f32 [tilespmem:s21], [sflag:$0x2], $0x10, s28, s20, $0xb8;
	[tilespmem:$0x5AF0] =	vst v63  }
0x3b: {  	s28 =	simm.s32 $0x27B0  }
0x3c: {  	[spmem:s2] =	stream.indirect.scatter.add.f32 [tilespmem:s21], [sflag:$0x3], $0x10, s28, s20, $0xb8;
	[tilespmem:$0x5AF0] =	vst v63  }
0x3d: {  	s28 =	simm.s32 $0x2800  }
0x3e: {  	[spmem:s2] =	stream.indirect.scatter.add.f32 [tilespmem:s21], [sflag:$0x4], $0x10, s28, s20, $0xb8;
	[tilespmem:$0x5AF0] =	vst v63  }
0x3f: {  	s28 =	simm.s32 $0x2850  }
0x40: {  	[spmem:s2] =	stream.indirect.scatter.add.f32 [tilespmem:s21], [sflag:$0x5], $0x10, s28, s20, $0xb8;
	[tilespmem:$0x5AF0] =	vst v63  }
0x41: {  	_ =	swait.ge [sflag:s22], $0x500  }
0x42: {  	[sflag:s22] =	ssyncset.done $0x0  }
0x43: {  	[sflag:s22] =	ssyncadd.s32 $0xFFFFFB00  }
0x44: {  	_ =	swait.ge [sflag:s23], $0x500  }
0x45: {  	[sflag:s23] =	ssyncset.done $0x0  }
0x46: {  	[sflag:s23] =	ssyncadd.s32 $0xFFFFFB00  }
0x47: {  	_ =	swait.ge [sflag:s24], $0x500  }
0x48: {  	[sflag:s24] =	ssyncset.done $0x0  }
0x49: {  	[sflag:s24] =	ssyncadd.s32 $0xFFFFFB00  }
0x4a: {  	_ =	swait.ge [sflag:s25], $0x500  }
0x4b: {  	[sflag:s25] =	ssyncset.done $0x0  }
0x4c: {  	[sflag:s25] =	ssyncadd.s32 $0xFFFFFB00  }
0x4d: {  	_ =	swait.ge [sflag:s26], $0x500  }
0x4e: {  	s29 =	simm.s32 $0xC80;
	s28 =	simm.s32 $0x190;
	[sflag:s26] =	ssyncset.done $0x0  }
.LBB2_6:
0x4f: {  	s30 =	sadd.s32 $0x2710, s28  }
0x50: {  	[sflag:s26] =	ssyncadd.s32 $0xFFFFFB00;
	s31 =	smov.u32 s29;
	s0 =	sadd.s32 $0x640, s29  }
0x51: {  	[spmem:s2] =	stream.indirect.scatter.add.f32 [tilespmem:s21], [sflag:$0x1], $0x10, s30, s20, $0xb8;
	[tilespmem:$0x5AF0] =	vst v63  }
0x52: {  	p4 =	sne.s32 s29, $0x9600;
	s29 =	sadd.s32 $0x2760, s28  }
0x53: {  	[spmem:s2] =	stream.indirect.scatter.add.f32 [tilespmem:s21], [sflag:$0x2], $0x10, s29, s20, $0xb8;
	[tilespmem:$0x5AF0] =	vst v63  }
0x54: {  	s29 =	sadd.s32 $0x27B0, s28  }
0x55: {  	[spmem:s2] =	stream.indirect.scatter.add.f32 [tilespmem:s21], [sflag:$0x3], $0x10, s29, s20, $0xb8;
	[tilespmem:$0x5AF0] =	vst v63  }
0x56: {  	s29 =	sadd.s32 $0x2800, s28  }
0x57: {  	[spmem:s2] =	stream.indirect.scatter.add.f32 [tilespmem:s21], [sflag:$0x4], $0x10, s29, s20, $0xb8;
	[tilespmem:$0x5AF0] =	vst v63  }
0x58: {  	s28 =	sadd.s32 $0x2850, s28  }
0x59: {  	[spmem:s2] =	stream.indirect.scatter.add.f32 [tilespmem:s21], [sflag:$0x5], $0x10, s28, s20, $0xb8;
	[tilespmem:$0x5AF0] =	vst v63  }
0x5a: {  	_ =	swait.ge [sflag:s22], $0x500  }
0x5b: {  	[sflag:s22] =	ssyncset.done $0x0  }
0x5c: {  	[sflag:s22] =	ssyncadd.s32 $0xFFFFFB00  }
0x5d: {  	_ =	swait.ge [sflag:s23], $0x500  }
0x5e: {  	[sflag:s23] =	ssyncset.done $0x0  }
0x5f: {  	[sflag:s23] =	ssyncadd.s32 $0xFFFFFB00  }
0x60: {  	_ =	swait.ge [sflag:s24], $0x500  }
0x61: {  	[sflag:s24] =	ssyncset.done $0x0  }
0x62: {  	[sflag:s24] =	ssyncadd.s32 $0xFFFFFB00  }
.Ltmp2:
0x63: {  	_ =	swait.ge [sflag:s25], $0x500;
	(pc) =	sbr.rel @p4 .LBB2_6-.Ltmp2, $4  }
0x64: {  	[sflag:s25] =	ssyncset.done $0x0  }
0x65: {  	[sflag:s25] =	ssyncadd.s32 $0xFFFFFB00  }
0x66: {  	_ =	swait.ge [sflag:s26], $0x500  }
0x67: {  	s29 =	smov.u32 s0;
	s28 =	sshra.s32 s31, $0x2;
	[sflag:s26] =	ssyncset.done $0x0  }
0x68: {  	s0 =	sadd.s32 $0x2710, s28;
	[sflag:s26] =	ssyncadd.s32 $0xFFFFFB00  }
0x69: {  	[spmem:s2] =	stream.indirect.scatter.add.f32 [tilespmem:s21], [sflag:$0x1], $0x10, s0, s20, $0xb8;
	[tilespmem:$0x5AF0] =	vst v63  }
0x6a: {  	s31 =	sadd.s32 $0x2760, s28  }
0x6b: {  	[spmem:s2] =	stream.indirect.scatter.add.f32 [tilespmem:s21], [sflag:$0x2], $0x10, s31, s20, $0xb8;
	[tilespmem:$0x5AF0] =	vst v63  }
0x6c: {  	s29 =	sadd.s32 $0x27B0, s28  }
0x6d: {  	[spmem:s2] =	stream.indirect.scatter.add.f32 [tilespmem:s21], [sflag:$0x3], $0x10, s29, s20, $0xb8;
	[tilespmem:$0x5AF0] =	vst v63  }
0x6e: {  	s30 =	sadd.s32 $0x2800, s28  }
0x6f: {  	[spmem:s2] =	stream.indirect.scatter.add.f32 [tilespmem:s21], [sflag:$0x4], $0x10, s30, s20, $0xb8;
	[tilespmem:$0x5AF0] =	vst v63  }
0x70: {  	s31 =	sadd.s32 $0x2850, s28  }
0x71: {  	[spmem:s2] =	stream.indirect.scatter.add.f32 [tilespmem:s21], [sflag:$0x5], $0x10, s31, s20, $0xb8;
	[tilespmem:$0x5AF0] =	vst v63  }
0x72: {  	_ =	swait.ge [sflag:s22], $0x500  }
0x73: {  	[sflag:s22] =	ssyncset.done $0x0  }
0x74: {  	[sflag:s22] =	ssyncadd.s32 $0xFFFFFB00  }
0x75: {  	_ =	swait.ge [sflag:s23], $0x500  }
0x76: {  	[sflag:s23] =	ssyncset.done $0x0  }
0x77: {  	[sflag:s23] =	ssyncadd.s32 $0xFFFFFB00  }
0x78: {  	_ =	swait.ge [sflag:s24], $0x500  }
0x79: {  	[sflag:s24] =	ssyncset.done $0x0  }
0x7a: {  	[sflag:s24] =	ssyncadd.s32 $0xFFFFFB00  }
0x7b: {  	_ =	swait.ge [sflag:s25], $0x500  }
0x7c: {  	[sflag:s25] =	ssyncset.done $0x0  }
0x7d: {  	[sflag:s25] =	ssyncadd.s32 $0xFFFFFB00  }
0x7e: {  	_ =	swait.ge [sflag:s26], $0x500  }
0x7f: {  	[sflag:s26] =	ssyncset.done $0x0  }
0x80: {  	[sflag:s26] =	ssyncadd.s32 $0xFFFFFB00  }
0x81: {  	s0 =	sshrl.u32 @!p0 s9, $0x3;
	s28 =	simm.s32 @!p0 $0x1FC6;
	[bflag:$0x0] =	sbarrier.arrive $0xFFFF  }
0x82: {  	[hbm:s11], [sflag:s28] =	dma.local @!p0 [spmem:s0], $0x410  }
0x83: {  	s0 =	simm.s32 @!p0 $0x6  }
0x84: {  	_ =	swait.ge @!p0 [sflag:s0], $0x410  }
0x85: {  	[sflag:s0] =	ssyncset.done @!p0 $0x0  }
0x86: {  	s28 =	simm.s32 @!p1 $0x1FC6;
	[sflag:s0] =	ssyncadd.s32 @!p0 $0xFFFFFBF0;
	s0 =	sshrl.u32 @!p1 s9, $0x3  }
0x87: {  	[hbm:s8], [sflag:s28] =	dma.local @!p1 [spmem:s0], $0x410  }
0x88: {  	s0 =	simm.s32 @!p1 $0x6  }
0x89: {  	_ =	swait.ge @!p1 [sflag:s0], $0x410  }
0x8a: {  	s28 =	sshll.u32 @!p2 s1, $0x6;
	[sflag:s0] =	ssyncset.done @!p1 $0x0  }
0x8b: {  	[sflag:s0] =	ssyncadd.s32 @!p1 $0xFFFFFBF0;
	s0 =	sor.u32 @!p2 $0x1C06, s28;
	s28 =	sshrl.u32 @!p2 s6, $0x3  }
0x8c: {  	[hbm:s7], [sflag:s0] =	dma.local @!p2 [spmem:s28], $0x4F0  }
0x8d: {  	s0 =	simm.s32 @!p2 $0x6  }
0x8e: {  	s3 =	sadd.s32 $0x1, s3;
	_ =	swait.ge @!p2 [sflag:s0], $0x4F0  }
0x8f: {  	p4 =	sne.s32 s3, s12;
	s28 =	sshll.u32 @!p3 s1, $0x6;
	[sflag:s0] =	ssyncset.done @!p2 $0x0  }
0x90: {  	[sflag:s0] =	ssyncadd.s32 @!p2 $0xFFFFFB10;
	s0 =	sor.u32 @!p3 $0x1C06, s28;
	s28 =	sshrl.u32 @!p3 s6, $0x3  }
0x91: {  	[hbm:s5], [sflag:s0] =	dma.local @!p3 [spmem:s28], $0x4F0  }
.Ltmp3:
0x92: {  	_ = 	snop;
	(pc) =	sbr.rel @p4 .LBB2_1-.Ltmp3, $4  }
0x93: {  	s0 =	simm.s32 @!p3 $0x6  }
0x94: {  	_ =	swait.ge @!p3 [sflag:s0], $0x4F0  }
0x95: {  	[sflag:s0] =	ssyncset.done @!p3 $0x0  }
0x96: {  	[sflag:s0] =	ssyncadd.s32 @!p3 $0xFFFFFB10  }
0x97: {  	_ =	sfence.sel $0x180000  }
0x98: {  	[bflag:$0x0] =	sbarrier.arrive $0xFFFF  }
0x99: {  	_ =	strace $0x90000047  }
0x9a: {  	[bflag:$0x2] =	sbarrier.arrive $0xFFFF  }
0x9b: {  	p0 =	sne.s32 s1, $0x0;
	s0 =	rddreg [dreg:$0x2]  }
0x9c: {  	s0 =	sadd.s32 @!p0 $0x100000, s0  }
0x9d: {  	[sflag:s0] =	ssyncadd.tile.s32 @!p0 $0x1;
	_ =	shalt  }
.Lfunc_end2:
_tile_overlayer_lowered:
.L_overlay_start_2:
0x9e: {  	(tag) =	ssettag $0x2  }
0x9f: {  	s0 =	rddreg [dreg:$0x0];
	s2 =	stileid.u32  }
0xa0: {  	s1 =	rddreg [dreg:$0x1];
	p0 =	sne.s32 s2, $0x0  }
0xa1: {  	s3 =	rddreg [dreg:$0x2];
	[bflag:$0x3] =	sbarrier.arrive $0xFFFF;
	s2 =	simm.s32 @!p0 $0x1C06  }
0xa2: {  	[timem:s3], [sflag:s2] =	dma.local @!p0 [hbm:s0], s1  }
0xa3: {  	s0 =	simm.s32 @!p0 $0x6  }
0xa4: {  	_ =	swait.ge @!p0 [sflag:s0], s1  }
0xa5: {  	s1 =	ssub.s32 @!p0 $0x0, s1;
	[sflag:s0] =	ssyncset.done @!p0 $0x0  }
0xa6: {  	[sflag:s0] =	ssyncadd.s32 @!p0 s1  }
0xa7: {  	[bflag:$0x3] =	sbarrier.arrive $0xFFFF  }
0xa8: {  	_ =	shalt  }

// kernel: kernel.14.cloned.1.call-start
scs
__scs_entry_jumppad:
0x0: {  	(pc) =	sbr.rel $0x88, $3  }
0x1: {  	(tag) =	ssettag $0x0;
	lr =	simm.s32 $0x1  }
0x2: {  	[smem:$0x3F96] =	sst lr;
	_ =	strace $0xD0000000  }
0x3: {  	_ = 	snop  }
0x4: {  	_ = 	snop  }
0x5: {  	_ = 	snop  }
0x6: {  	_ = 	snop  }
0x7: {  	_ = 	snop  }
__scs_overlays_trampoline_lowered:
0x8: {  	[smem:$0x3FA5] =	sst s0  }
0x9: {  	[smem:$0x3FA6] =	sst s1  }
0xa: {  	[smem:$0x3FA7] =	sst s2  }
0xb: {  	[smem:$0x3FA8] =	sst s3  }
0xc: {  	[smem:$0x3FA9] =	sst s4  }
0xd: {  	[smem:$0x3FAA] =	sst s5  }
0xe: {  	[smem:$0x3FAB] =	sst s6  }
0xf: {  	[smem:$0x3FAC] =	sst s7  }
0x10: {  	[smem:$0x3FAD] =	sst s8  }
0x11: {  	[smem:$0x3FAE] =	sst s9;
	s0 =	simm.s32 @!p0 $0x0  }
0x12: {  	s1 =	sld [smem:$0x3F94];
	s0 =	simm.s32 @p0 $0x1  }
0x13: {  	[smem:$0x3FAF] =	sst s0;
	s0 =	simm.s32 @!p1 $0x0  }
0x14: {  	s2 =	sld [smem:$0x3F93];
	s0 =	simm.s32 @p1 $0x1  }
0x15: {  	[smem:$0x3FB0] =	sst s0;
	s0 =	simm.s32 @!p2 $0x0  }
0x16: {  	s3 =	sld [smem:$0x3FDB];
	s0 =	simm.s32 @p2 $0x1  }
0x17: {  	s4 =	simm.s32 $0x1BF5;
	[smem:$0x3FB2] =	sst s0  }
0x18: {  	s0 =	sld [smem:$0x3F95];
	_ =	swait.ge [sflag:s4], $0x0  }
0x19: {  	s7 =	sld [smem:$0x3F96]  }
0x1a: {  	s8 =	sadd.s32 $0xFFFFE003, lr  }
0x1b: {  	s9 =	sadd.s32 $0xFFFFFEF7, lr;
	s5 =	simm.s32 $0xFFFFFFFF;
	p2 =	slt.u32 s8, $0xFFFFF086  }
0x1c: {  	p1 =	slt.u32 s9, $0xF7A;
	s5 =	simm.s32 @!p2 $0x0  }
0x1d: {  	s5 =	simm.s32 @p1 $0x1;
	p0 =	seq.s32 s7, s2  }
0x1e: {  	s7 =	smul.u32 @!p0 $0xF7A, s2;
	p2 =	seq.s32 @!p0 s5, $0x0  }
0x1f: {  	s9 =	smul.u32 $0xF7A, s1;
	s8 =	simm.s32 @!p0 $0x1BF5;
	p2 =	por !p2, p0  }
0x20: {  	[sflag:s8] =	ssyncset.s32 @!p0 $0xFFFFF086;
	s6 =	sadd.s32 @!p0 s3, s7;
	s7 =	simm.s32 @!p0 $0x108  }
0x21: {  	s3 =	sadd.s32 s3, s9;
	s6 =	sadd.s32 @!p0 $0x88, s6;
	s7 =	simm.s32 @p2 $0x1082  }
0x22: {  	[simem:s7], [sflag:s8] =	dma.local @!p0 [hbm:s6], $0xF7A  }
0x23: {  	s9 =	sor.u32 $0xD0000000, s2;
	s6 =	simm.s32 $0x108;
	_ =	swait.ge @!p0 [sflag:s8], $0x0  }
0x24: {  	s3 =	sadd.s32 $0x88, s3;
	s6 =	simm.s32 @!p1 $0x1082;
	[sflag:s4] =	ssyncset.s32 $0xFFFFF086  }
0x25: {  	[simem:s6], [sflag:s4] =	dma.local [hbm:s3], $0xF7A  }
0x26: {  	[smem:$0x3F96] =	sst s1;
	(tag) =	ssettag s2;
	_ =	strace s9  }
0x27: {  	s1 =	sld [smem:$0x3FA6]  }
0x28: {  	s2 =	sld [smem:$0x3FA7]  }
0x29: {  	s4 =	sld [smem:$0x3FA9]  }
0x2a: {  	p0 =	seq.s32 s5, $0x0;
	s5 =	sld [smem:$0x3FAA]  }
0x2b: {  	s6 =	sld [smem:$0x3FAB]  }
0x2c: {  	s7 =	sld [smem:$0x3FAC]  }
0x2d: {  	s3 =	simm.s32 $0x108;
	s8 =	sld [smem:$0x3FAD]  }
0x2e: {  	s3 =	simm.s32 @!p0 $0x1082;
	s9 =	sld [smem:$0x3FAE]  }
0x2f: {  	lr =	sadd.s32 s0, s3;
	s0 =	sld [smem:$0x3FA5]  }
0x30: {  	s3 =	sld [smem:$0x3FA8]  }
0x31: {  	[smem:$0x3FB1] =	sst s10  }
0x32: {  	s10 =	sld [smem:$0x3FAF];
	_ =	sdelay $0x3  }
0x33: {  	p0 =	seq.s32 s10, $0x1;
	s10 =	sld [smem:$0x3FB1];
	_ =	sdelay $0x3  }
0x34: {  	[smem:$0x3FB1] =	sst s10  }
0x35: {  	s10 =	sld [smem:$0x3FB0];
	_ =	sdelay $0x3  }
0x36: {  	p1 =	seq.s32 s10, $0x1;
	s10 =	sld [smem:$0x3FB1];
	_ =	sdelay $0x3  }
0x37: {  	[smem:$0x3FB1] =	sst s10  }
0x38: {  	s10 =	sld [smem:$0x3FB2]  }
0x39: {  	_ = 	snop;
	(pc) =	sbr.ind lr, $3  }
0x3a: {  	_ = 	snop  }
0x3b: {  	_ = 	snop  }
0x3c: {  	p2 =	seq.s32 s10, $0x1;
	s10 =	sld [smem:$0x3FB1]  }
0x3d: {  	_ =	shalt  }
0x3e: {  	_ =	shalt  }
0x3f: {  	_ =	shalt  }
0x40: {  	_ =	shalt  }
0x41: {  	_ =	shalt  }
0x42: {  	_ =	shalt  }
0x43: {  	_ =	shalt  }
0x44: {  	_ =	shalt  }
0x45: {  	_ =	shalt  }
0x46: {  	_ =	shalt  }
0x47: {  	_ =	shalt  }
0x48: {  	_ =	shalt  }
0x49: {  	_ =	shalt  }
0x4a: {  	_ =	shalt  }
0x4b: {  	_ =	shalt  }
0x4c: {  	_ =	shalt  }
0x4d: {  	_ =	shalt  }
0x4e: {  	_ =	shalt  }
0x4f: {  	_ =	shalt  }
0x50: {  	_ =	shalt  }
0x51: {  	_ =	shalt  }
0x52: {  	_ =	shalt  }
0x53: {  	_ =	shalt  }
0x54: {  	_ =	shalt  }
0x55: {  	_ =	shalt  }
0x56: {  	_ =	shalt  }
0x57: {  	_ =	shalt  }
0x58: {  	_ =	shalt  }
0x59: {  	_ =	shalt  }
0x5a: {  	_ =	shalt  }
0x5b: {  	_ =	shalt  }
0x5c: {  	_ =	shalt  }
0x5d: {  	_ =	shalt  }
0x5e: {  	_ =	shalt  }
0x5f: {  	_ =	shalt  }
0x60: {  	_ =	shalt  }
0x61: {  	_ =	shalt  }
0x62: {  	_ =	shalt  }
0x63: {  	_ =	shalt  }
0x64: {  	_ =	shalt  }
0x65: {  	_ =	shalt  }
0x66: {  	_ =	shalt  }
0x67: {  	_ =	shalt  }
0x68: {  	_ =	shalt  }
0x69: {  	_ =	shalt  }
0x6a: {  	_ =	shalt  }
0x6b: {  	_ =	shalt  }
0x6c: {  	_ =	shalt  }
0x6d: {  	_ =	shalt  }
0x6e: {  	_ =	shalt  }
0x6f: {  	_ =	shalt  }
0x70: {  	_ =	shalt  }
0x71: {  	_ =	shalt  }
0x72: {  	_ =	shalt  }
0x73: {  	_ =	shalt  }
0x74: {  	_ =	shalt  }
0x75: {  	_ =	shalt  }
0x76: {  	_ =	shalt  }
0x77: {  	_ =	shalt  }
0x78: {  	_ =	shalt  }
0x79: {  	_ =	shalt  }
0x7a: {  	_ =	shalt  }
0x7b: {  	_ =	shalt  }
0x7c: {  	_ =	shalt  }
0x7d: {  	_ =	shalt  }
0x7e: {  	_ =	shalt  }
0x7f: {  	_ =	shalt  }
0x80: {  	_ =	shalt  }
0x81: {  	_ =	shalt  }
0x82: {  	_ =	shalt  }
0x83: {  	_ =	shalt  }
0x84: {  	_ =	shalt  }
0x85: {  	_ =	shalt  }
0x86: {  	_ =	shalt  }
0x87: {  	_ =	shalt  }
.Lfunc_end0:
.L_simem_size_0:
called_computation.1_lowered:
.L_overlay_start_0:
0x88: {  	s2 =	sld [smem:$0x3FD9]  }
0x89: {  	s3 =	sld [smem:$0x3FFE];
	_ =	sdelay $0x1  }
0x8a: {  	s1 =	srdreg.scid  }
0x8b: {  	s0 =	sand.u32 $0x1, s1  }
0x8c: {  	s16 =	sshll.u32 s0, $0xA;
	s2 =	sadd.s32 s3, s2  }
0x8d: {  	s2 =	sadd.s32 s2, s16  }
0x8e: {  	[smem:$0x3FBD] =	sst s2  }
0x8f: {  	_ = 	snop  }
0x90: {  	(tm) =	ssettm $0x1  }
0x91: {  	s17 =	sld [smem:$0x3FFB];
	_ =	sdelay $0x3  }
0x92: {  	_ =	strace s17  }
0x93: {  	s2 =	sld [smem:$0x3FFC];
	_ =	sdelay $0x3  }
0x94: {  	_ =	strace s2  }
0x95: {  	s2 =	sld [smem:$0x3FFD];
	_ =	sdelay $0x3  }
0x96: {  	_ =	strace s2  }
0x97: {  	_ =	strace $0x8FFFFFFF  }
0x98: {  	s18 =	sld [smem:$0x3FDB];
	_ =	sdelay $0x1  }
0x99: {  	s19 =	simm.s32 $_scs_section_size  }
0x9a: {  	s4 =	simm.s32 $_size__tile_overlayer_lowered;
	s5 =	simm.s32 $_tile_overlayer_lowered  }
0x9b: {  	s22 =	simm.s32 $0x1BFF;
	s21 =	sshll.u32 s5, $0x1;
	s2 =	sadd.s32 s19, s18  }
0x9c: {  	s6 =	simm.s32 $0x0;
	s20 =	sshll.u32 s4, $0x1;
	s4 =	sadd.s32 s21, s2  }
0x9d: {  	[timem:s6], [sflag:s22] =	dma.local [hbm:s4], s20  }
0x9e: {  	_ =	swait.ge [sflag:s22], s20  }
0x9f: {  	s3 =	ssub.s32 $0x0, s20;
	[sflag:s22] =	ssyncset.done $0x0  }
0xa0: {  	[sflag:s22] =	ssyncadd.s32 s3;
	_ =	sdelay $0x1  }
0xa1: {  	s23 =	simm.s32 $0x1B8B  }
0xa2: {  	_ =	swait.ge [sflag:s23], $0x1  }
0xa3: {  	[sflag:s23] =	ssyncset.done $0x0  }
0xa4: {  	s25 =	simm.s32 $0x1B8E;
	s24 =	sld [smem:$0x3FFE];
	[sflag:s23] =	ssyncadd.s32 $0xFFFFFFFF  }
0xa5: {  	s26 =	simm.s32 $execute0_lowered;
	[smem:$0x3FD2] =	sst s25  }
0xa6: {  	s4 =	sshll.u32 s26, $0x1;
	_ =	strace $0x80000049;
	[dreg:$0x1] =	wrdreg $0xFFFFFFFF  }
0xa7: {  	s28 =	simm.s32 $_size_execute0_lowered;
	s2 =	sadd.s32 s2, s4;
	[dreg:$0x0] =	wrdreg $0x0  }
0xa8: {  	s4 =	sshll.u32 s28, $0x1;
	[dreg:$0x2] =	wrdreg s2  }
0xa9: {  	[dreg:$0x3] =	wrdreg s4  }
0xaa: {  	[dreg:$0x4] =	wrdreg $0xC0  }
0xab: {  	_ =	task [dreg:s6], $0x5FFFF  }
0xac: {  	[dreg:$0x1] =	wrdreg $0xFFFFFFFF  }
0xad: {  	[dreg:$0x0] =	wrdreg $0x60  }
0xae: {  	[dreg:$0x2] =	wrdreg s24  }
0xaf: {  	[dreg:$0x3] =	wrdreg $0x0  }
0xb0: {  	[dreg:$0x4] =	wrdreg $0x9  }
0xb1: {  	_ =	task.clear_ibuf [dreg:s6], $0x5FFFF;
	_ =	strace $0x90000049  }
0xb2: {  	s29 =	simm.s32 $0x9;
	_ =	strace $0x8000004B  }
0xb3: {  	_ =	swait.ge [sflag:s29], $0x1  }
0xb4: {  	[sflag:s29] =	ssyncadd.s32 $0xFFFFFFFF  }
0xb5: {  	_ =	strace $0x9000004B  }
0xb6: {  	_ =	sfence  }
0xb7: {  	s30 =	sld [smem:$0x0];
	_ =	sdelay $0x2  }
0xb8: {  	s31 =	sshll.u32 s1, $0xD;
	s1 =	sshrl.u32 s1, $0x2  }
0xb9: {  	s3 =	sand.u32 $0x4000, s31;
	s1 =	sadd.s32 s1, s30  }
0xba: {  	s0 =	sor.u32 s3, s0;
	s1 =	sshll.u32 s1, $0x11  }
0xbb: {  	s0 =	sor.u32 s1, s0  }
0xbc: {  	s0 =	sadd.s32 $0x8F2B, s0  }
0xbd: {  	[sflag:s0] =	ssyncadd.remote.s32 $0x1  }
0xbe: {  	_ =	sfence.sel $0xFFFF  }
0xbf: {  	[dreg:$0x0] =	wrdreg $0xFFFFFFFF;
	(pc) =	sbr.abs _section_cstart, $3  }
0xc0: {  	[dreg:$0x1] =	wrdreg $0xFFFFFFFF  }
0xc1: {  	_ =	task.clear_ibuf [dreg:s6], $0x2FFFF;
	_ =	strace $0x9FFFFFFF  }
0xc2: {  	(tm) =	ssettm $0x7FFFFFFF  }
0xc3: {  	_ =	shalt  }
tec
execute0_lowered:
.L_overlay_start_1:
0x0: {  	(tag) =	ssettag $0x1  }
0x1: {  	s0 =	rddreg [dreg:$0x0]  }
0x2: {  	s1 =	rddreg [dreg:$0x1];
	s3 =	simm.s32 $0x0  }
0x3: {  	s13 =	stileid.u32;
	s2 =	srdreg.scid;
	s31 =	simm.s32 $0x14280  }
0x4: {  	[smem:$0x7FF] =	sst s3;
	s6 =	smul.u32 $0x13C00, s13;
	s2 =	sand.u32 $0x1, s2  }
0x5: {  	s5 =	sshll.u32 s13, $0x1;
	s4 =	sadd.s32 $0x19C00, s0;
	s7 =	smul.u32 $0x4E200, s13  }
0x6: {  	s8 =	sadd.s32 $0x6200, s0;
	s28 =	smul.u32 $0x4E20, s13;
	p1 =	seq.s32 s13, $0xF  }
0x7: {  	s13 =	simm.s32 $0x2;
	_ =	strace $0x8000004A;
	s11 =	ssub.s32 $0x2, s2  }
0x8: {  	s5 =	sor.u32 s2, s5;
	s9 =	sshrl.u32 s6, $0x3;
	s20 =	sshrl.u32 s11, $0x1  }
0x9: {  	s19 =	sshrl.u32 s7, $0x2;
	s11 =	ssub.s32 s11, s20;
	s20 =	simm.s32 $0x19280  }
0xa: {  	s10 =	smul.u32 $0x2710, s5;
	s5 =	sadd.s32 s19, s1;
	[dreg:$0x3] =	wrdreg s20  }
0xb: {  	s9 =	sadd.s32 s9, s0;
	s21 =	sadd.s32 $0x11800, s5;
	[dreg:$0x5] =	wrdreg s5  }
0xc: {  	s29 =	smul.u32 $0x2710, s2;
	s30 =	sadd.s32 $0x68000, s9;
	[dreg:$0x6] =	wrdreg s21  }
0xd: {  	p0 =	seq.s32 s2, $0x1;
	s17 =	smax.u32 s11, $0x1;
	[dreg:$0xf] =	wrdreg s30  }
0xe: {  	s14 =	sadd.s32 s29, s28;
	s28 =	sadd.s32 $0xA000, s5;
	[dreg:$0x13] =	wrdreg s17  }
0xf: {  	s10 =	sshrl.u32 s10, $0x3;
	s29 =	sadd.s32 $0xC800, s5;
	[dreg:$0x17] =	wrdreg s28  }
0x10: {  	s16 =	sadd.s32 s6, s1;
	s22 =	sadd.s32 s8, s10;
	[dreg:$0x18] =	wrdreg s29  }
0x11: {  	p2 =	por !p0, !p1;
	s21 =	simm.s32 $0x1BA80;
	[dreg:$0x7] =	wrdreg s22  }
0x12: {  	s19 =	sadd.s32 $0x128400, s1;
	s30 =	sadd.s32 $0xF000, s5;
	[dreg:$0x4] =	wrdreg s21  }
0x13: {  	s15 =	sadd.s32 $0x4E5C0, s14;
	s10 =	sadd.s32 $0x9C40, s22;
	[dreg:$0x19] =	wrdreg s30  }
0x14: {  	s2 =	sadd.s32 $0x3C0, s14;
	s23 =	sadd.s32 $0x28, s22;
	[dreg:$0x8] =	wrdreg s10  }
0x15: {  	s11 =	simm.s32 $0x16A80;
	s24 =	sadd.s32 $0x9C68, s22;
	[dreg:$0x9] =	wrdreg s23  }
0x16: {  	s14 =	simm.s32 $0x4;
	s25 =	sadd.s32 $0x50, s22;
	[dreg:$0xa] =	wrdreg s24  }
0x17: {  	s20 =	simm.s32 $0x8;
	s26 =	sadd.s32 $0x9C90, s22;
	[dreg:$0xb] =	wrdreg s25  }
0x18: {  	s18 =	sshrl.u32 s2, $0x3;
	s12 =	sadd.s32 $0x78, s22;
	[dreg:$0xc] =	wrdreg s26  }
0x19: {  	s17 =	simm.s32 $0x6;
	s7 =	sadd.s32 $0x9CB8, s22;
	[dreg:$0xd] =	wrdreg s12  }
0x1a: {  	s21 =	simm.s32 $0x0;
	[dreg:$0xe] =	wrdreg s7;
	s7 =	sadd.s32 $0x8F200, s9  }
0x1b: {  	s9 =	sadd.s32 $0x8D080, s0;
	s0 =	sadd.s32 $0xB4280, s0;
	s23 =	sadd.s32 s18, s8  }
0x1c: {  	s24 =	sadd.s32 $0x2800, s5;
	s25 =	sadd.s32 $0x5000, s5;
	[dreg:$0x10] =	wrdreg s7  }
0x1d: {  	s26 =	sadd.s32 $0x7800, s5;
	[dreg:$0x12] =	wrdreg s0;
	s0 =	sshrl.u32 s15, $0x3  }
0x1e: {  	[dreg:$0x11] =	wrdreg s9;
	s22 =	sadd.s32 s0, s8;
	s0 =	simm.s32 @!p2 $0x0  }
0x1f: {  	[dreg:$0x14] =	wrdreg s24;
	s0 =	simm.s32 @p2 $0x1;
	p2 =	por p0, !p1  }
0x20: {  	s10 =	simm.s32 $0x50;
	[smem:$0x7FA] =	sst s0;
	s0 =	simm.s32 @!p2 $0x0  }
0x21: {  	[dreg:$0x15] =	wrdreg s25;
	s0 =	simm.s32 @p2 $0x1;
	p2 =	por !p0, p1  }
0x22: {  	s12 =	simm.s32 $0x1;
	[smem:$0x7FB] =	sst s0;
	s0 =	simm.s32 @!p2 $0x0  }
0x23: {  	[dreg:$0x16] =	wrdreg s26;
	p0 =	por p0, p1;
	s0 =	simm.s32 @p2 $0x1  }
0x24: {  	s18 =	simm.s32 $0x7;
	[smem:$0x7FC] =	sst s0;
	s0 =	simm.s32 @!p0 $0x0  }
0x25: {  	s9 =	simm.s32 $0x14140;
	s15 =	simm.s32 $0x5;
	s0 =	simm.s32 @p0 $0x1  }
0x26: {  	v0 =	vimm.f32 $0.0e+00;
	s8 =	simm.s32 $0x14000;
	[smem:$0x7FD] =	sst s0;
	s0 =	simm.s32 $0xA  }
.LBB2_1:
0x27: {  	s2 =	simm.s32 $0x70;
	s6 =	simm.s32 $0x3C0  }
.LBB2_2:
0x28: {  	p0 =	sne.s32 s6, $0x9FC0;
	[tilespmem:s2+$0x14280] =	vst v0  }
0x29: {  	[tilespmem:s2+$0x14210] =	vst v0  }
0x2a: {  	[tilespmem:s2+$0x14220] =	vst v0  }
.Ltmp0:
0x2b: {  	[tilespmem:s2+$0x14230] =	vst v0;
	(pc) =	sbr.rel @p0 .LBB2_2-.Ltmp0, $4  }
0x2c: {  	[tilespmem:s2+$0x14240] =	vst v0  }
0x2d: {  	[tilespmem:s2+$0x14250] =	vst v0  }
0x2e: {  	[tilespmem:s2+$0x14260] =	vst v0  }
0x2f: {  	[tilespmem:s2+$0x14270] =	vst v0;
	s2 =	sshra.s32 s6, $0x2;
	s6 =	sadd.s32 $0x200, s6  }
0x30: {  	[tilespmem:s2+$0x14280] =	vst v0  }
0x31: {  	[tilespmem:s2+$0x14210] =	vst v0  }
0x32: {  	[tilespmem:s2+$0x14220] =	vst v0  }
0x33: {  	[tilespmem:s2+$0x14230] =	vst v0  }
0x34: {  	[tilespmem:s2+$0x14240] =	vst v0  }
0x35: {  	[tilespmem:s2+$0x14250] =	vst v0  }
0x36: {  	[tilespmem:s2+$0x14260] =	vst v0  }
0x37: {  	[tilespmem:s2+$0x14270] =	vst v0;
	s25 =	rddreg [dreg:$0x5]  }
0x38: {  	[spmem:s25] =	stream.linear.scatter [tilespmem:s31], [sflag:$0xA], $0x2800, $0x38;
	[tilespmem:$0x1E280] =	vst v63  }
0x39: {  	_ =	swait.ge [sflag:s0], $0x2800  }
0x3a: {  	[sflag:s0] =	ssyncset.done $0x0  }
0x3b: {  	s26 =	rddreg [dreg:$0x14];
	[sflag:s0] =	ssyncadd.s32 $0xFFFFD800  }
0x3c: {  	[spmem:s26] =	stream.linear.scatter [tilespmem:s31], [sflag:$0xA], $0x2800, $0x38;
	[tilespmem:$0x1E280] =	vst v63  }
0x3d: {  	_ =	swait.ge [sflag:s0], $0x2800  }
0x3e: {  	[sflag:s0] =	ssyncset.done $0x0  }
0x3f: {  	s28 =	rddreg [dreg:$0x15];
	[sflag:s0] =	ssyncadd.s32 $0xFFFFD800  }
0x40: {  	[spmem:s28] =	stream.linear.scatter [tilespmem:s31], [sflag:$0xA], $0x2800, $0x38;
	[tilespmem:$0x1E280] =	vst v63  }
0x41: {  	_ =	swait.ge [sflag:s0], $0x2800  }
0x42: {  	[sflag:s0] =	ssyncset.done $0x0  }
0x43: {  	s29 =	rddreg [dreg:$0x16];
	[sflag:s0] =	ssyncadd.s32 $0xFFFFD800  }
0x44: {  	[spmem:s29] =	stream.linear.scatter [tilespmem:s31], [sflag:$0xA], $0x2800, $0x38;
	[tilespmem:$0x1E280] =	vst v63  }
0x45: {  	_ =	swait.ge [sflag:s0], $0x2800  }
0x46: {  	[sflag:s0] =	ssyncset.done $0x0  }
0x47: {  	s5 =	rddreg [dreg:$0x17];
	[sflag:s0] =	ssyncadd.s32 $0xFFFFD800  }
0x48: {  	[spmem:s5] =	stream.linear.scatter [tilespmem:s31], [sflag:$0xA], $0x2800, $0x38;
	[tilespmem:$0x1E280] =	vst v63  }
0x49: {  	_ =	swait.ge [sflag:s0], $0x2800  }
0x4a: {  	[sflag:s0] =	ssyncset.done $0x0  }
0x4b: {  	s6 =	rddreg [dreg:$0x18];
	[sflag:s0] =	ssyncadd.s32 $0xFFFFD800  }
0x4c: {  	[spmem:s6] =	stream.linear.scatter [tilespmem:s31], [sflag:$0xA], $0x2800, $0x38;
	[tilespmem:$0x1E280] =	vst v63  }
0x4d: {  	_ =	swait.ge [sflag:s0], $0x2800  }
0x4e: {  	[sflag:s0] =	ssyncset.done $0x0  }
0x4f: {  	s7 =	rddreg [dreg:$0x19];
	[sflag:s0] =	ssyncadd.s32 $0xFFFFD800  }
0x50: {  	[spmem:s7] =	stream.linear.scatter [tilespmem:s31], [sflag:$0xA], $0x2800, $0x38;
	[tilespmem:$0x1E280] =	vst v63  }
0x51: {  	_ =	swait.ge [sflag:s0], $0x2800  }
0x52: {  	[sflag:s0] =	ssyncset.done $0x0  }
0x53: {  	s24 =	rddreg [dreg:$0x6];
	[sflag:s0] =	ssyncadd.s32 $0xFFFFD800  }
0x54: {  	[spmem:s24] =	stream.linear.scatter [tilespmem:s31], [sflag:$0xA], $0x2080, $0x38;
	[tilespmem:$0x1E280] =	vst v63  }
0x55: {  	_ =	swait.ge [sflag:s0], $0x2080  }
0x56: {  	[sflag:s0] =	ssyncset.done $0x0  }
0x57: {  	s5 =	simm.s32 $0x13880;
	s25 =	rddreg [dreg:$0x7];
	[sflag:s0] =	ssyncadd.s32 $0xFFFFDF80  }
0x58: {  	[tilespmem:s5], [sflag:$0xA] =	stream.linear.gather [hbm4b:s25+s3], $0x140, $0x38;
	[tilespmem:$0x1E280] =	vst v63  }
0x59: {  	_ =	swait.ge [sflag:s0], $0x140  }
0x5a: {  	[sflag:s0] =	ssyncset.done $0x0  }
0x5b: {  	s6 =	simm.s32 $0x139C0;
	s26 =	rddreg [dreg:$0x8];
	[sflag:s0] =	ssyncadd.s32 $0xFFFFFEC0  }
0x5c: {  	[tilespmem:s6], [sflag:$0xA] =	stream.linear.gather [hbm4b:s26+s3], $0x140, $0x38;
	[tilespmem:$0x1E280] =	vst v63  }
0x5d: {  	_ =	swait.ge [sflag:s0], $0x140  }
0x5e: {  	[sflag:s0] =	ssyncset.done $0x0  }
0x5f: {  	s29 =	simm.s32 $0x13B00;
	s28 =	rddreg [dreg:$0x9];
	[sflag:s0] =	ssyncadd.s32 $0xFFFFFEC0  }
0x60: {  	[tilespmem:s29], [sflag:$0xA] =	stream.linear.gather [hbm4b:s28+s3], $0x140, $0x38;
	[tilespmem:$0x1E280] =	vst v63  }
0x61: {  	_ =	swait.ge [sflag:s0], $0x140  }
0x62: {  	[sflag:s0] =	ssyncset.done $0x0  }
0x63: {  	s24 =	simm.s32 $0x13C40;
	s7 =	rddreg [dreg:$0xa];
	[sflag:s0] =	ssyncadd.s32 $0xFFFFFEC0  }
0x64: {  	[tilespmem:s24], [sflag:$0xA] =	stream.linear.gather [hbm4b:s7+s3], $0x140, $0x38;
	[tilespmem:$0x1E280] =	vst v63  }
0x65: {  	_ =	swait.ge [sflag:s0], $0x140  }
0x66: {  	[sflag:s0] =	ssyncset.done $0x0  }
0x67: {  	s26 =	simm.s32 $0x13D80;
	s25 =	rddreg [dreg:$0xb];
	[sflag:s0] =	ssyncadd.s32 $0xFFFFFEC0  }
0x68: {  	[tilespmem:s26], [sflag:$0xA] =	stream.linear.gather [hbm4b:s25+s3], $0x140, $0x38;
	[tilespmem:$0x1E280] =	vst v63  }
0x69: {  	_ =	swait.ge [sflag:s0], $0x140  }
0x6a: {  	[sflag:s0] =	ssyncset.done $0x0  }
0x6b: {  	s29 =	simm.s32 $0x13EC0;
	s28 =	rddreg [dreg:$0xc];
	[sflag:s0] =	ssyncadd.s32 $0xFFFFFEC0  }
0x6c: {  	[tilespmem:s29], [sflag:$0xA] =	stream.linear.gather [hbm4b:s28+s3], $0x140, $0x38;
	[tilespmem:$0x1E280] =	vst v63  }
0x6d: {  	_ =	swait.ge [sflag:s0], $0x140  }
0x6e: {  	[sflag:s0] =	ssyncset.done $0x0  }
0x6f: {  	s6 =	rddreg [dreg:$0xd];
	[sflag:s0] =	ssyncadd.s32 $0xFFFFFEC0  }
0x70: {  	[tilespmem:s8], [sflag:$0xA] =	stream.linear.gather [hbm4b:s6+s3], $0x140, $0x38;
	[tilespmem:$0x1E280] =	vst v63  }
0x71: {  	_ =	swait.ge [sflag:s0], $0x140  }
0x72: {  	[sflag:s0] =	ssyncset.done $0x0  }
0x73: {  	s7 =	rddreg [dreg:$0xe];
	[sflag:s0] =	ssyncadd.s32 $0xFFFFFEC0  }
0x74: {  	[tilespmem:s9], [sflag:$0xA] =	stream.linear.gather [hbm4b:s7+s3], $0x140, $0x38;
	[tilespmem:$0x1E280] =	vst v63  }
0x75: {  	_ =	swait.ge [sflag:s0], $0x140  }
0x76: {  	p0 =	por $0x1, $0x1;
	[sflag:s0] =	ssyncset.done $0x0  }
0x77: {  	p1 =	por $0x0, $0x0;
	s9 =	simm.s32 $0x0;
	[sflag:s0] =	ssyncadd.s32 $0xFFFFFEC0  }
0x78: {  	p0 =	por p0, p0;
	s2 =	sand.u32 $0x3, s9;
	[bflag:$0x0] =	sbarrier.arrive $0xFFFF  }
0x79: {  	[tilespmem:s31], [sflag:$0x1] =	stream.indirect.gather [hbm4b:s4+s10], $0x80, s5, s10, $0xb8;
	[tilespmem:$0x1E280] =	vst v63  }
0x7a: {  	s8 =	simm.s32 $0x138D0;
	s6 =	simm.s32 @!p0 $0x7;
	s2 =	smul.u32 $0xA00, s2  }
0x7b: {  	[tilespmem:s11], [sflag:$0x2] =	stream.indirect.gather [hbm4b:s4+s10], $0x80, s8, s10, $0xb8;
	[tilespmem:$0x1E280] =	vst v63  }
0x7c: {  	p2 =	por @p1 $0x0, $0x0;
	_ =	swait.ge @!p0 [sflag:s6], $0x2800  }
0x7d: {  	p3 =	por p2, !p1;
	s26 =	sshrl.u32 s2, $0x2;
	[sflag:s6] =	ssyncset.done @!p0 $0x0  }
0x7e: {  	s2 =	sadd.s32 $0x13920, s26;
	s24 =	rddreg [dreg:$0x3];
	[sflag:s6] =	ssyncadd.s32 @!p0 $0xFFFFD800  }
0x7f: {  	[tilespmem:s24], [sflag:$0x3] =	stream.indirect.gather [hbm4b:s4+s10], $0x80, s2, s10, $0xb8;
	[tilespmem:$0x1E280] =	vst v63  }
0x80: {  	p0 =	por @!p3 $0x0, $0x0;
	_ =	swait.ge [sflag:s12], $0x2800  }
0x81: {  	p2 =	por @p1 p0, p2;
	p0 =	por p1, p1;
	[sflag:s12] =	ssyncset.done $0x0  }
0x82: {  	s25 =	sadd.s32 $0x139C0, s26;
	s6 =	simm.s32 @p0 $0x8;
	[sflag:s12] =	ssyncadd.s32 $0xFFFFD800  }
0x83: {  	[spmem:s1] =	stream.indirect.scatter.add.f32 [tilespmem:s31], [sflag:$0x5], $0x80, s25, s10, $0xb8;
	[tilespmem:$0x1E280] =	vst v63  }
0x84: {  	p3 =	por @p1 $0x0, $0x0;
	p4 =	por p2, p2;
	_ =	swait.ge @p0 [sflag:s6], $0x2800  }
0x85: {  	s2 =	simm.s32 @p0 $0x50;
	s8 =	simm.s32 @p0 $0x1BA80;
	[sflag:s6] =	ssyncset.done @p0 $0x0  }
0x86: {  	p1 =	por p4, !p0;
	[sflag:s6] =	ssyncadd.s32 @p0 $0xFFFFD800;
	s6 =	sadd.s32 @p0 $0x13970, s26  }
0x87: {  	[tilespmem:s8], [sflag:$0x4] =	stream.indirect.gather @p0 [hbm4b:s4+s2], $0x80, s6, s2, $0xb8;
	[tilespmem:$0x1E280] =	vst v63  }
0x88: {  	p5 =	por p3, p3;
	s2 =	simm.s32 @!p1 $0x9  }
0x89: {  	p2 =	por p5, !p0;
	s6 =	simm.s32 $0x3;
	_ =	swait.ge @!p1 [sflag:s2], $0x140  }
0x8a: {  	s6 =	sand.u32 @!p2 $0x3, s6;
	[sflag:s2] =	ssyncset.done @!p1 $0x0  }
0x8b: {  	p6 =	por $0x0, $0x0;
	s6 =	smul.u32 @!p2 $0xA00, s6;
	[sflag:s2] =	ssyncadd.s32 @!p1 $0xFFFFFEC0  }
0x8c: {  	s28 =	simm.s32 $0x1;
	s29 =	sadd.s32 $0x13A10, s26;
	_ =	swait.ge @!p1 [sflag:s2], $0x140  }
0x8d: {  	s24 =	simm.s32 @!p2 $0x0;
	s6 =	sshrl.u32 @!p2 s6, $0x2;
	[sflag:s2] =	ssyncset.done @!p1 $0x0  }
0x8e: {  	s8 =	sadd.s32 @!p2 $0x13880, s6;
	[sflag:s2] =	ssyncadd.s32 @!p1 $0xFFFFFEC0;
	s2 =	sadd.s32 @!p2 $0x139C0, s6  }
0x8f: {  	[tilespmem:s8], [sflag:$0x9] =	stream.linear.gather @!p2 [hbm4b:s23+s24], $0x140, $0x38;
	[tilespmem:$0x1E280] =	vst v63  }
0x90: {  	s6 =	simm.s32 @!p0 $0x50;
	p1 =	por $0x1, $0x1;
	s8 =	simm.s32 @!p0 $0x1BA80  }
0x91: {  	[tilespmem:s2], [sflag:$0x9] =	stream.linear.gather @!p2 [hbm4b:s22+s24], $0x140, $0x38;
	[tilespmem:$0x1E280] =	vst v63  }
0x92: {  	p5 =	por p1, p1;
	s2 =	sadd.s32 @!p0 $0x13970, s26;
	p2 =	por @p1 $0x1, $0x1  }
0x93: {  	[tilespmem:s8], [sflag:$0x4] =	stream.indirect.gather @!p0 [hbm4b:s4+s6], $0x80, s2, s6, $0xb8;
	[tilespmem:$0x1E280] =	vst v63  }
0x94: {  	p3 =	por p2, !p1;
	p0 =	por $0x0, $0x0;
	_ =	swait.ge [sflag:s13], $0x2800  }
0x95: {  	s2 =	sand.u32 $0x3, s28;
	s28 =	simm.s32 $0x1;
	[sflag:s13] =	ssyncset.done $0x0  }
0x96: {  	p3 =	por @!p3 $0x0, $0x0;
	s8 =	simm.s32 @p0 $0x3;
	[sflag:s13] =	ssyncadd.s32 $0xFFFFD800  }
0x97: {  	[spmem:s1] =	stream.indirect.scatter.add.f32 [tilespmem:s11], [sflag:$0x6], $0x80, s29, s10, $0xb8;
	[tilespmem:$0x1E280] =	vst v63  }
0x98: {  	s2 =	smul.u32 @!p0 $0xA00, s2;
	s6 =	simm.s32 @p0 $0x19280;
	_ =	swait.ge @p0 [sflag:s8], $0x2800  }
0x99: {  	s24 =	sadd.s32 @p0 $0x13A60, s26;
	s25 =	simm.s32 @p0 $0x50;
	[sflag:s8] =	ssyncset.done @p0 $0x0  }
0x9a: {  	p2 =	por @p1 p3, p2;
	[sflag:s8] =	ssyncadd.s32 @p0 $0xFFFFD800;
	s8 =	simm.s32 @!p0 $0x5  }
0x9b: {  	[spmem:s1] =	stream.indirect.scatter.add.f32 @p0 [tilespmem:s6], [sflag:$0x7], $0x80, s24, s25, $0xb8;
	[tilespmem:$0x1E280] =	vst v63  }
0x9c: {  	p3 =	por @p1 $0x0, $0x0;
	s6 =	sshrl.u32 @!p0 s2, $0x2;
	_ =	swait.ge @!p0 [sflag:s8], $0x2800  }
0x9d: {  	s24 =	simm.s32 @!p0 $0x50;
	s25 =	simm.s32 @!p0 $0x14280;
	[sflag:s8] =	ssyncset.done @!p0 $0x0  }
0x9e: {  	s2 =	sadd.s32 @!p0 $0x13880, s6;
	[sflag:s8] =	ssyncadd.s32 @!p0 $0xFFFFD800;
	s8 =	simm.s32 @!p0 $0x3  }
0x9f: {  	[tilespmem:s25], [sflag:$0x1] =	stream.indirect.gather @!p0 [hbm4b:s4+s24], $0x80, s2, s24, $0xb8;
	[tilespmem:$0x1E280] =	vst v63  }
0xa0: {  	s30 =	sand.u32 $0x3, s28;
	p3 =	por p3, p3;
	_ =	swait.ge @!p0 [sflag:s8], $0x2800  }
0xa1: {  	s5 =	simm.s32 @!p3 $0x0;
	s2 =	sadd.s32 @!p0 $0x13A60, s26;
	[sflag:s8] =	ssyncset.done @!p0 $0x0  }
0xa2: {  	s25 =	simm.s32 @!p0 $0x19280;
	[sflag:s8] =	ssyncadd.s32 @!p0 $0xFFFFD800;
	s8 =	simm.s32 @!p0 $0x6  }
0xa3: {  	[spmem:s1] =	stream.indirect.scatter.add.f32 @!p0 [tilespmem:s25], [sflag:$0x7], $0x80, s2, s24, $0xb8;
	[tilespmem:$0x1E280] =	vst v63  }
0xa4: {  	p4 =	por p2, p2;
	s5 =	simm.s32 @p3 $0x1;
	_ =	swait.ge @!p0 [sflag:s8], $0x2800  }
0xa5: {  	s6 =	sadd.s32 @!p0 $0x138D0, s6;
	s26 =	sadd.s32 $0x13AB0, s26;
	[sflag:s8] =	ssyncset.done @!p0 $0x0  }
0xa6: {  	s25 =	simm.s32 @!p0 $0x16A80;
	[smem:$0x7F9] =	sst s5;
	[sflag:s8] =	ssyncadd.s32 @!p0 $0xFFFFD800  }
0xa7: {  	[tilespmem:s25], [sflag:$0x2] =	stream.indirect.gather @!p0 [hbm4b:s4+s24], $0x80, s6, s24, $0xb8;
	[tilespmem:$0x1E280] =	vst v63  }
0xa8: {  	s2 =	simm.s32 $0x4;
	s6 =	simm.s32 $0x5;
	_ =	swait.ge [sflag:s14], $0x2800  }
0xa9: {  	p0 =	por p6, p6;
	s24 =	sadd.s32 $0x28, s23;
	[sflag:s14] =	ssyncset.done $0x0  }
0xaa: {  	s25 =	sadd.s32 $0x28, s22;
	s8 =	rddreg [dreg:$0x4];
	[sflag:s14] =	ssyncadd.s32 $0xFFFFD800  }
.LBB2_4:
0xab: {  	p2 =	sne.s32 s6, $0x3;
	s28 =	simm.s32 @!p0 $0x7  }
0xac: {  	[spmem:s1] =	stream.indirect.scatter.add.f32 [tilespmem:s8], [sflag:$0x8], $0x80, s26, s10, $0xb8;
	[tilespmem:$0x1E280] =	vst v63  }
0xad: {  	s26 =	sadd.s32 $0xFFFFFFFD, s6;
	s5 =	smul.u32 $0xA00, s30;
	_ =	swait.ge @!p0 [sflag:s28], $0x2800  }
0xae: {  	p1 =	seq.s32 @p2 s26, $0x1;
	[sflag:s28] =	ssyncset.done @!p0 $0x0  }
0xaf: {  	[sflag:s28] =	ssyncadd.s32 @!p0 $0xFFFFD800;
	s28 =	sshrl.u32 s5, $0x2;
	p0 =	por p1, !p2  }
0xb0: {  	s30 =	rddreg [dreg:$0x3];
	s8 =	sadd.s32 $0x13920, s28;
	p0 =	seq.s32 @!p0 s26, $0x1E  }
0xb1: {  	[tilespmem:s30], [sflag:$0x3] =	stream.indirect.gather [hbm4b:s4+s10], $0x80, s8, s10, $0xb8;
	[tilespmem:$0x1E280] =	vst v63  }
0xb2: {  	p3 =	seq.s32 s6, $0x3;
	p0 =	por @p2 p0, p1  }
0xb3: {  	s29 =	smov.u32 s6;
	s6 =	sadd.s32 $0x1, s6;
	s5 =	simm.s32 @!p0 $0x0  }
0xb4: {  	_ =	swait.ge [sflag:s12], $0x2800;
	s5 =	simm.s32 @p0 $0x1;
	p0 =	sne.s32 s6, $0x22  }
0xb5: {  	[sflag:s12] =	ssyncset.done $0x0;
	[smem:$0x7F7] =	sst s5;
	s5 =	simm.s32 @!p0 $0x0  }
0xb6: {  	s7 =	sadd.s32 $0x139C0, s28;
	[sflag:s12] =	ssyncadd.s32 $0xFFFFD800;
	s5 =	simm.s32 @p0 $0x1  }
0xb7: {  	[spmem:s1] =	stream.indirect.scatter.add.f32 [tilespmem:s31], [sflag:$0x5], $0x80, s7, s10, $0xb8;
	[tilespmem:$0x1E280] =	vst v63  }
0xb8: {  	p6 =	por p4, p4;
	s30 =	simm.s32 @p5 $0x8;
	[smem:$0x7F8] =	sst s5  }
0xb9: {  	p4 =	sgt.u32 @p2 s26, $0x1C;
	s8 =	simm.s32 @p5 $0x50;
	_ =	swait.ge @p5 [sflag:s30], $0x2800  }
0xba: {  	p1 =	por p4, p4;
	[sflag:s30] =	ssyncset.done @p5 $0x0;
	s7 =	sld [smem:$0x7F9]  }
0xbb: {  	s5 =	simm.s32 @p5 $0x1BA80;
	[sflag:s30] =	ssyncadd.s32 @p5 $0xFFFFD800;
	s30 =	sadd.s32 @p5 $0x13970, s28  }
0xbc: {  	[tilespmem:s5], [sflag:$0x4] =	stream.indirect.gather @p5 [hbm4b:s4+s8], $0x80, s30, s8, $0xb8;
	[tilespmem:$0x1E280] =	vst v63  }
0xbd: {  	p0 =	por p3, p3;
	p3 =	seq.s32 s7, $0x1;
	s7 =	simm.s32 @!p1 $0x0  }
0xbe: {  	p6 =	por p6, !p5;
	s7 =	simm.s32 @p1 $0x1  }
0xbf: {  	s5 =	simm.s32 @!p6 $0x9;
	p3 =	por p3, !p5;
	[smem:$0x7F9] =	sst s7  }
0xc0: {  	s8 =	sand.u32 @!p3 $0x3, s2;
	_ =	swait.ge @!p6 [sflag:s5], $0x140  }
0xc1: {  	s8 =	smul.u32 @!p3 $0xA00, s8;
	[sflag:s5] =	ssyncset.done @!p6 $0x0  }
0xc2: {  	s7 =	sld [smem:$0x7F7];
	[sflag:s5] =	ssyncadd.s32 @!p6 $0xFFFFFEC0  }
0xc3: {  	s8 =	sshrl.u32 @!p3 s8, $0x2;
	_ =	swait.ge @!p6 [sflag:s5], $0x140  }
0xc4: {  	s30 =	sadd.s32 @!p3 $0x13880, s8;
	[sflag:s5] =	ssyncset.done @!p6 $0x0  }
0xc5: {  	p1 =	seq.s32 s7, $0x1;
	s7 =	simm.s32 @!p3 $0x0;
	[sflag:s5] =	ssyncadd.s32 @!p6 $0xFFFFFEC0  }
0xc6: {  	[tilespmem:s30], [sflag:$0x9] =	stream.linear.gather @!p3 [hbm4b:s24+s7], $0x140, $0x38;
	[tilespmem:$0x1E280] =	vst v63  }
0xc7: {  	s5 =	sadd.s32 @!p3 $0x139C0, s8  }
0xc8: {  	[tilespmem:s5], [sflag:$0x9] =	stream.linear.gather @!p3 [hbm4b:s25+s7], $0x140, $0x38;
	[tilespmem:$0x1E280] =	vst v63  }
0xc9: {  	s9 =	sadd.s32 @!p5 $0x13970, s28;
	s8 =	simm.s32 @!p5 $0x50;
	s30 =	simm.s32 @!p5 $0x1BA80  }
0xca: {  	[tilespmem:s30], [sflag:$0x4] =	stream.indirect.gather @!p5 [hbm4b:s4+s8], $0x80, s9, s8, $0xb8;
	[tilespmem:$0x1E280] =	vst v63  }
0xcb: {  	p3 =	seq.s32 s2, $0x21;
	_ =	swait.ge [sflag:s13], $0x2800  }
0xcc: {  	s7 =	simm.s32 @p3 $0x3;
	s8 =	sadd.s32 $0xFFFFFFFE, s2;
	[sflag:s13] =	ssyncset.done $0x0  }
0xcd: {  	s9 =	sadd.s32 $0x13A10, s28;
	s2 =	sand.u32 $0x3, s8;
	[sflag:s13] =	ssyncadd.s32 $0xFFFFD800  }
0xce: {  	[spmem:s1] =	stream.indirect.scatter.add.f32 [tilespmem:s11], [sflag:$0x6], $0x80, s9, s10, $0xb8;
	[tilespmem:$0x1E280] =	vst v63  }
0xcf: {  	s5 =	simm.s32 @p3 $0x19280;
	s8 =	smul.u32 @!p3 $0xA00, s2;
	_ =	swait.ge @p3 [sflag:s7], $0x2800  }
0xd0: {  	s2 =	smov.u32 s29;
	s29 =	simm.s32 @p3 $0x50;
	[sflag:s7] =	ssyncset.done @p3 $0x0  }
0xd1: {  	s9 =	sadd.s32 @p3 $0x13A60, s28;
	[sflag:s7] =	ssyncadd.s32 @p3 $0xFFFFD800;
	s7 =	simm.s32 @!p3 $0x5  }
0xd2: {  	[spmem:s1] =	stream.indirect.scatter.add.f32 @p3 [tilespmem:s5], [sflag:$0x7], $0x80, s9, s29, $0xb8;
	[tilespmem:$0x1E280] =	vst v63  }
0xd3: {  	s5 =	sshrl.u32 @!p3 s8, $0x2;
	_ =	swait.ge @!p3 [sflag:s7], $0x2800  }
0xd4: {  	s8 =	simm.s32 @!p3 $0x50;
	s29 =	simm.s32 @!p3 $0x14280;
	[sflag:s7] =	ssyncset.done @!p3 $0x0  }
0xd5: {  	s9 =	sadd.s32 @!p3 $0x13880, s5;
	[sflag:s7] =	ssyncadd.s32 @!p3 $0xFFFFD800;
	s7 =	simm.s32 @!p3 $0x3  }
0xd6: {  	[tilespmem:s29], [sflag:$0x1] =	stream.indirect.gather @!p3 [hbm4b:s4+s8], $0x80, s9, s8, $0xb8;
	[tilespmem:$0x1E280] =	vst v63  }
0xd7: {  	_ =	swait.ge @!p3 [sflag:s7], $0x2800  }
0xd8: {  	s9 =	sadd.s32 @!p3 $0x13A60, s28;
	[sflag:s7] =	ssyncset.done @!p3 $0x0  }
0xd9: {  	s29 =	simm.s32 @!p3 $0x19280;
	[sflag:s7] =	ssyncadd.s32 @!p3 $0xFFFFD800;
	s7 =	simm.s32 @!p3 $0x6  }
0xda: {  	[spmem:s1] =	stream.indirect.scatter.add.f32 @!p3 [tilespmem:s29], [sflag:$0x7], $0x80, s9, s8, $0xb8;
	[tilespmem:$0x1E280] =	vst v63  }
0xdb: {  	_ =	swait.ge @!p3 [sflag:s7], $0x2800  }
0xdc: {  	[sflag:s7] =	ssyncset.done @!p3 $0x0  }
0xdd: {  	s5 =	sadd.s32 @!p3 $0x138D0, s5;
	s9 =	simm.s32 @!p3 $0x16A80;
	[sflag:s7] =	ssyncadd.s32 @!p3 $0xFFFFD800  }
0xde: {  	[tilespmem:s9], [sflag:$0x2] =	stream.indirect.gather @!p3 [hbm4b:s4+s8], $0x80, s5, s8, $0xb8;
	[tilespmem:$0x1E280] =	vst v63  }
0xdf: {  	_ =	swait.ge [sflag:s14], $0x2800  }
0xe0: {  	s29 =	sld [smem:$0x7F8];
	_ =	sdelay $0x2  }
0xe1: {  	p4 =	por p1, p1;
	p1 =	seq.s32 s29, $0x1  }
.Ltmp1:
0xe2: {  	_ = 	snop;
	(pc) =	sbr.rel @p1 .LBB2_4-.Ltmp1, $4  }
0xe3: {  	_ = 	snop  }
0xe4: {  	s24 =	sadd.s32 $0x28, s24;
	s25 =	sadd.s32 $0x28, s25  }
0xe5: {  	p5 =	por p2, p2;
	s30 =	sand.u32 $0x3, s26;
	[sflag:s14] =	ssyncset.done $0x0  }
0xe6: {  	s26 =	sadd.s32 $0x13AB0, s28;
	s8 =	rddreg [dreg:$0x4];
	[sflag:s14] =	ssyncadd.s32 $0xFFFFD800  }
0xe7: {  	[spmem:s1] =	stream.indirect.scatter.add.f32 [tilespmem:s8], [sflag:$0x8], $0x80, s26, s10, $0xb8;
	[tilespmem:$0x1E280] =	vst v63  }
0xe8: {  	s5 =	simm.s32 @!p0 $0x7;
	s6 =	smul.u32 $0xA00, s30  }
0xe9: {  	_ =	swait.ge @!p0 [sflag:s5], $0x2800  }
0xea: {  	[sflag:s5] =	ssyncset.done @!p0 $0x0;
	s6 =	sshrl.u32 s6, $0x2  }
0xeb: {  	s7 =	rddreg [dreg:$0x3];
	[sflag:s5] =	ssyncadd.s32 @!p0 $0xFFFFD800;
	s26 =	sadd.s32 $0x13920, s6  }
0xec: {  	[tilespmem:s7], [sflag:$0x3] =	stream.indirect.gather [hbm4b:s4+s10], $0x80, s26, s10, $0xb8;
	[tilespmem:$0x1E280] =	vst v63  }
0xed: {  	_ =	swait.ge [sflag:s12], $0x2800  }
0xee: {  	[sflag:s12] =	ssyncset.done $0x0  }
0xef: {  	s28 =	sadd.s32 $0x139C0, s6;
	s7 =	simm.s32 @p5 $0x8;
	[sflag:s12] =	ssyncadd.s32 $0xFFFFD800  }
0xf0: {  	[spmem:s1] =	stream.indirect.scatter.add.f32 [tilespmem:s31], [sflag:$0x5], $0x80, s28, s10, $0xb8;
	[tilespmem:$0x1E280] =	vst v63  }
0xf1: {  	s8 =	simm.s32 @p5 $0x1BA80;
	_ =	swait.ge @p5 [sflag:s7], $0x2800  }
0xf2: {  	s5 =	simm.s32 @p5 $0x50;
	[sflag:s7] =	ssyncset.done @p5 $0x0;
	s29 =	sld [smem:$0x7F9]  }
0xf3: {  	p0 =	por p4, !p5;
	[sflag:s7] =	ssyncadd.s32 @p5 $0xFFFFD800;
	s7 =	sadd.s32 @p5 $0x13970, s6  }
0xf4: {  	[tilespmem:s8], [sflag:$0x4] =	stream.indirect.gather @p5 [hbm4b:s4+s5], $0x80, s7, s5, $0xb8;
	[tilespmem:$0x1E280] =	vst v63  }
0xf5: {  	s5 =	simm.s32 @!p0 $0x9;
	p1 =	seq.s32 s29, $0x1  }
0xf6: {  	_ =	swait.ge @!p0 [sflag:s5], $0x140;
	p1 =	por p1, !p5  }
0xf7: {  	[sflag:s5] =	ssyncset.done @!p0 $0x0;
	s7 =	sand.u32 @!p1 $0x3, s2  }
0xf8: {  	[sflag:s5] =	ssyncadd.s32 @!p0 $0xFFFFFEC0;
	s7 =	smul.u32 @!p1 $0xA00, s7  }
0xf9: {  	_ =	swait.ge @!p0 [sflag:s5], $0x140  }
0xfa: {  	[sflag:s5] =	ssyncset.done @!p0 $0x0;
	s7 =	sshrl.u32 @!p1 s7, $0x2  }
0xfb: {  	s8 =	simm.s32 @!p1 $0x0;
	[sflag:s5] =	ssyncadd.s32 @!p0 $0xFFFFFEC0;
	s5 =	sadd.s32 @!p1 $0x13880, s7  }
0xfc: {  	[tilespmem:s5], [sflag:$0x9] =	stream.linear.gather @!p1 [hbm4b:s24+s8], $0x140, $0x38;
	[tilespmem:$0x1E280] =	vst v63  }
0xfd: {  	s5 =	sadd.s32 @!p1 $0x139C0, s7  }
0xfe: {  	[tilespmem:s5], [sflag:$0x9] =	stream.linear.gather @!p1 [hbm4b:s25+s8], $0x140, $0x38;
	[tilespmem:$0x1E280] =	vst v63  }
0xff: {  	s7 =	simm.s32 @!p5 $0x50;
	s5 =	sadd.s32 @!p5 $0x13970, s6;
	s8 =	simm.s32 @!p5 $0x1BA80  }
0x100: {  	[tilespmem:s8], [sflag:$0x4] =	stream.indirect.gather @!p5 [hbm4b:s4+s7], $0x80, s5, s7, $0xb8;
	[tilespmem:$0x1E280] =	vst v63  }
0x101: {  	_ =	swait.ge [sflag:s13], $0x2800  }
0x102: {  	p0 =	seq.s32 s2, $0x21;
	[sflag:s13] =	ssyncset.done $0x0  }
0x103: {  	s30 =	sadd.s32 $0x13A10, s6;
	s7 =	simm.s32 @p0 $0x3;
	[sflag:s13] =	ssyncadd.s32 $0xFFFFD800  }
0x104: {  	[spmem:s1] =	stream.indirect.scatter.add.f32 [tilespmem:s11], [sflag:$0x6], $0x80, s30, s10, $0xb8;
	[tilespmem:$0x1E280] =	vst v63  }
0x105: {  	s8 =	sadd.s32 $0xFFFFFFFE, s2;
	_ =	swait.ge @p0 [sflag:s7], $0x2800  }
0x106: {  	s5 =	simm.s32 @p0 $0x19280;
	s2 =	sand.u32 $0x3, s8;
	[sflag:s7] =	ssyncset.done @p0 $0x0  }
0x107: {  	s8 =	sadd.s32 @p0 $0x13A60, s6;
	[sflag:s7] =	ssyncadd.s32 @p0 $0xFFFFD800;
	s7 =	simm.s32 @p0 $0x50  }
0x108: {  	[spmem:s1] =	stream.indirect.scatter.add.f32 @p0 [tilespmem:s5], [sflag:$0x7], $0x80, s8, s7, $0xb8;
	[tilespmem:$0x1E280] =	vst v63  }
0x109: {  	s2 =	smul.u32 @!p0 $0xA00, s2;
	s5 =	simm.s32 @!p0 $0x5  }
0x10a: {  	_ =	swait.ge @!p0 [sflag:s5], $0x2800  }
0x10b: {  	s2 =	sshrl.u32 @!p0 s2, $0x2;
	s7 =	simm.s32 @!p0 $0x50;
	[sflag:s5] =	ssyncset.done @!p0 $0x0  }
0x10c: {  	s8 =	sadd.s32 @!p0 $0x13880, s2;
	[sflag:s5] =	ssyncadd.s32 @!p0 $0xFFFFD800;
	s5 =	simm.s32 @!p0 $0x14280  }
0x10d: {  	[tilespmem:s5], [sflag:$0x1] =	stream.indirect.gather @!p0 [hbm4b:s4+s7], $0x80, s8, s7, $0xb8;
	[tilespmem:$0x1E280] =	vst v63  }
0x10e: {  	s5 =	simm.s32 @!p0 $0x3  }
0x10f: {  	_ =	swait.ge @!p0 [sflag:s5], $0x2800  }
0x110: {  	[sflag:s5] =	ssyncset.done @!p0 $0x0  }
0x111: {  	s8 =	sadd.s32 @!p0 $0x13A60, s6;
	[sflag:s5] =	ssyncadd.s32 @!p0 $0xFFFFD800;
	s5 =	simm.s32 @!p0 $0x19280  }
0x112: {  	[spmem:s1] =	stream.indirect.scatter.add.f32 @!p0 [tilespmem:s5], [sflag:$0x7], $0x80, s8, s7, $0xb8;
	[tilespmem:$0x1E280] =	vst v63  }
0x113: {  	s5 =	simm.s32 @!p0 $0x6  }
0x114: {  	_ =	swait.ge @!p0 [sflag:s5], $0x2800  }
0x115: {  	[sflag:s5] =	ssyncset.done @!p0 $0x0  }
0x116: {  	s2 =	sadd.s32 @!p0 $0x138D0, s2;
	[sflag:s5] =	ssyncadd.s32 @!p0 $0xFFFFD800;
	s5 =	simm.s32 @!p0 $0x16A80  }
0x117: {  	[tilespmem:s5], [sflag:$0x2] =	stream.indirect.gather @!p0 [hbm4b:s4+s7], $0x80, s2, s7, $0xb8;
	[tilespmem:$0x1E280] =	vst v63  }
0x118: {  	_ =	swait.ge [sflag:s14], $0x2800  }
0x119: {  	[sflag:s14] =	ssyncset.done $0x0  }
0x11a: {  	s24 =	sadd.s32 $0x13AB0, s6;
	s9 =	rddreg [dreg:$0x4];
	[sflag:s14] =	ssyncadd.s32 $0xFFFFD800  }
0x11b: {  	[spmem:s1] =	stream.indirect.scatter.add.f32 [tilespmem:s9], [sflag:$0x8], $0x80, s24, s10, $0xb8;
	[tilespmem:$0x1E280] =	vst v63  }
0x11c: {  	_ =	swait.ge [sflag:s15], $0x2800  }
0x11d: {  	[sflag:s15] =	ssyncset.done $0x0  }
0x11e: {  	s8 =	simm.s32 $0x14000;
	[sflag:s15] =	ssyncadd.s32 $0xFFFFD800  }
0x11f: {  	[tilespmem:s31], [sflag:$0x1] =	stream.indirect.gather [hbm4b:s4+s10], $0x80, s8, s10, $0xb8;
	[tilespmem:$0x1E280] =	vst v63  }
0x120: {  	_ =	swait.ge [sflag:s12], $0x2800  }
0x121: {  	[sflag:s12] =	ssyncset.done $0x0  }
0x122: {  	s9 =	simm.s32 $0x14140;
	[sflag:s12] =	ssyncadd.s32 $0xFFFFD800  }
0x123: {  	[spmem:s1] =	stream.indirect.scatter.add.f32 [tilespmem:s31], [sflag:$0x5], $0x80, s9, s10, $0xb8;
	[tilespmem:$0x1E280] =	vst v63  }
0x124: {  	_ =	swait.ge [sflag:s17], $0x2800  }
0x125: {  	[sflag:s17] =	ssyncset.done $0x0  }
0x126: {  	[sflag:s17] =	ssyncadd.s32 $0xFFFFD800  }
0x127: {  	_ =	swait.ge [sflag:s18], $0x2800  }
0x128: {  	[sflag:s18] =	ssyncset.done $0x0  }
0x129: {  	[sflag:s18] =	ssyncadd.s32 $0xFFFFD800  }
0x12a: {  	_ =	swait.ge [sflag:s20], $0x2800  }
0x12b: {  	[sflag:s20] =	ssyncset.done $0x0  }
0x12c: {  	[sflag:s20] =	ssyncadd.s32 $0xFFFFD800  }
0x12d: {  	_ =	swait.ge [sflag:s15], $0x2800  }
0x12e: {  	[sflag:s15] =	ssyncset.done $0x0  }
0x12f: {  	[sflag:s15] =	ssyncadd.s32 $0xFFFFD800  }
0x130: {  	[bflag:$0x0] =	sbarrier.arrive $0xFFFF  }
0x131: {  	s25 =	sld [smem:$0x7FA];
	_ =	sdelay $0x2  }
0x132: {  	p0 =	seq.s32 s25, $0x1  }
0x133: {  	s6 =	rddreg [dreg:$0x12];
	s2 =	sshrl.u32 @!p0 s19, $0x3;
	s5 =	simm.s32 @!p0 $0x1FCA  }
0x134: {  	[hbm:s6], [sflag:s5] =	dma.local @!p0 [spmem:s2], $0x2080  }
0x135: {  	s2 =	simm.s32 @!p0 $0xA  }
0x136: {  	_ =	swait.ge @!p0 [sflag:s2], $0x2080  }
0x137: {  	s26 =	sld [smem:$0x7FB];
	_ =	sdelay $0x1  }
0x138: {  	[sflag:s2] =	ssyncset.done @!p0 $0x0  }
0x139: {  	[sflag:s2] =	ssyncadd.s32 @!p0 $0xFFFFDF80;
	p0 =	seq.s32 s26, $0x1  }
0x13a: {  	s6 =	rddreg [dreg:$0x11];
	s2 =	sshrl.u32 @!p0 s19, $0x3;
	s5 =	simm.s32 @!p0 $0x1FCA  }
0x13b: {  	[hbm:s6], [sflag:s5] =	dma.local @!p0 [spmem:s2], $0x2080  }
0x13c: {  	s2 =	simm.s32 @!p0 $0xA  }
0x13d: {  	_ =	swait.ge @!p0 [sflag:s2], $0x2080  }
0x13e: {  	s28 =	sld [smem:$0x7FC];
	_ =	sdelay $0x2  }
0x13f: {  	s7 =	stileid.u32;
	p1 =	seq.s32 s28, $0x1  }
0x140: {  	[sflag:s2] =	ssyncset.done @!p0 $0x0;
	s6 =	rddreg [dreg:$0x10];
	s5 =	sshll.u32 @!p1 s7, $0x6  }
0x141: {  	[sflag:s2] =	ssyncadd.s32 @!p0 $0xFFFFDF80;
	s2 =	sor.u32 @!p1 $0x1C0A, s5;
	s5 =	sshrl.u32 @!p1 s16, $0x3  }
0x142: {  	[hbm:s6], [sflag:s2] =	dma.local @!p1 [spmem:s5], $0x2780  }
0x143: {  	s2 =	simm.s32 @!p1 $0xA  }
0x144: {  	_ =	swait.ge @!p1 [sflag:s2], $0x2780  }
0x145: {  	s29 =	sld [smem:$0x7FD];
	_ =	sdelay $0x2  }
0x146: {  	[sflag:s2] =	ssyncset.done @!p1 $0x0;
	p2 =	seq.s32 s29, $0x1  }
0x147: {  	[sflag:s2] =	ssyncadd.s32 @!p1 $0xFFFFD880;
	s5 =	sshll.u32 @!p2 s7, $0x6  }
0x148: {  	s7 =	rddreg [dreg:$0xf];
	s2 =	sor.u32 @!p2 $0x1C0A, s5;
	s5 =	sshrl.u32 @!p2 s16, $0x3  }
0x149: {  	[hbm:s7], [sflag:s2] =	dma.local @!p2 [spmem:s5], $0x2780  }
0x14a: {  	s2 =	simm.s32 @!p2 $0xA  }
0x14b: {  	_ =	swait.ge @!p2 [sflag:s2], $0x2780  }
0x14c: {  	s21 =	sadd.s32 $0x1, s21;
	s30 =	rddreg [dreg:$0x13]  }
0x14d: {  	p0 =	sne.s32 s21, s30  }
.Ltmp2:
0x14e: {  	_ = 	snop;
	(pc) =	sbr.rel @p0 .LBB2_1-.Ltmp2, $3  }
0x14f: {  	_ =	sdelay $0x1  }
0x150: {  	[sflag:s2] =	ssyncset.done @!p2 $0x0  }
0x151: {  	s6 =	stileid.u32;
	[sflag:s2] =	ssyncadd.s32 @!p2 $0xFFFFD880  }
0x152: {  	_ =	sfence.sel $0x180000  }
0x153: {  	[bflag:$0x0] =	sbarrier.arrive $0xFFFF  }
0x154: {  	_ =	strace $0x9000004A  }
0x155: {  	[bflag:$0x2] =	sbarrier.arrive $0xFFFF  }
0x156: {  	p0 =	sne.s32 s6, $0x0;
	s0 =	rddreg [dreg:$0x2]  }
0x157: {  	s0 =	sadd.s32 @!p0 $0x100000, s0  }
0x158: {  	[sflag:s0] =	ssyncadd.tile.s32 @!p0 $0x1;
	_ =	shalt  }
.Lfunc_end2:
_tile_overlayer_lowered:
.L_overlay_start_2:
0x159: {  	(tag) =	ssettag $0x2  }
0x15a: {  	s0 =	rddreg [dreg:$0x0];
	s2 =	stileid.u32  }
0x15b: {  	s1 =	rddreg [dreg:$0x1];
	p0 =	sne.s32 s2, $0x0  }
0x15c: {  	s3 =	rddreg [dreg:$0x2];
	[bflag:$0x3] =	sbarrier.arrive $0xFFFF;
	s2 =	simm.s32 @!p0 $0x1C0A  }
0x15d: {  	[timem:s3], [sflag:s2] =	dma.local @!p0 [hbm:s0], s1  }
0x15e: {  	s0 =	simm.s32 @!p0 $0xA  }
0x15f: {  	_ =	swait.ge @!p0 [sflag:s0], s1  }
0x160: {  	s1 =	ssub.s32 @!p0 $0x0, s1;
	[sflag:s0] =	ssyncset.done @!p0 $0x0  }
0x161: {  	[sflag:s0] =	ssyncadd.s32 @!p0 s1  }
0x162: {  	[bflag:$0x3] =	sbarrier.arrive $0xFFFF  }
0x163: {  	_ =	shalt  }

// kernel: kernel.17.cloned.1.call-start
scs
__scs_entry_jumppad:
0x0: {  	(pc) =	sbr.rel $0x88, $3  }
0x1: {  	(tag) =	ssettag $0x0;
	lr =	simm.s32 $0x1  }
0x2: {  	[smem:$0x3F96] =	sst lr;
	_ =	strace $0xD0000000  }
0x3: {  	_ = 	snop  }
0x4: {  	_ = 	snop  }
0x5: {  	_ = 	snop  }
0x6: {  	_ = 	snop  }
0x7: {  	_ = 	snop  }
__scs_overlays_trampoline_lowered:
0x8: {  	[smem:$0x3FA5] =	sst s0  }
0x9: {  	[smem:$0x3FA6] =	sst s1  }
0xa: {  	[smem:$0x3FA7] =	sst s2  }
0xb: {  	[smem:$0x3FA8] =	sst s3  }
0xc: {  	[smem:$0x3FA9] =	sst s4  }
0xd: {  	[smem:$0x3FAA] =	sst s5  }
0xe: {  	[smem:$0x3FAB] =	sst s6  }
0xf: {  	[smem:$0x3FAC] =	sst s7  }
0x10: {  	[smem:$0x3FAD] =	sst s8  }
0x11: {  	[smem:$0x3FAE] =	sst s9;
	s0 =	simm.s32 @!p0 $0x0  }
0x12: {  	s1 =	sld [smem:$0x3F94];
	s0 =	simm.s32 @p0 $0x1  }
0x13: {  	[smem:$0x3FAF] =	sst s0;
	s0 =	simm.s32 @!p1 $0x0  }
0x14: {  	s2 =	sld [smem:$0x3F93];
	s0 =	simm.s32 @p1 $0x1  }
0x15: {  	[smem:$0x3FB0] =	sst s0;
	s0 =	simm.s32 @!p2 $0x0  }
0x16: {  	s3 =	sld [smem:$0x3FDB];
	s0 =	simm.s32 @p2 $0x1  }
0x17: {  	s4 =	simm.s32 $0x1BF5;
	[smem:$0x3FB2] =	sst s0  }
0x18: {  	s0 =	sld [smem:$0x3F95];
	_ =	swait.ge [sflag:s4], $0x0  }
0x19: {  	s7 =	sld [smem:$0x3F96]  }
0x1a: {  	s8 =	sadd.s32 $0xFFFFE003, lr  }
0x1b: {  	s9 =	sadd.s32 $0xFFFFFEF7, lr;
	s5 =	simm.s32 $0xFFFFFFFF;
	p2 =	slt.u32 s8, $0xFFFFF086  }
0x1c: {  	p1 =	slt.u32 s9, $0xF7A;
	s5 =	simm.s32 @!p2 $0x0  }
0x1d: {  	s5 =	simm.s32 @p1 $0x1;
	p0 =	seq.s32 s7, s2  }
0x1e: {  	s7 =	smul.u32 @!p0 $0xF7A, s2;
	p2 =	seq.s32 @!p0 s5, $0x0  }
0x1f: {  	s9 =	smul.u32 $0xF7A, s1;
	s8 =	simm.s32 @!p0 $0x1BF5;
	p2 =	por !p2, p0  }
0x20: {  	[sflag:s8] =	ssyncset.s32 @!p0 $0xFFFFF086;
	s6 =	sadd.s32 @!p0 s3, s7;
	s7 =	simm.s32 @!p0 $0x108  }
0x21: {  	s3 =	sadd.s32 s3, s9;
	s6 =	sadd.s32 @!p0 $0x88, s6;
	s7 =	simm.s32 @p2 $0x1082  }
0x22: {  	[simem:s7], [sflag:s8] =	dma.local @!p0 [hbm:s6], $0xF7A  }
0x23: {  	s9 =	sor.u32 $0xD0000000, s2;
	s6 =	simm.s32 $0x108;
	_ =	swait.ge @!p0 [sflag:s8], $0x0  }
0x24: {  	s3 =	sadd.s32 $0x88, s3;
	s6 =	simm.s32 @!p1 $0x1082;
	[sflag:s4] =	ssyncset.s32 $0xFFFFF086  }
0x25: {  	[simem:s6], [sflag:s4] =	dma.local [hbm:s3], $0xF7A  }
0x26: {  	[smem:$0x3F96] =	sst s1;
	(tag) =	ssettag s2;
	_ =	strace s9  }
0x27: {  	s1 =	sld [smem:$0x3FA6]  }
0x28: {  	s2 =	sld [smem:$0x3FA7]  }
0x29: {  	s4 =	sld [smem:$0x3FA9]  }
0x2a: {  	p0 =	seq.s32 s5, $0x0;
	s5 =	sld [smem:$0x3FAA]  }
0x2b: {  	s6 =	sld [smem:$0x3FAB]  }
0x2c: {  	s7 =	sld [smem:$0x3FAC]  }
0x2d: {  	s3 =	simm.s32 $0x108;
	s8 =	sld [smem:$0x3FAD]  }
0x2e: {  	s3 =	simm.s32 @!p0 $0x1082;
	s9 =	sld [smem:$0x3FAE]  }
0x2f: {  	lr =	sadd.s32 s0, s3;
	s0 =	sld [smem:$0x3FA5]  }
0x30: {  	s3 =	sld [smem:$0x3FA8]  }
0x31: {  	[smem:$0x3FB1] =	sst s10  }
0x32: {  	s10 =	sld [smem:$0x3FAF];
	_ =	sdelay $0x3  }
0x33: {  	p0 =	seq.s32 s10, $0x1;
	s10 =	sld [smem:$0x3FB1];
	_ =	sdelay $0x3  }
0x34: {  	[smem:$0x3FB1] =	sst s10  }
0x35: {  	s10 =	sld [smem:$0x3FB0];
	_ =	sdelay $0x3  }
0x36: {  	p1 =	seq.s32 s10, $0x1;
	s10 =	sld [smem:$0x3FB1];
	_ =	sdelay $0x3  }
0x37: {  	[smem:$0x3FB1] =	sst s10  }
0x38: {  	s10 =	sld [smem:$0x3FB2]  }
0x39: {  	_ = 	snop;
	(pc) =	sbr.ind lr, $3  }
0x3a: {  	_ = 	snop  }
0x3b: {  	_ = 	snop  }
0x3c: {  	p2 =	seq.s32 s10, $0x1;
	s10 =	sld [smem:$0x3FB1]  }
0x3d: {  	_ =	shalt  }
0x3e: {  	_ =	shalt  }
0x3f: {  	_ =	shalt  }
0x40: {  	_ =	shalt  }
0x41: {  	_ =	shalt  }
0x42: {  	_ =	shalt  }
0x43: {  	_ =	shalt  }
0x44: {  	_ =	shalt  }
0x45: {  	_ =	shalt  }
0x46: {  	_ =	shalt  }
0x47: {  	_ =	shalt  }
0x48: {  	_ =	shalt  }
0x49: {  	_ =	shalt  }
0x4a: {  	_ =	shalt  }
0x4b: {  	_ =	shalt  }
0x4c: {  	_ =	shalt  }
0x4d: {  	_ =	shalt  }
0x4e: {  	_ =	shalt  }
0x4f: {  	_ =	shalt  }
0x50: {  	_ =	shalt  }
0x51: {  	_ =	shalt  }
0x52: {  	_ =	shalt  }
0x53: {  	_ =	shalt  }
0x54: {  	_ =	shalt  }
0x55: {  	_ =	shalt  }
0x56: {  	_ =	shalt  }
0x57: {  	_ =	shalt  }
0x58: {  	_ =	shalt  }
0x59: {  	_ =	shalt  }
0x5a: {  	_ =	shalt  }
0x5b: {  	_ =	shalt  }
0x5c: {  	_ =	shalt  }
0x5d: {  	_ =	shalt  }
0x5e: {  	_ =	shalt  }
0x5f: {  	_ =	shalt  }
0x60: {  	_ =	shalt  }
0x61: {  	_ =	shalt  }
0x62: {  	_ =	shalt  }
0x63: {  	_ =	shalt  }
0x64: {  	_ =	shalt  }
0x65: {  	_ =	shalt  }
0x66: {  	_ =	shalt  }
0x67: {  	_ =	shalt  }
0x68: {  	_ =	shalt  }
0x69: {  	_ =	shalt  }
0x6a: {  	_ =	shalt  }
0x6b: {  	_ =	shalt  }
0x6c: {  	_ =	shalt  }
0x6d: {  	_ =	shalt  }
0x6e: {  	_ =	shalt  }
0x6f: {  	_ =	shalt  }
0x70: {  	_ =	shalt  }
0x71: {  	_ =	shalt  }
0x72: {  	_ =	shalt  }
0x73: {  	_ =	shalt  }
0x74: {  	_ =	shalt  }
0x75: {  	_ =	shalt  }
0x76: {  	_ =	shalt  }
0x77: {  	_ =	shalt  }
0x78: {  	_ =	shalt  }
0x79: {  	_ =	shalt  }
0x7a: {  	_ =	shalt  }
0x7b: {  	_ =	shalt  }
0x7c: {  	_ =	shalt  }
0x7d: {  	_ =	shalt  }
0x7e: {  	_ =	shalt  }
0x7f: {  	_ =	shalt  }
0x80: {  	_ =	shalt  }
0x81: {  	_ =	shalt  }
0x82: {  	_ =	shalt  }
0x83: {  	_ =	shalt  }
0x84: {  	_ =	shalt  }
0x85: {  	_ =	shalt  }
0x86: {  	_ =	shalt  }
0x87: {  	_ =	shalt  }
.Lfunc_end0:
.L_simem_size_0:
called_computation.2_lowered:
.L_overlay_start_0:
0x88: {  	s2 =	sld [smem:$0x3FD9]  }
0x89: {  	s3 =	sld [smem:$0x3FFE];
	_ =	sdelay $0x1  }
0x8a: {  	s1 =	srdreg.scid  }
0x8b: {  	s0 =	sand.u32 $0x1, s1  }
0x8c: {  	s16 =	sshll.u32 s0, $0xA;
	s2 =	sadd.s32 s3, s2  }
0x8d: {  	s2 =	sadd.s32 s2, s16  }
0x8e: {  	[smem:$0x3FBD] =	sst s2  }
0x8f: {  	_ = 	snop  }
0x90: {  	(tm) =	ssettm $0x1  }
0x91: {  	s17 =	sld [smem:$0x3FFB];
	_ =	sdelay $0x3  }
0x92: {  	_ =	strace s17  }
0x93: {  	s2 =	sld [smem:$0x3FFC];
	_ =	sdelay $0x3  }
0x94: {  	_ =	strace s2  }
0x95: {  	s2 =	sld [smem:$0x3FFD];
	_ =	sdelay $0x3  }
0x96: {  	_ =	strace s2  }
0x97: {  	_ =	strace $0x8FFFFFFF  }
0x98: {  	s18 =	sld [smem:$0x3FDB];
	_ =	sdelay $0x1  }
0x99: {  	s19 =	simm.s32 $_scs_section_size  }
0x9a: {  	s4 =	simm.s32 $_size__tile_overlayer_lowered;
	s5 =	simm.s32 $_tile_overlayer_lowered  }
0x9b: {  	s22 =	simm.s32 $0x1BFF;
	s21 =	sshll.u32 s5, $0x1;
	s2 =	sadd.s32 s19, s18  }
0x9c: {  	s6 =	simm.s32 $0x0;
	s20 =	sshll.u32 s4, $0x1;
	s4 =	sadd.s32 s21, s2  }
0x9d: {  	[timem:s6], [sflag:s22] =	dma.local [hbm:s4], s20  }
0x9e: {  	_ =	swait.ge [sflag:s22], s20  }
0x9f: {  	s3 =	ssub.s32 $0x0, s20;
	[sflag:s22] =	ssyncset.done $0x0  }
0xa0: {  	[sflag:s22] =	ssyncadd.s32 s3;
	_ =	sdelay $0x1  }
0xa1: {  	s23 =	simm.s32 $0x1B8B  }
0xa2: {  	_ =	swait.ge [sflag:s23], $0x1  }
0xa3: {  	[sflag:s23] =	ssyncset.done $0x0  }
0xa4: {  	s25 =	simm.s32 $0x1B8E;
	s24 =	sld [smem:$0x3FFE];
	[sflag:s23] =	ssyncadd.s32 $0xFFFFFFFF  }
0xa5: {  	s26 =	simm.s32 $execute0_lowered;
	[smem:$0x3FD2] =	sst s25  }
0xa6: {  	s4 =	sshll.u32 s26, $0x1;
	_ =	strace $0x8000004C;
	[dreg:$0x1] =	wrdreg $0xFFFFFFFF  }
0xa7: {  	s28 =	simm.s32 $_size_execute0_lowered;
	s2 =	sadd.s32 s2, s4;
	[dreg:$0x0] =	wrdreg $0x0  }
0xa8: {  	s4 =	sshll.u32 s28, $0x1;
	[dreg:$0x2] =	wrdreg s2  }
0xa9: {  	[dreg:$0x3] =	wrdreg s4  }
0xaa: {  	[dreg:$0x4] =	wrdreg $0xC0  }
0xab: {  	_ =	task [dreg:s6], $0x5FFFF  }
0xac: {  	[dreg:$0x1] =	wrdreg $0xFFFFFFFF  }
0xad: {  	[dreg:$0x0] =	wrdreg $0x60  }
0xae: {  	[dreg:$0x2] =	wrdreg s24  }
0xaf: {  	[dreg:$0x3] =	wrdreg $0x0  }
0xb0: {  	[dreg:$0x4] =	wrdreg $0x9  }
0xb1: {  	_ =	task.clear_ibuf [dreg:s6], $0x5FFFF;
	_ =	strace $0x9000004C  }
0xb2: {  	s29 =	simm.s32 $0x9;
	_ =	strace $0x8000004E  }
0xb3: {  	_ =	swait.ge [sflag:s29], $0x1  }
0xb4: {  	[sflag:s29] =	ssyncadd.s32 $0xFFFFFFFF  }
0xb5: {  	_ =	strace $0x9000004E  }
0xb6: {  	_ =	sfence  }
0xb7: {  	s30 =	sld [smem:$0x0];
	_ =	sdelay $0x2  }
0xb8: {  	s31 =	sshll.u32 s1, $0xD;
	s1 =	sshrl.u32 s1, $0x2  }
0xb9: {  	s3 =	sand.u32 $0x4000, s31;
	s1 =	sadd.s32 s1, s30  }
0xba: {  	s0 =	sor.u32 s3, s0;
	s1 =	sshll.u32 s1, $0x11  }
0xbb: {  	s0 =	sor.u32 s1, s0  }
0xbc: {  	s0 =	sadd.s32 $0x8F2B, s0  }
0xbd: {  	[sflag:s0] =	ssyncadd.remote.s32 $0x1  }
0xbe: {  	_ =	sfence.sel $0xFFFF  }
0xbf: {  	[dreg:$0x0] =	wrdreg $0xFFFFFFFF;
	(pc) =	sbr.abs _section_cstart, $3  }
0xc0: {  	[dreg:$0x1] =	wrdreg $0xFFFFFFFF  }
0xc1: {  	_ =	task.clear_ibuf [dreg:s6], $0x2FFFF;
	_ =	strace $0x9FFFFFFF  }
0xc2: {  	(tm) =	ssettm $0x7FFFFFFF  }
0xc3: {  	_ =	shalt  }
tec
execute0_lowered:
.L_overlay_start_1:
0x0: {  	(tag) =	ssettag $0x1  }
0x1: {  	s0 =	rddreg [dreg:$0x0]  }
0x2: {  	s1 =	rddreg [dreg:$0x1];
	s3 =	simm.s32 $0x0  }
0x3: {  	s13 =	stileid.u32;
	s2 =	srdreg.scid;
	s31 =	simm.s32 $0x14280  }
0x4: {  	[smem:$0x7FF] =	sst s3;
	s6 =	smul.u32 $0x13C00, s13;
	s2 =	sand.u32 $0x1, s2  }
0x5: {  	s5 =	sshll.u32 s13, $0x1;
	s4 =	sadd.s32 $0x19C00, s0;
	s7 =	smul.u32 $0x4E200, s13  }
0x6: {  	s8 =	sadd.s32 $0x6200, s0;
	s28 =	smul.u32 $0x4E20, s13;
	p1 =	seq.s32 s13, $0xF  }
0x7: {  	s13 =	simm.s32 $0x2;
	_ =	strace $0x8000004D;
	s11 =	ssub.s32 $0x2, s2  }
0x8: {  	s5 =	sor.u32 s2, s5;
	s9 =	sshrl.u32 s6, $0x3;
	s20 =	sshrl.u32 s11, $0x1  }
0x9: {  	s19 =	sshrl.u32 s7, $0x2;
	s11 =	ssub.s32 s11, s20;
	s20 =	simm.s32 $0x19280  }
0xa: {  	s10 =	smul.u32 $0x2710, s5;
	s5 =	sadd.s32 s19, s1;
	[dreg:$0x3] =	wrdreg s20  }
0xb: {  	s9 =	sadd.s32 s9, s0;
	s21 =	sadd.s32 $0x11800, s5;
	[dreg:$0x5] =	wrdreg s5  }
0xc: {  	s29 =	smul.u32 $0x2710, s2;
	s30 =	sadd.s32 $0x68000, s9;
	[dreg:$0x6] =	wrdreg s21  }
0xd: {  	p0 =	seq.s32 s2, $0x1;
	s17 =	smax.u32 s11, $0x1;
	[dreg:$0xf] =	wrdreg s30  }
0xe: {  	s14 =	sadd.s32 s29, s28;
	s28 =	sadd.s32 $0xA000, s5;
	[dreg:$0x13] =	wrdreg s17  }
0xf: {  	s10 =	sshrl.u32 s10, $0x3;
	s29 =	sadd.s32 $0xC800, s5;
	[dreg:$0x17] =	wrdreg s28  }
0x10: {  	s16 =	sadd.s32 s6, s1;
	s22 =	sadd.s32 s8, s10;
	[dreg:$0x18] =	wrdreg s29  }
0x11: {  	p2 =	por !p0, !p1;
	s21 =	simm.s32 $0x1BA80;
	[dreg:$0x7] =	wrdreg s22  }
0x12: {  	s19 =	sadd.s32 $0x128400, s1;
	s30 =	sadd.s32 $0xF000, s5;
	[dreg:$0x4] =	wrdreg s21  }
0x13: {  	s15 =	sadd.s32 $0x4E5C0, s14;
	s10 =	sadd.s32 $0x9C40, s22;
	[dreg:$0x19] =	wrdreg s30  }
0x14: {  	s2 =	sadd.s32 $0x3C0, s14;
	s23 =	sadd.s32 $0x28, s22;
	[dreg:$0x8] =	wrdreg s10  }
0x15: {  	s11 =	simm.s32 $0x16A80;
	s24 =	sadd.s32 $0x9C68, s22;
	[dreg:$0x9] =	wrdreg s23  }
0x16: {  	s14 =	simm.s32 $0x4;
	s25 =	sadd.s32 $0x50, s22;
	[dreg:$0xa] =	wrdreg s24  }
0x17: {  	s20 =	simm.s32 $0x8;
	s26 =	sadd.s32 $0x9C90, s22;
	[dreg:$0xb] =	wrdreg s25  }
0x18: {  	s18 =	sshrl.u32 s2, $0x3;
	s12 =	sadd.s32 $0x78, s22;
	[dreg:$0xc] =	wrdreg s26  }
0x19: {  	s17 =	simm.s32 $0x6;
	s7 =	sadd.s32 $0x9CB8, s22;
	[dreg:$0xd] =	wrdreg s12  }
0x1a: {  	s21 =	simm.s32 $0x0;
	[dreg:$0xe] =	wrdreg s7;
	s7 =	sadd.s32 $0x8F200, s9  }
0x1b: {  	s9 =	sadd.s32 $0x8D080, s0;
	s0 =	sadd.s32 $0xB4280, s0;
	s23 =	sadd.s32 s18, s8  }
0x1c: {  	s24 =	sadd.s32 $0x2800, s5;
	s25 =	sadd.s32 $0x5000, s5;
	[dreg:$0x10] =	wrdreg s7  }
0x1d: {  	s26 =	sadd.s32 $0x7800, s5;
	[dreg:$0x12] =	wrdreg s0;
	s0 =	sshrl.u32 s15, $0x3  }
0x1e: {  	[dreg:$0x11] =	wrdreg s9;
	s22 =	sadd.s32 s0, s8;
	s0 =	simm.s32 @!p2 $0x0  }
0x1f: {  	[dreg:$0x14] =	wrdreg s24;
	s0 =	simm.s32 @p2 $0x1;
	p2 =	por p0, !p1  }
0x20: {  	s10 =	simm.s32 $0x50;
	[smem:$0x7FA] =	sst s0;
	s0 =	simm.s32 @!p2 $0x0  }
0x21: {  	[dreg:$0x15] =	wrdreg s25;
	s0 =	simm.s32 @p2 $0x1;
	p2 =	por !p0, p1  }
0x22: {  	s12 =	simm.s32 $0x1;
	[smem:$0x7FB] =	sst s0;
	s0 =	simm.s32 @!p2 $0x0  }
0x23: {  	[dreg:$0x16] =	wrdreg s26;
	p0 =	por p0, p1;
	s0 =	simm.s32 @p2 $0x1  }
0x24: {  	s18 =	simm.s32 $0x7;
	[smem:$0x7FC] =	sst s0;
	s0 =	simm.s32 @!p0 $0x0  }
0x25: {  	s9 =	simm.s32 $0x14140;
	s15 =	simm.s32 $0x5;
	s0 =	simm.s32 @p0 $0x1  }
0x26: {  	v0 =	vimm.f32 $0.0e+00;
	s8 =	simm.s32 $0x14000;
	[smem:$0x7FD] =	sst s0;
	s0 =	simm.s32 $0xA  }
.LBB2_1:
0x27: {  	s2 =	simm.s32 $0x70;
	s6 =	simm.s32 $0x3C0  }
.LBB2_2:
0x28: {  	p0 =	sne.s32 s6, $0x9FC0;
	[tilespmem:s2+$0x14280] =	vst v0  }
0x29: {  	[tilespmem:s2+$0x14210] =	vst v0  }
0x2a: {  	[tilespmem:s2+$0x14220] =	vst v0  }
.Ltmp0:
0x2b: {  	[tilespmem:s2+$0x14230] =	vst v0;
	(pc) =	sbr.rel @p0 .LBB2_2-.Ltmp0, $4  }
0x2c: {  	[tilespmem:s2+$0x14240] =	vst v0  }
0x2d: {  	[tilespmem:s2+$0x14250] =	vst v0  }
0x2e: {  	[tilespmem:s2+$0x14260] =	vst v0  }
0x2f: {  	[tilespmem:s2+$0x14270] =	vst v0;
	s2 =	sshra.s32 s6, $0x2;
	s6 =	sadd.s32 $0x200, s6  }
0x30: {  	[tilespmem:s2+$0x14280] =	vst v0  }
0x31: {  	[tilespmem:s2+$0x14210] =	vst v0  }
0x32: {  	[tilespmem:s2+$0x14220] =	vst v0  }
0x33: {  	[tilespmem:s2+$0x14230] =	vst v0  }
0x34: {  	[tilespmem:s2+$0x14240] =	vst v0  }
0x35: {  	[tilespmem:s2+$0x14250] =	vst v0  }
0x36: {  	[tilespmem:s2+$0x14260] =	vst v0  }
0x37: {  	[tilespmem:s2+$0x14270] =	vst v0;
	s25 =	rddreg [dreg:$0x5]  }
0x38: {  	[spmem:s25] =	stream.linear.scatter [tilespmem:s31], [sflag:$0xA], $0x2800, $0x38;
	[tilespmem:$0x1E280] =	vst v63  }
0x39: {  	_ =	swait.ge [sflag:s0], $0x2800  }
0x3a: {  	[sflag:s0] =	ssyncset.done $0x0  }
0x3b: {  	s26 =	rddreg [dreg:$0x14];
	[sflag:s0] =	ssyncadd.s32 $0xFFFFD800  }
0x3c: {  	[spmem:s26] =	stream.linear.scatter [tilespmem:s31], [sflag:$0xA], $0x2800, $0x38;
	[tilespmem:$0x1E280] =	vst v63  }
0x3d: {  	_ =	swait.ge [sflag:s0], $0x2800  }
0x3e: {  	[sflag:s0] =	ssyncset.done $0x0  }
0x3f: {  	s28 =	rddreg [dreg:$0x15];
	[sflag:s0] =	ssyncadd.s32 $0xFFFFD800  }
0x40: {  	[spmem:s28] =	stream.linear.scatter [tilespmem:s31], [sflag:$0xA], $0x2800, $0x38;
	[tilespmem:$0x1E280] =	vst v63  }
0x41: {  	_ =	swait.ge [sflag:s0], $0x2800  }
0x42: {  	[sflag:s0] =	ssyncset.done $0x0  }
0x43: {  	s29 =	rddreg [dreg:$0x16];
	[sflag:s0] =	ssyncadd.s32 $0xFFFFD800  }
0x44: {  	[spmem:s29] =	stream.linear.scatter [tilespmem:s31], [sflag:$0xA], $0x2800, $0x38;
	[tilespmem:$0x1E280] =	vst v63  }
0x45: {  	_ =	swait.ge [sflag:s0], $0x2800  }
0x46: {  	[sflag:s0] =	ssyncset.done $0x0  }
0x47: {  	s5 =	rddreg [dreg:$0x17];
	[sflag:s0] =	ssyncadd.s32 $0xFFFFD800  }
0x48: {  	[spmem:s5] =	stream.linear.scatter [tilespmem:s31], [sflag:$0xA], $0x2800, $0x38;
	[tilespmem:$0x1E280] =	vst v63  }
0x49: {  	_ =	swait.ge [sflag:s0], $0x2800  }
0x4a: {  	[sflag:s0] =	ssyncset.done $0x0  }
0x4b: {  	s6 =	rddreg [dreg:$0x18];
	[sflag:s0] =	ssyncadd.s32 $0xFFFFD800  }
0x4c: {  	[spmem:s6] =	stream.linear.scatter [tilespmem:s31], [sflag:$0xA], $0x2800, $0x38;
	[tilespmem:$0x1E280] =	vst v63  }
0x4d: {  	_ =	swait.ge [sflag:s0], $0x2800  }
0x4e: {  	[sflag:s0] =	ssyncset.done $0x0  }
0x4f: {  	s7 =	rddreg [dreg:$0x19];
	[sflag:s0] =	ssyncadd.s32 $0xFFFFD800  }
0x50: {  	[spmem:s7] =	stream.linear.scatter [tilespmem:s31], [sflag:$0xA], $0x2800, $0x38;
	[tilespmem:$0x1E280] =	vst v63  }
0x51: {  	_ =	swait.ge [sflag:s0], $0x2800  }
0x52: {  	[sflag:s0] =	ssyncset.done $0x0  }
0x53: {  	s24 =	rddreg [dreg:$0x6];
	[sflag:s0] =	ssyncadd.s32 $0xFFFFD800  }
0x54: {  	[spmem:s24] =	stream.linear.scatter [tilespmem:s31], [sflag:$0xA], $0x2080, $0x38;
	[tilespmem:$0x1E280] =	vst v63  }
0x55: {  	_ =	swait.ge [sflag:s0], $0x2080  }
0x56: {  	[sflag:s0] =	ssyncset.done $0x0  }
0x57: {  	s5 =	simm.s32 $0x13880;
	s25 =	rddreg [dreg:$0x7];
	[sflag:s0] =	ssyncadd.s32 $0xFFFFDF80  }
0x58: {  	[tilespmem:s5], [sflag:$0xA] =	stream.linear.gather [hbm4b:s25+s3], $0x140, $0x38;
	[tilespmem:$0x1E280] =	vst v63  }
0x59: {  	_ =	swait.ge [sflag:s0], $0x140  }
0x5a: {  	[sflag:s0] =	ssyncset.done $0x0  }
0x5b: {  	s6 =	simm.s32 $0x139C0;
	s26 =	rddreg [dreg:$0x8];
	[sflag:s0] =	ssyncadd.s32 $0xFFFFFEC0  }
0x5c: {  	[tilespmem:s6], [sflag:$0xA] =	stream.linear.gather [hbm4b:s26+s3], $0x140, $0x38;
	[tilespmem:$0x1E280] =	vst v63  }
0x5d: {  	_ =	swait.ge [sflag:s0], $0x140  }
0x5e: {  	[sflag:s0] =	ssyncset.done $0x0  }
0x5f: {  	s29 =	simm.s32 $0x13B00;
	s28 =	rddreg [dreg:$0x9];
	[sflag:s0] =	ssyncadd.s32 $0xFFFFFEC0  }
0x60: {  	[tilespmem:s29], [sflag:$0xA] =	stream.linear.gather [hbm4b:s28+s3], $0x140, $0x38;
	[tilespmem:$0x1E280] =	vst v63  }
0x61: {  	_ =	swait.ge [sflag:s0], $0x140  }
0x62: {  	[sflag:s0] =	ssyncset.done $0x0  }
0x63: {  	s24 =	simm.s32 $0x13C40;
	s7 =	rddreg [dreg:$0xa];
	[sflag:s0] =	ssyncadd.s32 $0xFFFFFEC0  }
0x64: {  	[tilespmem:s24], [sflag:$0xA] =	stream.linear.gather [hbm4b:s7+s3], $0x140, $0x38;
	[tilespmem:$0x1E280] =	vst v63  }
0x65: {  	_ =	swait.ge [sflag:s0], $0x140  }
0x66: {  	[sflag:s0] =	ssyncset.done $0x0  }
0x67: {  	s26 =	simm.s32 $0x13D80;
	s25 =	rddreg [dreg:$0xb];
	[sflag:s0] =	ssyncadd.s32 $0xFFFFFEC0  }
0x68: {  	[tilespmem:s26], [sflag:$0xA] =	stream.linear.gather [hbm4b:s25+s3], $0x140, $0x38;
	[tilespmem:$0x1E280] =	vst v63  }
0x69: {  	_ =	swait.ge [sflag:s0], $0x140  }
0x6a: {  	[sflag:s0] =	ssyncset.done $0x0  }
0x6b: {  	s29 =	simm.s32 $0x13EC0;
	s28 =	rddreg [dreg:$0xc];
	[sflag:s0] =	ssyncadd.s32 $0xFFFFFEC0  }
0x6c: {  	[tilespmem:s29], [sflag:$0xA] =	stream.linear.gather [hbm4b:s28+s3], $0x140, $0x38;
	[tilespmem:$0x1E280] =	vst v63  }
0x6d: {  	_ =	swait.ge [sflag:s0], $0x140  }
0x6e: {  	[sflag:s0] =	ssyncset.done $0x0  }
0x6f: {  	s6 =	rddreg [dreg:$0xd];
	[sflag:s0] =	ssyncadd.s32 $0xFFFFFEC0  }
0x70: {  	[tilespmem:s8], [sflag:$0xA] =	stream.linear.gather [hbm4b:s6+s3], $0x140, $0x38;
	[tilespmem:$0x1E280] =	vst v63  }
0x71: {  	_ =	swait.ge [sflag:s0], $0x140  }
0x72: {  	[sflag:s0] =	ssyncset.done $0x0  }
0x73: {  	s7 =	rddreg [dreg:$0xe];
	[sflag:s0] =	ssyncadd.s32 $0xFFFFFEC0  }
0x74: {  	[tilespmem:s9], [sflag:$0xA] =	stream.linear.gather [hbm4b:s7+s3], $0x140, $0x38;
	[tilespmem:$0x1E280] =	vst v63  }
0x75: {  	_ =	swait.ge [sflag:s0], $0x140  }
0x76: {  	p0 =	por $0x1, $0x1;
	[sflag:s0] =	ssyncset.done $0x0  }
0x77: {  	p1 =	por $0x0, $0x0;
	s9 =	simm.s32 $0x0;
	[sflag:s0] =	ssyncadd.s32 $0xFFFFFEC0  }
0x78: {  	p0 =	por p0, p0;
	s2 =	sand.u32 $0x3, s9;
	[bflag:$0x0] =	sbarrier.arrive $0xFFFF  }
0x79: {  	[tilespmem:s31], [sflag:$0x1] =	stream.indirect.gather [hbm4b:s4+s10], $0x80, s5, s10, $0xb8;
	[tilespmem:$0x1E280] =	vst v63  }
0x7a: {  	s8 =	simm.s32 $0x138D0;
	s6 =	simm.s32 @!p0 $0x7;
	s2 =	smul.u32 $0xA00, s2  }
0x7b: {  	[tilespmem:s11], [sflag:$0x2] =	stream.indirect.gather [hbm4b:s4+s10], $0x80, s8, s10, $0xb8;
	[tilespmem:$0x1E280] =	vst v63  }
0x7c: {  	p2 =	por @p1 $0x0, $0x0;
	_ =	swait.ge @!p0 [sflag:s6], $0x2800  }
0x7d: {  	p3 =	por p2, !p1;
	s26 =	sshrl.u32 s2, $0x2;
	[sflag:s6] =	ssyncset.done @!p0 $0x0  }
0x7e: {  	s2 =	sadd.s32 $0x13920, s26;
	s24 =	rddreg [dreg:$0x3];
	[sflag:s6] =	ssyncadd.s32 @!p0 $0xFFFFD800  }
0x7f: {  	[tilespmem:s24], [sflag:$0x3] =	stream.indirect.gather [hbm4b:s4+s10], $0x80, s2, s10, $0xb8;
	[tilespmem:$0x1E280] =	vst v63  }
0x80: {  	p0 =	por @!p3 $0x0, $0x0;
	_ =	swait.ge [sflag:s12], $0x2800  }
0x81: {  	p2 =	por @p1 p0, p2;
	p0 =	por p1, p1;
	[sflag:s12] =	ssyncset.done $0x0  }
0x82: {  	s25 =	sadd.s32 $0x139C0, s26;
	s6 =	simm.s32 @p0 $0x8;
	[sflag:s12] =	ssyncadd.s32 $0xFFFFD800  }
0x83: {  	[spmem:s1] =	stream.indirect.scatter.add.f32 [tilespmem:s31], [sflag:$0x5], $0x80, s25, s10, $0xb8;
	[tilespmem:$0x1E280] =	vst v63  }
0x84: {  	p3 =	por @p1 $0x0, $0x0;
	p4 =	por p2, p2;
	_ =	swait.ge @p0 [sflag:s6], $0x2800  }
0x85: {  	s2 =	simm.s32 @p0 $0x50;
	s8 =	simm.s32 @p0 $0x1BA80;
	[sflag:s6] =	ssyncset.done @p0 $0x0  }
0x86: {  	p1 =	por p4, !p0;
	[sflag:s6] =	ssyncadd.s32 @p0 $0xFFFFD800;
	s6 =	sadd.s32 @p0 $0x13970, s26  }
0x87: {  	[tilespmem:s8], [sflag:$0x4] =	stream.indirect.gather @p0 [hbm4b:s4+s2], $0x80, s6, s2, $0xb8;
	[tilespmem:$0x1E280] =	vst v63  }
0x88: {  	p5 =	por p3, p3;
	s2 =	simm.s32 @!p1 $0x9  }
0x89: {  	p2 =	por p5, !p0;
	s6 =	simm.s32 $0x3;
	_ =	swait.ge @!p1 [sflag:s2], $0x140  }
0x8a: {  	s6 =	sand.u32 @!p2 $0x3, s6;
	[sflag:s2] =	ssyncset.done @!p1 $0x0  }
0x8b: {  	p6 =	por $0x0, $0x0;
	s6 =	smul.u32 @!p2 $0xA00, s6;
	[sflag:s2] =	ssyncadd.s32 @!p1 $0xFFFFFEC0  }
0x8c: {  	s28 =	simm.s32 $0x1;
	s29 =	sadd.s32 $0x13A10, s26;
	_ =	swait.ge @!p1 [sflag:s2], $0x140  }
0x8d: {  	s24 =	simm.s32 @!p2 $0x0;
	s6 =	sshrl.u32 @!p2 s6, $0x2;
	[sflag:s2] =	ssyncset.done @!p1 $0x0  }
0x8e: {  	s8 =	sadd.s32 @!p2 $0x13880, s6;
	[sflag:s2] =	ssyncadd.s32 @!p1 $0xFFFFFEC0;
	s2 =	sadd.s32 @!p2 $0x139C0, s6  }
0x8f: {  	[tilespmem:s8], [sflag:$0x9] =	stream.linear.gather @!p2 [hbm4b:s23+s24], $0x140, $0x38;
	[tilespmem:$0x1E280] =	vst v63  }
0x90: {  	s6 =	simm.s32 @!p0 $0x50;
	p1 =	por $0x1, $0x1;
	s8 =	simm.s32 @!p0 $0x1BA80  }
0x91: {  	[tilespmem:s2], [sflag:$0x9] =	stream.linear.gather @!p2 [hbm4b:s22+s24], $0x140, $0x38;
	[tilespmem:$0x1E280] =	vst v63  }
0x92: {  	p5 =	por p1, p1;
	s2 =	sadd.s32 @!p0 $0x13970, s26;
	p2 =	por @p1 $0x1, $0x1  }
0x93: {  	[tilespmem:s8], [sflag:$0x4] =	stream.indirect.gather @!p0 [hbm4b:s4+s6], $0x80, s2, s6, $0xb8;
	[tilespmem:$0x1E280] =	vst v63  }
0x94: {  	p3 =	por p2, !p1;
	p0 =	por $0x0, $0x0;
	_ =	swait.ge [sflag:s13], $0x2800  }
0x95: {  	s2 =	sand.u32 $0x3, s28;
	s28 =	simm.s32 $0x1;
	[sflag:s13] =	ssyncset.done $0x0  }
0x96: {  	p3 =	por @!p3 $0x0, $0x0;
	s8 =	simm.s32 @p0 $0x3;
	[sflag:s13] =	ssyncadd.s32 $0xFFFFD800  }
0x97: {  	[spmem:s1] =	stream.indirect.scatter.add.f32 [tilespmem:s11], [sflag:$0x6], $0x80, s29, s10, $0xb8;
	[tilespmem:$0x1E280] =	vst v63  }
0x98: {  	s2 =	smul.u32 @!p0 $0xA00, s2;
	s6 =	simm.s32 @p0 $0x19280;
	_ =	swait.ge @p0 [sflag:s8], $0x2800  }
0x99: {  	s24 =	sadd.s32 @p0 $0x13A60, s26;
	s25 =	simm.s32 @p0 $0x50;
	[sflag:s8] =	ssyncset.done @p0 $0x0  }
0x9a: {  	p2 =	por @p1 p3, p2;
	[sflag:s8] =	ssyncadd.s32 @p0 $0xFFFFD800;
	s8 =	simm.s32 @!p0 $0x5  }
0x9b: {  	[spmem:s1] =	stream.indirect.scatter.add.f32 @p0 [tilespmem:s6], [sflag:$0x7], $0x80, s24, s25, $0xb8;
	[tilespmem:$0x1E280] =	vst v63  }
0x9c: {  	p3 =	por @p1 $0x0, $0x0;
	s6 =	sshrl.u32 @!p0 s2, $0x2;
	_ =	swait.ge @!p0 [sflag:s8], $0x2800  }
0x9d: {  	s24 =	simm.s32 @!p0 $0x50;
	s25 =	simm.s32 @!p0 $0x14280;
	[sflag:s8] =	ssyncset.done @!p0 $0x0  }
0x9e: {  	s2 =	sadd.s32 @!p0 $0x13880, s6;
	[sflag:s8] =	ssyncadd.s32 @!p0 $0xFFFFD800;
	s8 =	simm.s32 @!p0 $0x3  }
0x9f: {  	[tilespmem:s25], [sflag:$0x1] =	stream.indirect.gather @!p0 [hbm4b:s4+s24], $0x80, s2, s24, $0xb8;
	[tilespmem:$0x1E280] =	vst v63  }
0xa0: {  	s30 =	sand.u32 $0x3, s28;
	p3 =	por p3, p3;
	_ =	swait.ge @!p0 [sflag:s8], $0x2800  }
0xa1: {  	s5 =	simm.s32 @!p3 $0x0;
	s2 =	sadd.s32 @!p0 $0x13A60, s26;
	[sflag:s8] =	ssyncset.done @!p0 $0x0  }
0xa2: {  	s25 =	simm.s32 @!p0 $0x19280;
	[sflag:s8] =	ssyncadd.s32 @!p0 $0xFFFFD800;
	s8 =	simm.s32 @!p0 $0x6  }
0xa3: {  	[spmem:s1] =	stream.indirect.scatter.add.f32 @!p0 [tilespmem:s25], [sflag:$0x7], $0x80, s2, s24, $0xb8;
	[tilespmem:$0x1E280] =	vst v63  }
0xa4: {  	p4 =	por p2, p2;
	s5 =	simm.s32 @p3 $0x1;
	_ =	swait.ge @!p0 [sflag:s8], $0x2800  }
0xa5: {  	s6 =	sadd.s32 @!p0 $0x138D0, s6;
	s26 =	sadd.s32 $0x13AB0, s26;
	[sflag:s8] =	ssyncset.done @!p0 $0x0  }
0xa6: {  	s25 =	simm.s32 @!p0 $0x16A80;
	[smem:$0x7F9] =	sst s5;
	[sflag:s8] =	ssyncadd.s32 @!p0 $0xFFFFD800  }
0xa7: {  	[tilespmem:s25], [sflag:$0x2] =	stream.indirect.gather @!p0 [hbm4b:s4+s24], $0x80, s6, s24, $0xb8;
	[tilespmem:$0x1E280] =	vst v63  }
0xa8: {  	s2 =	simm.s32 $0x4;
	s6 =	simm.s32 $0x5;
	_ =	swait.ge [sflag:s14], $0x2800  }
0xa9: {  	p0 =	por p6, p6;
	s24 =	sadd.s32 $0x28, s23;
	[sflag:s14] =	ssyncset.done $0x0  }
0xaa: {  	s25 =	sadd.s32 $0x28, s22;
	s8 =	rddreg [dreg:$0x4];
	[sflag:s14] =	ssyncadd.s32 $0xFFFFD800  }
.LBB2_4:
0xab: {  	p2 =	sne.s32 s6, $0x3;
	s28 =	simm.s32 @!p0 $0x7  }
0xac: {  	[spmem:s1] =	stream.indirect.scatter.add.f32 [tilespmem:s8], [sflag:$0x8], $0x80, s26, s10, $0xb8;
	[tilespmem:$0x1E280] =	vst v63  }
0xad: {  	s26 =	sadd.s32 $0xFFFFFFFD, s6;
	s5 =	smul.u32 $0xA00, s30;
	_ =	swait.ge @!p0 [sflag:s28], $0x2800  }
0xae: {  	p1 =	seq.s32 @p2 s26, $0x1;
	[sflag:s28] =	ssyncset.done @!p0 $0x0  }
0xaf: {  	[sflag:s28] =	ssyncadd.s32 @!p0 $0xFFFFD800;
	s28 =	sshrl.u32 s5, $0x2;
	p0 =	por p1, !p2  }
0xb0: {  	s30 =	rddreg [dreg:$0x3];
	s8 =	sadd.s32 $0x13920, s28;
	p0 =	seq.s32 @!p0 s26, $0x1E  }
0xb1: {  	[tilespmem:s30], [sflag:$0x3] =	stream.indirect.gather [hbm4b:s4+s10], $0x80, s8, s10, $0xb8;
	[tilespmem:$0x1E280] =	vst v63  }
0xb2: {  	p3 =	seq.s32 s6, $0x3;
	p0 =	por @p2 p0, p1  }
0xb3: {  	s29 =	smov.u32 s6;
	s6 =	sadd.s32 $0x1, s6;
	s5 =	simm.s32 @!p0 $0x0  }
0xb4: {  	_ =	swait.ge [sflag:s12], $0x2800;
	s5 =	simm.s32 @p0 $0x1;
	p0 =	sne.s32 s6, $0x22  }
0xb5: {  	[sflag:s12] =	ssyncset.done $0x0;
	[smem:$0x7F7] =	sst s5;
	s5 =	simm.s32 @!p0 $0x0  }
0xb6: {  	s7 =	sadd.s32 $0x139C0, s28;
	[sflag:s12] =	ssyncadd.s32 $0xFFFFD800;
	s5 =	simm.s32 @p0 $0x1  }
0xb7: {  	[spmem:s1] =	stream.indirect.scatter.add.f32 [tilespmem:s31], [sflag:$0x5], $0x80, s7, s10, $0xb8;
	[tilespmem:$0x1E280] =	vst v63  }
0xb8: {  	p6 =	por p4, p4;
	s30 =	simm.s32 @p5 $0x8;
	[smem:$0x7F8] =	sst s5  }
0xb9: {  	p4 =	sgt.u32 @p2 s26, $0x1C;
	s8 =	simm.s32 @p5 $0x50;
	_ =	swait.ge @p5 [sflag:s30], $0x2800  }
0xba: {  	p1 =	por p4, p4;
	[sflag:s30] =	ssyncset.done @p5 $0x0;
	s7 =	sld [smem:$0x7F9]  }
0xbb: {  	s5 =	simm.s32 @p5 $0x1BA80;
	[sflag:s30] =	ssyncadd.s32 @p5 $0xFFFFD800;
	s30 =	sadd.s32 @p5 $0x13970, s28  }
0xbc: {  	[tilespmem:s5], [sflag:$0x4] =	stream.indirect.gather @p5 [hbm4b:s4+s8], $0x80, s30, s8, $0xb8;
	[tilespmem:$0x1E280] =	vst v63  }
0xbd: {  	p0 =	por p3, p3;
	p3 =	seq.s32 s7, $0x1;
	s7 =	simm.s32 @!p1 $0x0  }
0xbe: {  	p6 =	por p6, !p5;
	s7 =	simm.s32 @p1 $0x1  }
0xbf: {  	s5 =	simm.s32 @!p6 $0x9;
	p3 =	por p3, !p5;
	[smem:$0x7F9] =	sst s7  }
0xc0: {  	s8 =	sand.u32 @!p3 $0x3, s2;
	_ =	swait.ge @!p6 [sflag:s5], $0x140  }
0xc1: {  	s8 =	smul.u32 @!p3 $0xA00, s8;
	[sflag:s5] =	ssyncset.done @!p6 $0x0  }
0xc2: {  	s7 =	sld [smem:$0x7F7];
	[sflag:s5] =	ssyncadd.s32 @!p6 $0xFFFFFEC0  }
0xc3: {  	s8 =	sshrl.u32 @!p3 s8, $0x2;
	_ =	swait.ge @!p6 [sflag:s5], $0x140  }
0xc4: {  	s30 =	sadd.s32 @!p3 $0x13880, s8;
	[sflag:s5] =	ssyncset.done @!p6 $0x0  }
0xc5: {  	p1 =	seq.s32 s7, $0x1;
	s7 =	simm.s32 @!p3 $0x0;
	[sflag:s5] =	ssyncadd.s32 @!p6 $0xFFFFFEC0  }
0xc6: {  	[tilespmem:s30], [sflag:$0x9] =	stream.linear.gather @!p3 [hbm4b:s24+s7], $0x140, $0x38;
	[tilespmem:$0x1E280] =	vst v63  }
0xc7: {  	s5 =	sadd.s32 @!p3 $0x139C0, s8  }
0xc8: {  	[tilespmem:s5], [sflag:$0x9] =	stream.linear.gather @!p3 [hbm4b:s25+s7], $0x140, $0x38;
	[tilespmem:$0x1E280] =	vst v63  }
0xc9: {  	s9 =	sadd.s32 @!p5 $0x13970, s28;
	s8 =	simm.s32 @!p5 $0x50;
	s30 =	simm.s32 @!p5 $0x1BA80  }
0xca: {  	[tilespmem:s30], [sflag:$0x4] =	stream.indirect.gather @!p5 [hbm4b:s4+s8], $0x80, s9, s8, $0xb8;
	[tilespmem:$0x1E280] =	vst v63  }
0xcb: {  	p3 =	seq.s32 s2, $0x21;
	_ =	swait.ge [sflag:s13], $0x2800  }
0xcc: {  	s7 =	simm.s32 @p3 $0x3;
	s8 =	sadd.s32 $0xFFFFFFFE, s2;
	[sflag:s13] =	ssyncset.done $0x0  }
0xcd: {  	s9 =	sadd.s32 $0x13A10, s28;
	s2 =	sand.u32 $0x3, s8;
	[sflag:s13] =	ssyncadd.s32 $0xFFFFD800  }
0xce: {  	[spmem:s1] =	stream.indirect.scatter.add.f32 [tilespmem:s11], [sflag:$0x6], $0x80, s9, s10, $0xb8;
	[tilespmem:$0x1E280] =	vst v63  }
0xcf: {  	s5 =	simm.s32 @p3 $0x19280;
	s8 =	smul.u32 @!p3 $0xA00, s2;
	_ =	swait.ge @p3 [sflag:s7], $0x2800  }
0xd0: {  	s2 =	smov.u32 s29;
	s29 =	simm.s32 @p3 $0x50;
	[sflag:s7] =	ssyncset.done @p3 $0x0  }
0xd1: {  	s9 =	sadd.s32 @p3 $0x13A60, s28;
	[sflag:s7] =	ssyncadd.s32 @p3 $0xFFFFD800;
	s7 =	simm.s32 @!p3 $0x5  }
0xd2: {  	[spmem:s1] =	stream.indirect.scatter.add.f32 @p3 [tilespmem:s5], [sflag:$0x7], $0x80, s9, s29, $0xb8;
	[tilespmem:$0x1E280] =	vst v63  }
0xd3: {  	s5 =	sshrl.u32 @!p3 s8, $0x2;
	_ =	swait.ge @!p3 [sflag:s7], $0x2800  }
0xd4: {  	s8 =	simm.s32 @!p3 $0x50;
	s29 =	simm.s32 @!p3 $0x14280;
	[sflag:s7] =	ssyncset.done @!p3 $0x0  }
0xd5: {  	s9 =	sadd.s32 @!p3 $0x13880, s5;
	[sflag:s7] =	ssyncadd.s32 @!p3 $0xFFFFD800;
	s7 =	simm.s32 @!p3 $0x3  }
0xd6: {  	[tilespmem:s29], [sflag:$0x1] =	stream.indirect.gather @!p3 [hbm4b:s4+s8], $0x80, s9, s8, $0xb8;
	[tilespmem:$0x1E280] =	vst v63  }
0xd7: {  	_ =	swait.ge @!p3 [sflag:s7], $0x2800  }
0xd8: {  	s9 =	sadd.s32 @!p3 $0x13A60, s28;
	[sflag:s7] =	ssyncset.done @!p3 $0x0  }
0xd9: {  	s29 =	simm.s32 @!p3 $0x19280;
	[sflag:s7] =	ssyncadd.s32 @!p3 $0xFFFFD800;
	s7 =	simm.s32 @!p3 $0x6  }
0xda: {  	[spmem:s1] =	stream.indirect.scatter.add.f32 @!p3 [tilespmem:s29], [sflag:$0x7], $0x80, s9, s8, $0xb8;
	[tilespmem:$0x1E280] =	vst v63  }
0xdb: {  	_ =	swait.ge @!p3 [sflag:s7], $0x2800  }
0xdc: {  	[sflag:s7] =	ssyncset.done @!p3 $0x0  }
0xdd: {  	s5 =	sadd.s32 @!p3 $0x138D0, s5;
	s9 =	simm.s32 @!p3 $0x16A80;
	[sflag:s7] =	ssyncadd.s32 @!p3 $0xFFFFD800  }
0xde: {  	[tilespmem:s9], [sflag:$0x2] =	stream.indirect.gather @!p3 [hbm4b:s4+s8], $0x80, s5, s8, $0xb8;
	[tilespmem:$0x1E280] =	vst v63  }
0xdf: {  	_ =	swait.ge [sflag:s14], $0x2800  }
0xe0: {  	s29 =	sld [smem:$0x7F8];
	_ =	sdelay $0x2  }
0xe1: {  	p4 =	por p1, p1;
	p1 =	seq.s32 s29, $0x1  }
.Ltmp1:
0xe2: {  	_ = 	snop;
	(pc) =	sbr.rel @p1 .LBB2_4-.Ltmp1, $4  }
0xe3: {  	_ = 	snop  }
0xe4: {  	s24 =	sadd.s32 $0x28, s24;
	s25 =	sadd.s32 $0x28, s25  }
0xe5: {  	p5 =	por p2, p2;
	s30 =	sand.u32 $0x3, s26;
	[sflag:s14] =	ssyncset.done $0x0  }
0xe6: {  	s26 =	sadd.s32 $0x13AB0, s28;
	s8 =	rddreg [dreg:$0x4];
	[sflag:s14] =	ssyncadd.s32 $0xFFFFD800  }
0xe7: {  	[spmem:s1] =	stream.indirect.scatter.add.f32 [tilespmem:s8], [sflag:$0x8], $0x80, s26, s10, $0xb8;
	[tilespmem:$0x1E280] =	vst v63  }
0xe8: {  	s5 =	simm.s32 @!p0 $0x7;
	s6 =	smul.u32 $0xA00, s30  }
0xe9: {  	_ =	swait.ge @!p0 [sflag:s5], $0x2800  }
0xea: {  	[sflag:s5] =	ssyncset.done @!p0 $0x0;
	s6 =	sshrl.u32 s6, $0x2  }
0xeb: {  	s7 =	rddreg [dreg:$0x3];
	[sflag:s5] =	ssyncadd.s32 @!p0 $0xFFFFD800;
	s26 =	sadd.s32 $0x13920, s6  }
0xec: {  	[tilespmem:s7], [sflag:$0x3] =	stream.indirect.gather [hbm4b:s4+s10], $0x80, s26, s10, $0xb8;
	[tilespmem:$0x1E280] =	vst v63  }
0xed: {  	_ =	swait.ge [sflag:s12], $0x2800  }
0xee: {  	[sflag:s12] =	ssyncset.done $0x0  }
0xef: {  	s28 =	sadd.s32 $0x139C0, s6;
	s7 =	simm.s32 @p5 $0x8;
	[sflag:s12] =	ssyncadd.s32 $0xFFFFD800  }
0xf0: {  	[spmem:s1] =	stream.indirect.scatter.add.f32 [tilespmem:s31], [sflag:$0x5], $0x80, s28, s10, $0xb8;
	[tilespmem:$0x1E280] =	vst v63  }
0xf1: {  	s8 =	simm.s32 @p5 $0x1BA80;
	_ =	swait.ge @p5 [sflag:s7], $0x2800  }
0xf2: {  	s5 =	simm.s32 @p5 $0x50;
	[sflag:s7] =	ssyncset.done @p5 $0x0;
	s29 =	sld [smem:$0x7F9]  }
0xf3: {  	p0 =	por p4, !p5;
	[sflag:s7] =	ssyncadd.s32 @p5 $0xFFFFD800;
	s7 =	sadd.s32 @p5 $0x13970, s6  }
0xf4: {  	[tilespmem:s8], [sflag:$0x4] =	stream.indirect.gather @p5 [hbm4b:s4+s5], $0x80, s7, s5, $0xb8;
	[tilespmem:$0x1E280] =	vst v63  }
0xf5: {  	s5 =	simm.s32 @!p0 $0x9;
	p1 =	seq.s32 s29, $0x1  }
0xf6: {  	_ =	swait.ge @!p0 [sflag:s5], $0x140;
	p1 =	por p1, !p5  }
0xf7: {  	[sflag:s5] =	ssyncset.done @!p0 $0x0;
	s7 =	sand.u32 @!p1 $0x3, s2  }
0xf8: {  	[sflag:s5] =	ssyncadd.s32 @!p0 $0xFFFFFEC0;
	s7 =	smul.u32 @!p1 $0xA00, s7  }
0xf9: {  	_ =	swait.ge @!p0 [sflag:s5], $0x140  }
0xfa: {  	[sflag:s5] =	ssyncset.done @!p0 $0x0;
	s7 =	sshrl.u32 @!p1 s7, $0x2  }
0xfb: {  	s8 =	simm.s32 @!p1 $0x0;
	[sflag:s5] =	ssyncadd.s32 @!p0 $0xFFFFFEC0;
	s5 =	sadd.s32 @!p1 $0x13880, s7  }
0xfc: {  	[tilespmem:s5], [sflag:$0x9] =	stream.linear.gather @!p1 [hbm4b:s24+s8], $0x140, $0x38;
	[tilespmem:$0x1E280] =	vst v63  }
0xfd: {  	s5 =	sadd.s32 @!p1 $0x139C0, s7  }
0xfe: {  	[tilespmem:s5], [sflag:$0x9] =	stream.linear.gather @!p1 [hbm4b:s25+s8], $0x140, $0x38;
	[tilespmem:$0x1E280] =	vst v63  }
0xff: {  	s7 =	simm.s32 @!p5 $0x50;
	s5 =	sadd.s32 @!p5 $0x13970, s6;
	s8 =	simm.s32 @!p5 $0x1BA80  }
0x100: {  	[tilespmem:s8], [sflag:$0x4] =	stream.indirect.gather @!p5 [hbm4b:s4+s7], $0x80, s5, s7, $0xb8;
	[tilespmem:$0x1E280] =	vst v63  }
0x101: {  	_ =	swait.ge [sflag:s13], $0x2800  }
0x102: {  	p0 =	seq.s32 s2, $0x21;
	[sflag:s13] =	ssyncset.done $0x0  }
0x103: {  	s30 =	sadd.s32 $0x13A10, s6;
	s7 =	simm.s32 @p0 $0x3;
	[sflag:s13] =	ssyncadd.s32 $0xFFFFD800  }
0x104: {  	[spmem:s1] =	stream.indirect.scatter.add.f32 [tilespmem:s11], [sflag:$0x6], $0x80, s30, s10, $0xb8;
	[tilespmem:$0x1E280] =	vst v63  }
0x105: {  	s8 =	sadd.s32 $0xFFFFFFFE, s2;
	_ =	swait.ge @p0 [sflag:s7], $0x2800  }
0x106: {  	s5 =	simm.s32 @p0 $0x19280;
	s2 =	sand.u32 $0x3, s8;
	[sflag:s7] =	ssyncset.done @p0 $0x0  }
0x107: {  	s8 =	sadd.s32 @p0 $0x13A60, s6;
	[sflag:s7] =	ssyncadd.s32 @p0 $0xFFFFD800;
	s7 =	simm.s32 @p0 $0x50  }
0x108: {  	[spmem:s1] =	stream.indirect.scatter.add.f32 @p0 [tilespmem:s5], [sflag:$0x7], $0x80, s8, s7, $0xb8;
	[tilespmem:$0x1E280] =	vst v63  }
0x109: {  	s2 =	smul.u32 @!p0 $0xA00, s2;
	s5 =	simm.s32 @!p0 $0x5  }
0x10a: {  	_ =	swait.ge @!p0 [sflag:s5], $0x2800  }
0x10b: {  	s2 =	sshrl.u32 @!p0 s2, $0x2;
	s7 =	simm.s32 @!p0 $0x50;
	[sflag:s5] =	ssyncset.done @!p0 $0x0  }
0x10c: {  	s8 =	sadd.s32 @!p0 $0x13880, s2;
	[sflag:s5] =	ssyncadd.s32 @!p0 $0xFFFFD800;
	s5 =	simm.s32 @!p0 $0x14280  }
0x10d: {  	[tilespmem:s5], [sflag:$0x1] =	stream.indirect.gather @!p0 [hbm4b:s4+s7], $0x80, s8, s7, $0xb8;
	[tilespmem:$0x1E280] =	vst v63  }
0x10e: {  	s5 =	simm.s32 @!p0 $0x3  }
0x10f: {  	_ =	swait.ge @!p0 [sflag:s5], $0x2800  }
0x110: {  	[sflag:s5] =	ssyncset.done @!p0 $0x0  }
0x111: {  	s8 =	sadd.s32 @!p0 $0x13A60, s6;
	[sflag:s5] =	ssyncadd.s32 @!p0 $0xFFFFD800;
	s5 =	simm.s32 @!p0 $0x19280  }
0x112: {  	[spmem:s1] =	stream.indirect.scatter.add.f32 @!p0 [tilespmem:s5], [sflag:$0x7], $0x80, s8, s7, $0xb8;
	[tilespmem:$0x1E280] =	vst v63  }
0x113: {  	s5 =	simm.s32 @!p0 $0x6  }
0x114: {  	_ =	swait.ge @!p0 [sflag:s5], $0x2800  }
0x115: {  	[sflag:s5] =	ssyncset.done @!p0 $0x0  }
0x116: {  	s2 =	sadd.s32 @!p0 $0x138D0, s2;
	[sflag:s5] =	ssyncadd.s32 @!p0 $0xFFFFD800;
	s5 =	simm.s32 @!p0 $0x16A80  }
0x117: {  	[tilespmem:s5], [sflag:$0x2] =	stream.indirect.gather @!p0 [hbm4b:s4+s7], $0x80, s2, s7, $0xb8;
	[tilespmem:$0x1E280] =	vst v63  }
0x118: {  	_ =	swait.ge [sflag:s14], $0x2800  }
0x119: {  	[sflag:s14] =	ssyncset.done $0x0  }
0x11a: {  	s24 =	sadd.s32 $0x13AB0, s6;
	s9 =	rddreg [dreg:$0x4];
	[sflag:s14] =	ssyncadd.s32 $0xFFFFD800  }
0x11b: {  	[spmem:s1] =	stream.indirect.scatter.add.f32 [tilespmem:s9], [sflag:$0x8], $0x80, s24, s10, $0xb8;
	[tilespmem:$0x1E280] =	vst v63  }
0x11c: {  	_ =	swait.ge [sflag:s15], $0x2800  }
0x11d: {  	[sflag:s15] =	ssyncset.done $0x0  }
0x11e: {  	s8 =	simm.s32 $0x14000;
	[sflag:s15] =	ssyncadd.s32 $0xFFFFD800  }
0x11f: {  	[tilespmem:s31], [sflag:$0x1] =	stream.indirect.gather [hbm4b:s4+s10], $0x80, s8, s10, $0xb8;
	[tilespmem:$0x1E280] =	vst v63  }
0x120: {  	_ =	swait.ge [sflag:s12], $0x2800  }
0x121: {  	[sflag:s12] =	ssyncset.done $0x0  }
0x122: {  	s9 =	simm.s32 $0x14140;
	[sflag:s12] =	ssyncadd.s32 $0xFFFFD800  }
0x123: {  	[spmem:s1] =	stream.indirect.scatter.add.f32 [tilespmem:s31], [sflag:$0x5], $0x80, s9, s10, $0xb8;
	[tilespmem:$0x1E280] =	vst v63  }
0x124: {  	_ =	swait.ge [sflag:s17], $0x2800  }
0x125: {  	[sflag:s17] =	ssyncset.done $0x0  }
0x126: {  	[sflag:s17] =	ssyncadd.s32 $0xFFFFD800  }
0x127: {  	_ =	swait.ge [sflag:s18], $0x2800  }
0x128: {  	[sflag:s18] =	ssyncset.done $0x0  }
0x129: {  	[sflag:s18] =	ssyncadd.s32 $0xFFFFD800  }
0x12a: {  	_ =	swait.ge [sflag:s20], $0x2800  }
0x12b: {  	[sflag:s20] =	ssyncset.done $0x0  }
0x12c: {  	[sflag:s20] =	ssyncadd.s32 $0xFFFFD800  }
0x12d: {  	_ =	swait.ge [sflag:s15], $0x2800  }
0x12e: {  	[sflag:s15] =	ssyncset.done $0x0  }
0x12f: {  	[sflag:s15] =	ssyncadd.s32 $0xFFFFD800  }
0x130: {  	[bflag:$0x0] =	sbarrier.arrive $0xFFFF  }
0x131: {  	s25 =	sld [smem:$0x7FA];
	_ =	sdelay $0x2  }
0x132: {  	p0 =	seq.s32 s25, $0x1  }
0x133: {  	s6 =	rddreg [dreg:$0x12];
	s2 =	sshrl.u32 @!p0 s19, $0x3;
	s5 =	simm.s32 @!p0 $0x1FCA  }
0x134: {  	[hbm:s6], [sflag:s5] =	dma.local @!p0 [spmem:s2], $0x2080  }
0x135: {  	s2 =	simm.s32 @!p0 $0xA  }
0x136: {  	_ =	swait.ge @!p0 [sflag:s2], $0x2080  }
0x137: {  	s26 =	sld [smem:$0x7FB];
	_ =	sdelay $0x1  }
0x138: {  	[sflag:s2] =	ssyncset.done @!p0 $0x0  }
0x139: {  	[sflag:s2] =	ssyncadd.s32 @!p0 $0xFFFFDF80;
	p0 =	seq.s32 s26, $0x1  }
0x13a: {  	s6 =	rddreg [dreg:$0x11];
	s2 =	sshrl.u32 @!p0 s19, $0x3;
	s5 =	simm.s32 @!p0 $0x1FCA  }
0x13b: {  	[hbm:s6], [sflag:s5] =	dma.local @!p0 [spmem:s2], $0x2080  }
0x13c: {  	s2 =	simm.s32 @!p0 $0xA  }
0x13d: {  	_ =	swait.ge @!p0 [sflag:s2], $0x2080  }
0x13e: {  	s28 =	sld [smem:$0x7FC];
	_ =	sdelay $0x2  }
0x13f: {  	s7 =	stileid.u32;
	p1 =	seq.s32 s28, $0x1  }
0x140: {  	[sflag:s2] =	ssyncset.done @!p0 $0x0;
	s6 =	rddreg [dreg:$0x10];
	s5 =	sshll.u32 @!p1 s7, $0x6  }
0x141: {  	[sflag:s2] =	ssyncadd.s32 @!p0 $0xFFFFDF80;
	s2 =	sor.u32 @!p1 $0x1C0A, s5;
	s5 =	sshrl.u32 @!p1 s16, $0x3  }
0x142: {  	[hbm:s6], [sflag:s2] =	dma.local @!p1 [spmem:s5], $0x2780  }
0x143: {  	s2 =	simm.s32 @!p1 $0xA  }
0x144: {  	_ =	swait.ge @!p1 [sflag:s2], $0x2780  }
0x145: {  	s29 =	sld [smem:$0x7FD];
	_ =	sdelay $0x2  }
0x146: {  	[sflag:s2] =	ssyncset.done @!p1 $0x0;
	p2 =	seq.s32 s29, $0x1  }
0x147: {  	[sflag:s2] =	ssyncadd.s32 @!p1 $0xFFFFD880;
	s5 =	sshll.u32 @!p2 s7, $0x6  }
0x148: {  	s7 =	rddreg [dreg:$0xf];
	s2 =	sor.u32 @!p2 $0x1C0A, s5;
	s5 =	sshrl.u32 @!p2 s16, $0x3  }
0x149: {  	[hbm:s7], [sflag:s2] =	dma.local @!p2 [spmem:s5], $0x2780  }
0x14a: {  	s2 =	simm.s32 @!p2 $0xA  }
0x14b: {  	_ =	swait.ge @!p2 [sflag:s2], $0x2780  }
0x14c: {  	s21 =	sadd.s32 $0x1, s21;
	s30 =	rddreg [dreg:$0x13]  }
0x14d: {  	p0 =	sne.s32 s21, s30  }
.Ltmp2:
0x14e: {  	_ = 	snop;
	(pc) =	sbr.rel @p0 .LBB2_1-.Ltmp2, $3  }
0x14f: {  	_ =	sdelay $0x1  }
0x150: {  	[sflag:s2] =	ssyncset.done @!p2 $0x0  }
0x151: {  	s6 =	stileid.u32;
	[sflag:s2] =	ssyncadd.s32 @!p2 $0xFFFFD880  }
0x152: {  	_ =	sfence.sel $0x180000  }
0x153: {  	[bflag:$0x0] =	sbarrier.arrive $0xFFFF  }
0x154: {  	_ =	strace $0x9000004D  }
0x155: {  	[bflag:$0x2] =	sbarrier.arrive $0xFFFF  }
0x156: {  	p0 =	sne.s32 s6, $0x0;
	s0 =	rddreg [dreg:$0x2]  }
0x157: {  	s0 =	sadd.s32 @!p0 $0x100000, s0  }
0x158: {  	[sflag:s0] =	ssyncadd.tile.s32 @!p0 $0x1;
	_ =	shalt  }
.Lfunc_end2:
_tile_overlayer_lowered:
.L_overlay_start_2:
0x159: {  	(tag) =	ssettag $0x2  }
0x15a: {  	s0 =	rddreg [dreg:$0x0];
	s2 =	stileid.u32  }
0x15b: {  	s1 =	rddreg [dreg:$0x1];
	p0 =	sne.s32 s2, $0x0  }
0x15c: {  	s3 =	rddreg [dreg:$0x2];
	[bflag:$0x3] =	sbarrier.arrive $0xFFFF;
	s2 =	simm.s32 @!p0 $0x1C0A  }
0x15d: {  	[timem:s3], [sflag:s2] =	dma.local @!p0 [hbm:s0], s1  }
0x15e: {  	s0 =	simm.s32 @!p0 $0xA  }
0x15f: {  	_ =	swait.ge @!p0 [sflag:s0], s1  }
0x160: {  	s1 =	ssub.s32 @!p0 $0x0, s1;
	[sflag:s0] =	ssyncset.done @!p0 $0x0  }
0x161: {  	[sflag:s0] =	ssyncadd.s32 @!p0 s1  }
0x162: {  	[bflag:$0x3] =	sbarrier.arrive $0xFFFF  }
0x163: {  	_ =	shalt  }

// kernel: kernel.20.cloned.1.call-start
scs
__scs_entry_jumppad:
0x0: {  	(pc) =	sbr.rel $0x88, $3  }
0x1: {  	(tag) =	ssettag $0x0;
	lr =	simm.s32 $0x1  }
0x2: {  	[smem:$0x3F96] =	sst lr;
	_ =	strace $0xD0000000  }
0x3: {  	_ = 	snop  }
0x4: {  	_ = 	snop  }
0x5: {  	_ = 	snop  }
0x6: {  	_ = 	snop  }
0x7: {  	_ = 	snop  }
__scs_overlays_trampoline_lowered:
0x8: {  	[smem:$0x3FA5] =	sst s0  }
0x9: {  	[smem:$0x3FA6] =	sst s1  }
0xa: {  	[smem:$0x3FA7] =	sst s2  }
0xb: {  	[smem:$0x3FA8] =	sst s3  }
0xc: {  	[smem:$0x3FA9] =	sst s4  }
0xd: {  	[smem:$0x3FAA] =	sst s5  }
0xe: {  	[smem:$0x3FAB] =	sst s6  }
0xf: {  	[smem:$0x3FAC] =	sst s7  }
0x10: {  	[smem:$0x3FAD] =	sst s8  }
0x11: {  	[smem:$0x3FAE] =	sst s9;
	s0 =	simm.s32 @!p0 $0x0  }
0x12: {  	s1 =	sld [smem:$0x3F94];
	s0 =	simm.s32 @p0 $0x1  }
0x13: {  	[smem:$0x3FAF] =	sst s0;
	s0 =	simm.s32 @!p1 $0x0  }
0x14: {  	s2 =	sld [smem:$0x3F93];
	s0 =	simm.s32 @p1 $0x1  }
0x15: {  	[smem:$0x3FB0] =	sst s0;
	s0 =	simm.s32 @!p2 $0x0  }
0x16: {  	s3 =	sld [smem:$0x3FDB];
	s0 =	simm.s32 @p2 $0x1  }
0x17: {  	s4 =	simm.s32 $0x1BF5;
	[smem:$0x3FB2] =	sst s0  }
0x18: {  	s0 =	sld [smem:$0x3F95];
	_ =	swait.ge [sflag:s4], $0x0  }
0x19: {  	s7 =	sld [smem:$0x3F96]  }
0x1a: {  	s8 =	sadd.s32 $0xFFFFE003, lr  }
0x1b: {  	s9 =	sadd.s32 $0xFFFFFEF7, lr;
	s5 =	simm.s32 $0xFFFFFFFF;
	p2 =	slt.u32 s8, $0xFFFFF086  }
0x1c: {  	p1 =	slt.u32 s9, $0xF7A;
	s5 =	simm.s32 @!p2 $0x0  }
0x1d: {  	s5 =	simm.s32 @p1 $0x1;
	p0 =	seq.s32 s7, s2  }
0x1e: {  	s7 =	smul.u32 @!p0 $0xF7A, s2;
	p2 =	seq.s32 @!p0 s5, $0x0  }
0x1f: {  	s9 =	smul.u32 $0xF7A, s1;
	s8 =	simm.s32 @!p0 $0x1BF5;
	p2 =	por !p2, p0  }
0x20: {  	[sflag:s8] =	ssyncset.s32 @!p0 $0xFFFFF086;
	s6 =	sadd.s32 @!p0 s3, s7;
	s7 =	simm.s32 @!p0 $0x108  }
0x21: {  	s3 =	sadd.s32 s3, s9;
	s6 =	sadd.s32 @!p0 $0x88, s6;
	s7 =	simm.s32 @p2 $0x1082  }
0x22: {  	[simem:s7], [sflag:s8] =	dma.local @!p0 [hbm:s6], $0xF7A  }
0x23: {  	s9 =	sor.u32 $0xD0000000, s2;
	s6 =	simm.s32 $0x108;
	_ =	swait.ge @!p0 [sflag:s8], $0x0  }
0x24: {  	s3 =	sadd.s32 $0x88, s3;
	s6 =	simm.s32 @!p1 $0x1082;
	[sflag:s4] =	ssyncset.s32 $0xFFFFF086  }
0x25: {  	[simem:s6], [sflag:s4] =	dma.local [hbm:s3], $0xF7A  }
0x26: {  	[smem:$0x3F96] =	sst s1;
	(tag) =	ssettag s2;
	_ =	strace s9  }
0x27: {  	s1 =	sld [smem:$0x3FA6]  }
0x28: {  	s2 =	sld [smem:$0x3FA7]  }
0x29: {  	s4 =	sld [smem:$0x3FA9]  }
0x2a: {  	p0 =	seq.s32 s5, $0x0;
	s5 =	sld [smem:$0x3FAA]  }
0x2b: {  	s6 =	sld [smem:$0x3FAB]  }
0x2c: {  	s7 =	sld [smem:$0x3FAC]  }
0x2d: {  	s3 =	simm.s32 $0x108;
	s8 =	sld [smem:$0x3FAD]  }
0x2e: {  	s3 =	simm.s32 @!p0 $0x1082;
	s9 =	sld [smem:$0x3FAE]  }
0x2f: {  	lr =	sadd.s32 s0, s3;
	s0 =	sld [smem:$0x3FA5]  }
0x30: {  	s3 =	sld [smem:$0x3FA8]  }
0x31: {  	[smem:$0x3FB1] =	sst s10  }
0x32: {  	s10 =	sld [smem:$0x3FAF];
	_ =	sdelay $0x3  }
0x33: {  	p0 =	seq.s32 s10, $0x1;
	s10 =	sld [smem:$0x3FB1];
	_ =	sdelay $0x3  }
0x34: {  	[smem:$0x3FB1] =	sst s10  }
0x35: {  	s10 =	sld [smem:$0x3FB0];
	_ =	sdelay $0x3  }
0x36: {  	p1 =	seq.s32 s10, $0x1;
	s10 =	sld [smem:$0x3FB1];
	_ =	sdelay $0x3  }
0x37: {  	[smem:$0x3FB1] =	sst s10  }
0x38: {  	s10 =	sld [smem:$0x3FB2]  }
0x39: {  	_ = 	snop;
	(pc) =	sbr.ind lr, $3  }
0x3a: {  	_ = 	snop  }
0x3b: {  	_ = 	snop  }
0x3c: {  	p2 =	seq.s32 s10, $0x1;
	s10 =	sld [smem:$0x3FB1]  }
0x3d: {  	_ =	shalt  }
0x3e: {  	_ =	shalt  }
0x3f: {  	_ =	shalt  }
0x40: {  	_ =	shalt  }
0x41: {  	_ =	shalt  }
0x42: {  	_ =	shalt  }
0x43: {  	_ =	shalt  }
0x44: {  	_ =	shalt  }
0x45: {  	_ =	shalt  }
0x46: {  	_ =	shalt  }
0x47: {  	_ =	shalt  }
0x48: {  	_ =	shalt  }
0x49: {  	_ =	shalt  }
0x4a: {  	_ =	shalt  }
0x4b: {  	_ =	shalt  }
0x4c: {  	_ =	shalt  }
0x4d: {  	_ =	shalt  }
0x4e: {  	_ =	shalt  }
0x4f: {  	_ =	shalt  }
0x50: {  	_ =	shalt  }
0x51: {  	_ =	shalt  }
0x52: {  	_ =	shalt  }
0x53: {  	_ =	shalt  }
0x54: {  	_ =	shalt  }
0x55: {  	_ =	shalt  }
0x56: {  	_ =	shalt  }
0x57: {  	_ =	shalt  }
0x58: {  	_ =	shalt  }
0x59: {  	_ =	shalt  }
0x5a: {  	_ =	shalt  }
0x5b: {  	_ =	shalt  }
0x5c: {  	_ =	shalt  }
0x5d: {  	_ =	shalt  }
0x5e: {  	_ =	shalt  }
0x5f: {  	_ =	shalt  }
0x60: {  	_ =	shalt  }
0x61: {  	_ =	shalt  }
0x62: {  	_ =	shalt  }
0x63: {  	_ =	shalt  }
0x64: {  	_ =	shalt  }
0x65: {  	_ =	shalt  }
0x66: {  	_ =	shalt  }
0x67: {  	_ =	shalt  }
0x68: {  	_ =	shalt  }
0x69: {  	_ =	shalt  }
0x6a: {  	_ =	shalt  }
0x6b: {  	_ =	shalt  }
0x6c: {  	_ =	shalt  }
0x6d: {  	_ =	shalt  }
0x6e: {  	_ =	shalt  }
0x6f: {  	_ =	shalt  }
0x70: {  	_ =	shalt  }
0x71: {  	_ =	shalt  }
0x72: {  	_ =	shalt  }
0x73: {  	_ =	shalt  }
0x74: {  	_ =	shalt  }
0x75: {  	_ =	shalt  }
0x76: {  	_ =	shalt  }
0x77: {  	_ =	shalt  }
0x78: {  	_ =	shalt  }
0x79: {  	_ =	shalt  }
0x7a: {  	_ =	shalt  }
0x7b: {  	_ =	shalt  }
0x7c: {  	_ =	shalt  }
0x7d: {  	_ =	shalt  }
0x7e: {  	_ =	shalt  }
0x7f: {  	_ =	shalt  }
0x80: {  	_ =	shalt  }
0x81: {  	_ =	shalt  }
0x82: {  	_ =	shalt  }
0x83: {  	_ =	shalt  }
0x84: {  	_ =	shalt  }
0x85: {  	_ =	shalt  }
0x86: {  	_ =	shalt  }
0x87: {  	_ =	shalt  }
.Lfunc_end0:
.L_simem_size_0:
called_computation.3_lowered:
.L_overlay_start_0:
0x88: {  	s2 =	sld [smem:$0x3FD9]  }
0x89: {  	s3 =	sld [smem:$0x3FFE];
	_ =	sdelay $0x1  }
0x8a: {  	s1 =	srdreg.scid  }
0x8b: {  	s0 =	sand.u32 $0x1, s1  }
0x8c: {  	s16 =	sshll.u32 s0, $0xA;
	s2 =	sadd.s32 s3, s2  }
0x8d: {  	s2 =	sadd.s32 s2, s16  }
0x8e: {  	[smem:$0x3FBD] =	sst s2  }
0x8f: {  	_ = 	snop  }
0x90: {  	(tm) =	ssettm $0x1  }
0x91: {  	s17 =	sld [smem:$0x3FFB];
	_ =	sdelay $0x3  }
0x92: {  	_ =	strace s17  }
0x93: {  	s2 =	sld [smem:$0x3FFC];
	_ =	sdelay $0x3  }
0x94: {  	_ =	strace s2  }
0x95: {  	s2 =	sld [smem:$0x3FFD];
	_ =	sdelay $0x3  }
0x96: {  	_ =	strace s2  }
0x97: {  	_ =	strace $0x8FFFFFFF  }
0x98: {  	s18 =	sld [smem:$0x3FDB];
	_ =	sdelay $0x1  }
0x99: {  	s19 =	simm.s32 $_scs_section_size  }
0x9a: {  	s4 =	simm.s32 $_size__tile_overlayer_lowered;
	s5 =	simm.s32 $_tile_overlayer_lowered  }
0x9b: {  	s22 =	simm.s32 $0x1BFF;
	s21 =	sshll.u32 s5, $0x1;
	s2 =	sadd.s32 s19, s18  }
0x9c: {  	s6 =	simm.s32 $0x0;
	s20 =	sshll.u32 s4, $0x1;
	s4 =	sadd.s32 s21, s2  }
0x9d: {  	[timem:s6], [sflag:s22] =	dma.local [hbm:s4], s20  }
0x9e: {  	_ =	swait.ge [sflag:s22], s20  }
0x9f: {  	s3 =	ssub.s32 $0x0, s20;
	[sflag:s22] =	ssyncset.done $0x0  }
0xa0: {  	[sflag:s22] =	ssyncadd.s32 s3;
	_ =	sdelay $0x1  }
0xa1: {  	s23 =	simm.s32 $0x1B8B  }
0xa2: {  	_ =	swait.ge [sflag:s23], $0x1  }
0xa3: {  	[sflag:s23] =	ssyncset.done $0x0  }
0xa4: {  	s25 =	simm.s32 $0x1B8E;
	s24 =	sld [smem:$0x3FFE];
	[sflag:s23] =	ssyncadd.s32 $0xFFFFFFFF  }
0xa5: {  	s26 =	simm.s32 $execute0_lowered;
	[smem:$0x3FD2] =	sst s25  }
0xa6: {  	s4 =	sshll.u32 s26, $0x1;
	_ =	strace $0x8000004F;
	[dreg:$0x1] =	wrdreg $0xFFFFFFFF  }
0xa7: {  	s28 =	simm.s32 $_size_execute0_lowered;
	s2 =	sadd.s32 s2, s4;
	[dreg:$0x0] =	wrdreg $0x0  }
0xa8: {  	s4 =	sshll.u32 s28, $0x1;
	[dreg:$0x2] =	wrdreg s2  }
0xa9: {  	[dreg:$0x3] =	wrdreg s4  }
0xaa: {  	[dreg:$0x4] =	wrdreg $0xC0  }
0xab: {  	_ =	task [dreg:s6], $0x5FFFF  }
0xac: {  	[dreg:$0x1] =	wrdreg $0xFFFFFFFF  }
0xad: {  	[dreg:$0x0] =	wrdreg $0x60  }
0xae: {  	[dreg:$0x2] =	wrdreg s24  }
0xaf: {  	[dreg:$0x3] =	wrdreg $0x0  }
0xb0: {  	[dreg:$0x4] =	wrdreg $0x9  }
0xb1: {  	_ =	task.clear_ibuf [dreg:s6], $0x5FFFF;
	_ =	strace $0x9000004F  }
0xb2: {  	s29 =	simm.s32 $0x9;
	_ =	strace $0x80000051  }
0xb3: {  	_ =	swait.ge [sflag:s29], $0x1  }
0xb4: {  	[sflag:s29] =	ssyncadd.s32 $0xFFFFFFFF  }
0xb5: {  	_ =	strace $0x90000051  }
0xb6: {  	_ =	sfence  }
0xb7: {  	s30 =	sld [smem:$0x0];
	_ =	sdelay $0x2  }
0xb8: {  	s31 =	sshll.u32 s1, $0xD;
	s1 =	sshrl.u32 s1, $0x2  }
0xb9: {  	s3 =	sand.u32 $0x4000, s31;
	s1 =	sadd.s32 s1, s30  }
0xba: {  	s0 =	sor.u32 s3, s0;
	s1 =	sshll.u32 s1, $0x11  }
0xbb: {  	s0 =	sor.u32 s1, s0  }
0xbc: {  	s0 =	sadd.s32 $0x8F2B, s0  }
0xbd: {  	[sflag:s0] =	ssyncadd.remote.s32 $0x1  }
0xbe: {  	_ =	sfence.sel $0xFFFF  }
0xbf: {  	[dreg:$0x0] =	wrdreg $0xFFFFFFFF;
	(pc) =	sbr.abs _section_cstart, $3  }
0xc0: {  	[dreg:$0x1] =	wrdreg $0xFFFFFFFF  }
0xc1: {  	_ =	task.clear_ibuf [dreg:s6], $0x2FFFF;
	_ =	strace $0x9FFFFFFF  }
0xc2: {  	(tm) =	ssettm $0x7FFFFFFF  }
0xc3: {  	_ =	shalt  }
tec
execute0_lowered:
.L_overlay_start_1:
0x0: {  	(tag) =	ssettag $0x1  }
0x1: {  	s0 =	rddreg [dreg:$0x0]  }
0x2: {  	s1 =	rddreg [dreg:$0x1];
	s3 =	simm.s32 $0x0  }
0x3: {  	s13 =	stileid.u32;
	s2 =	srdreg.scid;
	s31 =	simm.s32 $0x14280  }
0x4: {  	[smem:$0x7FF] =	sst s3;
	s6 =	smul.u32 $0x13C00, s13;
	s2 =	sand.u32 $0x1, s2  }
0x5: {  	s5 =	sshll.u32 s13, $0x1;
	s4 =	sadd.s32 $0x19C00, s0;
	s7 =	smul.u32 $0x4E200, s13  }
0x6: {  	s8 =	sadd.s32 $0x6200, s0;
	s28 =	smul.u32 $0x4E20, s13;
	p1 =	seq.s32 s13, $0xF  }
0x7: {  	s13 =	simm.s32 $0x2;
	_ =	strace $0x80000050;
	s11 =	ssub.s32 $0x2, s2  }
0x8: {  	s5 =	sor.u32 s2, s5;
	s9 =	sshrl.u32 s6, $0x3;
	s20 =	sshrl.u32 s11, $0x1  }
0x9: {  	s19 =	sshrl.u32 s7, $0x2;
	s11 =	ssub.s32 s11, s20;
	s20 =	simm.s32 $0x19280  }
0xa: {  	s10 =	smul.u32 $0x2710, s5;
	s5 =	sadd.s32 s19, s1;
	[dreg:$0x3] =	wrdreg s20  }
0xb: {  	s9 =	sadd.s32 s9, s0;
	s21 =	sadd.s32 $0x11800, s5;
	[dreg:$0x5] =	wrdreg s5  }
0xc: {  	s29 =	smul.u32 $0x2710, s2;
	s30 =	sadd.s32 $0x68000, s9;
	[dreg:$0x6] =	wrdreg s21  }
0xd: {  	p0 =	seq.s32 s2, $0x1;
	s17 =	smax.u32 s11, $0x1;
	[dreg:$0xf] =	wrdreg s30  }
0xe: {  	s14 =	sadd.s32 s29, s28;
	s28 =	sadd.s32 $0xA000, s5;
	[dreg:$0x13] =	wrdreg s17  }
0xf: {  	s10 =	sshrl.u32 s10, $0x3;
	s29 =	sadd.s32 $0xC800, s5;
	[dreg:$0x17] =	wrdreg s28  }
0x10: {  	s16 =	sadd.s32 s6, s1;
	s22 =	sadd.s32 s8, s10;
	[dreg:$0x18] =	wrdreg s29  }
0x11: {  	p2 =	por !p0, !p1;
	s21 =	simm.s32 $0x1BA80;
	[dreg:$0x7] =	wrdreg s22  }
0x12: {  	s19 =	sadd.s32 $0x128400, s1;
	s30 =	sadd.s32 $0xF000, s5;
	[dreg:$0x4] =	wrdreg s21  }
0x13: {  	s15 =	sadd.s32 $0x4E5C0, s14;
	s10 =	sadd.s32 $0x9C40, s22;
	[dreg:$0x19] =	wrdreg s30  }
0x14: {  	s2 =	sadd.s32 $0x3C0, s14;
	s23 =	sadd.s32 $0x28, s22;
	[dreg:$0x8] =	wrdreg s10  }
0x15: {  	s11 =	simm.s32 $0x16A80;
	s24 =	sadd.s32 $0x9C68, s22;
	[dreg:$0x9] =	wrdreg s23  }
0x16: {  	s14 =	simm.s32 $0x4;
	s25 =	sadd.s32 $0x50, s22;
	[dreg:$0xa] =	wrdreg s24  }
0x17: {  	s20 =	simm.s32 $0x8;
	s26 =	sadd.s32 $0x9C90, s22;
	[dreg:$0xb] =	wrdreg s25  }
0x18: {  	s18 =	sshrl.u32 s2, $0x3;
	s12 =	sadd.s32 $0x78, s22;
	[dreg:$0xc] =	wrdreg s26  }
0x19: {  	s17 =	simm.s32 $0x6;
	s7 =	sadd.s32 $0x9CB8, s22;
	[dreg:$0xd] =	wrdreg s12  }
0x1a: {  	s21 =	simm.s32 $0x0;
	[dreg:$0xe] =	wrdreg s7;
	s7 =	sadd.s32 $0x8F200, s9  }
0x1b: {  	s9 =	sadd.s32 $0x8D080, s0;
	s0 =	sadd.s32 $0xB4280, s0;
	s23 =	sadd.s32 s18, s8  }
0x1c: {  	s24 =	sadd.s32 $0x2800, s5;
	s25 =	sadd.s32 $0x5000, s5;
	[dreg:$0x10] =	wrdreg s7  }
0x1d: {  	s26 =	sadd.s32 $0x7800, s5;
	[dreg:$0x12] =	wrdreg s0;
	s0 =	sshrl.u32 s15, $0x3  }
0x1e: {  	[dreg:$0x11] =	wrdreg s9;
	s22 =	sadd.s32 s0, s8;
	s0 =	simm.s32 @!p2 $0x0  }
0x1f: {  	[dreg:$0x14] =	wrdreg s24;
	s0 =	simm.s32 @p2 $0x1;
	p2 =	por p0, !p1  }
0x20: {  	s10 =	simm.s32 $0x50;
	[smem:$0x7FA] =	sst s0;
	s0 =	simm.s32 @!p2 $0x0  }
0x21: {  	[dreg:$0x15] =	wrdreg s25;
	s0 =	simm.s32 @p2 $0x1;
	p2 =	por !p0, p1  }
0x22: {  	s12 =	simm.s32 $0x1;
	[smem:$0x7FB] =	sst s0;
	s0 =	simm.s32 @!p2 $0x0  }
0x23: {  	[dreg:$0x16] =	wrdreg s26;
	p0 =	por p0, p1;
	s0 =	simm.s32 @p2 $0x1  }
0x24: {  	s18 =	simm.s32 $0x7;
	[smem:$0x7FC] =	sst s0;
	s0 =	simm.s32 @!p0 $0x0  }
0x25: {  	s9 =	simm.s32 $0x14140;
	s15 =	simm.s32 $0x5;
	s0 =	simm.s32 @p0 $0x1  }
0x26: {  	v0 =	vimm.f32 $0.0e+00;
	s8 =	simm.s32 $0x14000;
	[smem:$0x7FD] =	sst s0;
	s0 =	simm.s32 $0xA  }
.LBB2_1:
0x27: {  	s2 =	simm.s32 $0x70;
	s6 =	simm.s32 $0x3C0  }
.LBB2_2:
0x28: {  	p0 =	sne.s32 s6, $0x9FC0;
	[tilespmem:s2+$0x14280] =	vst v0  }
0x29: {  	[tilespmem:s2+$0x14210] =	vst v0  }
0x2a: {  	[tilespmem:s2+$0x14220] =	vst v0  }
.Ltmp0:
0x2b: {  	[tilespmem:s2+$0x14230] =	vst v0;
	(pc) =	sbr.rel @p0 .LBB2_2-.Ltmp0, $4  }
0x2c: {  	[tilespmem:s2+$0x14240] =	vst v0  }
0x2d: {  	[tilespmem:s2+$0x14250] =	vst v0  }
0x2e: {  	[tilespmem:s2+$0x14260] =	vst v0  }
0x2f: {  	[tilespmem:s2+$0x14270] =	vst v0;
	s2 =	sshra.s32 s6, $0x2;
	s6 =	sadd.s32 $0x200, s6  }
0x30: {  	[tilespmem:s2+$0x14280] =	vst v0  }
0x31: {  	[tilespmem:s2+$0x14210] =	vst v0  }
0x32: {  	[tilespmem:s2+$0x14220] =	vst v0  }
0x33: {  	[tilespmem:s2+$0x14230] =	vst v0  }
0x34: {  	[tilespmem:s2+$0x14240] =	vst v0  }
0x35: {  	[tilespmem:s2+$0x14250] =	vst v0  }
0x36: {  	[tilespmem:s2+$0x14260] =	vst v0  }
0x37: {  	[tilespmem:s2+$0x14270] =	vst v0;
	s25 =	rddreg [dreg:$0x5]  }
0x38: {  	[spmem:s25] =	stream.linear.scatter [tilespmem:s31], [sflag:$0xA], $0x2800, $0x38;
	[tilespmem:$0x1E280] =	vst v63  }
0x39: {  	_ =	swait.ge [sflag:s0], $0x2800  }
0x3a: {  	[sflag:s0] =	ssyncset.done $0x0  }
0x3b: {  	s26 =	rddreg [dreg:$0x14];
	[sflag:s0] =	ssyncadd.s32 $0xFFFFD800  }
0x3c: {  	[spmem:s26] =	stream.linear.scatter [tilespmem:s31], [sflag:$0xA], $0x2800, $0x38;
	[tilespmem:$0x1E280] =	vst v63  }
0x3d: {  	_ =	swait.ge [sflag:s0], $0x2800  }
0x3e: {  	[sflag:s0] =	ssyncset.done $0x0  }
0x3f: {  	s28 =	rddreg [dreg:$0x15];
	[sflag:s0] =	ssyncadd.s32 $0xFFFFD800  }
0x40: {  	[spmem:s28] =	stream.linear.scatter [tilespmem:s31], [sflag:$0xA], $0x2800, $0x38;
	[tilespmem:$0x1E280] =	vst v63  }
0x41: {  	_ =	swait.ge [sflag:s0], $0x2800  }
0x42: {  	[sflag:s0] =	ssyncset.done $0x0  }
0x43: {  	s29 =	rddreg [dreg:$0x16];
	[sflag:s0] =	ssyncadd.s32 $0xFFFFD800  }
0x44: {  	[spmem:s29] =	stream.linear.scatter [tilespmem:s31], [sflag:$0xA], $0x2800, $0x38;
	[tilespmem:$0x1E280] =	vst v63  }
0x45: {  	_ =	swait.ge [sflag:s0], $0x2800  }
0x46: {  	[sflag:s0] =	ssyncset.done $0x0  }
0x47: {  	s5 =	rddreg [dreg:$0x17];
	[sflag:s0] =	ssyncadd.s32 $0xFFFFD800  }
0x48: {  	[spmem:s5] =	stream.linear.scatter [tilespmem:s31], [sflag:$0xA], $0x2800, $0x38;
	[tilespmem:$0x1E280] =	vst v63  }
0x49: {  	_ =	swait.ge [sflag:s0], $0x2800  }
0x4a: {  	[sflag:s0] =	ssyncset.done $0x0  }
0x4b: {  	s6 =	rddreg [dreg:$0x18];
	[sflag:s0] =	ssyncadd.s32 $0xFFFFD800  }
0x4c: {  	[spmem:s6] =	stream.linear.scatter [tilespmem:s31], [sflag:$0xA], $0x2800, $0x38;
	[tilespmem:$0x1E280] =	vst v63  }
0x4d: {  	_ =	swait.ge [sflag:s0], $0x2800  }
0x4e: {  	[sflag:s0] =	ssyncset.done $0x0  }
0x4f: {  	s7 =	rddreg [dreg:$0x19];
	[sflag:s0] =	ssyncadd.s32 $0xFFFFD800  }
0x50: {  	[spmem:s7] =	stream.linear.scatter [tilespmem:s31], [sflag:$0xA], $0x2800, $0x38;
	[tilespmem:$0x1E280] =	vst v63  }
0x51: {  	_ =	swait.ge [sflag:s0], $0x2800  }
0x52: {  	[sflag:s0] =	ssyncset.done $0x0  }
0x53: {  	s24 =	rddreg [dreg:$0x6];
	[sflag:s0] =	ssyncadd.s32 $0xFFFFD800  }
0x54: {  	[spmem:s24] =	stream.linear.scatter [tilespmem:s31], [sflag:$0xA], $0x2080, $0x38;
	[tilespmem:$0x1E280] =	vst v63  }
0x55: {  	_ =	swait.ge [sflag:s0], $0x2080  }
0x56: {  	[sflag:s0] =	ssyncset.done $0x0  }
0x57: {  	s5 =	simm.s32 $0x13880;
	s25 =	rddreg [dreg:$0x7];
	[sflag:s0] =	ssyncadd.s32 $0xFFFFDF80  }
0x58: {  	[tilespmem:s5], [sflag:$0xA] =	stream.linear.gather [hbm4b:s25+s3], $0x140, $0x38;
	[tilespmem:$0x1E280] =	vst v63  }
0x59: {  	_ =	swait.ge [sflag:s0], $0x140  }
0x5a: {  	[sflag:s0] =	ssyncset.done $0x0  }
0x5b: {  	s6 =	simm.s32 $0x139C0;
	s26 =	rddreg [dreg:$0x8];
	[sflag:s0] =	ssyncadd.s32 $0xFFFFFEC0  }
0x5c: {  	[tilespmem:s6], [sflag:$0xA] =	stream.linear.gather [hbm4b:s26+s3], $0x140, $0x38;
	[tilespmem:$0x1E280] =	vst v63  }
0x5d: {  	_ =	swait.ge [sflag:s0], $0x140  }
0x5e: {  	[sflag:s0] =	ssyncset.done $0x0  }
0x5f: {  	s29 =	simm.s32 $0x13B00;
	s28 =	rddreg [dreg:$0x9];
	[sflag:s0] =	ssyncadd.s32 $0xFFFFFEC0  }
0x60: {  	[tilespmem:s29], [sflag:$0xA] =	stream.linear.gather [hbm4b:s28+s3], $0x140, $0x38;
	[tilespmem:$0x1E280] =	vst v63  }
0x61: {  	_ =	swait.ge [sflag:s0], $0x140  }
0x62: {  	[sflag:s0] =	ssyncset.done $0x0  }
0x63: {  	s24 =	simm.s32 $0x13C40;
	s7 =	rddreg [dreg:$0xa];
	[sflag:s0] =	ssyncadd.s32 $0xFFFFFEC0  }
0x64: {  	[tilespmem:s24], [sflag:$0xA] =	stream.linear.gather [hbm4b:s7+s3], $0x140, $0x38;
	[tilespmem:$0x1E280] =	vst v63  }
0x65: {  	_ =	swait.ge [sflag:s0], $0x140  }
0x66: {  	[sflag:s0] =	ssyncset.done $0x0  }
0x67: {  	s26 =	simm.s32 $0x13D80;
	s25 =	rddreg [dreg:$0xb];
	[sflag:s0] =	ssyncadd.s32 $0xFFFFFEC0  }
0x68: {  	[tilespmem:s26], [sflag:$0xA] =	stream.linear.gather [hbm4b:s25+s3], $0x140, $0x38;
	[tilespmem:$0x1E280] =	vst v63  }
0x69: {  	_ =	swait.ge [sflag:s0], $0x140  }
0x6a: {  	[sflag:s0] =	ssyncset.done $0x0  }
0x6b: {  	s29 =	simm.s32 $0x13EC0;
	s28 =	rddreg [dreg:$0xc];
	[sflag:s0] =	ssyncadd.s32 $0xFFFFFEC0  }
0x6c: {  	[tilespmem:s29], [sflag:$0xA] =	stream.linear.gather [hbm4b:s28+s3], $0x140, $0x38;
	[tilespmem:$0x1E280] =	vst v63  }
0x6d: {  	_ =	swait.ge [sflag:s0], $0x140  }
0x6e: {  	[sflag:s0] =	ssyncset.done $0x0  }
0x6f: {  	s6 =	rddreg [dreg:$0xd];
	[sflag:s0] =	ssyncadd.s32 $0xFFFFFEC0  }
0x70: {  	[tilespmem:s8], [sflag:$0xA] =	stream.linear.gather [hbm4b:s6+s3], $0x140, $0x38;
	[tilespmem:$0x1E280] =	vst v63  }
0x71: {  	_ =	swait.ge [sflag:s0], $0x140  }
0x72: {  	[sflag:s0] =	ssyncset.done $0x0  }
0x73: {  	s7 =	rddreg [dreg:$0xe];
	[sflag:s0] =	ssyncadd.s32 $0xFFFFFEC0  }
0x74: {  	[tilespmem:s9], [sflag:$0xA] =	stream.linear.gather [hbm4b:s7+s3], $0x140, $0x38;
	[tilespmem:$0x1E280] =	vst v63  }
0x75: {  	_ =	swait.ge [sflag:s0], $0x140  }
0x76: {  	p0 =	por $0x1, $0x1;
	[sflag:s0] =	ssyncset.done $0x0  }
0x77: {  	p1 =	por $0x0, $0x0;
	s9 =	simm.s32 $0x0;
	[sflag:s0] =	ssyncadd.s32 $0xFFFFFEC0  }
0x78: {  	p0 =	por p0, p0;
	s2 =	sand.u32 $0x3, s9;
	[bflag:$0x0] =	sbarrier.arrive $0xFFFF  }
0x79: {  	[tilespmem:s31], [sflag:$0x1] =	stream.indirect.gather [hbm4b:s4+s10], $0x80, s5, s10, $0xb8;
	[tilespmem:$0x1E280] =	vst v63  }
0x7a: {  	s8 =	simm.s32 $0x138D0;
	s6 =	simm.s32 @!p0 $0x7;
	s2 =	smul.u32 $0xA00, s2  }
0x7b: {  	[tilespmem:s11], [sflag:$0x2] =	stream.indirect.gather [hbm4b:s4+s10], $0x80, s8, s10, $0xb8;
	[tilespmem:$0x1E280] =	vst v63  }
0x7c: {  	p2 =	por @p1 $0x0, $0x0;
	_ =	swait.ge @!p0 [sflag:s6], $0x2800  }
0x7d: {  	p3 =	por p2, !p1;
	s26 =	sshrl.u32 s2, $0x2;
	[sflag:s6] =	ssyncset.done @!p0 $0x0  }
0x7e: {  	s2 =	sadd.s32 $0x13920, s26;
	s24 =	rddreg [dreg:$0x3];
	[sflag:s6] =	ssyncadd.s32 @!p0 $0xFFFFD800  }
0x7f: {  	[tilespmem:s24], [sflag:$0x3] =	stream.indirect.gather [hbm4b:s4+s10], $0x80, s2, s10, $0xb8;
	[tilespmem:$0x1E280] =	vst v63  }
0x80: {  	p0 =	por @!p3 $0x0, $0x0;
	_ =	swait.ge [sflag:s12], $0x2800  }
0x81: {  	p2 =	por @p1 p0, p2;
	p0 =	por p1, p1;
	[sflag:s12] =	ssyncset.done $0x0  }
0x82: {  	s25 =	sadd.s32 $0x139C0, s26;
	s6 =	simm.s32 @p0 $0x8;
	[sflag:s12] =	ssyncadd.s32 $0xFFFFD800  }
0x83: {  	[spmem:s1] =	stream.indirect.scatter.add.f32 [tilespmem:s31], [sflag:$0x5], $0x80, s25, s10, $0xb8;
	[tilespmem:$0x1E280] =	vst v63  }
0x84: {  	p3 =	por @p1 $0x0, $0x0;
	p4 =	por p2, p2;
	_ =	swait.ge @p0 [sflag:s6], $0x2800  }
0x85: {  	s2 =	simm.s32 @p0 $0x50;
	s8 =	simm.s32 @p0 $0x1BA80;
	[sflag:s6] =	ssyncset.done @p0 $0x0  }
0x86: {  	p1 =	por p4, !p0;
	[sflag:s6] =	ssyncadd.s32 @p0 $0xFFFFD800;
	s6 =	sadd.s32 @p0 $0x13970, s26  }
0x87: {  	[tilespmem:s8], [sflag:$0x4] =	stream.indirect.gather @p0 [hbm4b:s4+s2], $0x80, s6, s2, $0xb8;
	[tilespmem:$0x1E280] =	vst v63  }
0x88: {  	p5 =	por p3, p3;
	s2 =	simm.s32 @!p1 $0x9  }
0x89: {  	p2 =	por p5, !p0;
	s6 =	simm.s32 $0x3;
	_ =	swait.ge @!p1 [sflag:s2], $0x140  }
0x8a: {  	s6 =	sand.u32 @!p2 $0x3, s6;
	[sflag:s2] =	ssyncset.done @!p1 $0x0  }
0x8b: {  	p6 =	por $0x0, $0x0;
	s6 =	smul.u32 @!p2 $0xA00, s6;
	[sflag:s2] =	ssyncadd.s32 @!p1 $0xFFFFFEC0  }
0x8c: {  	s28 =	simm.s32 $0x1;
	s29 =	sadd.s32 $0x13A10, s26;
	_ =	swait.ge @!p1 [sflag:s2], $0x140  }
0x8d: {  	s24 =	simm.s32 @!p2 $0x0;
	s6 =	sshrl.u32 @!p2 s6, $0x2;
	[sflag:s2] =	ssyncset.done @!p1 $0x0  }
0x8e: {  	s8 =	sadd.s32 @!p2 $0x13880, s6;
	[sflag:s2] =	ssyncadd.s32 @!p1 $0xFFFFFEC0;
	s2 =	sadd.s32 @!p2 $0x139C0, s6  }
0x8f: {  	[tilespmem:s8], [sflag:$0x9] =	stream.linear.gather @!p2 [hbm4b:s23+s24], $0x140, $0x38;
	[tilespmem:$0x1E280] =	vst v63  }
0x90: {  	s6 =	simm.s32 @!p0 $0x50;
	p1 =	por $0x1, $0x1;
	s8 =	simm.s32 @!p0 $0x1BA80  }
0x91: {  	[tilespmem:s2], [sflag:$0x9] =	stream.linear.gather @!p2 [hbm4b:s22+s24], $0x140, $0x38;
	[tilespmem:$0x1E280] =	vst v63  }
0x92: {  	p5 =	por p1, p1;
	s2 =	sadd.s32 @!p0 $0x13970, s26;
	p2 =	por @p1 $0x1, $0x1  }
0x93: {  	[tilespmem:s8], [sflag:$0x4] =	stream.indirect.gather @!p0 [hbm4b:s4+s6], $0x80, s2, s6, $0xb8;
	[tilespmem:$0x1E280] =	vst v63  }
0x94: {  	p3 =	por p2, !p1;
	p0 =	por $0x0, $0x0;
	_ =	swait.ge [sflag:s13], $0x2800  }
0x95: {  	s2 =	sand.u32 $0x3, s28;
	s28 =	simm.s32 $0x1;
	[sflag:s13] =	ssyncset.done $0x0  }
0x96: {  	p3 =	por @!p3 $0x0, $0x0;
	s8 =	simm.s32 @p0 $0x3;
	[sflag:s13] =	ssyncadd.s32 $0xFFFFD800  }
0x97: {  	[spmem:s1] =	stream.indirect.scatter.add.f32 [tilespmem:s11], [sflag:$0x6], $0x80, s29, s10, $0xb8;
	[tilespmem:$0x1E280] =	vst v63  }
0x98: {  	s2 =	smul.u32 @!p0 $0xA00, s2;
	s6 =	simm.s32 @p0 $0x19280;
	_ =	swait.ge @p0 [sflag:s8], $0x2800  }
0x99: {  	s24 =	sadd.s32 @p0 $0x13A60, s26;
	s25 =	simm.s32 @p0 $0x50;
	[sflag:s8] =	ssyncset.done @p0 $0x0  }
0x9a: {  	p2 =	por @p1 p3, p2;
	[sflag:s8] =	ssyncadd.s32 @p0 $0xFFFFD800;
	s8 =	simm.s32 @!p0 $0x5  }
0x9b: {  	[spmem:s1] =	stream.indirect.scatter.add.f32 @p0 [tilespmem:s6], [sflag:$0x7], $0x80, s24, s25, $0xb8;
	[tilespmem:$0x1E280] =	vst v63  }
0x9c: {  	p3 =	por @p1 $0x0, $0x0;
	s6 =	sshrl.u32 @!p0 s2, $0x2;
	_ =	swait.ge @!p0 [sflag:s8], $0x2800  }
0x9d: {  	s24 =	simm.s32 @!p0 $0x50;
	s25 =	simm.s32 @!p0 $0x14280;
	[sflag:s8] =	ssyncset.done @!p0 $0x0  }
0x9e: {  	s2 =	sadd.s32 @!p0 $0x13880, s6;
	[sflag:s8] =	ssyncadd.s32 @!p0 $0xFFFFD800;
	s8 =	simm.s32 @!p0 $0x3  }
0x9f: {  	[tilespmem:s25], [sflag:$0x1] =	stream.indirect.gather @!p0 [hbm4b:s4+s24], $0x80, s2, s24, $0xb8;
	[tilespmem:$0x1E280] =	vst v63  }
0xa0: {  	s30 =	sand.u32 $0x3, s28;
	p3 =	por p3, p3;
	_ =	swait.ge @!p0 [sflag:s8], $0x2800  }
0xa1: {  	s5 =	simm.s32 @!p3 $0x0;
	s2 =	sadd.s32 @!p0 $0x13A60, s26;
	[sflag:s8] =	ssyncset.done @!p0 $0x0  }
0xa2: {  	s25 =	simm.s32 @!p0 $0x19280;
	[sflag:s8] =	ssyncadd.s32 @!p0 $0xFFFFD800;
	s8 =	simm.s32 @!p0 $0x6  }
0xa3: {  	[spmem:s1] =	stream.indirect.scatter.add.f32 @!p0 [tilespmem:s25], [sflag:$0x7], $0x80, s2, s24, $0xb8;
	[tilespmem:$0x1E280] =	vst v63  }
0xa4: {  	p4 =	por p2, p2;
	s5 =	simm.s32 @p3 $0x1;
	_ =	swait.ge @!p0 [sflag:s8], $0x2800  }
0xa5: {  	s6 =	sadd.s32 @!p0 $0x138D0, s6;
	s26 =	sadd.s32 $0x13AB0, s26;
	[sflag:s8] =	ssyncset.done @!p0 $0x0  }
0xa6: {  	s25 =	simm.s32 @!p0 $0x16A80;
	[smem:$0x7F9] =	sst s5;
	[sflag:s8] =	ssyncadd.s32 @!p0 $0xFFFFD800  }
0xa7: {  	[tilespmem:s25], [sflag:$0x2] =	stream.indirect.gather @!p0 [hbm4b:s4+s24], $0x80, s6, s24, $0xb8;
	[tilespmem:$0x1E280] =	vst v63  }
0xa8: {  	s2 =	simm.s32 $0x4;
	s6 =	simm.s32 $0x5;
	_ =	swait.ge [sflag:s14], $0x2800  }
0xa9: {  	p0 =	por p6, p6;
	s24 =	sadd.s32 $0x28, s23;
	[sflag:s14] =	ssyncset.done $0x0  }
0xaa: {  	s25 =	sadd.s32 $0x28, s22;
	s8 =	rddreg [dreg:$0x4];
	[sflag:s14] =	ssyncadd.s32 $0xFFFFD800  }
.LBB2_4:
0xab: {  	p2 =	sne.s32 s6, $0x3;
	s28 =	simm.s32 @!p0 $0x7  }
0xac: {  	[spmem:s1] =	stream.indirect.scatter.add.f32 [tilespmem:s8], [sflag:$0x8], $0x80, s26, s10, $0xb8;
	[tilespmem:$0x1E280] =	vst v63  }
0xad: {  	s26 =	sadd.s32 $0xFFFFFFFD, s6;
	s5 =	smul.u32 $0xA00, s30;
	_ =	swait.ge @!p0 [sflag:s28], $0x2800  }
0xae: {  	p1 =	seq.s32 @p2 s26, $0x1;
	[sflag:s28] =	ssyncset.done @!p0 $0x0  }
0xaf: {  	[sflag:s28] =	ssyncadd.s32 @!p0 $0xFFFFD800;
	s28 =	sshrl.u32 s5, $0x2;
	p0 =	por p1, !p2  }
0xb0: {  	s30 =	rddreg [dreg:$0x3];
	s8 =	sadd.s32 $0x13920, s28;
	p0 =	seq.s32 @!p0 s26, $0x1E  }
0xb1: {  	[tilespmem:s30], [sflag:$0x3] =	stream.indirect.gather [hbm4b:s4+s10], $0x80, s8, s10, $0xb8;
	[tilespmem:$0x1E280] =	vst v63  }
0xb2: {  	p3 =	seq.s32 s6, $0x3;
	p0 =	por @p2 p0, p1  }
0xb3: {  	s29 =	smov.u32 s6;
	s6 =	sadd.s32 $0x1, s6;
	s5 =	simm.s32 @!p0 $0x0  }
0xb4: {  	_ =	swait.ge [sflag:s12], $0x2800;
	s5 =	simm.s32 @p0 $0x1;
	p0 =	sne.s32 s6, $0x22  }
0xb5: {  	[sflag:s12] =	ssyncset.done $0x0;
	[smem:$0x7F7] =	sst s5;
	s5 =	simm.s32 @!p0 $0x0  }
0xb6: {  	s7 =	sadd.s32 $0x139C0, s28;
	[sflag:s12] =	ssyncadd.s32 $0xFFFFD800;
	s5 =	simm.s32 @p0 $0x1  }
0xb7: {  	[spmem:s1] =	stream.indirect.scatter.add.f32 [tilespmem:s31], [sflag:$0x5], $0x80, s7, s10, $0xb8;
	[tilespmem:$0x1E280] =	vst v63  }
0xb8: {  	p6 =	por p4, p4;
	s30 =	simm.s32 @p5 $0x8;
	[smem:$0x7F8] =	sst s5  }
0xb9: {  	p4 =	sgt.u32 @p2 s26, $0x1C;
	s8 =	simm.s32 @p5 $0x50;
	_ =	swait.ge @p5 [sflag:s30], $0x2800  }
0xba: {  	p1 =	por p4, p4;
	[sflag:s30] =	ssyncset.done @p5 $0x0;
	s7 =	sld [smem:$0x7F9]  }
0xbb: {  	s5 =	simm.s32 @p5 $0x1BA80;
	[sflag:s30] =	ssyncadd.s32 @p5 $0xFFFFD800;
	s30 =	sadd.s32 @p5 $0x13970, s28  }
0xbc: {  	[tilespmem:s5], [sflag:$0x4] =	stream.indirect.gather @p5 [hbm4b:s4+s8], $0x80, s30, s8, $0xb8;
	[tilespmem:$0x1E280] =	vst v63  }
0xbd: {  	p0 =	por p3, p3;
	p3 =	seq.s32 s7, $0x1;
	s7 =	simm.s32 @!p1 $0x0  }
0xbe: {  	p6 =	por p6, !p5;
	s7 =	simm.s32 @p1 $0x1  }
0xbf: {  	s5 =	simm.s32 @!p6 $0x9;
	p3 =	por p3, !p5;
	[smem:$0x7F9] =	sst s7  }
0xc0: {  	s8 =	sand.u32 @!p3 $0x3, s2;
	_ =	swait.ge @!p6 [sflag:s5], $0x140  }
0xc1: {  	s8 =	smul.u32 @!p3 $0xA00, s8;
	[sflag:s5] =	ssyncset.done @!p6 $0x0  }
0xc2: {  	s7 =	sld [smem:$0x7F7];
	[sflag:s5] =	ssyncadd.s32 @!p6 $0xFFFFFEC0  }
0xc3: {  	s8 =	sshrl.u32 @!p3 s8, $0x2;
	_ =	swait.ge @!p6 [sflag:s5], $0x140  }
0xc4: {  	s30 =	sadd.s32 @!p3 $0x13880, s8;
	[sflag:s5] =	ssyncset.done @!p6 $0x0  }
0xc5: {  	p1 =	seq.s32 s7, $0x1;
	s7 =	simm.s32 @!p3 $0x0;
	[sflag:s5] =	ssyncadd.s32 @!p6 $0xFFFFFEC0  }
0xc6: {  	[tilespmem:s30], [sflag:$0x9] =	stream.linear.gather @!p3 [hbm4b:s24+s7], $0x140, $0x38;
	[tilespmem:$0x1E280] =	vst v63  }
0xc7: {  	s5 =	sadd.s32 @!p3 $0x139C0, s8  }
0xc8: {  	[tilespmem:s5], [sflag:$0x9] =	stream.linear.gather @!p3 [hbm4b:s25+s7], $0x140, $0x38;
	[tilespmem:$0x1E280] =	vst v63  }
0xc9: {  	s9 =	sadd.s32 @!p5 $0x13970, s28;
	s8 =	simm.s32 @!p5 $0x50;
	s30 =	simm.s32 @!p5 $0x1BA80  }
0xca: {  	[tilespmem:s30], [sflag:$0x4] =	stream.indirect.gather @!p5 [hbm4b:s4+s8], $0x80, s9, s8, $0xb8;
	[tilespmem:$0x1E280] =	vst v63  }
0xcb: {  	p3 =	seq.s32 s2, $0x21;
	_ =	swait.ge [sflag:s13], $0x2800  }
0xcc: {  	s7 =	simm.s32 @p3 $0x3;
	s8 =	sadd.s32 $0xFFFFFFFE, s2;
	[sflag:s13] =	ssyncset.done $0x0  }
0xcd: {  	s9 =	sadd.s32 $0x13A10, s28;
	s2 =	sand.u32 $0x3, s8;
	[sflag:s13] =	ssyncadd.s32 $0xFFFFD800  }
0xce: {  	[spmem:s1] =	stream.indirect.scatter.add.f32 [tilespmem:s11], [sflag:$0x6], $0x80, s9, s10, $0xb8;
	[tilespmem:$0x1E280] =	vst v63  }
0xcf: {  	s5 =	simm.s32 @p3 $0x19280;
	s8 =	smul.u32 @!p3 $0xA00, s2;
	_ =	swait.ge @p3 [sflag:s7], $0x2800  }
0xd0: {  	s2 =	smov.u32 s29;
	s29 =	simm.s32 @p3 $0x50;
	[sflag:s7] =	ssyncset.done @p3 $0x0  }
0xd1: {  	s9 =	sadd.s32 @p3 $0x13A60, s28;
	[sflag:s7] =	ssyncadd.s32 @p3 $0xFFFFD800;
	s7 =	simm.s32 @!p3 $0x5  }
0xd2: {  	[spmem:s1] =	stream.indirect.scatter.add.f32 @p3 [tilespmem:s5], [sflag:$0x7], $0x80, s9, s29, $0xb8;
	[tilespmem:$0x1E280] =	vst v63  }
0xd3: {  	s5 =	sshrl.u32 @!p3 s8, $0x2;
	_ =	swait.ge @!p3 [sflag:s7], $0x2800  }
0xd4: {  	s8 =	simm.s32 @!p3 $0x50;
	s29 =	simm.s32 @!p3 $0x14280;
	[sflag:s7] =	ssyncset.done @!p3 $0x0  }
0xd5: {  	s9 =	sadd.s32 @!p3 $0x13880, s5;
	[sflag:s7] =	ssyncadd.s32 @!p3 $0xFFFFD800;
	s7 =	simm.s32 @!p3 $0x3  }
0xd6: {  	[tilespmem:s29], [sflag:$0x1] =	stream.indirect.gather @!p3 [hbm4b:s4+s8], $0x80, s9, s8, $0xb8;
	[tilespmem:$0x1E280] =	vst v63  }
0xd7: {  	_ =	swait.ge @!p3 [sflag:s7], $0x2800  }
0xd8: {  	s9 =	sadd.s32 @!p3 $0x13A60, s28;
	[sflag:s7] =	ssyncset.done @!p3 $0x0  }
0xd9: {  	s29 =	simm.s32 @!p3 $0x19280;
	[sflag:s7] =	ssyncadd.s32 @!p3 $0xFFFFD800;
	s7 =	simm.s32 @!p3 $0x6  }
0xda: {  	[spmem:s1] =	stream.indirect.scatter.add.f32 @!p3 [tilespmem:s29], [sflag:$0x7], $0x80, s9, s8, $0xb8;
	[tilespmem:$0x1E280] =	vst v63  }
0xdb: {  	_ =	swait.ge @!p3 [sflag:s7], $0x2800  }
0xdc: {  	[sflag:s7] =	ssyncset.done @!p3 $0x0  }
0xdd: {  	s5 =	sadd.s32 @!p3 $0x138D0, s5;
	s9 =	simm.s32 @!p3 $0x16A80;
	[sflag:s7] =	ssyncadd.s32 @!p3 $0xFFFFD800  }
0xde: {  	[tilespmem:s9], [sflag:$0x2] =	stream.indirect.gather @!p3 [hbm4b:s4+s8], $0x80, s5, s8, $0xb8;
	[tilespmem:$0x1E280] =	vst v63  }
0xdf: {  	_ =	swait.ge [sflag:s14], $0x2800  }
0xe0: {  	s29 =	sld [smem:$0x7F8];
	_ =	sdelay $0x2  }
0xe1: {  	p4 =	por p1, p1;
	p1 =	seq.s32 s29, $0x1  }
.Ltmp1:
0xe2: {  	_ = 	snop;
	(pc) =	sbr.rel @p1 .LBB2_4-.Ltmp1, $4  }
0xe3: {  	_ = 	snop  }
0xe4: {  	s24 =	sadd.s32 $0x28, s24;
	s25 =	sadd.s32 $0x28, s25  }
0xe5: {  	p5 =	por p2, p2;
	s30 =	sand.u32 $0x3, s26;
	[sflag:s14] =	ssyncset.done $0x0  }
0xe6: {  	s26 =	sadd.s32 $0x13AB0, s28;
	s8 =	rddreg [dreg:$0x4];
	[sflag:s14] =	ssyncadd.s32 $0xFFFFD800  }
0xe7: {  	[spmem:s1] =	stream.indirect.scatter.add.f32 [tilespmem:s8], [sflag:$0x8], $0x80, s26, s10, $0xb8;
	[tilespmem:$0x1E280] =	vst v63  }
0xe8: {  	s5 =	simm.s32 @!p0 $0x7;
	s6 =	smul.u32 $0xA00, s30  }
0xe9: {  	_ =	swait.ge @!p0 [sflag:s5], $0x2800  }
0xea: {  	[sflag:s5] =	ssyncset.done @!p0 $0x0;
	s6 =	sshrl.u32 s6, $0x2  }
0xeb: {  	s7 =	rddreg [dreg:$0x3];
	[sflag:s5] =	ssyncadd.s32 @!p0 $0xFFFFD800;
	s26 =	sadd.s32 $0x13920, s6  }
0xec: {  	[tilespmem:s7], [sflag:$0x3] =	stream.indirect.gather [hbm4b:s4+s10], $0x80, s26, s10, $0xb8;
	[tilespmem:$0x1E280] =	vst v63  }
0xed: {  	_ =	swait.ge [sflag:s12], $0x2800  }
0xee: {  	[sflag:s12] =	ssyncset.done $0x0  }
0xef: {  	s28 =	sadd.s32 $0x139C0, s6;
	s7 =	simm.s32 @p5 $0x8;
	[sflag:s12] =	ssyncadd.s32 $0xFFFFD800  }
0xf0: {  	[spmem:s1] =	stream.indirect.scatter.add.f32 [tilespmem:s31], [sflag:$0x5], $0x80, s28, s10, $0xb8;
	[tilespmem:$0x1E280] =	vst v63  }
0xf1: {  	s8 =	simm.s32 @p5 $0x1BA80;
	_ =	swait.ge @p5 [sflag:s7], $0x2800  }
0xf2: {  	s5 =	simm.s32 @p5 $0x50;
	[sflag:s7] =	ssyncset.done @p5 $0x0;
	s29 =	sld [smem:$0x7F9]  }
0xf3: {  	p0 =	por p4, !p5;
	[sflag:s7] =	ssyncadd.s32 @p5 $0xFFFFD800;
	s7 =	sadd.s32 @p5 $0x13970, s6  }
0xf4: {  	[tilespmem:s8], [sflag:$0x4] =	stream.indirect.gather @p5 [hbm4b:s4+s5], $0x80, s7, s5, $0xb8;
	[tilespmem:$0x1E280] =	vst v63  }
0xf5: {  	s5 =	simm.s32 @!p0 $0x9;
	p1 =	seq.s32 s29, $0x1  }
0xf6: {  	_ =	swait.ge @!p0 [sflag:s5], $0x140;
	p1 =	por p1, !p5  }
0xf7: {  	[sflag:s5] =	ssyncset.done @!p0 $0x0;
	s7 =	sand.u32 @!p1 $0x3, s2  }
0xf8: {  	[sflag:s5] =	ssyncadd.s32 @!p0 $0xFFFFFEC0;
	s7 =	smul.u32 @!p1 $0xA00, s7  }
0xf9: {  	_ =	swait.ge @!p0 [sflag:s5], $0x140  }
0xfa: {  	[sflag:s5] =	ssyncset.done @!p0 $0x0;
	s7 =	sshrl.u32 @!p1 s7, $0x2  }
0xfb: {  	s8 =	simm.s32 @!p1 $0x0;
	[sflag:s5] =	ssyncadd.s32 @!p0 $0xFFFFFEC0;
	s5 =	sadd.s32 @!p1 $0x13880, s7  }
0xfc: {  	[tilespmem:s5], [sflag:$0x9] =	stream.linear.gather @!p1 [hbm4b:s24+s8], $0x140, $0x38;
	[tilespmem:$0x1E280] =	vst v63  }
0xfd: {  	s5 =	sadd.s32 @!p1 $0x139C0, s7  }
0xfe: {  	[tilespmem:s5], [sflag:$0x9] =	stream.linear.gather @!p1 [hbm4b:s25+s8], $0x140, $0x38;
	[tilespmem:$0x1E280] =	vst v63  }
0xff: {  	s7 =	simm.s32 @!p5 $0x50;
	s5 =	sadd.s32 @!p5 $0x13970, s6;
	s8 =	simm.s32 @!p5 $0x1BA80  }
0x100: {  	[tilespmem:s8], [sflag:$0x4] =	stream.indirect.gather @!p5 [hbm4b:s4+s7], $0x80, s5, s7, $0xb8;
	[tilespmem:$0x1E280] =	vst v63  }
0x101: {  	_ =	swait.ge [sflag:s13], $0x2800  }
0x102: {  	p0 =	seq.s32 s2, $0x21;
	[sflag:s13] =	ssyncset.done $0x0  }
0x103: {  	s30 =	sadd.s32 $0x13A10, s6;
	s7 =	simm.s32 @p0 $0x3;
	[sflag:s13] =	ssyncadd.s32 $0xFFFFD800  }
0x104: {  	[spmem:s1] =	stream.indirect.scatter.add.f32 [tilespmem:s11], [sflag:$0x6], $0x80, s30, s10, $0xb8;
	[tilespmem:$0x1E280] =	vst v63  }
0x105: {  	s8 =	sadd.s32 $0xFFFFFFFE, s2;
	_ =	swait.ge @p0 [sflag:s7], $0x2800  }
0x106: {  	s5 =	simm.s32 @p0 $0x19280;
	s2 =	sand.u32 $0x3, s8;
	[sflag:s7] =	ssyncset.done @p0 $0x0  }
0x107: {  	s8 =	sadd.s32 @p0 $0x13A60, s6;
	[sflag:s7] =	ssyncadd.s32 @p0 $0xFFFFD800;
	s7 =	simm.s32 @p0 $0x50  }
0x108: {  	[spmem:s1] =	stream.indirect.scatter.add.f32 @p0 [tilespmem:s5], [sflag:$0x7], $0x80, s8, s7, $0xb8;
	[tilespmem:$0x1E280] =	vst v63  }
0x109: {  	s2 =	smul.u32 @!p0 $0xA00, s2;
	s5 =	simm.s32 @!p0 $0x5  }
0x10a: {  	_ =	swait.ge @!p0 [sflag:s5], $0x2800  }
0x10b: {  	s2 =	sshrl.u32 @!p0 s2, $0x2;
	s7 =	simm.s32 @!p0 $0x50;
	[sflag:s5] =	ssyncset.done @!p0 $0x0  }
0x10c: {  	s8 =	sadd.s32 @!p0 $0x13880, s2;
	[sflag:s5] =	ssyncadd.s32 @!p0 $0xFFFFD800;
	s5 =	simm.s32 @!p0 $0x14280  }
0x10d: {  	[tilespmem:s5], [sflag:$0x1] =	stream.indirect.gather @!p0 [hbm4b:s4+s7], $0x80, s8, s7, $0xb8;
	[tilespmem:$0x1E280] =	vst v63  }
0x10e: {  	s5 =	simm.s32 @!p0 $0x3  }
0x10f: {  	_ =	swait.ge @!p0 [sflag:s5], $0x2800  }
0x110: {  	[sflag:s5] =	ssyncset.done @!p0 $0x0  }
0x111: {  	s8 =	sadd.s32 @!p0 $0x13A60, s6;
	[sflag:s5] =	ssyncadd.s32 @!p0 $0xFFFFD800;
	s5 =	simm.s32 @!p0 $0x19280  }
0x112: {  	[spmem:s1] =	stream.indirect.scatter.add.f32 @!p0 [tilespmem:s5], [sflag:$0x7], $0x80, s8, s7, $0xb8;
	[tilespmem:$0x1E280] =	vst v63  }
0x113: {  	s5 =	simm.s32 @!p0 $0x6  }
0x114: {  	_ =	swait.ge @!p0 [sflag:s5], $0x2800  }
0x115: {  	[sflag:s5] =	ssyncset.done @!p0 $0x0  }
0x116: {  	s2 =	sadd.s32 @!p0 $0x138D0, s2;
	[sflag:s5] =	ssyncadd.s32 @!p0 $0xFFFFD800;
	s5 =	simm.s32 @!p0 $0x16A80  }
0x117: {  	[tilespmem:s5], [sflag:$0x2] =	stream.indirect.gather @!p0 [hbm4b:s4+s7], $0x80, s2, s7, $0xb8;
	[tilespmem:$0x1E280] =	vst v63  }
0x118: {  	_ =	swait.ge [sflag:s14], $0x2800  }
0x119: {  	[sflag:s14] =	ssyncset.done $0x0  }
0x11a: {  	s24 =	sadd.s32 $0x13AB0, s6;
	s9 =	rddreg [dreg:$0x4];
	[sflag:s14] =	ssyncadd.s32 $0xFFFFD800  }
0x11b: {  	[spmem:s1] =	stream.indirect.scatter.add.f32 [tilespmem:s9], [sflag:$0x8], $0x80, s24, s10, $0xb8;
	[tilespmem:$0x1E280] =	vst v63  }
0x11c: {  	_ =	swait.ge [sflag:s15], $0x2800  }
0x11d: {  	[sflag:s15] =	ssyncset.done $0x0  }
0x11e: {  	s8 =	simm.s32 $0x14000;
	[sflag:s15] =	ssyncadd.s32 $0xFFFFD800  }
0x11f: {  	[tilespmem:s31], [sflag:$0x1] =	stream.indirect.gather [hbm4b:s4+s10], $0x80, s8, s10, $0xb8;
	[tilespmem:$0x1E280] =	vst v63  }
0x120: {  	_ =	swait.ge [sflag:s12], $0x2800  }
0x121: {  	[sflag:s12] =	ssyncset.done $0x0  }
0x122: {  	s9 =	simm.s32 $0x14140;
	[sflag:s12] =	ssyncadd.s32 $0xFFFFD800  }
0x123: {  	[spmem:s1] =	stream.indirect.scatter.add.f32 [tilespmem:s31], [sflag:$0x5], $0x80, s9, s10, $0xb8;
	[tilespmem:$0x1E280] =	vst v63  }
0x124: {  	_ =	swait.ge [sflag:s17], $0x2800  }
0x125: {  	[sflag:s17] =	ssyncset.done $0x0  }
0x126: {  	[sflag:s17] =	ssyncadd.s32 $0xFFFFD800  }
0x127: {  	_ =	swait.ge [sflag:s18], $0x2800  }
0x128: {  	[sflag:s18] =	ssyncset.done $0x0  }
0x129: {  	[sflag:s18] =	ssyncadd.s32 $0xFFFFD800  }
0x12a: {  	_ =	swait.ge [sflag:s20], $0x2800  }
0x12b: {  	[sflag:s20] =	ssyncset.done $0x0  }
0x12c: {  	[sflag:s20] =	ssyncadd.s32 $0xFFFFD800  }
0x12d: {  	_ =	swait.ge [sflag:s15], $0x2800  }
0x12e: {  	[sflag:s15] =	ssyncset.done $0x0  }
0x12f: {  	[sflag:s15] =	ssyncadd.s32 $0xFFFFD800  }
0x130: {  	[bflag:$0x0] =	sbarrier.arrive $0xFFFF  }
0x131: {  	s25 =	sld [smem:$0x7FA];
	_ =	sdelay $0x2  }
0x132: {  	p0 =	seq.s32 s25, $0x1  }
0x133: {  	s6 =	rddreg [dreg:$0x12];
	s2 =	sshrl.u32 @!p0 s19, $0x3;
	s5 =	simm.s32 @!p0 $0x1FCA  }
0x134: {  	[hbm:s6], [sflag:s5] =	dma.local @!p0 [spmem:s2], $0x2080  }
0x135: {  	s2 =	simm.s32 @!p0 $0xA  }
0x136: {  	_ =	swait.ge @!p0 [sflag:s2], $0x2080  }
0x137: {  	s26 =	sld [smem:$0x7FB];
	_ =	sdelay $0x1  }
0x138: {  	[sflag:s2] =	ssyncset.done @!p0 $0x0  }
0x139: {  	[sflag:s2] =	ssyncadd.s32 @!p0 $0xFFFFDF80;
	p0 =	seq.s32 s26, $0x1  }
0x13a: {  	s6 =	rddreg [dreg:$0x11];
	s2 =	sshrl.u32 @!p0 s19, $0x3;
	s5 =	simm.s32 @!p0 $0x1FCA  }
0x13b: {  	[hbm:s6], [sflag:s5] =	dma.local @!p0 [spmem:s2], $0x2080  }
0x13c: {  	s2 =	simm.s32 @!p0 $0xA  }
0x13d: {  	_ =	swait.ge @!p0 [sflag:s2], $0x2080  }
0x13e: {  	s28 =	sld [smem:$0x7FC];
	_ =	sdelay $0x2  }
0x13f: {  	s7 =	stileid.u32;
	p1 =	seq.s32 s28, $0x1  }
0x140: {  	[sflag:s2] =	ssyncset.done @!p0 $0x0;
	s6 =	rddreg [dreg:$0x10];
	s5 =	sshll.u32 @!p1 s7, $0x6  }
0x141: {  	[sflag:s2] =	ssyncadd.s32 @!p0 $0xFFFFDF80;
	s2 =	sor.u32 @!p1 $0x1C0A, s5;
	s5 =	sshrl.u32 @!p1 s16, $0x3  }
0x142: {  	[hbm:s6], [sflag:s2] =	dma.local @!p1 [spmem:s5], $0x2780  }
0x143: {  	s2 =	simm.s32 @!p1 $0xA  }
0x144: {  	_ =	swait.ge @!p1 [sflag:s2], $0x2780  }
0x145: {  	s29 =	sld [smem:$0x7FD];
	_ =	sdelay $0x2  }
0x146: {  	[sflag:s2] =	ssyncset.done @!p1 $0x0;
	p2 =	seq.s32 s29, $0x1  }
0x147: {  	[sflag:s2] =	ssyncadd.s32 @!p1 $0xFFFFD880;
	s5 =	sshll.u32 @!p2 s7, $0x6  }
0x148: {  	s7 =	rddreg [dreg:$0xf];
	s2 =	sor.u32 @!p2 $0x1C0A, s5;
	s5 =	sshrl.u32 @!p2 s16, $0x3  }
0x149: {  	[hbm:s7], [sflag:s2] =	dma.local @!p2 [spmem:s5], $0x2780  }
0x14a: {  	s2 =	simm.s32 @!p2 $0xA  }
0x14b: {  	_ =	swait.ge @!p2 [sflag:s2], $0x2780  }
0x14c: {  	s21 =	sadd.s32 $0x1, s21;
	s30 =	rddreg [dreg:$0x13]  }
0x14d: {  	p0 =	sne.s32 s21, s30  }
.Ltmp2:
0x14e: {  	_ = 	snop;
	(pc) =	sbr.rel @p0 .LBB2_1-.Ltmp2, $3  }
0x14f: {  	_ =	sdelay $0x1  }
0x150: {  	[sflag:s2] =	ssyncset.done @!p2 $0x0  }
0x151: {  	s6 =	stileid.u32;
	[sflag:s2] =	ssyncadd.s32 @!p2 $0xFFFFD880  }
0x152: {  	_ =	sfence.sel $0x180000  }
0x153: {  	[bflag:$0x0] =	sbarrier.arrive $0xFFFF  }
0x154: {  	_ =	strace $0x90000050  }
0x155: {  	[bflag:$0x2] =	sbarrier.arrive $0xFFFF  }
0x156: {  	p0 =	sne.s32 s6, $0x0;
	s0 =	rddreg [dreg:$0x2]  }
0x157: {  	s0 =	sadd.s32 @!p0 $0x100000, s0  }
0x158: {  	[sflag:s0] =	ssyncadd.tile.s32 @!p0 $0x1;
	_ =	shalt  }
.Lfunc_end2:
_tile_overlayer_lowered:
.L_overlay_start_2:
0x159: {  	(tag) =	ssettag $0x2  }
0x15a: {  	s0 =	rddreg [dreg:$0x0];
	s2 =	stileid.u32  }
0x15b: {  	s1 =	rddreg [dreg:$0x1];
	p0 =	sne.s32 s2, $0x0  }
0x15c: {  	s3 =	rddreg [dreg:$0x2];
	[bflag:$0x3] =	sbarrier.arrive $0xFFFF;
	s2 =	simm.s32 @!p0 $0x1C0A  }
0x15d: {  	[timem:s3], [sflag:s2] =	dma.local @!p0 [hbm:s0], s1  }
0x15e: {  	s0 =	simm.s32 @!p0 $0xA  }
0x15f: {  	_ =	swait.ge @!p0 [sflag:s0], s1  }
0x160: {  	s1 =	ssub.s32 @!p0 $0x0, s1;
	[sflag:s0] =	ssyncset.done @!p0 $0x0  }
0x161: {  	[sflag:s0] =	ssyncadd.s32 @!p0 s1  }
0x162: {  	[bflag:$0x3] =	sbarrier.arrive $0xFFFF  }
0x163: {  	_ =	shalt  }

</sc_bundles>
